<compile_context>
chip_gen: v7x
topology: tpu7x:2x2x1
jax: 0.10.2.dev20260603
libtpu: 0.0.44.dev20260713+nightly
codegen_flags: <defaults>
</compile_context>

<pallas_src>
import functools

import jax
import jax.numpy as jnp
from jax import lax
from jax.experimental import pallas as pl
from jax.experimental.pallas import tpu as pltpu
from jax.experimental.pallas import tpu_sc as plsc

N_NODES = 10000
N_EDGES = 320000
IN_DIM = 128
HID = 16
HEADS = 8
F = HEADS * HID
N_TGT = 5000

NC = 2
NS = 16

EPT = N_EDGES // NS
MC = 80
NMC = EPT // MC
IW = 3 * MC

T_PAD = 5120
TPT = T_PAD // NS
NTR = TPT // MC

NZC = N_NODES // MC

_BLK = 1000
_NB = N_NODES // _BLK



def _tc_body(x_ref, w_ref, al_ref, ar_ref, h_ref, el_ref, er_ref, m_ref):
    i = pl.program_id(1)
    h = jnp.dot(x_ref[0], w_ref[0], preferred_element_type=jnp.float32)
    el = jnp.dot(h, al_ref[0], preferred_element_type=jnp.float32)
    er = jnp.dot(h, ar_ref[0], preferred_element_type=jnp.float32)
    h_ref[0] = h
    el_ref[0] = jnp.concatenate([el, el], axis=1)
    er_ref[0] = jnp.concatenate([er, er], axis=1)
    cur = jnp.concatenate(
        [jnp.max(el, axis=0, keepdims=True), jnp.max(er, axis=0, keepdims=True)],
        axis=1)

    @pl.when(i == 0)
    def _():
        m_ref[0] = cur

    @pl.when(i > 0)
    def _():
        m_ref[0] = jnp.maximum(m_ref[0], cur)

    @pl.when(i == _NB - 1)
    def _():
        acc = m_ref[0]
        s = acc[:, 0:HEADS] + acc[:, HEADS:2 * HEADS]
        mf = jnp.where(s > 0.0, s, 0.2 * s)
        m_ref[0] = jnp.concatenate([mf, mf], axis=1)


def _tc_call(x_all, w_all, al, ar):
    return pl.pallas_call(
        _tc_body,
        grid=(2, _NB),
        in_specs=[
            pl.BlockSpec((1, _BLK, IN_DIM), lambda m, i: (m, i, 0)),
            pl.BlockSpec((1, IN_DIM, F), lambda m, i: (m, 0, 0)),
            pl.BlockSpec((1, F, HEADS), lambda m, i: (m, 0, 0)),
            pl.BlockSpec((1, F, HEADS), lambda m, i: (m, 0, 0)),
        ],
        out_specs=[
            pl.BlockSpec((1, _BLK, F), lambda m, i: (m, i, 0)),
            pl.BlockSpec((1, _BLK, 16), lambda m, i: (m, i, 0)),
            pl.BlockSpec((1, _BLK, 16), lambda m, i: (m, i, 0)),
            pl.BlockSpec((1, 1, 16), lambda m, i: (m, 0, 0)),
        ],
        out_shape=[
            jax.ShapeDtypeStruct((2, N_NODES, F), jnp.float32),
            jax.ShapeDtypeStruct((2, N_NODES, 16), jnp.float32),
            jax.ShapeDtypeStruct((2, N_NODES, 16), jnp.float32),
            jax.ShapeDtypeStruct((2, 1, 16), jnp.float32),
        ],
    )(x_all, w_all, al, ar)



def _sc_body(h2, ela, era, eidx, tgts, mvec, bias2, out,
             acc_sp, den_sp,
             ix0, ix1, hg0, hg1, el0, el1, er0, er1, exb, mv, bias_v,
             gs0, gs1, es0, es1):
    cid = lax.axis_index("c")
    sid = lax.axis_index("s")

    pltpu.sync_copy(mvec.at[pl.ds(16 * cid, 16)], mv)
    pltpu.sync_copy(bias2.at[pl.ds(F * cid, F)], bias_v)

    @pl.loop(0, MC)
    def _(c):
        exb[c, :] = jnp.zeros((16,), jnp.float32)
        for j in range(F // 16):
            hg0[c, pl.ds(j * 16, 16)] = jnp.zeros((16,), jnp.float32)

    for r in range(8):
        ck = sid * 8 + r

        @pl.when(ck < NZC)
        def _():
            rows = pl.ds(ck * MC, MC)
            pltpu.sync_copy(hg0, acc_sp.at[rows])
            pltpu.sync_copy(exb, den_sp.at[rows])

    plsc.subcore_barrier()

    ibase0 = (cid * NS + sid) * (NMC * IW)

    def load_idx(c, ix, gs):
        base = ibase0 + c * IW
        for r in range(3):
            pltpu.async_copy(eidx.at[pl.ds(base + r * MC, MC)], ix.at[r], gs)
        for r in range(3):
            pltpu.make_async_copy(eidx.at[pl.ds(0, MC)], ix.at[r], gs).wait()

    def fire_gathers(ix, hg, el, er, gs, es):
        pltpu.async_copy(ela.at[ix.at[0]], el, es)
        pltpu.async_copy(era.at[ix.at[1]], er, es)
        pltpu.async_copy(h2.at[ix.at[0]], hg, gs)

    def compute_scatter(ix, hg, el, er, gs, es):
        pltpu.make_async_copy(ela.at[pl.ds(0, MC)], el, es).wait()
        pltpu.make_async_copy(era.at[pl.ds(0, MC)], er, es).wait()

        @pl.loop(0, MC)
        def _(c):
            e = el[c, :] + er[c, :]
            e = jnp.where(e > 0.0, e, 0.2 * e)
            exb[c, :] = jnp.exp(e - mv[...])

        pltpu.make_async_copy(h2.at[pl.ds(0, MC)], hg, gs).wait()

        @pl.loop(0, MC)
        def _(c):
            ex = exb[c, :]
            for hh in range(HEADS):
                sl = pl.ds(hh * HID, HID)
                hg[c, sl] = hg[c, sl] * ex[hh]

        pltpu.sync_copy(exb, den_sp.at[ix.at[2]], add=True)
        pltpu.sync_copy(hg, acc_sp.at[ix.at[2]], add=True)

    bufs = ((ix0, hg0, el0, er0, gs0, es0), (ix1, hg1, el1, er1, gs1, es1))

    for j in range(2):
        ix, hg, el, er, gs, es = bufs[j]
        load_idx(j, ix, gs)
        fire_gathers(ix, hg, el, er, gs, es)

    @pl.loop(0, NMC - 2, step=2)
    def _(g):
        for j in range(2):
            ix, hg, el, er, gs, es = bufs[j]
            compute_scatter(ix, hg, el, er, gs, es)
            load_idx(g + j + 2, ix, gs)
            fire_gathers(ix, hg, el, er, gs, es)

    for j in range(2):
        ix, hg, el, er, gs, es = bufs[j]
        compute_scatter(ix, hg, el, er, gs, es)

    plsc.subcore_barrier()

    tb = sid * TPT
    tgt_base = cid * T_PAD + tb
    for r in range(NTR):
        rb = r * MC
        pltpu.sync_copy(tgts.at[pl.ds(tgt_base + rb, MC)], ix0.at[0])
        pltpu.sync_copy(acc_sp.at[ix0.at[0]], hg0)
        pltpu.sync_copy(den_sp.at[ix0.at[0]], exb)

        @pl.loop(0, MC)
        def _(t):
            dv = jnp.maximum(exb[t, :], 1e-9)
            for hh in range(HEADS):
                sl = pl.ds(hh * HID, HID)
                v = hg0[t, sl] / dv[hh] + bias_v[sl]
                v = jnp.where(v > 0.0, v, jnp.exp(v) - 1.0)
                hg0[t, sl] = v

        pltpu.sync_copy(hg0, out.at[cid, pl.ds(tb + rb, MC)])


def _sc_call(h2, ela, era, eidx, tgts, mvec, bias2):
    mesh = plsc.VectorSubcoreMesh(core_axis_name="c", subcore_axis_name="s")
    kfn = pl.kernel(
        _sc_body,
        out_type=jax.ShapeDtypeStruct((2, T_PAD, F), jnp.float32),
        mesh=mesh,
        compiler_params=pltpu.CompilerParams(use_tc_tiling_on_sc=False),
        scratch_types=[
            pltpu.VMEM_SHARED((N_NODES, F), jnp.float32),
            pltpu.VMEM_SHARED((N_NODES, 16), jnp.float32),
            pltpu.VMEM((3, MC), jnp.int32),
            pltpu.VMEM((3, MC), jnp.int32),
            pltpu.VMEM((MC, F), jnp.float32),
            pltpu.VMEM((MC, F), jnp.float32),
            pltpu.VMEM((MC, 16), jnp.float32),
            pltpu.VMEM((MC, 16), jnp.float32),
            pltpu.VMEM((MC, 16), jnp.float32),
            pltpu.VMEM((MC, 16), jnp.float32),
            pltpu.VMEM((MC, 16), jnp.float32),
            pltpu.VMEM((16,), jnp.float32),
            pltpu.VMEM((F,), jnp.float32),
            pltpu.SemaphoreType.DMA,
            pltpu.SemaphoreType.DMA,
            pltpu.SemaphoreType.DMA,
            pltpu.SemaphoreType.DMA,
        ],
    )
    return kfn(h2, ela, era, eidx, tgts, mvec, bias2)



def _attn_mat(a):
    eye = jnp.eye(HEADS, dtype=jnp.float32)
    return (a[:, :, None] * eye[:, None, :]).reshape(F, HEADS)


def _idx_stream(edge_index, m):
    s = edge_index[0].astype(jnp.int32) + m * N_NODES
    d = edge_index[1].astype(jnp.int32)
    arr = jnp.stack(
        [s.reshape(NS, NMC, MC),
         (d + m * N_NODES).reshape(NS, NMC, MC),
         d.reshape(NS, NMC, MC)],
        axis=2)
    return arr.reshape(-1)


def kernel(x_0, x_1, edge_index_0, edge_index_1, target_idx_0, target_idx_1,
           W_0, attn_l_0, attn_r_0, b_0, W_1, attn_l_1, attn_r_1, b_1):
    x_all = jnp.stack([x_0, x_1])
    w_all = jnp.stack([W_0, W_1])
    al = jnp.stack([_attn_mat(attn_l_0), _attn_mat(attn_l_1)])
    ar = jnp.stack([_attn_mat(attn_r_0), _attn_mat(attn_r_1)])

    h3, el3, er3, m3 = _tc_call(x_all, w_all, al, ar)
    h2 = h3.reshape(2 * N_NODES, F)
    ela = el3.reshape(2 * N_NODES, 16)
    era = er3.reshape(2 * N_NODES, 16)
    mvec = m3.reshape(32)

    eidx = jnp.concatenate([_idx_stream(edge_index_0, 0),
                            _idx_stream(edge_index_1, 1)])
    pad = jnp.zeros((T_PAD - N_TGT,), jnp.int32)
    tgts = jnp.concatenate([
        target_idx_0.astype(jnp.int32), pad,
        target_idx_1.astype(jnp.int32), pad,
    ])
    bias2 = jnp.concatenate([b_0, b_1])

    out = _sc_call(h2, ela, era, eidx, tgts, mvec, bias2)
    return (out[0, :N_TGT], out[1, :N_TGT])

# --- scband reference (transcript-rebuilt; emitter-appended) ---
"""Pipeline reference for scband-hanlayer-45337674776788 (READ-ONLY COPY).

The authoritative reference and input builder live on the scoring server;
editing this copy changes nothing except your own understanding.
"""

import jax, jax.numpy as jnp
import numpy as np

N_NODES = 10000
N_EDGES = 320000
IN_DIM = 128
HID = 16
HEADS = 8
N_TGT = 5000


def _gat_layer(x, edge_index, W, attn_l, attn_r, bias):
    src = edge_index[0]
    dst = edge_index[1]
    N = x.shape[0]
    h = (x @ W).reshape(N, HEADS, HID)
    el = jnp.sum(h * attn_l[None, :, :], axis=-1)  # [N, H]
    er = jnp.sum(h * attn_r[None, :, :], axis=-1)  # [N, H]
    e = jax.nn.leaky_relu(el[src] + er[dst], negative_slope=0.2)  # [E, H]
    m = jax.ops.segment_max(e, dst, num_segments=N)
    m = jnp.where(jnp.isfinite(m), m, 0.0)
    ex = jnp.exp(e - m[dst])
    denom = jax.ops.segment_sum(ex, dst, num_segments=N)
    alpha = ex / jnp.maximum(denom[dst], 1e-9)  # [E, H]
    msg = h[src] * alpha[:, :, None]  # [E, H, D]
    out = jax.ops.segment_sum(msg, dst, num_segments=N)  # [N, H, D]
    out = out + bias.reshape(1, HEADS, HID)
    out = jax.nn.elu(out)
    return out.reshape(N, HEADS * HID)


def setup_inputs(seed: int = 0) -> dict:
    key = jax.random.key(seed)
    ks = [jax.random.fold_in(key, i) for i in range(16)]
    inp = {}
    inp['x_0'] = jax.random.normal(ks[0], (N_NODES, IN_DIM), dtype=jnp.float32)
    inp['x_1'] = jax.random.normal(ks[1], (N_NODES, IN_DIM), dtype=jnp.float32)
    inp['edge_index_0'] = jax.random.randint(ks[2], (2, N_EDGES), 0, N_NODES, dtype=jnp.int64 if jax.config.jax_enable_x64 else jnp.int32)
    inp['edge_index_1'] = jax.random.randint(ks[3], (2, N_EDGES), 0, N_NODES, dtype=jnp.int64 if jax.config.jax_enable_x64 else jnp.int32)
    inp['target_idx_0'] = jax.random.randint(ks[4], (N_TGT,), 0, N_NODES, dtype=jnp.int64 if jax.config.jax_enable_x64 else jnp.int32)
    inp['target_idx_1'] = jax.random.randint(ks[5], (N_TGT,), 0, N_NODES, dtype=jnp.int64 if jax.config.jax_enable_x64 else jnp.int32)
    # learned params for each metapath GATConv
    s = 1.0 / np.sqrt(IN_DIM)
    inp['W_0'] = jax.random.normal(ks[6], (IN_DIM, HEADS * HID), dtype=jnp.float32) * s
    inp['attn_l_0'] = jax.random.normal(ks[7], (HEADS, HID), dtype=jnp.float32) * 0.1
    inp['attn_r_0'] = jax.random.normal(ks[8], (HEADS, HID), dtype=jnp.float32) * 0.1
    inp['b_0'] = jnp.zeros((HEADS * HID,), dtype=jnp.float32)
    inp['W_1'] = jax.random.normal(ks[9], (IN_DIM, HEADS * HID), dtype=jnp.float32) * s
    inp['attn_l_1'] = jax.random.normal(ks[10], (HEADS, HID), dtype=jnp.float32) * 0.1
    inp['attn_r_1'] = jax.random.normal(ks[11], (HEADS, HID), dtype=jnp.float32) * 0.1
    inp['b_1'] = jnp.zeros((HEADS * HID,), dtype=jnp.float32)
    return inp


def reference(x_0, x_1, edge_index_0, edge_index_1, target_idx_0, target_idx_1,
              W_0, attn_l_0, attn_r_0, b_0, W_1, attn_l_1, attn_r_1, b_1):
    h0 = _gat_layer(x_0, edge_index_0, W_0, attn_l_0, attn_r_0, b_0)[target_idx_0]
    h1 = _gat_layer(x_1, edge_index_1, W_1, attn_l_1, attn_r_1, b_1)[target_idx_1]
    return (h0, h1)

if __name__ == "__main__":
    import jax
    _d = setup_inputs()
    print(jax.jit(kernel)(*tuple(_d.values())))

</pallas_src>

<mosaic_0001>
#map = affine_map<(d0, d1) -> (0, 0)>
#map1 = affine_map<(d0, d1) -> (0)>
#map2 = affine_map<(d0, d1) -> (0, 0, 0)>
module attributes {stable_mosaic.version = 14 : i64} {
  func.func @_sc_body(%arg0: i32, %arg1: i32, %arg2: memref<20000x128xf32, #tpu.memory_space<hbm>>, %arg3: memref<20000x16xf32, #tpu.memory_space<hbm>>, %arg4: memref<20000x16xf32, #tpu.memory_space<hbm>>, %arg5: memref<1920000xi32, #tpu.memory_space<hbm>>, %arg6: memref<10240xi32, #tpu.memory_space<hbm>>, %arg7: memref<32xf32, #tpu.memory_space<hbm>>, %arg8: memref<256xf32, #tpu.memory_space<hbm>>, %arg9: memref<2x5120x128xf32, #tpu.memory_space<hbm>>, %arg10: memref<10000x128xf32, #tpu.memory_space<vmem_shared>>, %arg11: memref<10000x16xf32, #tpu.memory_space<vmem_shared>>, %arg12: memref<3x80xi32, #tpu.memory_space<vmem>>, %arg13: memref<3x80xi32, #tpu.memory_space<vmem>>, %arg14: memref<80x128xf32, #tpu.memory_space<vmem>>, %arg15: memref<80x128xf32, #tpu.memory_space<vmem>>, %arg16: memref<80x16xf32, #tpu.memory_space<vmem>>, %arg17: memref<80x16xf32, #tpu.memory_space<vmem>>, %arg18: memref<80x16xf32, #tpu.memory_space<vmem>>, %arg19: memref<80x16xf32, #tpu.memory_space<vmem>>, %arg20: memref<80x16xf32, #tpu.memory_space<vmem>>, %arg21: memref<16xf32, #tpu.memory_space<vmem>>, %arg22: memref<128xf32, #tpu.memory_space<vmem>>, %arg23: memref<!tpu.dma_semaphore, #tpu.memory_space<semaphore_mem>>, %arg24: memref<!tpu.dma_semaphore, #tpu.memory_space<semaphore_mem>>, %arg25: memref<!tpu.dma_semaphore, #tpu.memory_space<semaphore_mem>>, %arg26: memref<!tpu.dma_semaphore, #tpu.memory_space<semaphore_mem>>) attributes {dimension_semantics = [#tpu.dimension_semantics<core_parallel>, #tpu.dimension_semantics<subcore_parallel>], iteration_bounds = array<i64: 2, 16>, scalar_prefetch = 0 : i64, scratch_operands = 17 : i64, tpu.core_type = #tpu.core_type<sc_vector_subcore>, window_params = [{transform_indices = #map}, {transform_indices = #map}, {transform_indices = #map}, {transform_indices = #map1}, {transform_indices = #map1}, {transform_indices = #map1}, {transform_indices = #map1}, {transform_indices = #map2}]} {
    %mul3A = arith.constant 16 : i32
    %mul3A_0 = arith.muli %mul3A, %arg0 : i32
    "tpu.region"() ({
      %run_scoped3A_374 = tpu.sem_alloc : memref<!tpu.dma_semaphore, #tpu.memory_space<semaphore_mem>>
      %dma_start3A_375 = tpu.memref_slice %arg7[%mul3A_0] : memref<32xf32, #tpu.memory_space<hbm>> -> memref<16xf32, #tpu.memory_space<hbm>>
      %dma_start3A_376 = tpu.memref_slice %arg7[%mul3A_0] : memref<32xf32, #tpu.memory_space<hbm>> -> memref<16xf32, #tpu.memory_space<hbm>>
      tpu.enqueue_dma source(%dma_start3A_376 : memref<16xf32, #tpu.memory_space<hbm>>) target(%arg21 : memref<16xf32, #tpu.memory_space<vmem>>) target_semaphore(%run_scoped3A_374 : memref<!tpu.dma_semaphore, #tpu.memory_space<semaphore_mem>>)
      %dma_wait3A_377 = tpu.memref_slice %arg7[%mul3A_0] : memref<32xf32, #tpu.memory_space<hbm>> -> memref<16xf32, #tpu.memory_space<hbm>>
      %dma_wait3A_378 = tpu.memref_slice %arg7[%mul3A_0] : memref<32xf32, #tpu.memory_space<hbm>> -> memref<16xf32, #tpu.memory_space<hbm>>
      tpu.wait_dma2 semaphore(%run_scoped3A_374 : memref<!tpu.dma_semaphore, #tpu.memory_space<semaphore_mem>>) src(%dma_wait3A_378 : memref<16xf32, #tpu.memory_space<hbm>>) dst(%arg21 : memref<16xf32, #tpu.memory_space<vmem>>)
      tpu.yield
    }) : () -> ()
    %mul3A_1 = arith.constant 128 : i32
    %mul3A_2 = arith.muli %mul3A_1, %arg0 : i32
    "tpu.region"() ({
      %run_scoped3A_374 = tpu.sem_alloc : memref<!tpu.dma_semaphore, #tpu.memory_space<semaphore_mem>>
      %dma_start3A_375 = tpu.memref_slice %arg8[%mul3A_2] : memref<256xf32, #tpu.memory_space<hbm>> -> memref<128xf32, #tpu.memory_space<hbm>>
      %dma_start3A_376 = tpu.memref_slice %arg8[%mul3A_2] : memref<256xf32, #tpu.memory_space<hbm>> -> memref<128xf32, #tpu.memory_space<hbm>>
      tpu.enqueue_dma source(%dma_start3A_376 : memref<128xf32, #tpu.memory_space<hbm>>) target(%arg22 : memref<128xf32, #tpu.memory_space<vmem>>) target_semaphore(%run_scoped3A_374 : memref<!tpu.dma_semaphore, #tpu.memory_space<semaphore_mem>>)
      %dma_wait3A_377 = tpu.memref_slice %arg8[%mul3A_2] : memref<256xf32, #tpu.memory_space<hbm>> -> memref<128xf32, #tpu.memory_space<hbm>>
      %dma_wait3A_378 = tpu.memref_slice %arg8[%mul3A_2] : memref<256xf32, #tpu.memory_space<hbm>> -> memref<128xf32, #tpu.memory_space<hbm>>
      tpu.wait_dma2 semaphore(%run_scoped3A_374 : memref<!tpu.dma_semaphore, #tpu.memory_space<semaphore_mem>>) src(%dma_wait3A_378 : memref<128xf32, #tpu.memory_space<hbm>>) dst(%arg22 : memref<128xf32, #tpu.memory_space<vmem>>)
      tpu.yield
    }) : () -> ()
    %scan3A = arith.constant 0 : i32
    %scan3A_3 = arith.constant 80 : i32
    %scan3A_4 = arith.addi %scan3A, %scan3A_3 : i32
    %scan3A_5 = arith.constant 1 : i32
    scf.for %scan3A_374 = %scan3A to %scan3A_4 step %scan3A_5  : i32 {
      %mul3A_375 = arith.constant 1 : i32
      %mul3A_376 = arith.muli %scan3A_374, %mul3A_375 : i32
      %add3A_377 = arith.constant 0 : i32
      %add3A_378 = arith.addi %add3A_377, %mul3A_376 : i32
      %broadcast_in_dim3A = arith.constant 0.000000e+00 : f32
      %broadcast_in_dim3A_379 = vector.broadcast %broadcast_in_dim3A : f32 to vector<16xf32>
      %swap3A = arith.index_cast %add3A_378 : i32 to index
      %swap3A_380 = arith.constant 0 : index
      %swap3A_381 = tpu.vector_load %arg20[%swap3A, %swap3A_380] {strides = array<i32>} : memref<80x16xf32, #tpu.memory_space<vmem>>, vector<1x16xf32>,
      %swap3A_382 = vector.shape_cast %swap3A_381 : vector<1x16xf32> to vector<16xf32>
      %swap3A_383 = vector.shape_cast %broadcast_in_dim3A_379 : vector<16xf32> to vector<1x16xf32>
      tpu.vector_store %arg20[%swap3A, %swap3A_380], %swap3A_383 {strides = array<i32>} : memref<80x16xf32, #tpu.memory_space<vmem>>, vector<1x16xf32>,
      %broadcast_in_dim3A_384 = arith.constant 0.000000e+00 : f32
      %broadcast_in_dim3A_385 = vector.broadcast %broadcast_in_dim3A_384 : f32 to vector<16xf32>
      %swap3A_386 = arith.index_cast %add3A_378 : i32 to index
      %swap3A_387 = arith.constant 0 : index
      %swap3A_388 = tpu.vector_load %arg14[%swap3A_386, %swap3A_387] {strides = array<i32>} : memref<80x128xf32, #tpu.memory_space<vmem>>, vector<1x16xf32>,
      %swap3A_389 = vector.shape_cast %swap3A_388 : vector<1x16xf32> to vector<16xf32>
      %swap3A_390 = vector.shape_cast %broadcast_in_dim3A_385 : vector<16xf32> to vector<1x16xf32>
      tpu.vector_store %arg14[%swap3A_386, %swap3A_387], %swap3A_390 {strides = array<i32>} : memref<80x128xf32, #tpu.memory_space<vmem>>, vector<1x16xf32>,
      %broadcast_in_dim3A_391 = arith.constant 0.000000e+00 : f32
      %broadcast_in_dim3A_392 = vector.broadcast %broadcast_in_dim3A_391 : f32 to vector<16xf32>
      %swap3A_393 = arith.index_cast %add3A_378 : i32 to index
      %swap3A_394 = arith.constant 16 : index
      %swap3A_395 = tpu.vector_load %arg14[%swap3A_393, %swap3A_394] {strides = array<i32>} : memref<80x128xf32, #tpu.memory_space<vmem>>, vector<1x16xf32>,
      %swap3A_396 = vector.shape_cast %swap3A_395 : vector<1x16xf32> to vector<16xf32>
      %swap3A_397 = vector.shape_cast %broadcast_in_dim3A_392 : vector<16xf32> to vector<1x16xf32>
      tpu.vector_store %arg14[%swap3A_393, %swap3A_394], %swap3A_397 {strides = array<i32>} : memref<80x128xf32, #tpu.memory_space<vmem>>, vector<1x16xf32>,
      %broadcast_in_dim3A_398 = arith.constant 0.000000e+00 : f32
      %broadcast_in_dim3A_399 = vector.broadcast %broadcast_in_dim3A_398 : f32 to vector<16xf32>
      %swap3A_400 = arith.index_cast %add3A_378 : i32 to index
      %swap3A_401 = arith.constant 32 : index
      %swap3A_402 = tpu.vector_load %arg14[%swap3A_400, %swap3A_401] {strides = array<i32>} : memref<80x128xf32, #tpu.memory_space<vmem>>, vector<1x16xf32>,
      %swap3A_403 = vector.shape_cast %swap3A_402 : vector<1x16xf32> to vector<16xf32>
      %swap3A_404 = vector.shape_cast %broadcast_in_dim3A_399 : vector<16xf32> to vector<1x16xf32>
      tpu.vector_store %arg14[%swap3A_400, %swap3A_401], %swap3A_404 {strides = array<i32>} : memref<80x128xf32, #tpu.memory_space<vmem>>, vector<1x16xf32>,
      %broadcast_in_dim3A_405 = arith.constant 0.000000e+00 : f32
      %broadcast_in_dim3A_406 = vector.broadcast %broadcast_in_dim3A_405 : f32 to vector<16xf32>
      %swap3A_407 = arith.index_cast %add3A_378 : i32 to index
      %swap3A_408 = arith.constant 48 : index
      %swap3A_409 = tpu.vector_load %arg14[%swap3A_407, %swap3A_408] {strides = array<i32>} : memref<80x128xf32, #tpu.memory_space<vmem>>, vector<1x16xf32>,
      %swap3A_410 = vector.shape_cast %swap3A_409 : vector<1x16xf32> to vector<16xf32>
      %swap3A_411 = vector.shape_cast %broadcast_in_dim3A_406 : vector<16xf32> to vector<1x16xf32>
      tpu.vector_store %arg14[%swap3A_407, %swap3A_408], %swap3A_411 {strides = array<i32>} : memref<80x128xf32, #tpu.memory_space<vmem>>, vector<1x16xf32>,
      %broadcast_in_dim3A_412 = arith.constant 0.000000e+00 : f32
      %broadcast_in_dim3A_413 = vector.broadcast %broadcast_in_dim3A_412 : f32 to vector<16xf32>
      %swap3A_414 = arith.index_cast %add3A_378 : i32 to index
      %swap3A_415 = arith.constant 64 : index
      %swap3A_416 = tpu.vector_load %arg14[%swap3A_414, %swap3A_415] {strides = array<i32>} : memref<80x128xf32, #tpu.memory_space<vmem>>, vector<1x16xf32>,
      %swap3A_417 = vector.shape_cast %swap3A_416 : vector<1x16xf32> to vector<16xf32>
      %swap3A_418 = vector.shape_cast %broadcast_in_dim3A_413 : vector<16xf32> to vector<1x16xf32>
      tpu.vector_store %arg14[%swap3A_414, %swap3A_415], %swap3A_418 {strides = array<i32>} : memref<80x128xf32, #tpu.memory_space<vmem>>, vector<1x16xf32>,
      %broadcast_in_dim3A_419 = arith.constant 0.000000e+00 : f32
      %broadcast_in_dim3A_420 = vector.broadcast %broadcast_in_dim3A_419 : f32 to vector<16xf32>
      %swap3A_421 = arith.index_cast %add3A_378 : i32 to index
      %swap3A_422 = arith.constant 80 : index
      %swap3A_423 = tpu.vector_load %arg14[%swap3A_421, %swap3A_422] {strides = array<i32>} : memref<80x128xf32, #tpu.memory_space<vmem>>, vector<1x16xf32>,
      %swap3A_424 = vector.shape_cast %swap3A_423 : vector<1x16xf32> to vector<16xf32>
      %swap3A_425 = vector.shape_cast %broadcast_in_dim3A_420 : vector<16xf32> to vector<1x16xf32>
      tpu.vector_store %arg14[%swap3A_421, %swap3A_422], %swap3A_425 {strides = array<i32>} : memref<80x128xf32, #tpu.memory_space<vmem>>, vector<1x16xf32>,
      %broadcast_in_dim3A_426 = arith.constant 0.000000e+00 : f32
      %broadcast_in_dim3A_427 = vector.broadcast %broadcast_in_dim3A_426 : f32 to vector<16xf32>
      %swap3A_428 = arith.index_cast %add3A_378 : i32 to index
      %swap3A_429 = arith.constant 96 : index
      %swap3A_430 = tpu.vector_load %arg14[%swap3A_428, %swap3A_429] {strides = array<i32>} : memref<80x128xf32, #tpu.memory_space<vmem>>, vector<1x16xf32>,
      %swap3A_431 = vector.shape_cast %swap3A_430 : vector<1x16xf32> to vector<16xf32>
      %swap3A_432 = vector.shape_cast %broadcast_in_dim3A_427 : vector<16xf32> to vector<1x16xf32>
      tpu.vector_store %arg14[%swap3A_428, %swap3A_429], %swap3A_432 {strides = array<i32>} : memref<80x128xf32, #tpu.memory_space<vmem>>, vector<1x16xf32>,
      %broadcast_in_dim3A_433 = arith.constant 0.000000e+00 : f32
      %broadcast_in_dim3A_434 = vector.broadcast %broadcast_in_dim3A_433 : f32 to vector<16xf32>
      %swap3A_435 = arith.index_cast %add3A_378 : i32 to index
      %swap3A_436 = arith.constant 112 : index
      %swap3A_437 = tpu.vector_load %arg14[%swap3A_435, %swap3A_436] {strides = array<i32>} : memref<80x128xf32, #tpu.memory_space<vmem>>, vector<1x16xf32>,
      %swap3A_438 = vector.shape_cast %swap3A_437 : vector<1x16xf32> to vector<16xf32>
      %swap3A_439 = vector.shape_cast %broadcast_in_dim3A_434 : vector<16xf32> to vector<1x16xf32>
      tpu.vector_store %arg14[%swap3A_435, %swap3A_436], %swap3A_439 {strides = array<i32>} : memref<80x128xf32, #tpu.memory_space<vmem>>, vector<1x16xf32>,
    }
    %scan3A_6 = arith.constant 80 : i32
    %mul3A_7 = arith.constant 8 : i32
    %mul3A_8 = arith.muli %arg1, %mul3A_7 : i32
    %add3A = arith.constant 0 : i32
    %add3A_9 = arith.addi %mul3A_8, %add3A : i32
    %lt3A = arith.constant 125 : i32
    %lt3A_10 = arith.cmpi slt, %add3A_9, %lt3A : i32
    %convert_element_type3A = arith.extui %lt3A_10 : i1 to i32
    %cond3A = arith.constant 0 : i32
    %cond3A_11 = arith.cmpi ne, %convert_element_type3A, %cond3A : i32
    scf.if %cond3A_11 {
      %mul3A_374 = arith.constant 80 : i32
      %mul3A_375 = arith.muli %add3A_9, %mul3A_374 : i32
      "tpu.region"() ({
        %run_scoped3A_376 = tpu.sem_alloc : memref<!tpu.dma_semaphore, #tpu.memory_space<semaphore_mem>>
        %dma_start3A_377 = arith.constant 0 : i32
        %dma_start3A_378 = tpu.memref_slice %arg10[%mul3A_375, %dma_start3A_377] : memref<10000x128xf32, #tpu.memory_space<vmem_shared>> -> memref<80x128xf32, #tpu.memory_space<vmem_shared>>
        %dma_start3A_379 = arith.constant 0 : i32
        %dma_start3A_380 = tpu.memref_slice %arg10[%mul3A_375, %dma_start3A_379] : memref<10000x128xf32, #tpu.memory_space<vmem_shared>> -> memref<80x128xf32, #tpu.memory_space<vmem_shared>>
        tpu.enqueue_dma source(%arg14 : memref<80x128xf32, #tpu.memory_space<vmem>>) target(%dma_start3A_380 : memref<80x128xf32, #tpu.memory_space<vmem_shared>>) target_semaphore(%run_scoped3A_376 : memref<!tpu.dma_semaphore, #tpu.memory_space<semaphore_mem>>)
        %dma_wait3A_381 = arith.constant 0 : i32
        %dma_wait3A_382 = tpu.memref_slice %arg10[%mul3A_375, %dma_wait3A_381] : memref<10000x128xf32, #tpu.memory_space<vmem_shared>> -> memref<80x128xf32, #tpu.memory_space<vmem_shared>>
        %dma_wait3A_383 = arith.constant 0 : i32
        %dma_wait3A_384 = tpu.memref_slice %arg10[%mul3A_375, %dma_wait3A_383] : memref<10000x128xf32, #tpu.memory_space<vmem_shared>> -> memref<80x128xf32, #tpu.memory_space<vmem_shared>>
        tpu.wait_dma2 semaphore(%run_scoped3A_376 : memref<!tpu.dma_semaphore, #tpu.memory_space<semaphore_mem>>) src(%arg14 : memref<80x128xf32, #tpu.memory_space<vmem>>) dst(%dma_wait3A_384 : memref<80x128xf32, #tpu.memory_space<vmem_shared>>)
        tpu.yield
      }) : () -> ()
      "tpu.region"() ({
        %run_scoped3A_376 = tpu.sem_alloc : memref<!tpu.dma_semaphore, #tpu.memory_space<semaphore_mem>>
        %dma_start3A_377 = arith.constant 0 : i32
        %dma_start3A_378 = tpu.memref_slice %arg11[%mul3A_375, %dma_start3A_377] : memref<10000x16xf32, #tpu.memory_space<vmem_shared>> -> memref<80x16xf32, #tpu.memory_space<vmem_shared>>
        %dma_start3A_379 = arith.constant 0 : i32
        %dma_start3A_380 = tpu.memref_slice %arg11[%mul3A_375, %dma_start3A_379] : memref<10000x16xf32, #tpu.memory_space<vmem_shared>> -> memref<80x16xf32, #tpu.memory_space<vmem_shared>>
        tpu.enqueue_dma source(%arg20 : memref<80x16xf32, #tpu.memory_space<vmem>>) target(%dma_start3A_380 : memref<80x16xf32, #tpu.memory_space<vmem_shared>>) target_semaphore(%run_scoped3A_376 : memref<!tpu.dma_semaphore, #tpu.memory_space<semaphore_mem>>)
        %dma_wait3A_381 = arith.constant 0 : i32
        %dma_wait3A_382 = tpu.memref_slice %arg11[%mul3A_375, %dma_wait3A_381] : memref<10000x16xf32, #tpu.memory_space<vmem_shared>> -> memref<80x16xf32, #tpu.memory_space<vmem_shared>>
        %dma_wait3A_383 = arith.constant 0 : i32
        %dma_wait3A_384 = tpu.memref_slice %arg11[%mul3A_375, %dma_wait3A_383] : memref<10000x16xf32, #tpu.memory_space<vmem_shared>> -> memref<80x16xf32, #tpu.memory_space<vmem_shared>>
        tpu.wait_dma2 semaphore(%run_scoped3A_376 : memref<!tpu.dma_semaphore, #tpu.memory_space<semaphore_mem>>) src(%arg20 : memref<80x16xf32, #tpu.memory_space<vmem>>) dst(%dma_wait3A_384 : memref<80x16xf32, #tpu.memory_space<vmem_shared>>)
        tpu.yield
      }) : () -> ()
    } else {
    }
    %mul3A_12 = arith.constant 8 : i32
    %mul3A_13 = arith.muli %arg1, %mul3A_12 : i32
    %add3A_14 = arith.constant 1 : i32
    %add3A_15 = arith.addi %mul3A_13, %add3A_14 : i32
    %lt3A_16 = arith.constant 125 : i32
    %lt3A_17 = arith.cmpi slt, %add3A_15, %lt3A_16 : i32
    %convert_element_type3A_18 = arith.extui %lt3A_17 : i1 to i32
    %cond3A_19 = arith.constant 0 : i32
    %cond3A_20 = arith.cmpi ne, %convert_element_type3A_18, %cond3A_19 : i32
    scf.if %cond3A_20 {
      %mul3A_374 = arith.constant 80 : i32
      %mul3A_375 = arith.muli %add3A_15, %mul3A_374 : i32
      "tpu.region"() ({
        %run_scoped3A_376 = tpu.sem_alloc : memref<!tpu.dma_semaphore, #tpu.memory_space<semaphore_mem>>
        %dma_start3A_377 = arith.constant 0 : i32
        %dma_start3A_378 = tpu.memref_slice %arg10[%mul3A_375, %dma_start3A_377] : memref<10000x128xf32, #tpu.memory_space<vmem_shared>> -> memref<80x128xf32, #tpu.memory_space<vmem_shared>>
        %dma_start3A_379 = arith.constant 0 : i32
        %dma_start3A_380 = tpu.memref_slice %arg10[%mul3A_375, %dma_start3A_379] : memref<10000x128xf32, #tpu.memory_space<vmem_shared>> -> memref<80x128xf32, #tpu.memory_space<vmem_shared>>
        tpu.enqueue_dma source(%arg14 : memref<80x128xf32, #tpu.memory_space<vmem>>) target(%dma_start3A_380 : memref<80x128xf32, #tpu.memory_space<vmem_shared>>) target_semaphore(%run_scoped3A_376 : memref<!tpu.dma_semaphore, #tpu.memory_space<semaphore_mem>>)
        %dma_wait3A_381 = arith.constant 0 : i32
        %dma_wait3A_382 = tpu.memref_slice %arg10[%mul3A_375, %dma_wait3A_381] : memref<10000x128xf32, #tpu.memory_space<vmem_shared>> -> memref<80x128xf32, #tpu.memory_space<vmem_shared>>
        %dma_wait3A_383 = arith.constant 0 : i32
        %dma_wait3A_384 = tpu.memref_slice %arg10[%mul3A_375, %dma_wait3A_383] : memref<10000x128xf32, #tpu.memory_space<vmem_shared>> -> memref<80x128xf32, #tpu.memory_space<vmem_shared>>
        tpu.wait_dma2 semaphore(%run_scoped3A_376 : memref<!tpu.dma_semaphore, #tpu.memory_space<semaphore_mem>>) src(%arg14 : memref<80x128xf32, #tpu.memory_space<vmem>>) dst(%dma_wait3A_384 : memref<80x128xf32, #tpu.memory_space<vmem_shared>>)
        tpu.yield
      }) : () -> ()
      "tpu.region"() ({
        %run_scoped3A_376 = tpu.sem_alloc : memref<!tpu.dma_semaphore, #tpu.memory_space<semaphore_mem>>
        %dma_start3A_377 = arith.constant 0 : i32
        %dma_start3A_378 = tpu.memref_slice %arg11[%mul3A_375, %dma_start3A_377] : memref<10000x16xf32, #tpu.memory_space<vmem_shared>> -> memref<80x16xf32, #tpu.memory_space<vmem_shared>>
        %dma_start3A_379 = arith.constant 0 : i32
        %dma_start3A_380 = tpu.memref_slice %arg11[%mul3A_375, %dma_start3A_379] : memref<10000x16xf32, #tpu.memory_space<vmem_shared>> -> memref<80x16xf32, #tpu.memory_space<vmem_shared>>
        tpu.enqueue_dma source(%arg20 : memref<80x16xf32, #tpu.memory_space<vmem>>) target(%dma_start3A_380 : memref<80x16xf32, #tpu.memory_space<vmem_shared>>) target_semaphore(%run_scoped3A_376 : memref<!tpu.dma_semaphore, #tpu.memory_space<semaphore_mem>>)
        %dma_wait3A_381 = arith.constant 0 : i32
        %dma_wait3A_382 = tpu.memref_slice %arg11[%mul3A_375, %dma_wait3A_381] : memref<10000x16xf32, #tpu.memory_space<vmem_shared>> -> memref<80x16xf32, #tpu.memory_space<vmem_shared>>
        %dma_wait3A_383 = arith.constant 0 : i32
        %dma_wait3A_384 = tpu.memref_slice %arg11[%mul3A_375, %dma_wait3A_383] : memref<10000x16xf32, #tpu.memory_space<vmem_shared>> -> memref<80x16xf32, #tpu.memory_space<vmem_shared>>
        tpu.wait_dma2 semaphore(%run_scoped3A_376 : memref<!tpu.dma_semaphore, #tpu.memory_space<semaphore_mem>>) src(%arg20 : memref<80x16xf32, #tpu.memory_space<vmem>>) dst(%dma_wait3A_384 : memref<80x16xf32, #tpu.memory_space<vmem_shared>>)
        tpu.yield
      }) : () -> ()
    } else {
    }
    %mul3A_21 = arith.constant 8 : i32
    %mul3A_22 = arith.muli %arg1, %mul3A_21 : i32
    %add3A_23 = arith.constant 2 : i32
    %add3A_24 = arith.addi %mul3A_22, %add3A_23 : i32
    %lt3A_25 = arith.constant 125 : i32
    %lt3A_26 = arith.cmpi slt, %add3A_24, %lt3A_25 : i32
    %convert_element_type3A_27 = arith.extui %lt3A_26 : i1 to i32
    %cond3A_28 = arith.constant 0 : i32
    %cond3A_29 = arith.cmpi ne, %convert_element_type3A_27, %cond3A_28 : i32
    scf.if %cond3A_29 {
      %mul3A_374 = arith.constant 80 : i32
      %mul3A_375 = arith.muli %add3A_24, %mul3A_374 : i32
      "tpu.region"() ({
        %run_scoped3A_376 = tpu.sem_alloc : memref<!tpu.dma_semaphore, #tpu.memory_space<semaphore_mem>>
        %dma_start3A_377 = arith.constant 0 : i32
        %dma_start3A_378 = tpu.memref_slice %arg10[%mul3A_375, %dma_start3A_377] : memref<10000x128xf32, #tpu.memory_space<vmem_shared>> -> memref<80x128xf32, #tpu.memory_space<vmem_shared>>
        %dma_start3A_379 = arith.constant 0 : i32
        %dma_start3A_380 = tpu.memref_slice %arg10[%mul3A_375, %dma_start3A_379] : memref<10000x128xf32, #tpu.memory_space<vmem_shared>> -> memref<80x128xf32, #tpu.memory_space<vmem_shared>>
        tpu.enqueue_dma source(%arg14 : memref<80x128xf32, #tpu.memory_space<vmem>>) target(%dma_start3A_380 : memref<80x128xf32, #tpu.memory_space<vmem_shared>>) target_semaphore(%run_scoped3A_376 : memref<!tpu.dma_semaphore, #tpu.memory_space<semaphore_mem>>)
        %dma_wait3A_381 = arith.constant 0 : i32
        %dma_wait3A_382 = tpu.memref_slice %arg10[%mul3A_375, %dma_wait3A_381] : memref<10000x128xf32, #tpu.memory_space<vmem_shared>> -> memref<80x128xf32, #tpu.memory_space<vmem_shared>>
        %dma_wait3A_383 = arith.constant 0 : i32
        %dma_wait3A_384 = tpu.memref_slice %arg10[%mul3A_375, %dma_wait3A_383] : memref<10000x128xf32, #tpu.memory_space<vmem_shared>> -> memref<80x128xf32, #tpu.memory_space<vmem_shared>>
        tpu.wait_dma2 semaphore(%run_scoped3A_376 : memref<!tpu.dma_semaphore, #tpu.memory_space<semaphore_mem>>) src(%arg14 : memref<80x128xf32, #tpu.memory_space<vmem>>) dst(%dma_wait3A_384 : memref<80x128xf32, #tpu.memory_space<vmem_shared>>)
        tpu.yield
      }) : () -> ()
      "tpu.region"() ({
        %run_scoped3A_376 = tpu.sem_alloc : memref<!tpu.dma_semaphore, #tpu.memory_space<semaphore_mem>>
        %dma_start3A_377 = arith.constant 0 : i32
        %dma_start3A_378 = tpu.memref_slice %arg11[%mul3A_375, %dma_start3A_377] : memref<10000x16xf32, #tpu.memory_space<vmem_shared>> -> memref<80x16xf32, #tpu.memory_space<vmem_shared>>
        %dma_start3A_379 = arith.constant 0 : i32
        %dma_start3A_380 = tpu.memref_slice %arg11[%mul3A_375, %dma_start3A_379] : memref<10000x16xf32, #tpu.memory_space<vmem_shared>> -> memref<80x16xf32, #tpu.memory_space<vmem_shared>>
        tpu.enqueue_dma source(%arg20 : memref<80x16xf32, #tpu.memory_space<vmem>>) target(%dma_start3A_380 : memref<80x16xf32, #tpu.memory_space<vmem_shared>>) target_semaphore(%run_scoped3A_376 : memref<!tpu.dma_semaphore, #tpu.memory_space<semaphore_mem>>)
        %dma_wait3A_381 = arith.constant 0 : i32
        %dma_wait3A_382 = tpu.memref_slice %arg11[%mul3A_375, %dma_wait3A_381] : memref<10000x16xf32, #tpu.memory_space<vmem_shared>> -> memref<80x16xf32, #tpu.memory_space<vmem_shared>>
        %dma_wait3A_383 = arith.constant 0 : i32
        %dma_wait3A_384 = tpu.memref_slice %arg11[%mul3A_375, %dma_wait3A_383] : memref<10000x16xf32, #tpu.memory_space<vmem_shared>> -> memref<80x16xf32, #tpu.memory_space<vmem_shared>>
        tpu.wait_dma2 semaphore(%run_scoped3A_376 : memref<!tpu.dma_semaphore, #tpu.memory_space<semaphore_mem>>) src(%arg20 : memref<80x16xf32, #tpu.memory_space<vmem>>) dst(%dma_wait3A_384 : memref<80x16xf32, #tpu.memory_space<vmem_shared>>)
        tpu.yield
      }) : () -> ()
    } else {
    }
    %mul3A_30 = arith.constant 8 : i32
    %mul3A_31 = arith.muli %arg1, %mul3A_30 : i32
    %add3A_32 = arith.constant 3 : i32
    %add3A_33 = arith.addi %mul3A_31, %add3A_32 : i32
    %lt3A_34 = arith.constant 125 : i32
    %lt3A_35 = arith.cmpi slt, %add3A_33, %lt3A_34 : i32
    %convert_element_type3A_36 = arith.extui %lt3A_35 : i1 to i32
    %cond3A_37 = arith.constant 0 : i32
    %cond3A_38 = arith.cmpi ne, %convert_element_type3A_36, %cond3A_37 : i32
    scf.if %cond3A_38 {
      %mul3A_374 = arith.constant 80 : i32
      %mul3A_375 = arith.muli %add3A_33, %mul3A_374 : i32
      "tpu.region"() ({
        %run_scoped3A_376 = tpu.sem_alloc : memref<!tpu.dma_semaphore, #tpu.memory_space<semaphore_mem>>
        %dma_start3A_377 = arith.constant 0 : i32
        %dma_start3A_378 = tpu.memref_slice %arg10[%mul3A_375, %dma_start3A_377] : memref<10000x128xf32, #tpu.memory_space<vmem_shared>> -> memref<80x128xf32, #tpu.memory_space<vmem_shared>>
        %dma_start3A_379 = arith.constant 0 : i32
        %dma_start3A_380 = tpu.memref_slice %arg10[%mul3A_375, %dma_start3A_379] : memref<10000x128xf32, #tpu.memory_space<vmem_shared>> -> memref<80x128xf32, #tpu.memory_space<vmem_shared>>
        tpu.enqueue_dma source(%arg14 : memref<80x128xf32, #tpu.memory_space<vmem>>) target(%dma_start3A_380 : memref<80x128xf32, #tpu.memory_space<vmem_shared>>) target_semaphore(%run_scoped3A_376 : memref<!tpu.dma_semaphore, #tpu.memory_space<semaphore_mem>>)
        %dma_wait3A_381 = arith.constant 0 : i32
        %dma_wait3A_382 = tpu.memref_slice %arg10[%mul3A_375, %dma_wait3A_381] : memref<10000x128xf32, #tpu.memory_space<vmem_shared>> -> memref<80x128xf32, #tpu.memory_space<vmem_shared>>
        %dma_wait3A_383 = arith.constant 0 : i32
        %dma_wait3A_384 = tpu.memref_slice %arg10[%mul3A_375, %dma_wait3A_383] : memref<10000x128xf32, #tpu.memory_space<vmem_shared>> -> memref<80x128xf32, #tpu.memory_space<vmem_shared>>
        tpu.wait_dma2 semaphore(%run_scoped3A_376 : memref<!tpu.dma_semaphore, #tpu.memory_space<semaphore_mem>>) src(%arg14 : memref<80x128xf32, #tpu.memory_space<vmem>>) dst(%dma_wait3A_384 : memref<80x128xf32, #tpu.memory_space<vmem_shared>>)
        tpu.yield
      }) : () -> ()
      "tpu.region"() ({
        %run_scoped3A_376 = tpu.sem_alloc : memref<!tpu.dma_semaphore, #tpu.memory_space<semaphore_mem>>
        %dma_start3A_377 = arith.constant 0 : i32
        %dma_start3A_378 = tpu.memref_slice %arg11[%mul3A_375, %dma_start3A_377] : memref<10000x16xf32, #tpu.memory_space<vmem_shared>> -> memref<80x16xf32, #tpu.memory_space<vmem_shared>>
        %dma_start3A_379 = arith.constant 0 : i32
        %dma_start3A_380 = tpu.memref_slice %arg11[%mul3A_375, %dma_start3A_379] : memref<10000x16xf32, #tpu.memory_space<vmem_shared>> -> memref<80x16xf32, #tpu.memory_space<vmem_shared>>
        tpu.enqueue_dma source(%arg20 : memref<80x16xf32, #tpu.memory_space<vmem>>) target(%dma_start3A_380 : memref<80x16xf32, #tpu.memory_space<vmem_shared>>) target_semaphore(%run_scoped3A_376 : memref<!tpu.dma_semaphore, #tpu.memory_space<semaphore_mem>>)
        %dma_wait3A_381 = arith.constant 0 : i32
        %dma_wait3A_382 = tpu.memref_slice %arg11[%mul3A_375, %dma_wait3A_381] : memref<10000x16xf32, #tpu.memory_space<vmem_shared>> -> memref<80x16xf32, #tpu.memory_space<vmem_shared>>
        %dma_wait3A_383 = arith.constant 0 : i32
        %dma_wait3A_384 = tpu.memref_slice %arg11[%mul3A_375, %dma_wait3A_383] : memref<10000x16xf32, #tpu.memory_space<vmem_shared>> -> memref<80x16xf32, #tpu.memory_space<vmem_shared>>
        tpu.wait_dma2 semaphore(%run_scoped3A_376 : memref<!tpu.dma_semaphore, #tpu.memory_space<semaphore_mem>>) src(%arg20 : memref<80x16xf32, #tpu.memory_space<vmem>>) dst(%dma_wait3A_384 : memref<80x16xf32, #tpu.memory_space<vmem_shared>>)
        tpu.yield
      }) : () -> ()
    } else {
    }
    %mul3A_39 = arith.constant 8 : i32
    %mul3A_40 = arith.muli %arg1, %mul3A_39 : i32
    %add3A_41 = arith.constant 4 : i32
    %add3A_42 = arith.addi %mul3A_40, %add3A_41 : i32
    %lt3A_43 = arith.constant 125 : i32
    %lt3A_44 = arith.cmpi slt, %add3A_42, %lt3A_43 : i32
    %convert_element_type3A_45 = arith.extui %lt3A_44 : i1 to i32
    %cond3A_46 = arith.constant 0 : i32
    %cond3A_47 = arith.cmpi ne, %convert_element_type3A_45, %cond3A_46 : i32
    scf.if %cond3A_47 {
      %mul3A_374 = arith.constant 80 : i32
      %mul3A_375 = arith.muli %add3A_42, %mul3A_374 : i32
      "tpu.region"() ({
        %run_scoped3A_376 = tpu.sem_alloc : memref<!tpu.dma_semaphore, #tpu.memory_space<semaphore_mem>>
        %dma_start3A_377 = arith.constant 0 : i32
        %dma_start3A_378 = tpu.memref_slice %arg10[%mul3A_375, %dma_start3A_377] : memref<10000x128xf32, #tpu.memory_space<vmem_shared>> -> memref<80x128xf32, #tpu.memory_space<vmem_shared>>
        %dma_start3A_379 = arith.constant 0 : i32
        %dma_start3A_380 = tpu.memref_slice %arg10[%mul3A_375, %dma_start3A_379] : memref<10000x128xf32, #tpu.memory_space<vmem_shared>> -> memref<80x128xf32, #tpu.memory_space<vmem_shared>>
        tpu.enqueue_dma source(%arg14 : memref<80x128xf32, #tpu.memory_space<vmem>>) target(%dma_start3A_380 : memref<80x128xf32, #tpu.memory_space<vmem_shared>>) target_semaphore(%run_scoped3A_376 : memref<!tpu.dma_semaphore, #tpu.memory_space<semaphore_mem>>)
        %dma_wait3A_381 = arith.constant 0 : i32
        %dma_wait3A_382 = tpu.memref_slice %arg10[%mul3A_375, %dma_wait3A_381] : memref<10000x128xf32, #tpu.memory_space<vmem_shared>> -> memref<80x128xf32, #tpu.memory_space<vmem_shared>>
        %dma_wait3A_383 = arith.constant 0 : i32
        %dma_wait3A_384 = tpu.memref_slice %arg10[%mul3A_375, %dma_wait3A_383] : memref<10000x128xf32, #tpu.memory_space<vmem_shared>> -> memref<80x128xf32, #tpu.memory_space<vmem_shared>>
        tpu.wait_dma2 semaphore(%run_scoped3A_376 : memref<!tpu.dma_semaphore, #tpu.memory_space<semaphore_mem>>) src(%arg14 : memref<80x128xf32, #tpu.memory_space<vmem>>) dst(%dma_wait3A_384 : memref<80x128xf32, #tpu.memory_space<vmem_shared>>)
        tpu.yield
      }) : () -> ()
      "tpu.region"() ({
        %run_scoped3A_376 = tpu.sem_alloc : memref<!tpu.dma_semaphore, #tpu.memory_space<semaphore_mem>>
        %dma_start3A_377 = arith.constant 0 : i32
        %dma_start3A_378 = tpu.memref_slice %arg11[%mul3A_375, %dma_start3A_377] : memref<10000x16xf32, #tpu.memory_space<vmem_shared>> -> memref<80x16xf32, #tpu.memory_space<vmem_shared>>
        %dma_start3A_379 = arith.constant 0 : i32
        %dma_start3A_380 = tpu.memref_slice %arg11[%mul3A_375, %dma_start3A_379] : memref<10000x16xf32, #tpu.memory_space<vmem_shared>> -> memref<80x16xf32, #tpu.memory_space<vmem_shared>>
        tpu.enqueue_dma source(%arg20 : memref<80x16xf32, #tpu.memory_space<vmem>>) target(%dma_start3A_380 : memref<80x16xf32, #tpu.memory_space<vmem_shared>>) target_semaphore(%run_scoped3A_376 : memref<!tpu.dma_semaphore, #tpu.memory_space<semaphore_mem>>)
        %dma_wait3A_381 = arith.constant 0 : i32
        %dma_wait3A_382 = tpu.memref_slice %arg11[%mul3A_375, %dma_wait3A_381] : memref<10000x16xf32, #tpu.memory_space<vmem_shared>> -> memref<80x16xf32, #tpu.memory_space<vmem_shared>>
        %dma_wait3A_383 = arith.constant 0 : i32
        %dma_wait3A_384 = tpu.memref_slice %arg11[%mul3A_375, %dma_wait3A_383] : memref<10000x16xf32, #tpu.memory_space<vmem_shared>> -> memref<80x16xf32, #tpu.memory_space<vmem_shared>>
        tpu.wait_dma2 semaphore(%run_scoped3A_376 : memref<!tpu.dma_semaphore, #tpu.memory_space<semaphore_mem>>) src(%arg20 : memref<80x16xf32, #tpu.memory_space<vmem>>) dst(%dma_wait3A_384 : memref<80x16xf32, #tpu.memory_space<vmem_shared>>)
        tpu.yield
      }) : () -> ()
    } else {
    }
    %mul3A_48 = arith.constant 8 : i32
    %mul3A_49 = arith.muli %arg1, %mul3A_48 : i32
    %add3A_50 = arith.constant 5 : i32
    %add3A_51 = arith.addi %mul3A_49, %add3A_50 : i32
    %lt3A_52 = arith.constant 125 : i32
    %lt3A_53 = arith.cmpi slt, %add3A_51, %lt3A_52 : i32
    %convert_element_type3A_54 = arith.extui %lt3A_53 : i1 to i32
    %cond3A_55 = arith.constant 0 : i32
    %cond3A_56 = arith.cmpi ne, %convert_element_type3A_54, %cond3A_55 : i32
    scf.if %cond3A_56 {
      %mul3A_374 = arith.constant 80 : i32
      %mul3A_375 = arith.muli %add3A_51, %mul3A_374 : i32
      "tpu.region"() ({
        %run_scoped3A_376 = tpu.sem_alloc : memref<!tpu.dma_semaphore, #tpu.memory_space<semaphore_mem>>
        %dma_start3A_377 = arith.constant 0 : i32
        %dma_start3A_378 = tpu.memref_slice %arg10[%mul3A_375, %dma_start3A_377] : memref<10000x128xf32, #tpu.memory_space<vmem_shared>> -> memref<80x128xf32, #tpu.memory_space<vmem_shared>>
        %dma_start3A_379 = arith.constant 0 : i32
        %dma_start3A_380 = tpu.memref_slice %arg10[%mul3A_375, %dma_start3A_379] : memref<10000x128xf32, #tpu.memory_space<vmem_shared>> -> memref<80x128xf32, #tpu.memory_space<vmem_shared>>
        tpu.enqueue_dma source(%arg14 : memref<80x128xf32, #tpu.memory_space<vmem>>) target(%dma_start3A_380 : memref<80x128xf32, #tpu.memory_space<vmem_shared>>) target_semaphore(%run_scoped3A_376 : memref<!tpu.dma_semaphore, #tpu.memory_space<semaphore_mem>>)
        %dma_wait3A_381 = arith.constant 0 : i32
        %dma_wait3A_382 = tpu.memref_slice %arg10[%mul3A_375, %dma_wait3A_381] : memref<10000x128xf32, #tpu.memory_space<vmem_shared>> -> memref<80x128xf32, #tpu.memory_space<vmem_shared>>
        %dma_wait3A_383 = arith.constant 0 : i32
        %dma_wait3A_384 = tpu.memref_slice %arg10[%mul3A_375, %dma_wait3A_383] : memref<10000x128xf32, #tpu.memory_space<vmem_shared>> -> memref<80x128xf32, #tpu.memory_space<vmem_shared>>
        tpu.wait_dma2 semaphore(%run_scoped3A_376 : memref<!tpu.dma_semaphore, #tpu.memory_space<semaphore_mem>>) src(%arg14 : memref<80x128xf32, #tpu.memory_space<vmem>>) dst(%dma_wait3A_384 : memref<80x128xf32, #tpu.memory_space<vmem_shared>>)
        tpu.yield
      }) : () -> ()
      "tpu.region"() ({
        %run_scoped3A_376 = tpu.sem_alloc : memref<!tpu.dma_semaphore, #tpu.memory_space<semaphore_mem>>
        %dma_start3A_377 = arith.constant 0 : i32
        %dma_start3A_378 = tpu.memref_slice %arg11[%mul3A_375, %dma_start3A_377] : memref<10000x16xf32, #tpu.memory_space<vmem_shared>> -> memref<80x16xf32, #tpu.memory_space<vmem_shared>>
        %dma_start3A_379 = arith.constant 0 : i32
        %dma_start3A_380 = tpu.memref_slice %arg11[%mul3A_375, %dma_start3A_379] : memref<10000x16xf32, #tpu.memory_space<vmem_shared>> -> memref<80x16xf32, #tpu.memory_space<vmem_shared>>
        tpu.enqueue_dma source(%arg20 : memref<80x16xf32, #tpu.memory_space<vmem>>) target(%dma_start3A_380 : memref<80x16xf32, #tpu.memory_space<vmem_shared>>) target_semaphore(%run_scoped3A_376 : memref<!tpu.dma_semaphore, #tpu.memory_space<semaphore_mem>>)
        %dma_wait3A_381 = arith.constant 0 : i32
        %dma_wait3A_382 = tpu.memref_slice %arg11[%mul3A_375, %dma_wait3A_381] : memref<10000x16xf32, #tpu.memory_space<vmem_shared>> -> memref<80x16xf32, #tpu.memory_space<vmem_shared>>
        %dma_wait3A_383 = arith.constant 0 : i32
        %dma_wait3A_384 = tpu.memref_slice %arg11[%mul3A_375, %dma_wait3A_383] : memref<10000x16xf32, #tpu.memory_space<vmem_shared>> -> memref<80x16xf32, #tpu.memory_space<vmem_shared>>
        tpu.wait_dma2 semaphore(%run_scoped3A_376 : memref<!tpu.dma_semaphore, #tpu.memory_space<semaphore_mem>>) src(%arg20 : memref<80x16xf32, #tpu.memory_space<vmem>>) dst(%dma_wait3A_384 : memref<80x16xf32, #tpu.memory_space<vmem_shared>>)
        tpu.yield
      }) : () -> ()
    } else {
    }
    %mul3A_57 = arith.constant 8 : i32
    %mul3A_58 = arith.muli %arg1, %mul3A_57 : i32
    %add3A_59 = arith.constant 6 : i32
    %add3A_60 = arith.addi %mul3A_58, %add3A_59 : i32
    %lt3A_61 = arith.constant 125 : i32
    %lt3A_62 = arith.cmpi slt, %add3A_60, %lt3A_61 : i32
    %convert_element_type3A_63 = arith.extui %lt3A_62 : i1 to i32
    %cond3A_64 = arith.constant 0 : i32
    %cond3A_65 = arith.cmpi ne, %convert_element_type3A_63, %cond3A_64 : i32
    scf.if %cond3A_65 {
      %mul3A_374 = arith.constant 80 : i32
      %mul3A_375 = arith.muli %add3A_60, %mul3A_374 : i32
      "tpu.region"() ({
        %run_scoped3A_376 = tpu.sem_alloc : memref<!tpu.dma_semaphore, #tpu.memory_space<semaphore_mem>>
        %dma_start3A_377 = arith.constant 0 : i32
        %dma_start3A_378 = tpu.memref_slice %arg10[%mul3A_375, %dma_start3A_377] : memref<10000x128xf32, #tpu.memory_space<vmem_shared>> -> memref<80x128xf32, #tpu.memory_space<vmem_shared>>
        %dma_start3A_379 = arith.constant 0 : i32
        %dma_start3A_380 = tpu.memref_slice %arg10[%mul3A_375, %dma_start3A_379] : memref<10000x128xf32, #tpu.memory_space<vmem_shared>> -> memref<80x128xf32, #tpu.memory_space<vmem_shared>>
        tpu.enqueue_dma source(%arg14 : memref<80x128xf32, #tpu.memory_space<vmem>>) target(%dma_start3A_380 : memref<80x128xf32, #tpu.memory_space<vmem_shared>>) target_semaphore(%run_scoped3A_376 : memref<!tpu.dma_semaphore, #tpu.memory_space<semaphore_mem>>)
        %dma_wait3A_381 = arith.constant 0 : i32
        %dma_wait3A_382 = tpu.memref_slice %arg10[%mul3A_375, %dma_wait3A_381] : memref<10000x128xf32, #tpu.memory_space<vmem_shared>> -> memref<80x128xf32, #tpu.memory_space<vmem_shared>>
        %dma_wait3A_383 = arith.constant 0 : i32
        %dma_wait3A_384 = tpu.memref_slice %arg10[%mul3A_375, %dma_wait3A_383] : memref<10000x128xf32, #tpu.memory_space<vmem_shared>> -> memref<80x128xf32, #tpu.memory_space<vmem_shared>>
        tpu.wait_dma2 semaphore(%run_scoped3A_376 : memref<!tpu.dma_semaphore, #tpu.memory_space<semaphore_mem>>) src(%arg14 : memref<80x128xf32, #tpu.memory_space<vmem>>) dst(%dma_wait3A_384 : memref<80x128xf32, #tpu.memory_space<vmem_shared>>)
        tpu.yield
      }) : () -> ()
      "tpu.region"() ({
        %run_scoped3A_376 = tpu.sem_alloc : memref<!tpu.dma_semaphore, #tpu.memory_space<semaphore_mem>>
        %dma_start3A_377 = arith.constant 0 : i32
        %dma_start3A_378 = tpu.memref_slice %arg11[%mul3A_375, %dma_start3A_377] : memref<10000x16xf32, #tpu.memory_space<vmem_shared>> -> memref<80x16xf32, #tpu.memory_space<vmem_shared>>
        %dma_start3A_379 = arith.constant 0 : i32
        %dma_start3A_380 = tpu.memref_slice %arg11[%mul3A_375, %dma_start3A_379] : memref<10000x16xf32, #tpu.memory_space<vmem_shared>> -> memref<80x16xf32, #tpu.memory_space<vmem_shared>>
        tpu.enqueue_dma source(%arg20 : memref<80x16xf32, #tpu.memory_space<vmem>>) target(%dma_start3A_380 : memref<80x16xf32, #tpu.memory_space<vmem_shared>>) target_semaphore(%run_scoped3A_376 : memref<!tpu.dma_semaphore, #tpu.memory_space<semaphore_mem>>)
        %dma_wait3A_381 = arith.constant 0 : i32
        %dma_wait3A_382 = tpu.memref_slice %arg11[%mul3A_375, %dma_wait3A_381] : memref<10000x16xf32, #tpu.memory_space<vmem_shared>> -> memref<80x16xf32, #tpu.memory_space<vmem_shared>>
        %dma_wait3A_383 = arith.constant 0 : i32
        %dma_wait3A_384 = tpu.memref_slice %arg11[%mul3A_375, %dma_wait3A_383] : memref<10000x16xf32, #tpu.memory_space<vmem_shared>> -> memref<80x16xf32, #tpu.memory_space<vmem_shared>>
        tpu.wait_dma2 semaphore(%run_scoped3A_376 : memref<!tpu.dma_semaphore, #tpu.memory_space<semaphore_mem>>) src(%arg20 : memref<80x16xf32, #tpu.memory_space<vmem>>) dst(%dma_wait3A_384 : memref<80x16xf32, #tpu.memory_space<vmem_shared>>)
        tpu.yield
      }) : () -> ()
    } else {
    }
    %mul3A_66 = arith.constant 8 : i32
    %mul3A_67 = arith.muli %arg1, %mul3A_66 : i32
    %add3A_68 = arith.constant 7 : i32
    %add3A_69 = arith.addi %mul3A_67, %add3A_68 : i32
    %lt3A_70 = arith.constant 125 : i32
    %lt3A_71 = arith.cmpi slt, %add3A_69, %lt3A_70 : i32
    %convert_element_type3A_72 = arith.extui %lt3A_71 : i1 to i32
    %cond3A_73 = arith.constant 0 : i32
    %cond3A_74 = arith.cmpi ne, %convert_element_type3A_72, %cond3A_73 : i32
    scf.if %cond3A_74 {
      %mul3A_374 = arith.constant 80 : i32
      %mul3A_375 = arith.muli %add3A_69, %mul3A_374 : i32
      "tpu.region"() ({
        %run_scoped3A_376 = tpu.sem_alloc : memref<!tpu.dma_semaphore, #tpu.memory_space<semaphore_mem>>
        %dma_start3A_377 = arith.constant 0 : i32
        %dma_start3A_378 = tpu.memref_slice %arg10[%mul3A_375, %dma_start3A_377] : memref<10000x128xf32, #tpu.memory_space<vmem_shared>> -> memref<80x128xf32, #tpu.memory_space<vmem_shared>>
        %dma_start3A_379 = arith.constant 0 : i32
        %dma_start3A_380 = tpu.memref_slice %arg10[%mul3A_375, %dma_start3A_379] : memref<10000x128xf32, #tpu.memory_space<vmem_shared>> -> memref<80x128xf32, #tpu.memory_space<vmem_shared>>
        tpu.enqueue_dma source(%arg14 : memref<80x128xf32, #tpu.memory_space<vmem>>) target(%dma_start3A_380 : memref<80x128xf32, #tpu.memory_space<vmem_shared>>) target_semaphore(%run_scoped3A_376 : memref<!tpu.dma_semaphore, #tpu.memory_space<semaphore_mem>>)
        %dma_wait3A_381 = arith.constant 0 : i32
        %dma_wait3A_382 = tpu.memref_slice %arg10[%mul3A_375, %dma_wait3A_381] : memref<10000x128xf32, #tpu.memory_space<vmem_shared>> -> memref<80x128xf32, #tpu.memory_space<vmem_shared>>
        %dma_wait3A_383 = arith.constant 0 : i32
        %dma_wait3A_384 = tpu.memref_slice %arg10[%mul3A_375, %dma_wait3A_383] : memref<10000x128xf32, #tpu.memory_space<vmem_shared>> -> memref<80x128xf32, #tpu.memory_space<vmem_shared>>
        tpu.wait_dma2 semaphore(%run_scoped3A_376 : memref<!tpu.dma_semaphore, #tpu.memory_space<semaphore_mem>>) src(%arg14 : memref<80x128xf32, #tpu.memory_space<vmem>>) dst(%dma_wait3A_384 : memref<80x128xf32, #tpu.memory_space<vmem_shared>>)
        tpu.yield
      }) : () -> ()
      "tpu.region"() ({
        %run_scoped3A_376 = tpu.sem_alloc : memref<!tpu.dma_semaphore, #tpu.memory_space<semaphore_mem>>
        %dma_start3A_377 = arith.constant 0 : i32
        %dma_start3A_378 = tpu.memref_slice %arg11[%mul3A_375, %dma_start3A_377] : memref<10000x16xf32, #tpu.memory_space<vmem_shared>> -> memref<80x16xf32, #tpu.memory_space<vmem_shared>>
        %dma_start3A_379 = arith.constant 0 : i32
        %dma_start3A_380 = tpu.memref_slice %arg11[%mul3A_375, %dma_start3A_379] : memref<10000x16xf32, #tpu.memory_space<vmem_shared>> -> memref<80x16xf32, #tpu.memory_space<vmem_shared>>
        tpu.enqueue_dma source(%arg20 : memref<80x16xf32, #tpu.memory_space<vmem>>) target(%dma_start3A_380 : memref<80x16xf32, #tpu.memory_space<vmem_shared>>) target_semaphore(%run_scoped3A_376 : memref<!tpu.dma_semaphore, #tpu.memory_space<semaphore_mem>>)
        %dma_wait3A_381 = arith.constant 0 : i32
        %dma_wait3A_382 = tpu.memref_slice %arg11[%mul3A_375, %dma_wait3A_381] : memref<10000x16xf32, #tpu.memory_space<vmem_shared>> -> memref<80x16xf32, #tpu.memory_space<vmem_shared>>
        %dma_wait3A_383 = arith.constant 0 : i32
        %dma_wait3A_384 = tpu.memref_slice %arg11[%mul3A_375, %dma_wait3A_383] : memref<10000x16xf32, #tpu.memory_space<vmem_shared>> -> memref<80x16xf32, #tpu.memory_space<vmem_shared>>
        tpu.wait_dma2 semaphore(%run_scoped3A_376 : memref<!tpu.dma_semaphore, #tpu.memory_space<semaphore_mem>>) src(%arg20 : memref<80x16xf32, #tpu.memory_space<vmem>>) dst(%dma_wait3A_384 : memref<80x16xf32, #tpu.memory_space<vmem_shared>>)
        tpu.yield
      }) : () -> ()
    } else {
    }
    %barrier3A = arith.constant 0 : index
    tpu.barrier barrier_id(%barrier3A)
    %mul3A_75 = arith.constant 16 : i32
    %mul3A_76 = arith.muli %arg0, %mul3A_75 : i32
    %add3A_77 = arith.addi %mul3A_76, %arg1 : i32
    %mul3A_78 = arith.constant 60000 : i32
    %mul3A_79 = arith.muli %add3A_77, %mul3A_78 : i32
    %add3A_80 = arith.constant 0 : i32
    %add3A_81 = arith.addi %mul3A_79, %add3A_80 : i32
    %add3A_82 = arith.constant 0 : i32
    %add3A_83 = arith.addi %add3A_81, %add3A_82 : i32
    %dma_start3A = arith.constant 0 : i32
    %dma_start3A_84 = arith.constant 0 : i32
    %dma_start3A_85 = tpu.memref_slice %arg12[%dma_start3A, %dma_start3A_84] : memref<3x80xi32, #tpu.memory_space<vmem>> -> memref<1x80xi32, #tpu.memory_space<vmem>>
    %dma_start3A_86 = tpu.memref_squeeze %dma_start3A_85 : memref<1x80xi32, #tpu.memory_space<vmem>> -> memref<80xi32, #tpu.memory_space<vmem>>
    %dma_start3A_87 = tpu.memref_slice %arg5[%add3A_83] : memref<1920000xi32, #tpu.memory_space<hbm>> -> memref<80xi32, #tpu.memory_space<hbm>>
    %dma_start3A_88 = arith.constant 0 : i32
    %dma_start3A_89 = tpu.memref_slice %arg12[%dma_start3A, %dma_start3A_88] : memref<3x80xi32, #tpu.memory_space<vmem>> -> memref<1x80xi32, #tpu.memory_space<vmem>>
    %dma_start3A_90 = tpu.memref_squeeze %dma_start3A_89 : memref<1x80xi32, #tpu.memory_space<vmem>> -> memref<80xi32, #tpu.memory_space<vmem>>
    %dma_start3A_91 = tpu.memref_slice %arg5[%add3A_83] : memref<1920000xi32, #tpu.memory_space<hbm>> -> memref<80xi32, #tpu.memory_space<hbm>>
    tpu.enqueue_dma source(%dma_start3A_91 : memref<80xi32, #tpu.memory_space<hbm>>) target(%dma_start3A_90 : memref<80xi32, #tpu.memory_space<vmem>>) target_semaphore(%arg23 : memref<!tpu.dma_semaphore, #tpu.memory_space<semaphore_mem>>)
    %add3A_92 = arith.constant 80 : i32
    %add3A_93 = arith.addi %add3A_81, %add3A_92 : i32
    %dma_start3A_94 = arith.constant 1 : i32
    %dma_start3A_95 = arith.constant 0 : i32
    %dma_start3A_96 = tpu.memref_slice %arg12[%dma_start3A_94, %dma_start3A_95] : memref<3x80xi32, #tpu.memory_space<vmem>> -> memref<1x80xi32, #tpu.memory_space<vmem>>
    %dma_start3A_97 = tpu.memref_squeeze %dma_start3A_96 : memref<1x80xi32, #tpu.memory_space<vmem>> -> memref<80xi32, #tpu.memory_space<vmem>>
    %dma_start3A_98 = tpu.memref_slice %arg5[%add3A_93] : memref<1920000xi32, #tpu.memory_space<hbm>> -> memref<80xi32, #tpu.memory_space<hbm>>
    %dma_start3A_99 = arith.constant 0 : i32
    %dma_start3A_100 = tpu.memref_slice %arg12[%dma_start3A_94, %dma_start3A_99] : memref<3x80xi32, #tpu.memory_space<vmem>> -> memref<1x80xi32, #tpu.memory_space<vmem>>
    %dma_start3A_101 = tpu.memref_squeeze %dma_start3A_100 : memref<1x80xi32, #tpu.memory_space<vmem>> -> memref<80xi32, #tpu.memory_space<vmem>>
    %dma_start3A_102 = tpu.memref_slice %arg5[%add3A_93] : memref<1920000xi32, #tpu.memory_space<hbm>> -> memref<80xi32, #tpu.memory_space<hbm>>
    tpu.enqueue_dma source(%dma_start3A_102 : memref<80xi32, #tpu.memory_space<hbm>>) target(%dma_start3A_101 : memref<80xi32, #tpu.memory_space<vmem>>) target_semaphore(%arg23 : memref<!tpu.dma_semaphore, #tpu.memory_space<semaphore_mem>>)
    %add3A_103 = arith.constant 160 : i32
    %add3A_104 = arith.addi %add3A_81, %add3A_103 : i32
    %dma_start3A_105 = arith.constant 2 : i32
    %dma_start3A_106 = arith.constant 0 : i32
    %dma_start3A_107 = tpu.memref_slice %arg12[%dma_start3A_105, %dma_start3A_106] : memref<3x80xi32, #tpu.memory_space<vmem>> -> memref<1x80xi32, #tpu.memory_space<vmem>>
    %dma_start3A_108 = tpu.memref_squeeze %dma_start3A_107 : memref<1x80xi32, #tpu.memory_space<vmem>> -> memref<80xi32, #tpu.memory_space<vmem>>
    %dma_start3A_109 = tpu.memref_slice %arg5[%add3A_104] : memref<1920000xi32, #tpu.memory_space<hbm>> -> memref<80xi32, #tpu.memory_space<hbm>>
    %dma_start3A_110 = arith.constant 0 : i32
    %dma_start3A_111 = tpu.memref_slice %arg12[%dma_start3A_105, %dma_start3A_110] : memref<3x80xi32, #tpu.memory_space<vmem>> -> memref<1x80xi32, #tpu.memory_space<vmem>>
    %dma_start3A_112 = tpu.memref_squeeze %dma_start3A_111 : memref<1x80xi32, #tpu.memory_space<vmem>> -> memref<80xi32, #tpu.memory_space<vmem>>
    %dma_start3A_113 = tpu.memref_slice %arg5[%add3A_104] : memref<1920000xi32, #tpu.memory_space<hbm>> -> memref<80xi32, #tpu.memory_space<hbm>>
    tpu.enqueue_dma source(%dma_start3A_113 : memref<80xi32, #tpu.memory_space<hbm>>) target(%dma_start3A_112 : memref<80xi32, #tpu.memory_space<vmem>>) target_semaphore(%arg23 : memref<!tpu.dma_semaphore, #tpu.memory_space<semaphore_mem>>)
    %dma_wait3A = arith.constant 0 : i32
    %dma_wait3A_114 = arith.constant 0 : i32
    %dma_wait3A_115 = tpu.memref_slice %arg12[%dma_wait3A, %dma_wait3A_114] : memref<3x80xi32, #tpu.memory_space<vmem>> -> memref<1x80xi32, #tpu.memory_space<vmem>>
    %dma_wait3A_116 = tpu.memref_squeeze %dma_wait3A_115 : memref<1x80xi32, #tpu.memory_space<vmem>> -> memref<80xi32, #tpu.memory_space<vmem>>
    %dma_wait3A_117 = arith.constant 0 : i32
    %dma_wait3A_118 = tpu.memref_slice %arg5[%dma_wait3A_117] : memref<1920000xi32, #tpu.memory_space<hbm>> -> memref<80xi32, #tpu.memory_space<hbm>>
    %dma_wait3A_119 = arith.constant 0 : i32
    %dma_wait3A_120 = tpu.memref_slice %arg12[%dma_wait3A, %dma_wait3A_119] : memref<3x80xi32, #tpu.memory_space<vmem>> -> memref<1x80xi32, #tpu.memory_space<vmem>>
    %dma_wait3A_121 = tpu.memref_squeeze %dma_wait3A_120 : memref<1x80xi32, #tpu.memory_space<vmem>> -> memref<80xi32, #tpu.memory_space<vmem>>
    %dma_wait3A_122 = arith.constant 0 : i32
    %dma_wait3A_123 = tpu.memref_slice %arg5[%dma_wait3A_122] : memref<1920000xi32, #tpu.memory_space<hbm>> -> memref<80xi32, #tpu.memory_space<hbm>>
    tpu.wait_dma2 semaphore(%arg23 : memref<!tpu.dma_semaphore, #tpu.memory_space<semaphore_mem>>) src(%dma_wait3A_123 : memref<80xi32, #tpu.memory_space<hbm>>) dst(%dma_wait3A_121 : memref<80xi32, #tpu.memory_space<vmem>>)
    %dma_wait3A_124 = arith.constant 1 : i32
    %dma_wait3A_125 = arith.constant 0 : i32
    %dma_wait3A_126 = tpu.memref_slice %arg12[%dma_wait3A_124, %dma_wait3A_125] : memref<3x80xi32, #tpu.memory_space<vmem>> -> memref<1x80xi32, #tpu.memory_space<vmem>>
    %dma_wait3A_127 = tpu.memref_squeeze %dma_wait3A_126 : memref<1x80xi32, #tpu.memory_space<vmem>> -> memref<80xi32, #tpu.memory_space<vmem>>
    %dma_wait3A_128 = arith.constant 0 : i32
    %dma_wait3A_129 = tpu.memref_slice %arg5[%dma_wait3A_128] : memref<1920000xi32, #tpu.memory_space<hbm>> -> memref<80xi32, #tpu.memory_space<hbm>>
    %dma_wait3A_130 = arith.constant 0 : i32
    %dma_wait3A_131 = tpu.memref_slice %arg12[%dma_wait3A_124, %dma_wait3A_130] : memref<3x80xi32, #tpu.memory_space<vmem>> -> memref<1x80xi32, #tpu.memory_space<vmem>>
    %dma_wait3A_132 = tpu.memref_squeeze %dma_wait3A_131 : memref<1x80xi32, #tpu.memory_space<vmem>> -> memref<80xi32, #tpu.memory_space<vmem>>
    %dma_wait3A_133 = arith.constant 0 : i32
    %dma_wait3A_134 = tpu.memref_slice %arg5[%dma_wait3A_133] : memref<1920000xi32, #tpu.memory_space<hbm>> -> memref<80xi32, #tpu.memory_space<hbm>>
    tpu.wait_dma2 semaphore(%arg23 : memref<!tpu.dma_semaphore, #tpu.memory_space<semaphore_mem>>) src(%dma_wait3A_134 : memref<80xi32, #tpu.memory_space<hbm>>) dst(%dma_wait3A_132 : memref<80xi32, #tpu.memory_space<vmem>>)
    %dma_wait3A_135 = arith.constant 2 : i32
    %dma_wait3A_136 = arith.constant 0 : i32
    %dma_wait3A_137 = tpu.memref_slice %arg12[%dma_wait3A_135, %dma_wait3A_136] : memref<3x80xi32, #tpu.memory_space<vmem>> -> memref<1x80xi32, #tpu.memory_space<vmem>>
    %dma_wait3A_138 = tpu.memref_squeeze %dma_wait3A_137 : memref<1x80xi32, #tpu.memory_space<vmem>> -> memref<80xi32, #tpu.memory_space<vmem>>
    %dma_wait3A_139 = arith.constant 0 : i32
    %dma_wait3A_140 = tpu.memref_slice %arg5[%dma_wait3A_139] : memref<1920000xi32, #tpu.memory_space<hbm>> -> memref<80xi32, #tpu.memory_space<hbm>>
    %dma_wait3A_141 = arith.constant 0 : i32
    %dma_wait3A_142 = tpu.memref_slice %arg12[%dma_wait3A_135, %dma_wait3A_141] : memref<3x80xi32, #tpu.memory_space<vmem>> -> memref<1x80xi32, #tpu.memory_space<vmem>>
    %dma_wait3A_143 = tpu.memref_squeeze %dma_wait3A_142 : memref<1x80xi32, #tpu.memory_space<vmem>> -> memref<80xi32, #tpu.memory_space<vmem>>
    %dma_wait3A_144 = arith.constant 0 : i32
    %dma_wait3A_145 = tpu.memref_slice %arg5[%dma_wait3A_144] : memref<1920000xi32, #tpu.memory_space<hbm>> -> memref<80xi32, #tpu.memory_space<hbm>>
    tpu.wait_dma2 semaphore(%arg23 : memref<!tpu.dma_semaphore, #tpu.memory_space<semaphore_mem>>) src(%dma_wait3A_145 : memref<80xi32, #tpu.memory_space<hbm>>) dst(%dma_wait3A_143 : memref<80xi32, #tpu.memory_space<vmem>>)
    %dma_start3A_146 = arith.constant 0 : i32
    %dma_start3A_147 = arith.constant 0 : i32
    %dma_start3A_148 = tpu.memref_slice %arg12[%dma_start3A_146, %dma_start3A_147] : memref<3x80xi32, #tpu.memory_space<vmem>> -> memref<1x80xi32, #tpu.memory_space<vmem>>
    %dma_start3A_149 = tpu.memref_squeeze %dma_start3A_148 : memref<1x80xi32, #tpu.memory_space<vmem>> -> memref<80xi32, #tpu.memory_space<vmem>>
    %dma_start3A_150 = arith.constant 0 : i32
    %dma_start3A_151 = arith.constant 0 : i32
    %dma_start3A_152 = tpu.memref_slice %arg3[%dma_start3A_150, %dma_start3A_151] : memref<20000x16xf32, #tpu.memory_space<hbm>> -> memref<20000x16xf32, #tpu.memory_space<hbm>>
    tpu.enqueue_indirect_dma source(%dma_start3A_152 : memref<20000x16xf32, #tpu.memory_space<hbm>>) target(%arg16 : memref<80x16xf32, #tpu.memory_space<vmem>>) offsets(%dma_start3A_149 : memref<80xi32, #tpu.memory_space<vmem>>) semaphore(%arg25 : memref<!tpu.dma_semaphore, #tpu.memory_space<semaphore_mem>>)
    %dma_start3A_153 = arith.constant 1 : i32
    %dma_start3A_154 = arith.constant 0 : i32
    %dma_start3A_155 = tpu.memref_slice %arg12[%dma_start3A_153, %dma_start3A_154] : memref<3x80xi32, #tpu.memory_space<vmem>> -> memref<1x80xi32, #tpu.memory_space<vmem>>
    %dma_start3A_156 = tpu.memref_squeeze %dma_start3A_155 : memref<1x80xi32, #tpu.memory_space<vmem>> -> memref<80xi32, #tpu.memory_space<vmem>>
    %dma_start3A_157 = arith.constant 0 : i32
    %dma_start3A_158 = arith.constant 0 : i32
    %dma_start3A_159 = tpu.memref_slice %arg4[%dma_start3A_157, %dma_start3A_158] : memref<20000x16xf32, #tpu.memory_space<hbm>> -> memref<20000x16xf32, #tpu.memory_space<hbm>>
    tpu.enqueue_indirect_dma source(%dma_start3A_159 : memref<20000x16xf32, #tpu.memory_space<hbm>>) target(%arg18 : memref<80x16xf32, #tpu.memory_space<vmem>>) offsets(%dma_start3A_156 : memref<80xi32, #tpu.memory_space<vmem>>) semaphore(%arg25 : memref<!tpu.dma_semaphore, #tpu.memory_space<semaphore_mem>>)
    %dma_start3A_160 = arith.constant 0 : i32
    %dma_start3A_161 = arith.constant 0 : i32
    %dma_start3A_162 = tpu.memref_slice %arg12[%dma_start3A_160, %dma_start3A_161] : memref<3x80xi32, #tpu.memory_space<vmem>> -> memref<1x80xi32, #tpu.memory_space<vmem>>
    %dma_start3A_163 = tpu.memref_squeeze %dma_start3A_162 : memref<1x80xi32, #tpu.memory_space<vmem>> -> memref<80xi32, #tpu.memory_space<vmem>>
    %dma_start3A_164 = arith.constant 0 : i32
    %dma_start3A_165 = arith.constant 0 : i32
    %dma_start3A_166 = tpu.memref_slice %arg2[%dma_start3A_164, %dma_start3A_165] : memref<20000x128xf32, #tpu.memory_space<hbm>> -> memref<20000x128xf32, #tpu.memory_space<hbm>>
    tpu.enqueue_indirect_dma source(%dma_start3A_166 : memref<20000x128xf32, #tpu.memory_space<hbm>>) target(%arg14 : memref<80x128xf32, #tpu.memory_space<vmem>>) offsets(%dma_start3A_163 : memref<80xi32, #tpu.memory_space<vmem>>) semaphore(%arg23 : memref<!tpu.dma_semaphore, #tpu.memory_space<semaphore_mem>>)
    %add3A_167 = arith.constant 240 : i32
    %add3A_168 = arith.addi %mul3A_79, %add3A_167 : i32
    %add3A_169 = arith.constant 0 : i32
    %add3A_170 = arith.addi %add3A_168, %add3A_169 : i32
    %dma_start3A_171 = arith.constant 0 : i32
    %dma_start3A_172 = arith.constant 0 : i32
    %dma_start3A_173 = tpu.memref_slice %arg13[%dma_start3A_171, %dma_start3A_172] : memref<3x80xi32, #tpu.memory_space<vmem>> -> memref<1x80xi32, #tpu.memory_space<vmem>>
    %dma_start3A_174 = tpu.memref_squeeze %dma_start3A_173 : memref<1x80xi32, #tpu.memory_space<vmem>> -> memref<80xi32, #tpu.memory_space<vmem>>
    %dma_start3A_175 = tpu.memref_slice %arg5[%add3A_170] : memref<1920000xi32, #tpu.memory_space<hbm>> -> memref<80xi32, #tpu.memory_space<hbm>>
    %dma_start3A_176 = arith.constant 0 : i32
    %dma_start3A_177 = tpu.memref_slice %arg13[%dma_start3A_171, %dma_start3A_176] : memref<3x80xi32, #tpu.memory_space<vmem>> -> memref<1x80xi32, #tpu.memory_space<vmem>>
    %dma_start3A_178 = tpu.memref_squeeze %dma_start3A_177 : memref<1x80xi32, #tpu.memory_space<vmem>> -> memref<80xi32, #tpu.memory_space<vmem>>
    %dma_start3A_179 = tpu.memref_slice %arg5[%add3A_170] : memref<1920000xi32, #tpu.memory_space<hbm>> -> memref<80xi32, #tpu.memory_space<hbm>>
    tpu.enqueue_dma source(%dma_start3A_179 : memref<80xi32, #tpu.memory_space<hbm>>) target(%dma_start3A_178 : memref<80xi32, #tpu.memory_space<vmem>>) target_semaphore(%arg24 : memref<!tpu.dma_semaphore, #tpu.memory_space<semaphore_mem>>)
    %add3A_180 = arith.constant 80 : i32
    %add3A_181 = arith.addi %add3A_168, %add3A_180 : i32
    %dma_start3A_182 = arith.constant 1 : i32
    %dma_start3A_183 = arith.constant 0 : i32
    %dma_start3A_184 = tpu.memref_slice %arg13[%dma_start3A_182, %dma_start3A_183] : memref<3x80xi32, #tpu.memory_space<vmem>> -> memref<1x80xi32, #tpu.memory_space<vmem>>
    %dma_start3A_185 = tpu.memref_squeeze %dma_start3A_184 : memref<1x80xi32, #tpu.memory_space<vmem>> -> memref<80xi32, #tpu.memory_space<vmem>>
    %dma_start3A_186 = tpu.memref_slice %arg5[%add3A_181] : memref<1920000xi32, #tpu.memory_space<hbm>> -> memref<80xi32, #tpu.memory_space<hbm>>
    %dma_start3A_187 = arith.constant 0 : i32
    %dma_start3A_188 = tpu.memref_slice %arg13[%dma_start3A_182, %dma_start3A_187] : memref<3x80xi32, #tpu.memory_space<vmem>> -> memref<1x80xi32, #tpu.memory_space<vmem>>
    %dma_start3A_189 = tpu.memref_squeeze %dma_start3A_188 : memref<1x80xi32, #tpu.memory_space<vmem>> -> memref<80xi32, #tpu.memory_space<vmem>>
    %dma_start3A_190 = tpu.memref_slice %arg5[%add3A_181] : memref<1920000xi32, #tpu.memory_space<hbm>> -> memref<80xi32, #tpu.memory_space<hbm>>
    tpu.enqueue_dma source(%dma_start3A_190 : memref<80xi32, #tpu.memory_space<hbm>>) target(%dma_start3A_189 : memref<80xi32, #tpu.memory_space<vmem>>) target_semaphore(%arg24 : memref<!tpu.dma_semaphore, #tpu.memory_space<semaphore_mem>>)
    %add3A_191 = arith.constant 160 : i32
    %add3A_192 = arith.addi %add3A_168, %add3A_191 : i32
    %dma_start3A_193 = arith.constant 2 : i32
    %dma_start3A_194 = arith.constant 0 : i32
    %dma_start3A_195 = tpu.memref_slice %arg13[%dma_start3A_193, %dma_start3A_194] : memref<3x80xi32, #tpu.memory_space<vmem>> -> memref<1x80xi32, #tpu.memory_space<vmem>>
    %dma_start3A_196 = tpu.memref_squeeze %dma_start3A_195 : memref<1x80xi32, #tpu.memory_space<vmem>> -> memref<80xi32, #tpu.memory_space<vmem>>
    %dma_start3A_197 = tpu.memref_slice %arg5[%add3A_192] : memref<1920000xi32, #tpu.memory_space<hbm>> -> memref<80xi32, #tpu.memory_space<hbm>>
    %dma_start3A_198 = arith.constant 0 : i32
    %dma_start3A_199 = tpu.memref_slice %arg13[%dma_start3A_193, %dma_start3A_198] : memref<3x80xi32, #tpu.memory_space<vmem>> -> memref<1x80xi32, #tpu.memory_space<vmem>>
    %dma_start3A_200 = tpu.memref_squeeze %dma_start3A_199 : memref<1x80xi32, #tpu.memory_space<vmem>> -> memref<80xi32, #tpu.memory_space<vmem>>
    %dma_start3A_201 = tpu.memref_slice %arg5[%add3A_192] : memref<1920000xi32, #tpu.memory_space<hbm>> -> memref<80xi32, #tpu.memory_space<hbm>>
    tpu.enqueue_dma source(%dma_start3A_201 : memref<80xi32, #tpu.memory_space<hbm>>) target(%dma_start3A_200 : memref<80xi32, #tpu.memory_space<vmem>>) target_semaphore(%arg24 : memref<!tpu.dma_semaphore, #tpu.memory_space<semaphore_mem>>)
    %dma_wait3A_202 = arith.constant 0 : i32
    %dma_wait3A_203 = arith.constant 0 : i32
    %dma_wait3A_204 = tpu.memref_slice %arg13[%dma_wait3A_202, %dma_wait3A_203] : memref<3x80xi32, #tpu.memory_space<vmem>> -> memref<1x80xi32, #tpu.memory_space<vmem>>
    %dma_wait3A_205 = tpu.memref_squeeze %dma_wait3A_204 : memref<1x80xi32, #tpu.memory_space<vmem>> -> memref<80xi32, #tpu.memory_space<vmem>>
    %dma_wait3A_206 = arith.constant 0 : i32
    %dma_wait3A_207 = tpu.memref_slice %arg5[%dma_wait3A_206] : memref<1920000xi32, #tpu.memory_space<hbm>> -> memref<80xi32, #tpu.memory_space<hbm>>
    %dma_wait3A_208 = arith.constant 0 : i32
    %dma_wait3A_209 = tpu.memref_slice %arg13[%dma_wait3A_202, %dma_wait3A_208] : memref<3x80xi32, #tpu.memory_space<vmem>> -> memref<1x80xi32, #tpu.memory_space<vmem>>
    %dma_wait3A_210 = tpu.memref_squeeze %dma_wait3A_209 : memref<1x80xi32, #tpu.memory_space<vmem>> -> memref<80xi32, #tpu.memory_space<vmem>>
    %dma_wait3A_211 = arith.constant 0 : i32
    %dma_wait3A_212 = tpu.memref_slice %arg5[%dma_wait3A_211] : memref<1920000xi32, #tpu.memory_space<hbm>> -> memref<80xi32, #tpu.memory_space<hbm>>
    tpu.wait_dma2 semaphore(%arg24 : memref<!tpu.dma_semaphore, #tpu.memory_space<semaphore_mem>>) src(%dma_wait3A_212 : memref<80xi32, #tpu.memory_space<hbm>>) dst(%dma_wait3A_210 : memref<80xi32, #tpu.memory_space<vmem>>)
    %dma_wait3A_213 = arith.constant 1 : i32
    %dma_wait3A_214 = arith.constant 0 : i32
    %dma_wait3A_215 = tpu.memref_slice %arg13[%dma_wait3A_213, %dma_wait3A_214] : memref<3x80xi32, #tpu.memory_space<vmem>> -> memref<1x80xi32, #tpu.memory_space<vmem>>
    %dma_wait3A_216 = tpu.memref_squeeze %dma_wait3A_215 : memref<1x80xi32, #tpu.memory_space<vmem>> -> memref<80xi32, #tpu.memory_space<vmem>>
    %dma_wait3A_217 = arith.constant 0 : i32
    %dma_wait3A_218 = tpu.memref_slice %arg5[%dma_wait3A_217] : memref<1920000xi32, #tpu.memory_space<hbm>> -> memref<80xi32, #tpu.memory_space<hbm>>
    %dma_wait3A_219 = arith.constant 0 : i32
    %dma_wait3A_220 = tpu.memref_slice %arg13[%dma_wait3A_213, %dma_wait3A_219] : memref<3x80xi32, #tpu.memory_space<vmem>> -> memref<1x80xi32, #tpu.memory_space<vmem>>
    %dma_wait3A_221 = tpu.memref_squeeze %dma_wait3A_220 : memref<1x80xi32, #tpu.memory_space<vmem>> -> memref<80xi32, #tpu.memory_space<vmem>>
    %dma_wait3A_222 = arith.constant 0 : i32
    %dma_wait3A_223 = tpu.memref_slice %arg5[%dma_wait3A_222] : memref<1920000xi32, #tpu.memory_space<hbm>> -> memref<80xi32, #tpu.memory_space<hbm>>
    tpu.wait_dma2 semaphore(%arg24 : memref<!tpu.dma_semaphore, #tpu.memory_space<semaphore_mem>>) src(%dma_wait3A_223 : memref<80xi32, #tpu.memory_space<hbm>>) dst(%dma_wait3A_221 : memref<80xi32, #tpu.memory_space<vmem>>)
    %dma_wait3A_224 = arith.constant 2 : i32
    %dma_wait3A_225 = arith.constant 0 : i32
    %dma_wait3A_226 = tpu.memref_slice %arg13[%dma_wait3A_224, %dma_wait3A_225] : memref<3x80xi32, #tpu.memory_space<vmem>> -> memref<1x80xi32, #tpu.memory_space<vmem>>
    %dma_wait3A_227 = tpu.memref_squeeze %dma_wait3A_226 : memref<1x80xi32, #tpu.memory_space<vmem>> -> memref<80xi32, #tpu.memory_space<vmem>>
    %dma_wait3A_228 = arith.constant 0 : i32
    %dma_wait3A_229 = tpu.memref_slice %arg5[%dma_wait3A_228] : memref<1920000xi32, #tpu.memory_space<hbm>> -> memref<80xi32, #tpu.memory_space<hbm>>
    %dma_wait3A_230 = arith.constant 0 : i32
    %dma_wait3A_231 = tpu.memref_slice %arg13[%dma_wait3A_224, %dma_wait3A_230] : memref<3x80xi32, #tpu.memory_space<vmem>> -> memref<1x80xi32, #tpu.memory_space<vmem>>
    %dma_wait3A_232 = tpu.memref_squeeze %dma_wait3A_231 : memref<1x80xi32, #tpu.memory_space<vmem>> -> memref<80xi32, #tpu.memory_space<vmem>>
    %dma_wait3A_233 = arith.constant 0 : i32
    %dma_wait3A_234 = tpu.memref_slice %arg5[%dma_wait3A_233] : memref<1920000xi32, #tpu.memory_space<hbm>> -> memref<80xi32, #tpu.memory_space<hbm>>
    tpu.wait_dma2 semaphore(%arg24 : memref<!tpu.dma_semaphore, #tpu.memory_space<semaphore_mem>>) src(%dma_wait3A_234 : memref<80xi32, #tpu.memory_space<hbm>>) dst(%dma_wait3A_232 : memref<80xi32, #tpu.memory_space<vmem>>)
    %dma_start3A_235 = arith.constant 0 : i32
    %dma_start3A_236 = arith.constant 0 : i32
    %dma_start3A_237 = tpu.memref_slice %arg13[%dma_start3A_235, %dma_start3A_236] : memref<3x80xi32, #tpu.memory_space<vmem>> -> memref<1x80xi32, #tpu.memory_space<vmem>>
    %dma_start3A_238 = tpu.memref_squeeze %dma_start3A_237 : memref<1x80xi32, #tpu.memory_space<vmem>> -> memref<80xi32, #tpu.memory_space<vmem>>
    %dma_start3A_239 = arith.constant 0 : i32
    %dma_start3A_240 = arith.constant 0 : i32
    %dma_start3A_241 = tpu.memref_slice %arg3[%dma_start3A_239, %dma_start3A_240] : memref<20000x16xf32, #tpu.memory_space<hbm>> -> memref<20000x16xf32, #tpu.memory_space<hbm>>
    tpu.enqueue_indirect_dma source(%dma_start3A_241 : memref<20000x16xf32, #tpu.memory_space<hbm>>) target(%arg17 : memref<80x16xf32, #tpu.memory_space<vmem>>) offsets(%dma_start3A_238 : memref<80xi32, #tpu.memory_space<vmem>>) semaphore(%arg26 : memref<!tpu.dma_semaphore, #tpu.memory_space<semaphore_mem>>)
    %dma_start3A_242 = arith.constant 1 : i32
    %dma_start3A_243 = arith.constant 0 : i32
    %dma_start3A_244 = tpu.memref_slice %arg13[%dma_start3A_242, %dma_start3A_243] : memref<3x80xi32, #tpu.memory_space<vmem>> -> memref<1x80xi32, #tpu.memory_space<vmem>>
    %dma_start3A_245 = tpu.memref_squeeze %dma_start3A_244 : memref<1x80xi32, #tpu.memory_space<vmem>> -> memref<80xi32, #tpu.memory_space<vmem>>
    %dma_start3A_246 = arith.constant 0 : i32
    %dma_start3A_247 = arith.constant 0 : i32
    %dma_start3A_248 = tpu.memref_slice %arg4[%dma_start3A_246, %dma_start3A_247] : memref<20000x16xf32, #tpu.memory_space<hbm>> -> memref<20000x16xf32, #tpu.memory_space<hbm>>
    tpu.enqueue_indirect_dma source(%dma_start3A_248 : memref<20000x16xf32, #tpu.memory_space<hbm>>) target(%arg19 : memref<80x16xf32, #tpu.memory_space<vmem>>) offsets(%dma_start3A_245 : memref<80xi32, #tpu.memory_space<vmem>>) semaphore(%arg26 : memref<!tpu.dma_semaphore, #tpu.memory_space<semaphore_mem>>)
    %dma_start3A_249 = arith.constant 0 : i32
    %dma_start3A_250 = arith.constant 0 : i32
    %dma_start3A_251 = tpu.memref_slice %arg13[%dma_start3A_249, %dma_start3A_250] : memref<3x80xi32, #tpu.memory_space<vmem>> -> memref<1x80xi32, #tpu.memory_space<vmem>>
    %dma_start3A_252 = tpu.memref_squeeze %dma_start3A_251 : memref<1x80xi32, #tpu.memory_space<vmem>> -> memref<80xi32, #tpu.memory_space<vmem>>
    %dma_start3A_253 = arith.constant 0 : i32
    %dma_start3A_254 = arith.constant 0 : i32
    %dma_start3A_255 = tpu.memref_slice %arg2[%dma_start3A_253, %dma_start3A_254] : memref<20000x128xf32, #tpu.memory_space<hbm>> -> memref<20000x128xf32, #tpu.memory_space<hbm>>
    tpu.enqueue_indirect_dma source(%dma_start3A_255 : memref<20000x128xf32, #tpu.memory_space<hbm>>) target(%arg15 : memref<80x128xf32, #tpu.memory_space<vmem>>) offsets(%dma_start3A_252 : memref<80xi32, #tpu.memory_space<vmem>>) semaphore(%arg24 : memref<!tpu.dma_semaphore, #tpu.memory_space<semaphore_mem>>)
    %scan3A_256 = arith.constant 0 : i32
    %scan3A_257 = arith.constant 124 : i32
    %scan3A_258 = arith.addi %scan3A_256, %scan3A_257 : i32
    %scan3A_259 = arith.constant 1 : i32
    scf.for %scan3A_374 = %scan3A_256 to %scan3A_258 step %scan3A_259  : i32 {
      %mul3A_375 = arith.constant 2 : i32
      %mul3A_376 = arith.muli %scan3A_374, %mul3A_375 : i32
      %add3A_377 = arith.constant 0 : i32
      %add3A_378 = arith.addi %add3A_377, %mul3A_376 : i32
      %dma_wait3A_379 = arith.constant 0 : i32
      %dma_wait3A_380 = arith.constant 0 : i32
      %dma_wait3A_381 = tpu.memref_slice %arg3[%dma_wait3A_379, %dma_wait3A_380] : memref<20000x16xf32, #tpu.memory_space<hbm>> -> memref<80x16xf32, #tpu.memory_space<hbm>>
      %dma_wait3A_382 = arith.constant 0 : i32
      %dma_wait3A_383 = arith.constant 0 : i32
      %dma_wait3A_384 = tpu.memref_slice %arg3[%dma_wait3A_382, %dma_wait3A_383] : memref<20000x16xf32, #tpu.memory_space<hbm>> -> memref<80x16xf32, #tpu.memory_space<hbm>>
      tpu.wait_dma2 semaphore(%arg25 : memref<!tpu.dma_semaphore, #tpu.memory_space<semaphore_mem>>) src(%dma_wait3A_384 : memref<80x16xf32, #tpu.memory_space<hbm>>) dst(%arg16 : memref<80x16xf32, #tpu.memory_space<vmem>>)
      %dma_wait3A_385 = arith.constant 0 : i32
      %dma_wait3A_386 = arith.constant 0 : i32
      %dma_wait3A_387 = tpu.memref_slice %arg4[%dma_wait3A_385, %dma_wait3A_386] : memref<20000x16xf32, #tpu.memory_space<hbm>> -> memref<80x16xf32, #tpu.memory_space<hbm>>
      %dma_wait3A_388 = arith.constant 0 : i32
      %dma_wait3A_389 = arith.constant 0 : i32
      %dma_wait3A_390 = tpu.memref_slice %arg4[%dma_wait3A_388, %dma_wait3A_389] : memref<20000x16xf32, #tpu.memory_space<hbm>> -> memref<80x16xf32, #tpu.memory_space<hbm>>
      tpu.wait_dma2 semaphore(%arg25 : memref<!tpu.dma_semaphore, #tpu.memory_space<semaphore_mem>>) src(%dma_wait3A_390 : memref<80x16xf32, #tpu.memory_space<hbm>>) dst(%arg18 : memref<80x16xf32, #tpu.memory_space<vmem>>)
      %scan3A_391 = arith.constant 0 : i32
      %scan3A_392 = arith.constant 80 : i32
      %scan3A_393 = arith.addi %scan3A_391, %scan3A_392 : i32
      %scan3A_394 = arith.constant 1 : i32
      scf.for %scan3A_627 = %scan3A_391 to %scan3A_393 step %scan3A_394  : i32 {
        %mul3A_628 = arith.constant 1 : i32
        %mul3A_629 = arith.muli %scan3A_627, %mul3A_628 : i32
        %add3A_630 = arith.constant 0 : i32
        %add3A_631 = arith.addi %add3A_630, %mul3A_629 : i32
        %get3A = arith.index_cast %add3A_631 : i32 to index
        %get3A_632 = arith.constant 0 : index
        %get3A_633 = tpu.vector_load %arg16[%get3A, %get3A_632] {strides = array<i32>} : memref<80x16xf32, #tpu.memory_space<vmem>>, vector<1x16xf32>,
        %get3A_634 = vector.shape_cast %get3A_633 : vector<1x16xf32> to vector<16xf32>
        %get3A_635 = arith.index_cast %add3A_631 : i32 to index
        %get3A_636 = arith.constant 0 : index
        %get3A_637 = tpu.vector_load %arg18[%get3A_635, %get3A_636] {strides = array<i32>} : memref<80x16xf32, #tpu.memory_space<vmem>>, vector<1x16xf32>,
        %get3A_638 = vector.shape_cast %get3A_637 : vector<1x16xf32> to vector<16xf32>
        %add3A_639 = arith.addf %get3A_634, %get3A_638 : vector<16xf32>
        %gt3A = arith.constant 0.000000e+00 : f32
        %gt3A_640 = vector.broadcast %gt3A : f32 to vector<16xf32>
        %gt3A_641 = arith.cmpf ogt, %add3A_639, %gt3A_640 : vector<16xf32>
        %mul3A_642 = arith.constant 2.000000e-01 : f32
        %mul3A_643 = vector.broadcast %mul3A_642 : f32 to vector<16xf32>
        %mul3A_644 = arith.mulf %mul3A_643, %add3A_639 : vector<16xf32>
        %select_n3A = arith.select %gt3A_641, %add3A_639, %mul3A_644 : vector<16xi1>, vector<16xf32>
        %get3A_645 = arith.constant 0 : index
        %get3A_646 = tpu.vector_load %arg21[%get3A_645] {strides = array<i32>} : memref<16xf32, #tpu.memory_space<vmem>>, vector<16xf32>,
        %get3A_647 = vector.shape_cast %get3A_646 : vector<16xf32> to vector<16xf32>
        %sub3A = arith.subf %select_n3A, %get3A_647 : vector<16xf32>
        %exp3A = math.exp %sub3A : vector<16xf32>
        %swap3A = arith.index_cast %add3A_631 : i32 to index
        %swap3A_648 = arith.constant 0 : index
        %swap3A_649 = tpu.vector_load %arg20[%swap3A, %swap3A_648] {strides = array<i32>} : memref<80x16xf32, #tpu.memory_space<vmem>>, vector<1x16xf32>,
        %swap3A_650 = vector.shape_cast %swap3A_649 : vector<1x16xf32> to vector<16xf32>
        %swap3A_651 = vector.shape_cast %exp3A : vector<16xf32> to vector<1x16xf32>
        tpu.vector_store %arg20[%swap3A, %swap3A_648], %swap3A_651 {strides = array<i32>} : memref<80x16xf32, #tpu.memory_space<vmem>>, vector<1x16xf32>,
      }
      %scan3A_395 = arith.constant 80 : i32
      %dma_wait3A_396 = arith.constant 0 : i32
      %dma_wait3A_397 = arith.constant 0 : i32
      %dma_wait3A_398 = tpu.memref_slice %arg2[%dma_wait3A_396, %dma_wait3A_397] : memref<20000x128xf32, #tpu.memory_space<hbm>> -> memref<80x128xf32, #tpu.memory_space<hbm>>
      %dma_wait3A_399 = arith.constant 0 : i32
      %dma_wait3A_400 = arith.constant 0 : i32
      %dma_wait3A_401 = tpu.memref_slice %arg2[%dma_wait3A_399, %dma_wait3A_400] : memref<20000x128xf32, #tpu.memory_space<hbm>> -> memref<80x128xf32, #tpu.memory_space<hbm>>
      tpu.wait_dma2 semaphore(%arg23 : memref<!tpu.dma_semaphore, #tpu.memory_space<semaphore_mem>>) src(%dma_wait3A_401 : memref<80x128xf32, #tpu.memory_space<hbm>>) dst(%arg14 : memref<80x128xf32, #tpu.memory_space<vmem>>)
      %scan3A_402 = arith.constant 0 : i32
      %scan3A_403 = arith.constant 80 : i32
      %scan3A_404 = arith.addi %scan3A_402, %scan3A_403 : i32
      %scan3A_405 = arith.constant 1 : i32
      scf.for %scan3A_627 = %scan3A_402 to %scan3A_404 step %scan3A_405  : i32 {
        %mul3A_628 = arith.constant 1 : i32
        %mul3A_629 = arith.muli %scan3A_627, %mul3A_628 : i32
        %add3A_630 = arith.constant 0 : i32
        %add3A_631 = arith.addi %add3A_630, %mul3A_629 : i32
        %get3A = arith.index_cast %add3A_631 : i32 to index
        %get3A_632 = arith.constant 0 : index
        %get3A_633 = tpu.vector_load %arg20[%get3A, %get3A_632] {strides = array<i32>} : memref<80x16xf32, #tpu.memory_space<vmem>>, vector<1x16xf32>,
        %get3A_634 = vector.shape_cast %get3A_633 : vector<1x16xf32> to vector<16xf32>
        %get3A_635 = arith.index_cast %add3A_631 : i32 to index
        %get3A_636 = arith.constant 0 : index
        %get3A_637 = tpu.vector_load %arg14[%get3A_635, %get3A_636] {strides = array<i32>} : memref<80x128xf32, #tpu.memory_space<vmem>>, vector<1x16xf32>,
        %get3A_638 = vector.shape_cast %get3A_637 : vector<1x16xf32> to vector<16xf32>
        %slice3A = vector.extract_strided_slice %get3A_634 {offsets = [0], sizes = [1], strides = [1]} : vector<16xf32> to vector<1xf32>
        %squeeze3A = vector.extract %slice3A[0] : f32 from vector<1xf32>
        %mul3A_639 = vector.broadcast %squeeze3A : f32 to vector<16xf32>
        %mul3A_640 = arith.mulf %get3A_638, %mul3A_639 : vector<16xf32>
        %swap3A = arith.index_cast %add3A_631 : i32 to index
        %swap3A_641 = arith.constant 0 : index
        %swap3A_642 = tpu.vector_load %arg14[%swap3A, %swap3A_641] {strides = array<i32>} : memref<80x128xf32, #tpu.memory_space<vmem>>, vector<1x16xf32>,
        %swap3A_643 = vector.shape_cast %swap3A_642 : vector<1x16xf32> to vector<16xf32>
        %swap3A_644 = vector.shape_cast %mul3A_640 : vector<16xf32> to vector<1x16xf32>
        tpu.vector_store %arg14[%swap3A, %swap3A_641], %swap3A_644 {strides = array<i32>} : memref<80x128xf32, #tpu.memory_space<vmem>>, vector<1x16xf32>,
        %get3A_645 = arith.index_cast %add3A_631 : i32 to index
        %get3A_646 = arith.constant 16 : index
        %get3A_647 = tpu.vector_load %arg14[%get3A_645, %get3A_646] {strides = array<i32>} : memref<80x128xf32, #tpu.memory_space<vmem>>, vector<1x16xf32>,
        %get3A_648 = vector.shape_cast %get3A_647 : vector<1x16xf32> to vector<16xf32>
        %slice3A_649 = vector.extract_strided_slice %get3A_634 {offsets = [1], sizes = [1], strides = [1]} : vector<16xf32> to vector<1xf32>
        %squeeze3A_650 = vector.extract %slice3A_649[0] : f32 from vector<1xf32>
        %mul3A_651 = vector.broadcast %squeeze3A_650 : f32 to vector<16xf32>
        %mul3A_652 = arith.mulf %get3A_648, %mul3A_651 : vector<16xf32>
        %swap3A_653 = arith.index_cast %add3A_631 : i32 to index
        %swap3A_654 = arith.constant 16 : index
        %swap3A_655 = tpu.vector_load %arg14[%swap3A_653, %swap3A_654] {strides = array<i32>} : memref<80x128xf32, #tpu.memory_space<vmem>>, vector<1x16xf32>,
        %swap3A_656 = vector.shape_cast %swap3A_655 : vector<1x16xf32> to vector<16xf32>
        %swap3A_657 = vector.shape_cast %mul3A_652 : vector<16xf32> to vector<1x16xf32>
        tpu.vector_store %arg14[%swap3A_653, %swap3A_654], %swap3A_657 {strides = array<i32>} : memref<80x128xf32, #tpu.memory_space<vmem>>, vector<1x16xf32>,
        %get3A_658 = arith.index_cast %add3A_631 : i32 to index
        %get3A_659 = arith.constant 32 : index
        %get3A_660 = tpu.vector_load %arg14[%get3A_658, %get3A_659] {strides = array<i32>} : memref<80x128xf32, #tpu.memory_space<vmem>>, vector<1x16xf32>,
        %get3A_661 = vector.shape_cast %get3A_660 : vector<1x16xf32> to vector<16xf32>
        %slice3A_662 = vector.extract_strided_slice %get3A_634 {offsets = [2], sizes = [1], strides = [1]} : vector<16xf32> to vector<1xf32>
        %squeeze3A_663 = vector.extract %slice3A_662[0] : f32 from vector<1xf32>
        %mul3A_664 = vector.broadcast %squeeze3A_663 : f32 to vector<16xf32>
        %mul3A_665 = arith.mulf %get3A_661, %mul3A_664 : vector<16xf32>
        %swap3A_666 = arith.index_cast %add3A_631 : i32 to index
        %swap3A_667 = arith.constant 32 : index
        %swap3A_668 = tpu.vector_load %arg14[%swap3A_666, %swap3A_667] {strides = array<i32>} : memref<80x128xf32, #tpu.memory_space<vmem>>, vector<1x16xf32>,
        %swap3A_669 = vector.shape_cast %swap3A_668 : vector<1x16xf32> to vector<16xf32>
        %swap3A_670 = vector.shape_cast %mul3A_665 : vector<16xf32> to vector<1x16xf32>
        tpu.vector_store %arg14[%swap3A_666, %swap3A_667], %swap3A_670 {strides = array<i32>} : memref<80x128xf32, #tpu.memory_space<vmem>>, vector<1x16xf32>,
        %get3A_671 = arith.index_cast %add3A_631 : i32 to index
        %get3A_672 = arith.constant 48 : index
        %get3A_673 = tpu.vector_load %arg14[%get3A_671, %get3A_672] {strides = array<i32>} : memref<80x128xf32, #tpu.memory_space<vmem>>, vector<1x16xf32>,
        %get3A_674 = vector.shape_cast %get3A_673 : vector<1x16xf32> to vector<16xf32>
        %slice3A_675 = vector.extract_strided_slice %get3A_634 {offsets = [3], sizes = [1], strides = [1]} : vector<16xf32> to vector<1xf32>
        %squeeze3A_676 = vector.extract %slice3A_675[0] : f32 from vector<1xf32>
        %mul3A_677 = vector.broadcast %squeeze3A_676 : f32 to vector<16xf32>
        %mul3A_678 = arith.mulf %get3A_674, %mul3A_677 : vector<16xf32>
        %swap3A_679 = arith.index_cast %add3A_631 : i32 to index
        %swap3A_680 = arith.constant 48 : index
        %swap3A_681 = tpu.vector_load %arg14[%swap3A_679, %swap3A_680] {strides = array<i32>} : memref<80x128xf32, #tpu.memory_space<vmem>>, vector<1x16xf32>,
        %swap3A_682 = vector.shape_cast %swap3A_681 : vector<1x16xf32> to vector<16xf32>
        %swap3A_683 = vector.shape_cast %mul3A_678 : vector<16xf32> to vector<1x16xf32>
        tpu.vector_store %arg14[%swap3A_679, %swap3A_680], %swap3A_683 {strides = array<i32>} : memref<80x128xf32, #tpu.memory_space<vmem>>, vector<1x16xf32>,
        %get3A_684 = arith.index_cast %add3A_631 : i32 to index
        %get3A_685 = arith.constant 64 : index
        %get3A_686 = tpu.vector_load %arg14[%get3A_684, %get3A_685] {strides = array<i32>} : memref<80x128xf32, #tpu.memory_space<vmem>>, vector<1x16xf32>,
        %get3A_687 = vector.shape_cast %get3A_686 : vector<1x16xf32> to vector<16xf32>
        %slice3A_688 = vector.extract_strided_slice %get3A_634 {offsets = [4], sizes = [1], strides = [1]} : vector<16xf32> to vector<1xf32>
        %squeeze3A_689 = vector.extract %slice3A_688[0] : f32 from vector<1xf32>
        %mul3A_690 = vector.broadcast %squeeze3A_689 : f32 to vector<16xf32>
        %mul3A_691 = arith.mulf %get3A_687, %mul3A_690 : vector<16xf32>
        %swap3A_692 = arith.index_cast %add3A_631 : i32 to index
        %swap3A_693 = arith.constant 64 : index
        %swap3A_694 = tpu.vector_load %arg14[%swap3A_692, %swap3A_693] {strides = array<i32>} : memref<80x128xf32, #tpu.memory_space<vmem>>, vector<1x16xf32>,
        %swap3A_695 = vector.shape_cast %swap3A_694 : vector<1x16xf32> to vector<16xf32>
        %swap3A_696 = vector.shape_cast %mul3A_691 : vector<16xf32> to vector<1x16xf32>
        tpu.vector_store %arg14[%swap3A_692, %swap3A_693], %swap3A_696 {strides = array<i32>} : memref<80x128xf32, #tpu.memory_space<vmem>>, vector<1x16xf32>,
        %get3A_697 = arith.index_cast %add3A_631 : i32 to index
        %get3A_698 = arith.constant 80 : index
        %get3A_699 = tpu.vector_load %arg14[%get3A_697, %get3A_698] {strides = array<i32>} : memref<80x128xf32, #tpu.memory_space<vmem>>, vector<1x16xf32>,
        %get3A_700 = vector.shape_cast %get3A_699 : vector<1x16xf32> to vector<16xf32>
        %slice3A_701 = vector.extract_strided_slice %get3A_634 {offsets = [5], sizes = [1], strides = [1]} : vector<16xf32> to vector<1xf32>
        %squeeze3A_702 = vector.extract %slice3A_701[0] : f32 from vector<1xf32>
        %mul3A_703 = vector.broadcast %squeeze3A_702 : f32 to vector<16xf32>
        %mul3A_704 = arith.mulf %get3A_700, %mul3A_703 : vector<16xf32>
        %swap3A_705 = arith.index_cast %add3A_631 : i32 to index
        %swap3A_706 = arith.constant 80 : index
        %swap3A_707 = tpu.vector_load %arg14[%swap3A_705, %swap3A_706] {strides = array<i32>} : memref<80x128xf32, #tpu.memory_space<vmem>>, vector<1x16xf32>,
        %swap3A_708 = vector.shape_cast %swap3A_707 : vector<1x16xf32> to vector<16xf32>
        %swap3A_709 = vector.shape_cast %mul3A_704 : vector<16xf32> to vector<1x16xf32>
        tpu.vector_store %arg14[%swap3A_705, %swap3A_706], %swap3A_709 {strides = array<i32>} : memref<80x128xf32, #tpu.memory_space<vmem>>, vector<1x16xf32>,
        %get3A_710 = arith.index_cast %add3A_631 : i32 to index
        %get3A_711 = arith.constant 96 : index
        %get3A_712 = tpu.vector_load %arg14[%get3A_710, %get3A_711] {strides = array<i32>} : memref<80x128xf32, #tpu.memory_space<vmem>>, vector<1x16xf32>,
        %get3A_713 = vector.shape_cast %get3A_712 : vector<1x16xf32> to vector<16xf32>
        %slice3A_714 = vector.extract_strided_slice %get3A_634 {offsets = [6], sizes = [1], strides = [1]} : vector<16xf32> to vector<1xf32>
        %squeeze3A_715 = vector.extract %slice3A_714[0] : f32 from vector<1xf32>
        %mul3A_716 = vector.broadcast %squeeze3A_715 : f32 to vector<16xf32>
        %mul3A_717 = arith.mulf %get3A_713, %mul3A_716 : vector<16xf32>
        %swap3A_718 = arith.index_cast %add3A_631 : i32 to index
        %swap3A_719 = arith.constant 96 : index
        %swap3A_720 = tpu.vector_load %arg14[%swap3A_718, %swap3A_719] {strides = array<i32>} : memref<80x128xf32, #tpu.memory_space<vmem>>, vector<1x16xf32>,
        %swap3A_721 = vector.shape_cast %swap3A_720 : vector<1x16xf32> to vector<16xf32>
        %swap3A_722 = vector.shape_cast %mul3A_717 : vector<16xf32> to vector<1x16xf32>
        tpu.vector_store %arg14[%swap3A_718, %swap3A_719], %swap3A_722 {strides = array<i32>} : memref<80x128xf32, #tpu.memory_space<vmem>>, vector<1x16xf32>,
        %get3A_723 = arith.index_cast %add3A_631 : i32 to index
        %get3A_724 = arith.constant 112 : index
        %get3A_725 = tpu.vector_load %arg14[%get3A_723, %get3A_724] {strides = array<i32>} : memref<80x128xf32, #tpu.memory_space<vmem>>, vector<1x16xf32>,
        %get3A_726 = vector.shape_cast %get3A_725 : vector<1x16xf32> to vector<16xf32>
        %slice3A_727 = vector.extract_strided_slice %get3A_634 {offsets = [7], sizes = [1], strides = [1]} : vector<16xf32> to vector<1xf32>
        %squeeze3A_728 = vector.extract %slice3A_727[0] : f32 from vector<1xf32>
        %mul3A_729 = vector.broadcast %squeeze3A_728 : f32 to vector<16xf32>
        %mul3A_730 = arith.mulf %get3A_726, %mul3A_729 : vector<16xf32>
        %swap3A_731 = arith.index_cast %add3A_631 : i32 to index
        %swap3A_732 = arith.constant 112 : index
        %swap3A_733 = tpu.vector_load %arg14[%swap3A_731, %swap3A_732] {strides = array<i32>} : memref<80x128xf32, #tpu.memory_space<vmem>>, vector<1x16xf32>,
        %swap3A_734 = vector.shape_cast %swap3A_733 : vector<1x16xf32> to vector<16xf32>
        %swap3A_735 = vector.shape_cast %mul3A_730 : vector<16xf32> to vector<1x16xf32>
        tpu.vector_store %arg14[%swap3A_731, %swap3A_732], %swap3A_735 {strides = array<i32>} : memref<80x128xf32, #tpu.memory_space<vmem>>, vector<1x16xf32>,
      }
      %scan3A_406 = arith.constant 80 : i32
      %run_scoped3A_407 = arith.constant 2 : i32
      "tpu.region"() ({
        %run_scoped3A_627 = tpu.sem_alloc : memref<!tpu.dma_semaphore, #tpu.memory_space<semaphore_mem>>
        %dma_start3A_628 = arith.constant 0 : i32
        %dma_start3A_629 = tpu.memref_slice %arg12[%run_scoped3A_407, %dma_start3A_628] : memref<3x80xi32, #tpu.memory_space<vmem>> -> memref<1x80xi32, #tpu.memory_space<vmem>>
        %dma_start3A_630 = tpu.memref_squeeze %dma_start3A_629 : memref<1x80xi32, #tpu.memory_space<vmem>> -> memref<80xi32, #tpu.memory_space<vmem>>
        %dma_start3A_631 = arith.constant 0 : i32
        %dma_start3A_632 = arith.constant 0 : i32
        %dma_start3A_633 = tpu.memref_slice %arg11[%dma_start3A_631, %dma_start3A_632] : memref<10000x16xf32, #tpu.memory_space<vmem_shared>> -> memref<10000x16xf32, #tpu.memory_space<vmem_shared>>
        tpu.enqueue_indirect_dma source(%arg20 : memref<80x16xf32, #tpu.memory_space<vmem>>) target(%dma_start3A_633 : memref<10000x16xf32, #tpu.memory_space<vmem_shared>>) offsets(%dma_start3A_630 : memref<80xi32, #tpu.memory_space<vmem>>) semaphore(%run_scoped3A_627 : memref<!tpu.dma_semaphore, #tpu.memory_space<semaphore_mem>>) {add = true}
        %dma_wait3A_634 = arith.constant 0 : i32
        %dma_wait3A_635 = tpu.memref_slice %arg12[%run_scoped3A_407, %dma_wait3A_634] : memref<3x80xi32, #tpu.memory_space<vmem>> -> memref<1x80xi32, #tpu.memory_space<vmem>>
        %dma_wait3A_636 = tpu.memref_squeeze %dma_wait3A_635 : memref<1x80xi32, #tpu.memory_space<vmem>> -> memref<80xi32, #tpu.memory_space<vmem>>
        %dma_wait3A_637 = arith.constant 0 : i32
        %dma_wait3A_638 = arith.constant 0 : i32
        %dma_wait3A_639 = tpu.memref_slice %arg11[%dma_wait3A_637, %dma_wait3A_638] : memref<10000x16xf32, #tpu.memory_space<vmem_shared>> -> memref<10000x16xf32, #tpu.memory_space<vmem_shared>>
        tpu.wait_indirect_dma semaphore(%run_scoped3A_627 : memref<!tpu.dma_semaphore, #tpu.memory_space<semaphore_mem>>) src(%arg20 : memref<80x16xf32, #tpu.memory_space<vmem>>) dst(%dma_wait3A_639 : memref<10000x16xf32, #tpu.memory_space<vmem_shared>>)
        tpu.yield
      }) : () -> ()
      %run_scoped3A_408 = arith.constant 2 : i32
      "tpu.region"() ({
        %run_scoped3A_627 = tpu.sem_alloc : memref<!tpu.dma_semaphore, #tpu.memory_space<semaphore_mem>>
        %dma_start3A_628 = arith.constant 0 : i32
        %dma_start3A_629 = tpu.memref_slice %arg12[%run_scoped3A_408, %dma_start3A_628] : memref<3x80xi32, #tpu.memory_space<vmem>> -> memref<1x80xi32, #tpu.memory_space<vmem>>
        %dma_start3A_630 = tpu.memref_squeeze %dma_start3A_629 : memref<1x80xi32, #tpu.memory_space<vmem>> -> memref<80xi32, #tpu.memory_space<vmem>>
        %dma_start3A_631 = arith.constant 0 : i32
        %dma_start3A_632 = arith.constant 0 : i32
        %dma_start3A_633 = tpu.memref_slice %arg10[%dma_start3A_631, %dma_start3A_632] : memref<10000x128xf32, #tpu.memory_space<vmem_shared>> -> memref<10000x128xf32, #tpu.memory_space<vmem_shared>>
        tpu.enqueue_indirect_dma source(%arg14 : memref<80x128xf32, #tpu.memory_space<vmem>>) target(%dma_start3A_633 : memref<10000x128xf32, #tpu.memory_space<vmem_shared>>) offsets(%dma_start3A_630 : memref<80xi32, #tpu.memory_space<vmem>>) semaphore(%run_scoped3A_627 : memref<!tpu.dma_semaphore, #tpu.memory_space<semaphore_mem>>) {add = true}
        %dma_wait3A_634 = arith.constant 0 : i32
        %dma_wait3A_635 = tpu.memref_slice %arg12[%run_scoped3A_408, %dma_wait3A_634] : memref<3x80xi32, #tpu.memory_space<vmem>> -> memref<1x80xi32, #tpu.memory_space<vmem>>
        %dma_wait3A_636 = tpu.memref_squeeze %dma_wait3A_635 : memref<1x80xi32, #tpu.memory_space<vmem>> -> memref<80xi32, #tpu.memory_space<vmem>>
        %dma_wait3A_637 = arith.constant 0 : i32
        %dma_wait3A_638 = arith.constant 0 : i32
        %dma_wait3A_639 = tpu.memref_slice %arg10[%dma_wait3A_637, %dma_wait3A_638] : memref<10000x128xf32, #tpu.memory_space<vmem_shared>> -> memref<10000x128xf32, #tpu.memory_space<vmem_shared>>
        tpu.wait_indirect_dma semaphore(%run_scoped3A_627 : memref<!tpu.dma_semaphore, #tpu.memory_space<semaphore_mem>>) src(%arg14 : memref<80x128xf32, #tpu.memory_space<vmem>>) dst(%dma_wait3A_639 : memref<10000x128xf32, #tpu.memory_space<vmem_shared>>)
        tpu.yield
      }) : () -> ()
      %add3A_409 = arith.constant 0 : i32
      %add3A_410 = arith.addi %add3A_378, %add3A_409 : i32
      %add3A_411 = arith.constant 2 : i32
      %add3A_412 = arith.addi %add3A_410, %add3A_411 : i32
      %mul3A_413 = arith.constant 240 : i32
      %mul3A_414 = arith.muli %add3A_412, %mul3A_413 : i32
      %add3A_415 = arith.addi %mul3A_79, %mul3A_414 : i32
      %add3A_416 = arith.constant 0 : i32
      %add3A_417 = arith.addi %add3A_415, %add3A_416 : i32
      %dma_start3A_418 = arith.constant 0 : i32
      %dma_start3A_419 = arith.constant 0 : i32
      %dma_start3A_420 = tpu.memref_slice %arg12[%dma_start3A_418, %dma_start3A_419] : memref<3x80xi32, #tpu.memory_space<vmem>> -> memref<1x80xi32, #tpu.memory_space<vmem>>
      %dma_start3A_421 = tpu.memref_squeeze %dma_start3A_420 : memref<1x80xi32, #tpu.memory_space<vmem>> -> memref<80xi32, #tpu.memory_space<vmem>>
      %dma_start3A_422 = tpu.memref_slice %arg5[%add3A_417] : memref<1920000xi32, #tpu.memory_space<hbm>> -> memref<80xi32, #tpu.memory_space<hbm>>
      %dma_start3A_423 = arith.constant 0 : i32
      %dma_start3A_424 = tpu.memref_slice %arg12[%dma_start3A_418, %dma_start3A_423] : memref<3x80xi32, #tpu.memory_space<vmem>> -> memref<1x80xi32, #tpu.memory_space<vmem>>
      %dma_start3A_425 = tpu.memref_squeeze %dma_start3A_424 : memref<1x80xi32, #tpu.memory_space<vmem>> -> memref<80xi32, #tpu.memory_space<vmem>>
      %dma_start3A_426 = tpu.memref_slice %arg5[%add3A_417] : memref<1920000xi32, #tpu.memory_space<hbm>> -> memref<80xi32, #tpu.memory_space<hbm>>
      tpu.enqueue_dma source(%dma_start3A_426 : memref<80xi32, #tpu.memory_space<hbm>>) target(%dma_start3A_425 : memref<80xi32, #tpu.memory_space<vmem>>) target_semaphore(%arg23 : memref<!tpu.dma_semaphore, #tpu.memory_space<semaphore_mem>>)
      %add3A_427 = arith.constant 80 : i32
      %add3A_428 = arith.addi %add3A_415, %add3A_427 : i32
      %dma_start3A_429 = arith.constant 1 : i32
      %dma_start3A_430 = arith.constant 0 : i32
      %dma_start3A_431 = tpu.memref_slice %arg12[%dma_start3A_429, %dma_start3A_430] : memref<3x80xi32, #tpu.memory_space<vmem>> -> memref<1x80xi32, #tpu.memory_space<vmem>>
      %dma_start3A_432 = tpu.memref_squeeze %dma_start3A_431 : memref<1x80xi32, #tpu.memory_space<vmem>> -> memref<80xi32, #tpu.memory_space<vmem>>
      %dma_start3A_433 = tpu.memref_slice %arg5[%add3A_428] : memref<1920000xi32, #tpu.memory_space<hbm>> -> memref<80xi32, #tpu.memory_space<hbm>>
      %dma_start3A_434 = arith.constant 0 : i32
      %dma_start3A_435 = tpu.memref_slice %arg12[%dma_start3A_429, %dma_start3A_434] : memref<3x80xi32, #tpu.memory_space<vmem>> -> memref<1x80xi32, #tpu.memory_space<vmem>>
      %dma_start3A_436 = tpu.memref_squeeze %dma_start3A_435 : memref<1x80xi32, #tpu.memory_space<vmem>> -> memref<80xi32, #tpu.memory_space<vmem>>
      %dma_start3A_437 = tpu.memref_slice %arg5[%add3A_428] : memref<1920000xi32, #tpu.memory_space<hbm>> -> memref<80xi32, #tpu.memory_space<hbm>>
      tpu.enqueue_dma source(%dma_start3A_437 : memref<80xi32, #tpu.memory_space<hbm>>) target(%dma_start3A_436 : memref<80xi32, #tpu.memory_space<vmem>>) target_semaphore(%arg23 : memref<!tpu.dma_semaphore, #tpu.memory_space<semaphore_mem>>)
      %add3A_438 = arith.constant 160 : i32
      %add3A_439 = arith.addi %add3A_415, %add3A_438 : i32
      %dma_start3A_440 = arith.constant 2 : i32
      %dma_start3A_441 = arith.constant 0 : i32
      %dma_start3A_442 = tpu.memref_slice %arg12[%dma_start3A_440, %dma_start3A_441] : memref<3x80xi32, #tpu.memory_space<vmem>> -> memref<1x80xi32, #tpu.memory_space<vmem>>
      %dma_start3A_443 = tpu.memref_squeeze %dma_start3A_442 : memref<1x80xi32, #tpu.memory_space<vmem>> -> memref<80xi32, #tpu.memory_space<vmem>>
      %dma_start3A_444 = tpu.memref_slice %arg5[%add3A_439] : memref<1920000xi32, #tpu.memory_space<hbm>> -> memref<80xi32, #tpu.memory_space<hbm>>
      %dma_start3A_445 = arith.constant 0 : i32
      %dma_start3A_446 = tpu.memref_slice %arg12[%dma_start3A_440, %dma_start3A_445] : memref<3x80xi32, #tpu.memory_space<vmem>> -> memref<1x80xi32, #tpu.memory_space<vmem>>
      %dma_start3A_447 = tpu.memref_squeeze %dma_start3A_446 : memref<1x80xi32, #tpu.memory_space<vmem>> -> memref<80xi32, #tpu.memory_space<vmem>>
      %dma_start3A_448 = tpu.memref_slice %arg5[%add3A_439] : memref<1920000xi32, #tpu.memory_space<hbm>> -> memref<80xi32, #tpu.memory_space<hbm>>
      tpu.enqueue_dma source(%dma_start3A_448 : memref<80xi32, #tpu.memory_space<hbm>>) target(%dma_start3A_447 : memref<80xi32, #tpu.memory_space<vmem>>) target_semaphore(%arg23 : memref<!tpu.dma_semaphore, #tpu.memory_space<semaphore_mem>>)
      %dma_wait3A_449 = arith.constant 0 : i32
      %dma_wait3A_450 = arith.constant 0 : i32
      %dma_wait3A_451 = tpu.memref_slice %arg12[%dma_wait3A_449, %dma_wait3A_450] : memref<3x80xi32, #tpu.memory_space<vmem>> -> memref<1x80xi32, #tpu.memory_space<vmem>>
      %dma_wait3A_452 = tpu.memref_squeeze %dma_wait3A_451 : memref<1x80xi32, #tpu.memory_space<vmem>> -> memref<80xi32, #tpu.memory_space<vmem>>
      %dma_wait3A_453 = arith.constant 0 : i32
      %dma_wait3A_454 = tpu.memref_slice %arg5[%dma_wait3A_453] : memref<1920000xi32, #tpu.memory_space<hbm>> -> memref<80xi32, #tpu.memory_space<hbm>>
      %dma_wait3A_455 = arith.constant 0 : i32
      %dma_wait3A_456 = tpu.memref_slice %arg12[%dma_wait3A_449, %dma_wait3A_455] : memref<3x80xi32, #tpu.memory_space<vmem>> -> memref<1x80xi32, #tpu.memory_space<vmem>>
      %dma_wait3A_457 = tpu.memref_squeeze %dma_wait3A_456 : memref<1x80xi32, #tpu.memory_space<vmem>> -> memref<80xi32, #tpu.memory_space<vmem>>
      %dma_wait3A_458 = arith.constant 0 : i32
      %dma_wait3A_459 = tpu.memref_slice %arg5[%dma_wait3A_458] : memref<1920000xi32, #tpu.memory_space<hbm>> -> memref<80xi32, #tpu.memory_space<hbm>>
      tpu.wait_dma2 semaphore(%arg23 : memref<!tpu.dma_semaphore, #tpu.memory_space<semaphore_mem>>) src(%dma_wait3A_459 : memref<80xi32, #tpu.memory_space<hbm>>) dst(%dma_wait3A_457 : memref<80xi32, #tpu.memory_space<vmem>>)
      %dma_wait3A_460 = arith.constant 1 : i32
      %dma_wait3A_461 = arith.constant 0 : i32
      %dma_wait3A_462 = tpu.memref_slice %arg12[%dma_wait3A_460, %dma_wait3A_461] : memref<3x80xi32, #tpu.memory_space<vmem>> -> memref<1x80xi32, #tpu.memory_space<vmem>>
      %dma_wait3A_463 = tpu.memref_squeeze %dma_wait3A_462 : memref<1x80xi32, #tpu.memory_space<vmem>> -> memref<80xi32, #tpu.memory_space<vmem>>
      %dma_wait3A_464 = arith.constant 0 : i32
      %dma_wait3A_465 = tpu.memref_slice %arg5[%dma_wait3A_464] : memref<1920000xi32, #tpu.memory_space<hbm>> -> memref<80xi32, #tpu.memory_space<hbm>>
      %dma_wait3A_466 = arith.constant 0 : i32
      %dma_wait3A_467 = tpu.memref_slice %arg12[%dma_wait3A_460, %dma_wait3A_466] : memref<3x80xi32, #tpu.memory_space<vmem>> -> memref<1x80xi32, #tpu.memory_space<vmem>>
      %dma_wait3A_468 = tpu.memref_squeeze %dma_wait3A_467 : memref<1x80xi32, #tpu.memory_space<vmem>> -> memref<80xi32, #tpu.memory_space<vmem>>
      %dma_wait3A_469 = arith.constant 0 : i32
      %dma_wait3A_470 = tpu.memref_slice %arg5[%dma_wait3A_469] : memref<1920000xi32, #tpu.memory_space<hbm>> -> memref<80xi32, #tpu.memory_space<hbm>>
      tpu.wait_dma2 semaphore(%arg23 : memref<!tpu.dma_semaphore, #tpu.memory_space<semaphore_mem>>) src(%dma_wait3A_470 : memref<80xi32, #tpu.memory_space<hbm>>) dst(%dma_wait3A_468 : memref<80xi32, #tpu.memory_space<vmem>>)
      %dma_wait3A_471 = arith.constant 2 : i32
      %dma_wait3A_472 = arith.constant 0 : i32
      %dma_wait3A_473 = tpu.memref_slice %arg12[%dma_wait3A_471, %dma_wait3A_472] : memref<3x80xi32, #tpu.memory_space<vmem>> -> memref<1x80xi32, #tpu.memory_space<vmem>>
      %dma_wait3A_474 = tpu.memref_squeeze %dma_wait3A_473 : memref<1x80xi32, #tpu.memory_space<vmem>> -> memref<80xi32, #tpu.memory_space<vmem>>
      %dma_wait3A_475 = arith.constant 0 : i32
      %dma_wait3A_476 = tpu.memref_slice %arg5[%dma_wait3A_475] : memref<1920000xi32, #tpu.memory_space<hbm>> -> memref<80xi32, #tpu.memory_space<hbm>>
      %dma_wait3A_477 = arith.constant 0 : i32
      %dma_wait3A_478 = tpu.memref_slice %arg12[%dma_wait3A_471, %dma_wait3A_477] : memref<3x80xi32, #tpu.memory_space<vmem>> -> memref<1x80xi32, #tpu.memory_space<vmem>>
      %dma_wait3A_479 = tpu.memref_squeeze %dma_wait3A_478 : memref<1x80xi32, #tpu.memory_space<vmem>> -> memref<80xi32, #tpu.memory_space<vmem>>
      %dma_wait3A_480 = arith.constant 0 : i32
      %dma_wait3A_481 = tpu.memref_slice %arg5[%dma_wait3A_480] : memref<1920000xi32, #tpu.memory_space<hbm>> -> memref<80xi32, #tpu.memory_space<hbm>>
      tpu.wait_dma2 semaphore(%arg23 : memref<!tpu.dma_semaphore, #tpu.memory_space<semaphore_mem>>) src(%dma_wait3A_481 : memref<80xi32, #tpu.memory_space<hbm>>) dst(%dma_wait3A_479 : memref<80xi32, #tpu.memory_space<vmem>>)
      %dma_start3A_482 = arith.constant 0 : i32
      %dma_start3A_483 = arith.constant 0 : i32
      %dma_start3A_484 = tpu.memref_slice %arg12[%dma_start3A_482, %dma_start3A_483] : memref<3x80xi32, #tpu.memory_space<vmem>> -> memref<1x80xi32, #tpu.memory_space<vmem>>
      %dma_start3A_485 = tpu.memref_squeeze %dma_start3A_484 : memref<1x80xi32, #tpu.memory_space<vmem>> -> memref<80xi32, #tpu.memory_space<vmem>>
      %dma_start3A_486 = arith.constant 0 : i32
      %dma_start3A_487 = arith.constant 0 : i32
      %dma_start3A_488 = tpu.memref_slice %arg3[%dma_start3A_486, %dma_start3A_487] : memref<20000x16xf32, #tpu.memory_space<hbm>> -> memref<20000x16xf32, #tpu.memory_space<hbm>>
      tpu.enqueue_indirect_dma source(%dma_start3A_488 : memref<20000x16xf32, #tpu.memory_space<hbm>>) target(%arg16 : memref<80x16xf32, #tpu.memory_space<vmem>>) offsets(%dma_start3A_485 : memref<80xi32, #tpu.memory_space<vmem>>) semaphore(%arg25 : memref<!tpu.dma_semaphore, #tpu.memory_space<semaphore_mem>>)
      %dma_start3A_489 = arith.constant 1 : i32
      %dma_start3A_490 = arith.constant 0 : i32
      %dma_start3A_491 = tpu.memref_slice %arg12[%dma_start3A_489, %dma_start3A_490] : memref<3x80xi32, #tpu.memory_space<vmem>> -> memref<1x80xi32, #tpu.memory_space<vmem>>
      %dma_start3A_492 = tpu.memref_squeeze %dma_start3A_491 : memref<1x80xi32, #tpu.memory_space<vmem>> -> memref<80xi32, #tpu.memory_space<vmem>>
      %dma_start3A_493 = arith.constant 0 : i32
      %dma_start3A_494 = arith.constant 0 : i32
      %dma_start3A_495 = tpu.memref_slice %arg4[%dma_start3A_493, %dma_start3A_494] : memref<20000x16xf32, #tpu.memory_space<hbm>> -> memref<20000x16xf32, #tpu.memory_space<hbm>>
      tpu.enqueue_indirect_dma source(%dma_start3A_495 : memref<20000x16xf32, #tpu.memory_space<hbm>>) target(%arg18 : memref<80x16xf32, #tpu.memory_space<vmem>>) offsets(%dma_start3A_492 : memref<80xi32, #tpu.memory_space<vmem>>) semaphore(%arg25 : memref<!tpu.dma_semaphore, #tpu.memory_space<semaphore_mem>>)
      %dma_start3A_496 = arith.constant 0 : i32
      %dma_start3A_497 = arith.constant 0 : i32
      %dma_start3A_498 = tpu.memref_slice %arg12[%dma_start3A_496, %dma_start3A_497] : memref<3x80xi32, #tpu.memory_space<vmem>> -> memref<1x80xi32, #tpu.memory_space<vmem>>
      %dma_start3A_499 = tpu.memref_squeeze %dma_start3A_498 : memref<1x80xi32, #tpu.memory_space<vmem>> -> memref<80xi32, #tpu.memory_space<vmem>>
      %dma_start3A_500 = arith.constant 0 : i32
      %dma_start3A_501 = arith.constant 0 : i32
      %dma_start3A_502 = tpu.memref_slice %arg2[%dma_start3A_500, %dma_start3A_501] : memref<20000x128xf32, #tpu.memory_space<hbm>> -> memref<20000x128xf32, #tpu.memory_space<hbm>>
      tpu.enqueue_indirect_dma source(%dma_start3A_502 : memref<20000x128xf32, #tpu.memory_space<hbm>>) target(%arg14 : memref<80x128xf32, #tpu.memory_space<vmem>>) offsets(%dma_start3A_499 : memref<80xi32, #tpu.memory_space<vmem>>) semaphore(%arg23 : memref<!tpu.dma_semaphore, #tpu.memory_space<semaphore_mem>>)
      %dma_wait3A_503 = arith.constant 0 : i32
      %dma_wait3A_504 = arith.constant 0 : i32
      %dma_wait3A_505 = tpu.memref_slice %arg3[%dma_wait3A_503, %dma_wait3A_504] : memref<20000x16xf32, #tpu.memory_space<hbm>> -> memref<80x16xf32, #tpu.memory_space<hbm>>
      %dma_wait3A_506 = arith.constant 0 : i32
      %dma_wait3A_507 = arith.constant 0 : i32
      %dma_wait3A_508 = tpu.memref_slice %arg3[%dma_wait3A_506, %dma_wait3A_507] : memref<20000x16xf32, #tpu.memory_space<hbm>> -> memref<80x16xf32, #tpu.memory_space<hbm>>
      tpu.wait_dma2 semaphore(%arg26 : memref<!tpu.dma_semaphore, #tpu.memory_space<semaphore_mem>>) src(%dma_wait3A_508 : memref<80x16xf32, #tpu.memory_space<hbm>>) dst(%arg17 : memref<80x16xf32, #tpu.memory_space<vmem>>)
      %dma_wait3A_509 = arith.constant 0 : i32
      %dma_wait3A_510 = arith.constant 0 : i32
      %dma_wait3A_511 = tpu.memref_slice %arg4[%dma_wait3A_509, %dma_wait3A_510] : memref<20000x16xf32, #tpu.memory_space<hbm>> -> memref<80x16xf32, #tpu.memory_space<hbm>>
      %dma_wait3A_512 = arith.constant 0 : i32
      %dma_wait3A_513 = arith.constant 0 : i32
      %dma_wait3A_514 = tpu.memref_slice %arg4[%dma_wait3A_512, %dma_wait3A_513] : memref<20000x16xf32, #tpu.memory_space<hbm>> -> memref<80x16xf32, #tpu.memory_space<hbm>>
      tpu.wait_dma2 semaphore(%arg26 : memref<!tpu.dma_semaphore, #tpu.memory_space<semaphore_mem>>) src(%dma_wait3A_514 : memref<80x16xf32, #tpu.memory_space<hbm>>) dst(%arg19 : memref<80x16xf32, #tpu.memory_space<vmem>>)
      %scan3A_515 = arith.constant 0 : i32
      %scan3A_516 = arith.constant 80 : i32
      %scan3A_517 = arith.addi %scan3A_515, %scan3A_516 : i32
      %scan3A_518 = arith.constant 1 : i32
      scf.for %scan3A_627 = %scan3A_515 to %scan3A_517 step %scan3A_518  : i32 {
        %mul3A_628 = arith.constant 1 : i32
        %mul3A_629 = arith.muli %scan3A_627, %mul3A_628 : i32
        %add3A_630 = arith.constant 0 : i32
        %add3A_631 = arith.addi %add3A_630, %mul3A_629 : i32
        %get3A = arith.index_cast %add3A_631 : i32 to index
        %get3A_632 = arith.constant 0 : index
        %get3A_633 = tpu.vector_load %arg17[%get3A, %get3A_632] {strides = array<i32>} : memref<80x16xf32, #tpu.memory_space<vmem>>, vector<1x16xf32>,
        %get3A_634 = vector.shape_cast %get3A_633 : vector<1x16xf32> to vector<16xf32>
        %get3A_635 = arith.index_cast %add3A_631 : i32 to index
        %get3A_636 = arith.constant 0 : index
        %get3A_637 = tpu.vector_load %arg19[%get3A_635, %get3A_636] {strides = array<i32>} : memref<80x16xf32, #tpu.memory_space<vmem>>, vector<1x16xf32>,
        %get3A_638 = vector.shape_cast %get3A_637 : vector<1x16xf32> to vector<16xf32>
        %add3A_639 = arith.addf %get3A_634, %get3A_638 : vector<16xf32>
        %gt3A = arith.constant 0.000000e+00 : f32
        %gt3A_640 = vector.broadcast %gt3A : f32 to vector<16xf32>
        %gt3A_641 = arith.cmpf ogt, %add3A_639, %gt3A_640 : vector<16xf32>
        %mul3A_642 = arith.constant 2.000000e-01 : f32
        %mul3A_643 = vector.broadcast %mul3A_642 : f32 to vector<16xf32>
        %mul3A_644 = arith.mulf %mul3A_643, %add3A_639 : vector<16xf32>
        %select_n3A = arith.select %gt3A_641, %add3A_639, %mul3A_644 : vector<16xi1>, vector<16xf32>
        %get3A_645 = arith.constant 0 : index
        %get3A_646 = tpu.vector_load %arg21[%get3A_645] {strides = array<i32>} : memref<16xf32, #tpu.memory_space<vmem>>, vector<16xf32>,
        %get3A_647 = vector.shape_cast %get3A_646 : vector<16xf32> to vector<16xf32>
        %sub3A = arith.subf %select_n3A, %get3A_647 : vector<16xf32>
        %exp3A = math.exp %sub3A : vector<16xf32>
        %swap3A = arith.index_cast %add3A_631 : i32 to index
        %swap3A_648 = arith.constant 0 : index
        %swap3A_649 = tpu.vector_load %arg20[%swap3A, %swap3A_648] {strides = array<i32>} : memref<80x16xf32, #tpu.memory_space<vmem>>, vector<1x16xf32>,
        %swap3A_650 = vector.shape_cast %swap3A_649 : vector<1x16xf32> to vector<16xf32>
        %swap3A_651 = vector.shape_cast %exp3A : vector<16xf32> to vector<1x16xf32>
        tpu.vector_store %arg20[%swap3A, %swap3A_648], %swap3A_651 {strides = array<i32>} : memref<80x16xf32, #tpu.memory_space<vmem>>, vector<1x16xf32>,
      }
      %scan3A_519 = arith.constant 80 : i32
      %dma_wait3A_520 = arith.constant 0 : i32
      %dma_wait3A_521 = arith.constant 0 : i32
      %dma_wait3A_522 = tpu.memref_slice %arg2[%dma_wait3A_520, %dma_wait3A_521] : memref<20000x128xf32, #tpu.memory_space<hbm>> -> memref<80x128xf32, #tpu.memory_space<hbm>>
      %dma_wait3A_523 = arith.constant 0 : i32
      %dma_wait3A_524 = arith.constant 0 : i32
      %dma_wait3A_525 = tpu.memref_slice %arg2[%dma_wait3A_523, %dma_wait3A_524] : memref<20000x128xf32, #tpu.memory_space<hbm>> -> memref<80x128xf32, #tpu.memory_space<hbm>>
      tpu.wait_dma2 semaphore(%arg24 : memref<!tpu.dma_semaphore, #tpu.memory_space<semaphore_mem>>) src(%dma_wait3A_525 : memref<80x128xf32, #tpu.memory_space<hbm>>) dst(%arg15 : memref<80x128xf32, #tpu.memory_space<vmem>>)
      %scan3A_526 = arith.constant 0 : i32
      %scan3A_527 = arith.constant 80 : i32
      %scan3A_528 = arith.addi %scan3A_526, %scan3A_527 : i32
      %scan3A_529 = arith.constant 1 : i32
      scf.for %scan3A_627 = %scan3A_526 to %scan3A_528 step %scan3A_529  : i32 {
        %mul3A_628 = arith.constant 1 : i32
        %mul3A_629 = arith.muli %scan3A_627, %mul3A_628 : i32
        %add3A_630 = arith.constant 0 : i32
        %add3A_631 = arith.addi %add3A_630, %mul3A_629 : i32
        %get3A = arith.index_cast %add3A_631 : i32 to index
        %get3A_632 = arith.constant 0 : index
        %get3A_633 = tpu.vector_load %arg20[%get3A, %get3A_632] {strides = array<i32>} : memref<80x16xf32, #tpu.memory_space<vmem>>, vector<1x16xf32>,
        %get3A_634 = vector.shape_cast %get3A_633 : vector<1x16xf32> to vector<16xf32>
        %get3A_635 = arith.index_cast %add3A_631 : i32 to index
        %get3A_636 = arith.constant 0 : index
        %get3A_637 = tpu.vector_load %arg15[%get3A_635, %get3A_636] {strides = array<i32>} : memref<80x128xf32, #tpu.memory_space<vmem>>, vector<1x16xf32>,
        %get3A_638 = vector.shape_cast %get3A_637 : vector<1x16xf32> to vector<16xf32>
        %slice3A = vector.extract_strided_slice %get3A_634 {offsets = [0], sizes = [1], strides = [1]} : vector<16xf32> to vector<1xf32>
        %squeeze3A = vector.extract %slice3A[0] : f32 from vector<1xf32>
        %mul3A_639 = vector.broadcast %squeeze3A : f32 to vector<16xf32>
        %mul3A_640 = arith.mulf %get3A_638, %mul3A_639 : vector<16xf32>
        %swap3A = arith.index_cast %add3A_631 : i32 to index
        %swap3A_641 = arith.constant 0 : index
        %swap3A_642 = tpu.vector_load %arg15[%swap3A, %swap3A_641] {strides = array<i32>} : memref<80x128xf32, #tpu.memory_space<vmem>>, vector<1x16xf32>,
        %swap3A_643 = vector.shape_cast %swap3A_642 : vector<1x16xf32> to vector<16xf32>
        %swap3A_644 = vector.shape_cast %mul3A_640 : vector<16xf32> to vector<1x16xf32>
        tpu.vector_store %arg15[%swap3A, %swap3A_641], %swap3A_644 {strides = array<i32>} : memref<80x128xf32, #tpu.memory_space<vmem>>, vector<1x16xf32>,
        %get3A_645 = arith.index_cast %add3A_631 : i32 to index
        %get3A_646 = arith.constant 16 : index
        %get3A_647 = tpu.vector_load %arg15[%get3A_645, %get3A_646] {strides = array<i32>} : memref<80x128xf32, #tpu.memory_space<vmem>>, vector<1x16xf32>,
        %get3A_648 = vector.shape_cast %get3A_647 : vector<1x16xf32> to vector<16xf32>
        %slice3A_649 = vector.extract_strided_slice %get3A_634 {offsets = [1], sizes = [1], strides = [1]} : vector<16xf32> to vector<1xf32>
        %squeeze3A_650 = vector.extract %slice3A_649[0] : f32 from vector<1xf32>
        %mul3A_651 = vector.broadcast %squeeze3A_650 : f32 to vector<16xf32>
        %mul3A_652 = arith.mulf %get3A_648, %mul3A_651 : vector<16xf32>
        %swap3A_653 = arith.index_cast %add3A_631 : i32 to index
        %swap3A_654 = arith.constant 16 : index
        %swap3A_655 = tpu.vector_load %arg15[%swap3A_653, %swap3A_654] {strides = array<i32>} : memref<80x128xf32, #tpu.memory_space<vmem>>, vector<1x16xf32>,
        %swap3A_656 = vector.shape_cast %swap3A_655 : vector<1x16xf32> to vector<16xf32>
        %swap3A_657 = vector.shape_cast %mul3A_652 : vector<16xf32> to vector<1x16xf32>
        tpu.vector_store %arg15[%swap3A_653, %swap3A_654], %swap3A_657 {strides = array<i32>} : memref<80x128xf32, #tpu.memory_space<vmem>>, vector<1x16xf32>,
        %get3A_658 = arith.index_cast %add3A_631 : i32 to index
        %get3A_659 = arith.constant 32 : index
        %get3A_660 = tpu.vector_load %arg15[%get3A_658, %get3A_659] {strides = array<i32>} : memref<80x128xf32, #tpu.memory_space<vmem>>, vector<1x16xf32>,
        %get3A_661 = vector.shape_cast %get3A_660 : vector<1x16xf32> to vector<16xf32>
        %slice3A_662 = vector.extract_strided_slice %get3A_634 {offsets = [2], sizes = [1], strides = [1]} : vector<16xf32> to vector<1xf32>
        %squeeze3A_663 = vector.extract %slice3A_662[0] : f32 from vector<1xf32>
        %mul3A_664 = vector.broadcast %squeeze3A_663 : f32 to vector<16xf32>
        %mul3A_665 = arith.mulf %get3A_661, %mul3A_664 : vector<16xf32>
        %swap3A_666 = arith.index_cast %add3A_631 : i32 to index
        %swap3A_667 = arith.constant 32 : index
        %swap3A_668 = tpu.vector_load %arg15[%swap3A_666, %swap3A_667] {strides = array<i32>} : memref<80x128xf32, #tpu.memory_space<vmem>>, vector<1x16xf32>,
        %swap3A_669 = vector.shape_cast %swap3A_668 : vector<1x16xf32> to vector<16xf32>
        %swap3A_670 = vector.shape_cast %mul3A_665 : vector<16xf32> to vector<1x16xf32>
        tpu.vector_store %arg15[%swap3A_666, %swap3A_667], %swap3A_670 {strides = array<i32>} : memref<80x128xf32, #tpu.memory_space<vmem>>, vector<1x16xf32>,
        %get3A_671 = arith.index_cast %add3A_631 : i32 to index
        %get3A_672 = arith.constant 48 : index
        %get3A_673 = tpu.vector_load %arg15[%get3A_671, %get3A_672] {strides = array<i32>} : memref<80x128xf32, #tpu.memory_space<vmem>>, vector<1x16xf32>,
        %get3A_674 = vector.shape_cast %get3A_673 : vector<1x16xf32> to vector<16xf32>
        %slice3A_675 = vector.extract_strided_slice %get3A_634 {offsets = [3], sizes = [1], strides = [1]} : vector<16xf32> to vector<1xf32>
        %squeeze3A_676 = vector.extract %slice3A_675[0] : f32 from vector<1xf32>
        %mul3A_677 = vector.broadcast %squeeze3A_676 : f32 to vector<16xf32>
        %mul3A_678 = arith.mulf %get3A_674, %mul3A_677 : vector<16xf32>
        %swap3A_679 = arith.index_cast %add3A_631 : i32 to index
        %swap3A_680 = arith.constant 48 : index
        %swap3A_681 = tpu.vector_load %arg15[%swap3A_679, %swap3A_680] {strides = array<i32>} : memref<80x128xf32, #tpu.memory_space<vmem>>, vector<1x16xf32>,
        %swap3A_682 = vector.shape_cast %swap3A_681 : vector<1x16xf32> to vector<16xf32>
        %swap3A_683 = vector.shape_cast %mul3A_678 : vector<16xf32> to vector<1x16xf32>
        tpu.vector_store %arg15[%swap3A_679, %swap3A_680], %swap3A_683 {strides = array<i32>} : memref<80x128xf32, #tpu.memory_space<vmem>>, vector<1x16xf32>,
        %get3A_684 = arith.index_cast %add3A_631 : i32 to index
        %get3A_685 = arith.constant 64 : index
        %get3A_686 = tpu.vector_load %arg15[%get3A_684, %get3A_685] {strides = array<i32>} : memref<80x128xf32, #tpu.memory_space<vmem>>, vector<1x16xf32>,
        %get3A_687 = vector.shape_cast %get3A_686 : vector<1x16xf32> to vector<16xf32>
        %slice3A_688 = vector.extract_strided_slice %get3A_634 {offsets = [4], sizes = [1], strides = [1]} : vector<16xf32> to vector<1xf32>
        %squeeze3A_689 = vector.extract %slice3A_688[0] : f32 from vector<1xf32>
        %mul3A_690 = vector.broadcast %squeeze3A_689 : f32 to vector<16xf32>
        %mul3A_691 = arith.mulf %get3A_687, %mul3A_690 : vector<16xf32>
        %swap3A_692 = arith.index_cast %add3A_631 : i32 to index
        %swap3A_693 = arith.constant 64 : index
        %swap3A_694 = tpu.vector_load %arg15[%swap3A_692, %swap3A_693] {strides = array<i32>} : memref<80x128xf32, #tpu.memory_space<vmem>>, vector<1x16xf32>,
        %swap3A_695 = vector.shape_cast %swap3A_694 : vector<1x16xf32> to vector<16xf32>
        %swap3A_696 = vector.shape_cast %mul3A_691 : vector<16xf32> to vector<1x16xf32>
        tpu.vector_store %arg15[%swap3A_692, %swap3A_693], %swap3A_696 {strides = array<i32>} : memref<80x128xf32, #tpu.memory_space<vmem>>, vector<1x16xf32>,
        %get3A_697 = arith.index_cast %add3A_631 : i32 to index
        %get3A_698 = arith.constant 80 : index
        %get3A_699 = tpu.vector_load %arg15[%get3A_697, %get3A_698] {strides = array<i32>} : memref<80x128xf32, #tpu.memory_space<vmem>>, vector<1x16xf32>,
        %get3A_700 = vector.shape_cast %get3A_699 : vector<1x16xf32> to vector<16xf32>
        %slice3A_701 = vector.extract_strided_slice %get3A_634 {offsets = [5], sizes = [1], strides = [1]} : vector<16xf32> to vector<1xf32>
        %squeeze3A_702 = vector.extract %slice3A_701[0] : f32 from vector<1xf32>
        %mul3A_703 = vector.broadcast %squeeze3A_702 : f32 to vector<16xf32>
        %mul3A_704 = arith.mulf %get3A_700, %mul3A_703 : vector<16xf32>
        %swap3A_705 = arith.index_cast %add3A_631 : i32 to index
        %swap3A_706 = arith.constant 80 : index
        %swap3A_707 = tpu.vector_load %arg15[%swap3A_705, %swap3A_706] {strides = array<i32>} : memref<80x128xf32, #tpu.memory_space<vmem>>, vector<1x16xf32>,
        %swap3A_708 = vector.shape_cast %swap3A_707 : vector<1x16xf32> to vector<16xf32>
        %swap3A_709 = vector.shape_cast %mul3A_704 : vector<16xf32> to vector<1x16xf32>
        tpu.vector_store %arg15[%swap3A_705, %swap3A_706], %swap3A_709 {strides = array<i32>} : memref<80x128xf32, #tpu.memory_space<vmem>>, vector<1x16xf32>,
        %get3A_710 = arith.index_cast %add3A_631 : i32 to index
        %get3A_711 = arith.constant 96 : index
        %get3A_712 = tpu.vector_load %arg15[%get3A_710, %get3A_711] {strides = array<i32>} : memref<80x128xf32, #tpu.memory_space<vmem>>, vector<1x16xf32>,
        %get3A_713 = vector.shape_cast %get3A_712 : vector<1x16xf32> to vector<16xf32>
        %slice3A_714 = vector.extract_strided_slice %get3A_634 {offsets = [6], sizes = [1], strides = [1]} : vector<16xf32> to vector<1xf32>
        %squeeze3A_715 = vector.extract %slice3A_714[0] : f32 from vector<1xf32>
        %mul3A_716 = vector.broadcast %squeeze3A_715 : f32 to vector<16xf32>
        %mul3A_717 = arith.mulf %get3A_713, %mul3A_716 : vector<16xf32>
        %swap3A_718 = arith.index_cast %add3A_631 : i32 to index
        %swap3A_719 = arith.constant 96 : index
        %swap3A_720 = tpu.vector_load %arg15[%swap3A_718, %swap3A_719] {strides = array<i32>} : memref<80x128xf32, #tpu.memory_space<vmem>>, vector<1x16xf32>,
        %swap3A_721 = vector.shape_cast %swap3A_720 : vector<1x16xf32> to vector<16xf32>
        %swap3A_722 = vector.shape_cast %mul3A_717 : vector<16xf32> to vector<1x16xf32>
        tpu.vector_store %arg15[%swap3A_718, %swap3A_719], %swap3A_722 {strides = array<i32>} : memref<80x128xf32, #tpu.memory_space<vmem>>, vector<1x16xf32>,
        %get3A_723 = arith.index_cast %add3A_631 : i32 to index
        %get3A_724 = arith.constant 112 : index
        %get3A_725 = tpu.vector_load %arg15[%get3A_723, %get3A_724] {strides = array<i32>} : memref<80x128xf32, #tpu.memory_space<vmem>>, vector<1x16xf32>,
        %get3A_726 = vector.shape_cast %get3A_725 : vector<1x16xf32> to vector<16xf32>
        %slice3A_727 = vector.extract_strided_slice %get3A_634 {offsets = [7], sizes = [1], strides = [1]} : vector<16xf32> to vector<1xf32>
        %squeeze3A_728 = vector.extract %slice3A_727[0] : f32 from vector<1xf32>
        %mul3A_729 = vector.broadcast %squeeze3A_728 : f32 to vector<16xf32>
        %mul3A_730 = arith.mulf %get3A_726, %mul3A_729 : vector<16xf32>
        %swap3A_731 = arith.index_cast %add3A_631 : i32 to index
        %swap3A_732 = arith.constant 112 : index
        %swap3A_733 = tpu.vector_load %arg15[%swap3A_731, %swap3A_732] {strides = array<i32>} : memref<80x128xf32, #tpu.memory_space<vmem>>, vector<1x16xf32>,
        %swap3A_734 = vector.shape_cast %swap3A_733 : vector<1x16xf32> to vector<16xf32>
        %swap3A_735 = vector.shape_cast %mul3A_730 : vector<16xf32> to vector<1x16xf32>
        tpu.vector_store %arg15[%swap3A_731, %swap3A_732], %swap3A_735 {strides = array<i32>} : memref<80x128xf32, #tpu.memory_space<vmem>>, vector<1x16xf32>,
      }
      %scan3A_530 = arith.constant 80 : i32
      %run_scoped3A_531 = arith.constant 2 : i32
      "tpu.region"() ({
        %run_scoped3A_627 = tpu.sem_alloc : memref<!tpu.dma_semaphore, #tpu.memory_space<semaphore_mem>>
        %dma_start3A_628 = arith.constant 0 : i32
        %dma_start3A_629 = tpu.memref_slice %arg13[%run_scoped3A_531, %dma_start3A_628] : memref<3x80xi32, #tpu.memory_space<vmem>> -> memref<1x80xi32, #tpu.memory_space<vmem>>
        %dma_start3A_630 = tpu.memref_squeeze %dma_start3A_629 : memref<1x80xi32, #tpu.memory_space<vmem>> -> memref<80xi32, #tpu.memory_space<vmem>>
        %dma_start3A_631 = arith.constant 0 : i32
        %dma_start3A_632 = arith.constant 0 : i32
        %dma_start3A_633 = tpu.memref_slice %arg11[%dma_start3A_631, %dma_start3A_632] : memref<10000x16xf32, #tpu.memory_space<vmem_shared>> -> memref<10000x16xf32, #tpu.memory_space<vmem_shared>>
        tpu.enqueue_indirect_dma source(%arg20 : memref<80x16xf32, #tpu.memory_space<vmem>>) target(%dma_start3A_633 : memref<10000x16xf32, #tpu.memory_space<vmem_shared>>) offsets(%dma_start3A_630 : memref<80xi32, #tpu.memory_space<vmem>>) semaphore(%run_scoped3A_627 : memref<!tpu.dma_semaphore, #tpu.memory_space<semaphore_mem>>) {add = true}
        %dma_wait3A_634 = arith.constant 0 : i32
        %dma_wait3A_635 = tpu.memref_slice %arg13[%run_scoped3A_531, %dma_wait3A_634] : memref<3x80xi32, #tpu.memory_space<vmem>> -> memref<1x80xi32, #tpu.memory_space<vmem>>
        %dma_wait3A_636 = tpu.memref_squeeze %dma_wait3A_635 : memref<1x80xi32, #tpu.memory_space<vmem>> -> memref<80xi32, #tpu.memory_space<vmem>>
        %dma_wait3A_637 = arith.constant 0 : i32
        %dma_wait3A_638 = arith.constant 0 : i32
        %dma_wait3A_639 = tpu.memref_slice %arg11[%dma_wait3A_637, %dma_wait3A_638] : memref<10000x16xf32, #tpu.memory_space<vmem_shared>> -> memref<10000x16xf32, #tpu.memory_space<vmem_shared>>
        tpu.wait_indirect_dma semaphore(%run_scoped3A_627 : memref<!tpu.dma_semaphore, #tpu.memory_space<semaphore_mem>>) src(%arg20 : memref<80x16xf32, #tpu.memory_space<vmem>>) dst(%dma_wait3A_639 : memref<10000x16xf32, #tpu.memory_space<vmem_shared>>)
        tpu.yield
      }) : () -> ()
      %run_scoped3A_532 = arith.constant 2 : i32
      "tpu.region"() ({
        %run_scoped3A_627 = tpu.sem_alloc : memref<!tpu.dma_semaphore, #tpu.memory_space<semaphore_mem>>
        %dma_start3A_628 = arith.constant 0 : i32
        %dma_start3A_629 = tpu.memref_slice %arg13[%run_scoped3A_532, %dma_start3A_628] : memref<3x80xi32, #tpu.memory_space<vmem>> -> memref<1x80xi32, #tpu.memory_space<vmem>>
        %dma_start3A_630 = tpu.memref_squeeze %dma_start3A_629 : memref<1x80xi32, #tpu.memory_space<vmem>> -> memref<80xi32, #tpu.memory_space<vmem>>
        %dma_start3A_631 = arith.constant 0 : i32
        %dma_start3A_632 = arith.constant 0 : i32
        %dma_start3A_633 = tpu.memref_slice %arg10[%dma_start3A_631, %dma_start3A_632] : memref<10000x128xf32, #tpu.memory_space<vmem_shared>> -> memref<10000x128xf32, #tpu.memory_space<vmem_shared>>
        tpu.enqueue_indirect_dma source(%arg15 : memref<80x128xf32, #tpu.memory_space<vmem>>) target(%dma_start3A_633 : memref<10000x128xf32, #tpu.memory_space<vmem_shared>>) offsets(%dma_start3A_630 : memref<80xi32, #tpu.memory_space<vmem>>) semaphore(%run_scoped3A_627 : memref<!tpu.dma_semaphore, #tpu.memory_space<semaphore_mem>>) {add = true}
        %dma_wait3A_634 = arith.constant 0 : i32
        %dma_wait3A_635 = tpu.memref_slice %arg13[%run_scoped3A_532, %dma_wait3A_634] : memref<3x80xi32, #tpu.memory_space<vmem>> -> memref<1x80xi32, #tpu.memory_space<vmem>>
        %dma_wait3A_636 = tpu.memref_squeeze %dma_wait3A_635 : memref<1x80xi32, #tpu.memory_space<vmem>> -> memref<80xi32, #tpu.memory_space<vmem>>
        %dma_wait3A_637 = arith.constant 0 : i32
        %dma_wait3A_638 = arith.constant 0 : i32
        %dma_wait3A_639 = tpu.memref_slice %arg10[%dma_wait3A_637, %dma_wait3A_638] : memref<10000x128xf32, #tpu.memory_space<vmem_shared>> -> memref<10000x128xf32, #tpu.memory_space<vmem_shared>>
        tpu.wait_indirect_dma semaphore(%run_scoped3A_627 : memref<!tpu.dma_semaphore, #tpu.memory_space<semaphore_mem>>) src(%arg15 : memref<80x128xf32, #tpu.memory_space<vmem>>) dst(%dma_wait3A_639 : memref<10000x128xf32, #tpu.memory_space<vmem_shared>>)
        tpu.yield
      }) : () -> ()
      %add3A_533 = arith.constant 1 : i32
      %add3A_534 = arith.addi %add3A_378, %add3A_533 : i32
      %add3A_535 = arith.constant 2 : i32
      %add3A_536 = arith.addi %add3A_534, %add3A_535 : i32
      %mul3A_537 = arith.constant 240 : i32
      %mul3A_538 = arith.muli %add3A_536, %mul3A_537 : i32
      %add3A_539 = arith.addi %mul3A_79, %mul3A_538 : i32
      %add3A_540 = arith.constant 0 : i32
      %add3A_541 = arith.addi %add3A_539, %add3A_540 : i32
      %dma_start3A_542 = arith.constant 0 : i32
      %dma_start3A_543 = arith.constant 0 : i32
      %dma_start3A_544 = tpu.memref_slice %arg13[%dma_start3A_542, %dma_start3A_543] : memref<3x80xi32, #tpu.memory_space<vmem>> -> memref<1x80xi32, #tpu.memory_space<vmem>>
      %dma_start3A_545 = tpu.memref_squeeze %dma_start3A_544 : memref<1x80xi32, #tpu.memory_space<vmem>> -> memref<80xi32, #tpu.memory_space<vmem>>
      %dma_start3A_546 = tpu.memref_slice %arg5[%add3A_541] : memref<1920000xi32, #tpu.memory_space<hbm>> -> memref<80xi32, #tpu.memory_space<hbm>>
      %dma_start3A_547 = arith.constant 0 : i32
      %dma_start3A_548 = tpu.memref_slice %arg13[%dma_start3A_542, %dma_start3A_547] : memref<3x80xi32, #tpu.memory_space<vmem>> -> memref<1x80xi32, #tpu.memory_space<vmem>>
      %dma_start3A_549 = tpu.memref_squeeze %dma_start3A_548 : memref<1x80xi32, #tpu.memory_space<vmem>> -> memref<80xi32, #tpu.memory_space<vmem>>
      %dma_start3A_550 = tpu.memref_slice %arg5[%add3A_541] : memref<1920000xi32, #tpu.memory_space<hbm>> -> memref<80xi32, #tpu.memory_space<hbm>>
      tpu.enqueue_dma source(%dma_start3A_550 : memref<80xi32, #tpu.memory_space<hbm>>) target(%dma_start3A_549 : memref<80xi32, #tpu.memory_space<vmem>>) target_semaphore(%arg24 : memref<!tpu.dma_semaphore, #tpu.memory_space<semaphore_mem>>)
      %add3A_551 = arith.constant 80 : i32
      %add3A_552 = arith.addi %add3A_539, %add3A_551 : i32
      %dma_start3A_553 = arith.constant 1 : i32
      %dma_start3A_554 = arith.constant 0 : i32
      %dma_start3A_555 = tpu.memref_slice %arg13[%dma_start3A_553, %dma_start3A_554] : memref<3x80xi32, #tpu.memory_space<vmem>> -> memref<1x80xi32, #tpu.memory_space<vmem>>
      %dma_start3A_556 = tpu.memref_squeeze %dma_start3A_555 : memref<1x80xi32, #tpu.memory_space<vmem>> -> memref<80xi32, #tpu.memory_space<vmem>>
      %dma_start3A_557 = tpu.memref_slice %arg5[%add3A_552] : memref<1920000xi32, #tpu.memory_space<hbm>> -> memref<80xi32, #tpu.memory_space<hbm>>
      %dma_start3A_558 = arith.constant 0 : i32
      %dma_start3A_559 = tpu.memref_slice %arg13[%dma_start3A_553, %dma_start3A_558] : memref<3x80xi32, #tpu.memory_space<vmem>> -> memref<1x80xi32, #tpu.memory_space<vmem>>
      %dma_start3A_560 = tpu.memref_squeeze %dma_start3A_559 : memref<1x80xi32, #tpu.memory_space<vmem>> -> memref<80xi32, #tpu.memory_space<vmem>>
      %dma_start3A_561 = tpu.memref_slice %arg5[%add3A_552] : memref<1920000xi32, #tpu.memory_space<hbm>> -> memref<80xi32, #tpu.memory_space<hbm>>
      tpu.enqueue_dma source(%dma_start3A_561 : memref<80xi32, #tpu.memory_space<hbm>>) target(%dma_start3A_560 : memref<80xi32, #tpu.memory_space<vmem>>) target_semaphore(%arg24 : memref<!tpu.dma_semaphore, #tpu.memory_space<semaphore_mem>>)
      %add3A_562 = arith.constant 160 : i32
      %add3A_563 = arith.addi %add3A_539, %add3A_562 : i32
      %dma_start3A_564 = arith.constant 2 : i32
      %dma_start3A_565 = arith.constant 0 : i32
      %dma_start3A_566 = tpu.memref_slice %arg13[%dma_start3A_564, %dma_start3A_565] : memref<3x80xi32, #tpu.memory_space<vmem>> -> memref<1x80xi32, #tpu.memory_space<vmem>>
      %dma_start3A_567 = tpu.memref_squeeze %dma_start3A_566 : memref<1x80xi32, #tpu.memory_space<vmem>> -> memref<80xi32, #tpu.memory_space<vmem>>
      %dma_start3A_568 = tpu.memref_slice %arg5[%add3A_563] : memref<1920000xi32, #tpu.memory_space<hbm>> -> memref<80xi32, #tpu.memory_space<hbm>>
      %dma_start3A_569 = arith.constant 0 : i32
      %dma_start3A_570 = tpu.memref_slice %arg13[%dma_start3A_564, %dma_start3A_569] : memref<3x80xi32, #tpu.memory_space<vmem>> -> memref<1x80xi32, #tpu.memory_space<vmem>>
      %dma_start3A_571 = tpu.memref_squeeze %dma_start3A_570 : memref<1x80xi32, #tpu.memory_space<vmem>> -> memref<80xi32, #tpu.memory_space<vmem>>
      %dma_start3A_572 = tpu.memref_slice %arg5[%add3A_563] : memref<1920000xi32, #tpu.memory_space<hbm>> -> memref<80xi32, #tpu.memory_space<hbm>>
      tpu.enqueue_dma source(%dma_start3A_572 : memref<80xi32, #tpu.memory_space<hbm>>) target(%dma_start3A_571 : memref<80xi32, #tpu.memory_space<vmem>>) target_semaphore(%arg24 : memref<!tpu.dma_semaphore, #tpu.memory_space<semaphore_mem>>)
      %dma_wait3A_573 = arith.constant 0 : i32
      %dma_wait3A_574 = arith.constant 0 : i32
      %dma_wait3A_575 = tpu.memref_slice %arg13[%dma_wait3A_573, %dma_wait3A_574] : memref<3x80xi32, #tpu.memory_space<vmem>> -> memref<1x80xi32, #tpu.memory_space<vmem>>
      %dma_wait3A_576 = tpu.memref_squeeze %dma_wait3A_575 : memref<1x80xi32, #tpu.memory_space<vmem>> -> memref<80xi32, #tpu.memory_space<vmem>>
      %dma_wait3A_577 = arith.constant 0 : i32
      %dma_wait3A_578 = tpu.memref_slice %arg5[%dma_wait3A_577] : memref<1920000xi32, #tpu.memory_space<hbm>> -> memref<80xi32, #tpu.memory_space<hbm>>
      %dma_wait3A_579 = arith.constant 0 : i32
      %dma_wait3A_580 = tpu.memref_slice %arg13[%dma_wait3A_573, %dma_wait3A_579] : memref<3x80xi32, #tpu.memory_space<vmem>> -> memref<1x80xi32, #tpu.memory_space<vmem>>
      %dma_wait3A_581 = tpu.memref_squeeze %dma_wait3A_580 : memref<1x80xi32, #tpu.memory_space<vmem>> -> memref<80xi32, #tpu.memory_space<vmem>>
      %dma_wait3A_582 = arith.constant 0 : i32
      %dma_wait3A_583 = tpu.memref_slice %arg5[%dma_wait3A_582] : memref<1920000xi32, #tpu.memory_space<hbm>> -> memref<80xi32, #tpu.memory_space<hbm>>
      tpu.wait_dma2 semaphore(%arg24 : memref<!tpu.dma_semaphore, #tpu.memory_space<semaphore_mem>>) src(%dma_wait3A_583 : memref<80xi32, #tpu.memory_space<hbm>>) dst(%dma_wait3A_581 : memref<80xi32, #tpu.memory_space<vmem>>)
      %dma_wait3A_584 = arith.constant 1 : i32
      %dma_wait3A_585 = arith.constant 0 : i32
      %dma_wait3A_586 = tpu.memref_slice %arg13[%dma_wait3A_584, %dma_wait3A_585] : memref<3x80xi32, #tpu.memory_space<vmem>> -> memref<1x80xi32, #tpu.memory_space<vmem>>
      %dma_wait3A_587 = tpu.memref_squeeze %dma_wait3A_586 : memref<1x80xi32, #tpu.memory_space<vmem>> -> memref<80xi32, #tpu.memory_space<vmem>>
      %dma_wait3A_588 = arith.constant 0 : i32
      %dma_wait3A_589 = tpu.memref_slice %arg5[%dma_wait3A_588] : memref<1920000xi32, #tpu.memory_space<hbm>> -> memref<80xi32, #tpu.memory_space<hbm>>
      %dma_wait3A_590 = arith.constant 0 : i32
      %dma_wait3A_591 = tpu.memref_slice %arg13[%dma_wait3A_584, %dma_wait3A_590] : memref<3x80xi32, #tpu.memory_space<vmem>> -> memref<1x80xi32, #tpu.memory_space<vmem>>
      %dma_wait3A_592 = tpu.memref_squeeze %dma_wait3A_591 : memref<1x80xi32, #tpu.memory_space<vmem>> -> memref<80xi32, #tpu.memory_space<vmem>>
      %dma_wait3A_593 = arith.constant 0 : i32
      %dma_wait3A_594 = tpu.memref_slice %arg5[%dma_wait3A_593] : memref<1920000xi32, #tpu.memory_space<hbm>> -> memref<80xi32, #tpu.memory_space<hbm>>
      tpu.wait_dma2 semaphore(%arg24 : memref<!tpu.dma_semaphore, #tpu.memory_space<semaphore_mem>>) src(%dma_wait3A_594 : memref<80xi32, #tpu.memory_space<hbm>>) dst(%dma_wait3A_592 : memref<80xi32, #tpu.memory_space<vmem>>)
      %dma_wait3A_595 = arith.constant 2 : i32
      %dma_wait3A_596 = arith.constant 0 : i32
      %dma_wait3A_597 = tpu.memref_slice %arg13[%dma_wait3A_595, %dma_wait3A_596] : memref<3x80xi32, #tpu.memory_space<vmem>> -> memref<1x80xi32, #tpu.memory_space<vmem>>
      %dma_wait3A_598 = tpu.memref_squeeze %dma_wait3A_597 : memref<1x80xi32, #tpu.memory_space<vmem>> -> memref<80xi32, #tpu.memory_space<vmem>>
      %dma_wait3A_599 = arith.constant 0 : i32
      %dma_wait3A_600 = tpu.memref_slice %arg5[%dma_wait3A_599] : memref<1920000xi32, #tpu.memory_space<hbm>> -> memref<80xi32, #tpu.memory_space<hbm>>
      %dma_wait3A_601 = arith.constant 0 : i32
      %dma_wait3A_602 = tpu.memref_slice %arg13[%dma_wait3A_595, %dma_wait3A_601] : memref<3x80xi32, #tpu.memory_space<vmem>> -> memref<1x80xi32, #tpu.memory_space<vmem>>
      %dma_wait3A_603 = tpu.memref_squeeze %dma_wait3A_602 : memref<1x80xi32, #tpu.memory_space<vmem>> -> memref<80xi32, #tpu.memory_space<vmem>>
      %dma_wait3A_604 = arith.constant 0 : i32
      %dma_wait3A_605 = tpu.memref_slice %arg5[%dma_wait3A_604] : memref<1920000xi32, #tpu.memory_space<hbm>> -> memref<80xi32, #tpu.memory_space<hbm>>
      tpu.wait_dma2 semaphore(%arg24 : memref<!tpu.dma_semaphore, #tpu.memory_space<semaphore_mem>>) src(%dma_wait3A_605 : memref<80xi32, #tpu.memory_space<hbm>>) dst(%dma_wait3A_603 : memref<80xi32, #tpu.memory_space<vmem>>)
      %dma_start3A_606 = arith.constant 0 : i32
      %dma_start3A_607 = arith.constant 0 : i32
      %dma_start3A_608 = tpu.memref_slice %arg13[%dma_start3A_606, %dma_start3A_607] : memref<3x80xi32, #tpu.memory_space<vmem>> -> memref<1x80xi32, #tpu.memory_space<vmem>>
      %dma_start3A_609 = tpu.memref_squeeze %dma_start3A_608 : memref<1x80xi32, #tpu.memory_space<vmem>> -> memref<80xi32, #tpu.memory_space<vmem>>
      %dma_start3A_610 = arith.constant 0 : i32
      %dma_start3A_611 = arith.constant 0 : i32
      %dma_start3A_612 = tpu.memref_slice %arg3[%dma_start3A_610, %dma_start3A_611] : memref<20000x16xf32, #tpu.memory_space<hbm>> -> memref<20000x16xf32, #tpu.memory_space<hbm>>
      tpu.enqueue_indirect_dma source(%dma_start3A_612 : memref<20000x16xf32, #tpu.memory_space<hbm>>) target(%arg17 : memref<80x16xf32, #tpu.memory_space<vmem>>) offsets(%dma_start3A_609 : memref<80xi32, #tpu.memory_space<vmem>>) semaphore(%arg26 : memref<!tpu.dma_semaphore, #tpu.memory_space<semaphore_mem>>)
      %dma_start3A_613 = arith.constant 1 : i32
      %dma_start3A_614 = arith.constant 0 : i32
      %dma_start3A_615 = tpu.memref_slice %arg13[%dma_start3A_613, %dma_start3A_614] : memref<3x80xi32, #tpu.memory_space<vmem>> -> memref<1x80xi32, #tpu.memory_space<vmem>>
      %dma_start3A_616 = tpu.memref_squeeze %dma_start3A_615 : memref<1x80xi32, #tpu.memory_space<vmem>> -> memref<80xi32, #tpu.memory_space<vmem>>
      %dma_start3A_617 = arith.constant 0 : i32
      %dma_start3A_618 = arith.constant 0 : i32
      %dma_start3A_619 = tpu.memref_slice %arg4[%dma_start3A_617, %dma_start3A_618] : memref<20000x16xf32, #tpu.memory_space<hbm>> -> memref<20000x16xf32, #tpu.memory_space<hbm>>
      tpu.enqueue_indirect_dma source(%dma_start3A_619 : memref<20000x16xf32, #tpu.memory_space<hbm>>) target(%arg19 : memref<80x16xf32, #tpu.memory_space<vmem>>) offsets(%dma_start3A_616 : memref<80xi32, #tpu.memory_space<vmem>>) semaphore(%arg26 : memref<!tpu.dma_semaphore, #tpu.memory_space<semaphore_mem>>)
      %dma_start3A_620 = arith.constant 0 : i32
      %dma_start3A_621 = arith.constant 0 : i32
      %dma_start3A_622 = tpu.memref_slice %arg13[%dma_start3A_620, %dma_start3A_621] : memref<3x80xi32, #tpu.memory_space<vmem>> -> memref<1x80xi32, #tpu.memory_space<vmem>>
      %dma_start3A_623 = tpu.memref_squeeze %dma_start3A_622 : memref<1x80xi32, #tpu.memory_space<vmem>> -> memref<80xi32, #tpu.memory_space<vmem>>
      %dma_start3A_624 = arith.constant 0 : i32
      %dma_start3A_625 = arith.constant 0 : i32
      %dma_start3A_626 = tpu.memref_slice %arg2[%dma_start3A_624, %dma_start3A_625] : memref<20000x128xf32, #tpu.memory_space<hbm>> -> memref<20000x128xf32, #tpu.memory_space<hbm>>
      tpu.enqueue_indirect_dma source(%dma_start3A_626 : memref<20000x128xf32, #tpu.memory_space<hbm>>) target(%arg15 : memref<80x128xf32, #tpu.memory_space<vmem>>) offsets(%dma_start3A_623 : memref<80xi32, #tpu.memory_space<vmem>>) semaphore(%arg24 : memref<!tpu.dma_semaphore, #tpu.memory_space<semaphore_mem>>)
    }
    %scan3A_260 = arith.constant 124 : i32
    %dma_wait3A_261 = arith.constant 0 : i32
    %dma_wait3A_262 = arith.constant 0 : i32
    %dma_wait3A_263 = tpu.memref_slice %arg3[%dma_wait3A_261, %dma_wait3A_262] : memref<20000x16xf32, #tpu.memory_space<hbm>> -> memref<80x16xf32, #tpu.memory_space<hbm>>
    %dma_wait3A_264 = arith.constant 0 : i32
    %dma_wait3A_265 = arith.constant 0 : i32
    %dma_wait3A_266 = tpu.memref_slice %arg3[%dma_wait3A_264, %dma_wait3A_265] : memref<20000x16xf32, #tpu.memory_space<hbm>> -> memref<80x16xf32, #tpu.memory_space<hbm>>
    tpu.wait_dma2 semaphore(%arg25 : memref<!tpu.dma_semaphore, #tpu.memory_space<semaphore_mem>>) src(%dma_wait3A_266 : memref<80x16xf32, #tpu.memory_space<hbm>>) dst(%arg16 : memref<80x16xf32, #tpu.memory_space<vmem>>)
    %dma_wait3A_267 = arith.constant 0 : i32
    %dma_wait3A_268 = arith.constant 0 : i32
    %dma_wait3A_269 = tpu.memref_slice %arg4[%dma_wait3A_267, %dma_wait3A_268] : memref<20000x16xf32, #tpu.memory_space<hbm>> -> memref<80x16xf32, #tpu.memory_space<hbm>>
    %dma_wait3A_270 = arith.constant 0 : i32
    %dma_wait3A_271 = arith.constant 0 : i32
    %dma_wait3A_272 = tpu.memref_slice %arg4[%dma_wait3A_270, %dma_wait3A_271] : memref<20000x16xf32, #tpu.memory_space<hbm>> -> memref<80x16xf32, #tpu.memory_space<hbm>>
    tpu.wait_dma2 semaphore(%arg25 : memref<!tpu.dma_semaphore, #tpu.memory_space<semaphore_mem>>) src(%dma_wait3A_272 : memref<80x16xf32, #tpu.memory_space<hbm>>) dst(%arg18 : memref<80x16xf32, #tpu.memory_space<vmem>>)
    %scan3A_273 = arith.constant 0 : i32
    %scan3A_274 = arith.constant 80 : i32
    %scan3A_275 = arith.addi %scan3A_273, %scan3A_274 : i32
    %scan3A_276 = arith.constant 1 : i32
    scf.for %scan3A_374 = %scan3A_273 to %scan3A_275 step %scan3A_276  : i32 {
      %mul3A_375 = arith.constant 1 : i32
      %mul3A_376 = arith.muli %scan3A_374, %mul3A_375 : i32
      %add3A_377 = arith.constant 0 : i32
      %add3A_378 = arith.addi %add3A_377, %mul3A_376 : i32
      %get3A = arith.index_cast %add3A_378 : i32 to index
      %get3A_379 = arith.constant 0 : index
      %get3A_380 = tpu.vector_load %arg16[%get3A, %get3A_379] {strides = array<i32>} : memref<80x16xf32, #tpu.memory_space<vmem>>, vector<1x16xf32>,
      %get3A_381 = vector.shape_cast %get3A_380 : vector<1x16xf32> to vector<16xf32>
      %get3A_382 = arith.index_cast %add3A_378 : i32 to index
      %get3A_383 = arith.constant 0 : index
      %get3A_384 = tpu.vector_load %arg18[%get3A_382, %get3A_383] {strides = array<i32>} : memref<80x16xf32, #tpu.memory_space<vmem>>, vector<1x16xf32>,
      %get3A_385 = vector.shape_cast %get3A_384 : vector<1x16xf32> to vector<16xf32>
      %add3A_386 = arith.addf %get3A_381, %get3A_385 : vector<16xf32>
      %gt3A = arith.constant 0.000000e+00 : f32
      %gt3A_387 = vector.broadcast %gt3A : f32 to vector<16xf32>
      %gt3A_388 = arith.cmpf ogt, %add3A_386, %gt3A_387 : vector<16xf32>
      %mul3A_389 = arith.constant 2.000000e-01 : f32
      %mul3A_390 = vector.broadcast %mul3A_389 : f32 to vector<16xf32>
      %mul3A_391 = arith.mulf %mul3A_390, %add3A_386 : vector<16xf32>
      %select_n3A = arith.select %gt3A_388, %add3A_386, %mul3A_391 : vector<16xi1>, vector<16xf32>
      %get3A_392 = arith.constant 0 : index
      %get3A_393 = tpu.vector_load %arg21[%get3A_392] {strides = array<i32>} : memref<16xf32, #tpu.memory_space<vmem>>, vector<16xf32>,
      %get3A_394 = vector.shape_cast %get3A_393 : vector<16xf32> to vector<16xf32>
      %sub3A = arith.subf %select_n3A, %get3A_394 : vector<16xf32>
      %exp3A = math.exp %sub3A : vector<16xf32>
      %swap3A = arith.index_cast %add3A_378 : i32 to index
      %swap3A_395 = arith.constant 0 : index
      %swap3A_396 = tpu.vector_load %arg20[%swap3A, %swap3A_395] {strides = array<i32>} : memref<80x16xf32, #tpu.memory_space<vmem>>, vector<1x16xf32>,
      %swap3A_397 = vector.shape_cast %swap3A_396 : vector<1x16xf32> to vector<16xf32>
      %swap3A_398 = vector.shape_cast %exp3A : vector<16xf32> to vector<1x16xf32>
      tpu.vector_store %arg20[%swap3A, %swap3A_395], %swap3A_398 {strides = array<i32>} : memref<80x16xf32, #tpu.memory_space<vmem>>, vector<1x16xf32>,
    }
    %scan3A_277 = arith.constant 80 : i32
    %dma_wait3A_278 = arith.constant 0 : i32
    %dma_wait3A_279 = arith.constant 0 : i32
    %dma_wait3A_280 = tpu.memref_slice %arg2[%dma_wait3A_278, %dma_wait3A_279] : memref<20000x128xf32, #tpu.memory_space<hbm>> -> memref<80x128xf32, #tpu.memory_space<hbm>>
    %dma_wait3A_281 = arith.constant 0 : i32
    %dma_wait3A_282 = arith.constant 0 : i32
    %dma_wait3A_283 = tpu.memref_slice %arg2[%dma_wait3A_281, %dma_wait3A_282] : memref<20000x128xf32, #tpu.memory_space<hbm>> -> memref<80x128xf32, #tpu.memory_space<hbm>>
    tpu.wait_dma2 semaphore(%arg23 : memref<!tpu.dma_semaphore, #tpu.memory_space<semaphore_mem>>) src(%dma_wait3A_283 : memref<80x128xf32, #tpu.memory_space<hbm>>) dst(%arg14 : memref<80x128xf32, #tpu.memory_space<vmem>>)
    %scan3A_284 = arith.constant 0 : i32
    %scan3A_285 = arith.constant 80 : i32
    %scan3A_286 = arith.addi %scan3A_284, %scan3A_285 : i32
    %scan3A_287 = arith.constant 1 : i32
    scf.for %scan3A_374 = %scan3A_284 to %scan3A_286 step %scan3A_287  : i32 {
      %mul3A_375 = arith.constant 1 : i32
      %mul3A_376 = arith.muli %scan3A_374, %mul3A_375 : i32
      %add3A_377 = arith.constant 0 : i32
      %add3A_378 = arith.addi %add3A_377, %mul3A_376 : i32
      %get3A = arith.index_cast %add3A_378 : i32 to index
      %get3A_379 = arith.constant 0 : index
      %get3A_380 = tpu.vector_load %arg20[%get3A, %get3A_379] {strides = array<i32>} : memref<80x16xf32, #tpu.memory_space<vmem>>, vector<1x16xf32>,
      %get3A_381 = vector.shape_cast %get3A_380 : vector<1x16xf32> to vector<16xf32>
      %get3A_382 = arith.index_cast %add3A_378 : i32 to index
      %get3A_383 = arith.constant 0 : index
      %get3A_384 = tpu.vector_load %arg14[%get3A_382, %get3A_383] {strides = array<i32>} : memref<80x128xf32, #tpu.memory_space<vmem>>, vector<1x16xf32>,
      %get3A_385 = vector.shape_cast %get3A_384 : vector<1x16xf32> to vector<16xf32>
      %slice3A = vector.extract_strided_slice %get3A_381 {offsets = [0], sizes = [1], strides = [1]} : vector<16xf32> to vector<1xf32>
      %squeeze3A = vector.extract %slice3A[0] : f32 from vector<1xf32>
      %mul3A_386 = vector.broadcast %squeeze3A : f32 to vector<16xf32>
      %mul3A_387 = arith.mulf %get3A_385, %mul3A_386 : vector<16xf32>
      %swap3A = arith.index_cast %add3A_378 : i32 to index
      %swap3A_388 = arith.constant 0 : index
      %swap3A_389 = tpu.vector_load %arg14[%swap3A, %swap3A_388] {strides = array<i32>} : memref<80x128xf32, #tpu.memory_space<vmem>>, vector<1x16xf32>,
      %swap3A_390 = vector.shape_cast %swap3A_389 : vector<1x16xf32> to vector<16xf32>
      %swap3A_391 = vector.shape_cast %mul3A_387 : vector<16xf32> to vector<1x16xf32>
      tpu.vector_store %arg14[%swap3A, %swap3A_388], %swap3A_391 {strides = array<i32>} : memref<80x128xf32, #tpu.memory_space<vmem>>, vector<1x16xf32>,
      %get3A_392 = arith.index_cast %add3A_378 : i32 to index
      %get3A_393 = arith.constant 16 : index
      %get3A_394 = tpu.vector_load %arg14[%get3A_392, %get3A_393] {strides = array<i32>} : memref<80x128xf32, #tpu.memory_space<vmem>>, vector<1x16xf32>,
      %get3A_395 = vector.shape_cast %get3A_394 : vector<1x16xf32> to vector<16xf32>
      %slice3A_396 = vector.extract_strided_slice %get3A_381 {offsets = [1], sizes = [1], strides = [1]} : vector<16xf32> to vector<1xf32>
      %squeeze3A_397 = vector.extract %slice3A_396[0] : f32 from vector<1xf32>
      %mul3A_398 = vector.broadcast %squeeze3A_397 : f32 to vector<16xf32>
      %mul3A_399 = arith.mulf %get3A_395, %mul3A_398 : vector<16xf32>
      %swap3A_400 = arith.index_cast %add3A_378 : i32 to index
      %swap3A_401 = arith.constant 16 : index
      %swap3A_402 = tpu.vector_load %arg14[%swap3A_400, %swap3A_401] {strides = array<i32>} : memref<80x128xf32, #tpu.memory_space<vmem>>, vector<1x16xf32>,
      %swap3A_403 = vector.shape_cast %swap3A_402 : vector<1x16xf32> to vector<16xf32>
      %swap3A_404 = vector.shape_cast %mul3A_399 : vector<16xf32> to vector<1x16xf32>
      tpu.vector_store %arg14[%swap3A_400, %swap3A_401], %swap3A_404 {strides = array<i32>} : memref<80x128xf32, #tpu.memory_space<vmem>>, vector<1x16xf32>,
      %get3A_405 = arith.index_cast %add3A_378 : i32 to index
      %get3A_406 = arith.constant 32 : index
      %get3A_407 = tpu.vector_load %arg14[%get3A_405, %get3A_406] {strides = array<i32>} : memref<80x128xf32, #tpu.memory_space<vmem>>, vector<1x16xf32>,
      %get3A_408 = vector.shape_cast %get3A_407 : vector<1x16xf32> to vector<16xf32>
      %slice3A_409 = vector.extract_strided_slice %get3A_381 {offsets = [2], sizes = [1], strides = [1]} : vector<16xf32> to vector<1xf32>
      %squeeze3A_410 = vector.extract %slice3A_409[0] : f32 from vector<1xf32>
      %mul3A_411 = vector.broadcast %squeeze3A_410 : f32 to vector<16xf32>
      %mul3A_412 = arith.mulf %get3A_408, %mul3A_411 : vector<16xf32>
      %swap3A_413 = arith.index_cast %add3A_378 : i32 to index
      %swap3A_414 = arith.constant 32 : index
      %swap3A_415 = tpu.vector_load %arg14[%swap3A_413, %swap3A_414] {strides = array<i32>} : memref<80x128xf32, #tpu.memory_space<vmem>>, vector<1x16xf32>,
      %swap3A_416 = vector.shape_cast %swap3A_415 : vector<1x16xf32> to vector<16xf32>
      %swap3A_417 = vector.shape_cast %mul3A_412 : vector<16xf32> to vector<1x16xf32>
      tpu.vector_store %arg14[%swap3A_413, %swap3A_414], %swap3A_417 {strides = array<i32>} : memref<80x128xf32, #tpu.memory_space<vmem>>, vector<1x16xf32>,
      %get3A_418 = arith.index_cast %add3A_378 : i32 to index
      %get3A_419 = arith.constant 48 : index
      %get3A_420 = tpu.vector_load %arg14[%get3A_418, %get3A_419] {strides = array<i32>} : memref<80x128xf32, #tpu.memory_space<vmem>>, vector<1x16xf32>,
      %get3A_421 = vector.shape_cast %get3A_420 : vector<1x16xf32> to vector<16xf32>
      %slice3A_422 = vector.extract_strided_slice %get3A_381 {offsets = [3], sizes = [1], strides = [1]} : vector<16xf32> to vector<1xf32>
      %squeeze3A_423 = vector.extract %slice3A_422[0] : f32 from vector<1xf32>
      %mul3A_424 = vector.broadcast %squeeze3A_423 : f32 to vector<16xf32>
      %mul3A_425 = arith.mulf %get3A_421, %mul3A_424 : vector<16xf32>
      %swap3A_426 = arith.index_cast %add3A_378 : i32 to index
      %swap3A_427 = arith.constant 48 : index
      %swap3A_428 = tpu.vector_load %arg14[%swap3A_426, %swap3A_427] {strides = array<i32>} : memref<80x128xf32, #tpu.memory_space<vmem>>, vector<1x16xf32>,
      %swap3A_429 = vector.shape_cast %swap3A_428 : vector<1x16xf32> to vector<16xf32>
      %swap3A_430 = vector.shape_cast %mul3A_425 : vector<16xf32> to vector<1x16xf32>
      tpu.vector_store %arg14[%swap3A_426, %swap3A_427], %swap3A_430 {strides = array<i32>} : memref<80x128xf32, #tpu.memory_space<vmem>>, vector<1x16xf32>,
      %get3A_431 = arith.index_cast %add3A_378 : i32 to index
      %get3A_432 = arith.constant 64 : index
      %get3A_433 = tpu.vector_load %arg14[%get3A_431, %get3A_432] {strides = array<i32>} : memref<80x128xf32, #tpu.memory_space<vmem>>, vector<1x16xf32>,
      %get3A_434 = vector.shape_cast %get3A_433 : vector<1x16xf32> to vector<16xf32>
      %slice3A_435 = vector.extract_strided_slice %get3A_381 {offsets = [4], sizes = [1], strides = [1]} : vector<16xf32> to vector<1xf32>
      %squeeze3A_436 = vector.extract %slice3A_435[0] : f32 from vector<1xf32>
      %mul3A_437 = vector.broadcast %squeeze3A_436 : f32 to vector<16xf32>
      %mul3A_438 = arith.mulf %get3A_434, %mul3A_437 : vector<16xf32>
      %swap3A_439 = arith.index_cast %add3A_378 : i32 to index
      %swap3A_440 = arith.constant 64 : index
      %swap3A_441 = tpu.vector_load %arg14[%swap3A_439, %swap3A_440] {strides = array<i32>} : memref<80x128xf32, #tpu.memory_space<vmem>>, vector<1x16xf32>,
      %swap3A_442 = vector.shape_cast %swap3A_441 : vector<1x16xf32> to vector<16xf32>
      %swap3A_443 = vector.shape_cast %mul3A_438 : vector<16xf32> to vector<1x16xf32>
      tpu.vector_store %arg14[%swap3A_439, %swap3A_440], %swap3A_443 {strides = array<i32>} : memref<80x128xf32, #tpu.memory_space<vmem>>, vector<1x16xf32>,
      %get3A_444 = arith.index_cast %add3A_378 : i32 to index
      %get3A_445 = arith.constant 80 : index
      %get3A_446 = tpu.vector_load %arg14[%get3A_444, %get3A_445] {strides = array<i32>} : memref<80x128xf32, #tpu.memory_space<vmem>>, vector<1x16xf32>,
      %get3A_447 = vector.shape_cast %get3A_446 : vector<1x16xf32> to vector<16xf32>
      %slice3A_448 = vector.extract_strided_slice %get3A_381 {offsets = [5], sizes = [1], strides = [1]} : vector<16xf32> to vector<1xf32>
      %squeeze3A_449 = vector.extract %slice3A_448[0] : f32 from vector<1xf32>
      %mul3A_450 = vector.broadcast %squeeze3A_449 : f32 to vector<16xf32>
      %mul3A_451 = arith.mulf %get3A_447, %mul3A_450 : vector<16xf32>
      %swap3A_452 = arith.index_cast %add3A_378 : i32 to index
      %swap3A_453 = arith.constant 80 : index
      %swap3A_454 = tpu.vector_load %arg14[%swap3A_452, %swap3A_453] {strides = array<i32>} : memref<80x128xf32, #tpu.memory_space<vmem>>, vector<1x16xf32>,
      %swap3A_455 = vector.shape_cast %swap3A_454 : vector<1x16xf32> to vector<16xf32>
      %swap3A_456 = vector.shape_cast %mul3A_451 : vector<16xf32> to vector<1x16xf32>
      tpu.vector_store %arg14[%swap3A_452, %swap3A_453], %swap3A_456 {strides = array<i32>} : memref<80x128xf32, #tpu.memory_space<vmem>>, vector<1x16xf32>,
      %get3A_457 = arith.index_cast %add3A_378 : i32 to index
      %get3A_458 = arith.constant 96 : index
      %get3A_459 = tpu.vector_load %arg14[%get3A_457, %get3A_458] {strides = array<i32>} : memref<80x128xf32, #tpu.memory_space<vmem>>, vector<1x16xf32>,
      %get3A_460 = vector.shape_cast %get3A_459 : vector<1x16xf32> to vector<16xf32>
      %slice3A_461 = vector.extract_strided_slice %get3A_381 {offsets = [6], sizes = [1], strides = [1]} : vector<16xf32> to vector<1xf32>
      %squeeze3A_462 = vector.extract %slice3A_461[0] : f32 from vector<1xf32>
      %mul3A_463 = vector.broadcast %squeeze3A_462 : f32 to vector<16xf32>
      %mul3A_464 = arith.mulf %get3A_460, %mul3A_463 : vector<16xf32>
      %swap3A_465 = arith.index_cast %add3A_378 : i32 to index
      %swap3A_466 = arith.constant 96 : index
      %swap3A_467 = tpu.vector_load %arg14[%swap3A_465, %swap3A_466] {strides = array<i32>} : memref<80x128xf32, #tpu.memory_space<vmem>>, vector<1x16xf32>,
      %swap3A_468 = vector.shape_cast %swap3A_467 : vector<1x16xf32> to vector<16xf32>
      %swap3A_469 = vector.shape_cast %mul3A_464 : vector<16xf32> to vector<1x16xf32>
      tpu.vector_store %arg14[%swap3A_465, %swap3A_466], %swap3A_469 {strides = array<i32>} : memref<80x128xf32, #tpu.memory_space<vmem>>, vector<1x16xf32>,
      %get3A_470 = arith.index_cast %add3A_378 : i32 to index
      %get3A_471 = arith.constant 112 : index
      %get3A_472 = tpu.vector_load %arg14[%get3A_470, %get3A_471] {strides = array<i32>} : memref<80x128xf32, #tpu.memory_space<vmem>>, vector<1x16xf32>,
      %get3A_473 = vector.shape_cast %get3A_472 : vector<1x16xf32> to vector<16xf32>
      %slice3A_474 = vector.extract_strided_slice %get3A_381 {offsets = [7], sizes = [1], strides = [1]} : vector<16xf32> to vector<1xf32>
      %squeeze3A_475 = vector.extract %slice3A_474[0] : f32 from vector<1xf32>
      %mul3A_476 = vector.broadcast %squeeze3A_475 : f32 to vector<16xf32>
      %mul3A_477 = arith.mulf %get3A_473, %mul3A_476 : vector<16xf32>
      %swap3A_478 = arith.index_cast %add3A_378 : i32 to index
      %swap3A_479 = arith.constant 112 : index
      %swap3A_480 = tpu.vector_load %arg14[%swap3A_478, %swap3A_479] {strides = array<i32>} : memref<80x128xf32, #tpu.memory_space<vmem>>, vector<1x16xf32>,
      %swap3A_481 = vector.shape_cast %swap3A_480 : vector<1x16xf32> to vector<16xf32>
      %swap3A_482 = vector.shape_cast %mul3A_477 : vector<16xf32> to vector<1x16xf32>
      tpu.vector_store %arg14[%swap3A_478, %swap3A_479], %swap3A_482 {strides = array<i32>} : memref<80x128xf32, #tpu.memory_space<vmem>>, vector<1x16xf32>,
    }
    %scan3A_288 = arith.constant 80 : i32
    %run_scoped3A = arith.constant 2 : i32
    "tpu.region"() ({
      %run_scoped3A_374 = tpu.sem_alloc : memref<!tpu.dma_semaphore, #tpu.memory_space<semaphore_mem>>
      %dma_start3A_375 = arith.constant 0 : i32
      %dma_start3A_376 = tpu.memref_slice %arg12[%run_scoped3A, %dma_start3A_375] : memref<3x80xi32, #tpu.memory_space<vmem>> -> memref<1x80xi32, #tpu.memory_space<vmem>>
      %dma_start3A_377 = tpu.memref_squeeze %dma_start3A_376 : memref<1x80xi32, #tpu.memory_space<vmem>> -> memref<80xi32, #tpu.memory_space<vmem>>
      %dma_start3A_378 = arith.constant 0 : i32
      %dma_start3A_379 = arith.constant 0 : i32
      %dma_start3A_380 = tpu.memref_slice %arg11[%dma_start3A_378, %dma_start3A_379] : memref<10000x16xf32, #tpu.memory_space<vmem_shared>> -> memref<10000x16xf32, #tpu.memory_space<vmem_shared>>
      tpu.enqueue_indirect_dma source(%arg20 : memref<80x16xf32, #tpu.memory_space<vmem>>) target(%dma_start3A_380 : memref<10000x16xf32, #tpu.memory_space<vmem_shared>>) offsets(%dma_start3A_377 : memref<80xi32, #tpu.memory_space<vmem>>) semaphore(%run_scoped3A_374 : memref<!tpu.dma_semaphore, #tpu.memory_space<semaphore_mem>>) {add = true}
      %dma_wait3A_381 = arith.constant 0 : i32
      %dma_wait3A_382 = tpu.memref_slice %arg12[%run_scoped3A, %dma_wait3A_381] : memref<3x80xi32, #tpu.memory_space<vmem>> -> memref<1x80xi32, #tpu.memory_space<vmem>>
      %dma_wait3A_383 = tpu.memref_squeeze %dma_wait3A_382 : memref<1x80xi32, #tpu.memory_space<vmem>> -> memref<80xi32, #tpu.memory_space<vmem>>
      %dma_wait3A_384 = arith.constant 0 : i32
      %dma_wait3A_385 = arith.constant 0 : i32
      %dma_wait3A_386 = tpu.memref_slice %arg11[%dma_wait3A_384, %dma_wait3A_385] : memref<10000x16xf32, #tpu.memory_space<vmem_shared>> -> memref<10000x16xf32, #tpu.memory_space<vmem_shared>>
      tpu.wait_indirect_dma semaphore(%run_scoped3A_374 : memref<!tpu.dma_semaphore, #tpu.memory_space<semaphore_mem>>) src(%arg20 : memref<80x16xf32, #tpu.memory_space<vmem>>) dst(%dma_wait3A_386 : memref<10000x16xf32, #tpu.memory_space<vmem_shared>>)
      tpu.yield
    }) : () -> ()
    %run_scoped3A_289 = arith.constant 2 : i32
    "tpu.region"() ({
      %run_scoped3A_374 = tpu.sem_alloc : memref<!tpu.dma_semaphore, #tpu.memory_space<semaphore_mem>>
      %dma_start3A_375 = arith.constant 0 : i32
      %dma_start3A_376 = tpu.memref_slice %arg12[%run_scoped3A_289, %dma_start3A_375] : memref<3x80xi32, #tpu.memory_space<vmem>> -> memref<1x80xi32, #tpu.memory_space<vmem>>
      %dma_start3A_377 = tpu.memref_squeeze %dma_start3A_376 : memref<1x80xi32, #tpu.memory_space<vmem>> -> memref<80xi32, #tpu.memory_space<vmem>>
      %dma_start3A_378 = arith.constant 0 : i32
      %dma_start3A_379 = arith.constant 0 : i32
      %dma_start3A_380 = tpu.memref_slice %arg10[%dma_start3A_378, %dma_start3A_379] : memref<10000x128xf32, #tpu.memory_space<vmem_shared>> -> memref<10000x128xf32, #tpu.memory_space<vmem_shared>>
      tpu.enqueue_indirect_dma source(%arg14 : memref<80x128xf32, #tpu.memory_space<vmem>>) target(%dma_start3A_380 : memref<10000x128xf32, #tpu.memory_space<vmem_shared>>) offsets(%dma_start3A_377 : memref<80xi32, #tpu.memory_space<vmem>>) semaphore(%run_scoped3A_374 : memref<!tpu.dma_semaphore, #tpu.memory_space<semaphore_mem>>) {add = true}
      %dma_wait3A_381 = arith.constant 0 : i32
      %dma_wait3A_382 = tpu.memref_slice %arg12[%run_scoped3A_289, %dma_wait3A_381] : memref<3x80xi32, #tpu.memory_space<vmem>> -> memref<1x80xi32, #tpu.memory_space<vmem>>
      %dma_wait3A_383 = tpu.memref_squeeze %dma_wait3A_382 : memref<1x80xi32, #tpu.memory_space<vmem>> -> memref<80xi32, #tpu.memory_space<vmem>>
      %dma_wait3A_384 = arith.constant 0 : i32
      %dma_wait3A_385 = arith.constant 0 : i32
      %dma_wait3A_386 = tpu.memref_slice %arg10[%dma_wait3A_384, %dma_wait3A_385] : memref<10000x128xf32, #tpu.memory_space<vmem_shared>> -> memref<10000x128xf32, #tpu.memory_space<vmem_shared>>
      tpu.wait_indirect_dma semaphore(%run_scoped3A_374 : memref<!tpu.dma_semaphore, #tpu.memory_space<semaphore_mem>>) src(%arg14 : memref<80x128xf32, #tpu.memory_space<vmem>>) dst(%dma_wait3A_386 : memref<10000x128xf32, #tpu.memory_space<vmem_shared>>)
      tpu.yield
    }) : () -> ()
    %dma_wait3A_290 = arith.constant 0 : i32
    %dma_wait3A_291 = arith.constant 0 : i32
    %dma_wait3A_292 = tpu.memref_slice %arg3[%dma_wait3A_290, %dma_wait3A_291] : memref<20000x16xf32, #tpu.memory_space<hbm>> -> memref<80x16xf32, #tpu.memory_space<hbm>>
    %dma_wait3A_293 = arith.constant 0 : i32
    %dma_wait3A_294 = arith.constant 0 : i32
    %dma_wait3A_295 = tpu.memref_slice %arg3[%dma_wait3A_293, %dma_wait3A_294] : memref<20000x16xf32, #tpu.memory_space<hbm>> -> memref<80x16xf32, #tpu.memory_space<hbm>>
    tpu.wait_dma2 semaphore(%arg26 : memref<!tpu.dma_semaphore, #tpu.memory_space<semaphore_mem>>) src(%dma_wait3A_295 : memref<80x16xf32, #tpu.memory_space<hbm>>) dst(%arg17 : memref<80x16xf32, #tpu.memory_space<vmem>>)
    %dma_wait3A_296 = arith.constant 0 : i32
    %dma_wait3A_297 = arith.constant 0 : i32
    %dma_wait3A_298 = tpu.memref_slice %arg4[%dma_wait3A_296, %dma_wait3A_297] : memref<20000x16xf32, #tpu.memory_space<hbm>> -> memref<80x16xf32, #tpu.memory_space<hbm>>
    %dma_wait3A_299 = arith.constant 0 : i32
    %dma_wait3A_300 = arith.constant 0 : i32
    %dma_wait3A_301 = tpu.memref_slice %arg4[%dma_wait3A_299, %dma_wait3A_300] : memref<20000x16xf32, #tpu.memory_space<hbm>> -> memref<80x16xf32, #tpu.memory_space<hbm>>
    tpu.wait_dma2 semaphore(%arg26 : memref<!tpu.dma_semaphore, #tpu.memory_space<semaphore_mem>>) src(%dma_wait3A_301 : memref<80x16xf32, #tpu.memory_space<hbm>>) dst(%arg19 : memref<80x16xf32, #tpu.memory_space<vmem>>)
    %scan3A_302 = arith.constant 0 : i32
    %scan3A_303 = arith.constant 80 : i32
    %scan3A_304 = arith.addi %scan3A_302, %scan3A_303 : i32
    %scan3A_305 = arith.constant 1 : i32
    scf.for %scan3A_374 = %scan3A_302 to %scan3A_304 step %scan3A_305  : i32 {
      %mul3A_375 = arith.constant 1 : i32
      %mul3A_376 = arith.muli %scan3A_374, %mul3A_375 : i32
      %add3A_377 = arith.constant 0 : i32
      %add3A_378 = arith.addi %add3A_377, %mul3A_376 : i32
      %get3A = arith.index_cast %add3A_378 : i32 to index
      %get3A_379 = arith.constant 0 : index
      %get3A_380 = tpu.vector_load %arg17[%get3A, %get3A_379] {strides = array<i32>} : memref<80x16xf32, #tpu.memory_space<vmem>>, vector<1x16xf32>,
      %get3A_381 = vector.shape_cast %get3A_380 : vector<1x16xf32> to vector<16xf32>
      %get3A_382 = arith.index_cast %add3A_378 : i32 to index
      %get3A_383 = arith.constant 0 : index
      %get3A_384 = tpu.vector_load %arg19[%get3A_382, %get3A_383] {strides = array<i32>} : memref<80x16xf32, #tpu.memory_space<vmem>>, vector<1x16xf32>,
      %get3A_385 = vector.shape_cast %get3A_384 : vector<1x16xf32> to vector<16xf32>
      %add3A_386 = arith.addf %get3A_381, %get3A_385 : vector<16xf32>
      %gt3A = arith.constant 0.000000e+00 : f32
      %gt3A_387 = vector.broadcast %gt3A : f32 to vector<16xf32>
      %gt3A_388 = arith.cmpf ogt, %add3A_386, %gt3A_387 : vector<16xf32>
      %mul3A_389 = arith.constant 2.000000e-01 : f32
      %mul3A_390 = vector.broadcast %mul3A_389 : f32 to vector<16xf32>
      %mul3A_391 = arith.mulf %mul3A_390, %add3A_386 : vector<16xf32>
      %select_n3A = arith.select %gt3A_388, %add3A_386, %mul3A_391 : vector<16xi1>, vector<16xf32>
      %get3A_392 = arith.constant 0 : index
      %get3A_393 = tpu.vector_load %arg21[%get3A_392] {strides = array<i32>} : memref<16xf32, #tpu.memory_space<vmem>>, vector<16xf32>,
      %get3A_394 = vector.shape_cast %get3A_393 : vector<16xf32> to vector<16xf32>
      %sub3A = arith.subf %select_n3A, %get3A_394 : vector<16xf32>
      %exp3A = math.exp %sub3A : vector<16xf32>
      %swap3A = arith.index_cast %add3A_378 : i32 to index
      %swap3A_395 = arith.constant 0 : index
      %swap3A_396 = tpu.vector_load %arg20[%swap3A, %swap3A_395] {strides = array<i32>} : memref<80x16xf32, #tpu.memory_space<vmem>>, vector<1x16xf32>,
      %swap3A_397 = vector.shape_cast %swap3A_396 : vector<1x16xf32> to vector<16xf32>
      %swap3A_398 = vector.shape_cast %exp3A : vector<16xf32> to vector<1x16xf32>
      tpu.vector_store %arg20[%swap3A, %swap3A_395], %swap3A_398 {strides = array<i32>} : memref<80x16xf32, #tpu.memory_space<vmem>>, vector<1x16xf32>,
    }
    %scan3A_306 = arith.constant 80 : i32
    %dma_wait3A_307 = arith.constant 0 : i32
    %dma_wait3A_308 = arith.constant 0 : i32
    %dma_wait3A_309 = tpu.memref_slice %arg2[%dma_wait3A_307, %dma_wait3A_308] : memref<20000x128xf32, #tpu.memory_space<hbm>> -> memref<80x128xf32, #tpu.memory_space<hbm>>
    %dma_wait3A_310 = arith.constant 0 : i32
    %dma_wait3A_311 = arith.constant 0 : i32
    %dma_wait3A_312 = tpu.memref_slice %arg2[%dma_wait3A_310, %dma_wait3A_311] : memref<20000x128xf32, #tpu.memory_space<hbm>> -> memref<80x128xf32, #tpu.memory_space<hbm>>
    tpu.wait_dma2 semaphore(%arg24 : memref<!tpu.dma_semaphore, #tpu.memory_space<semaphore_mem>>) src(%dma_wait3A_312 : memref<80x128xf32, #tpu.memory_space<hbm>>) dst(%arg15 : memref<80x128xf32, #tpu.memory_space<vmem>>)
    %scan3A_313 = arith.constant 0 : i32
    %scan3A_314 = arith.constant 80 : i32
    %scan3A_315 = arith.addi %scan3A_313, %scan3A_314 : i32
    %scan3A_316 = arith.constant 1 : i32
    scf.for %scan3A_374 = %scan3A_313 to %scan3A_315 step %scan3A_316  : i32 {
      %mul3A_375 = arith.constant 1 : i32
      %mul3A_376 = arith.muli %scan3A_374, %mul3A_375 : i32
      %add3A_377 = arith.constant 0 : i32
      %add3A_378 = arith.addi %add3A_377, %mul3A_376 : i32
      %get3A = arith.index_cast %add3A_378 : i32 to index
      %get3A_379 = arith.constant 0 : index
      %get3A_380 = tpu.vector_load %arg20[%get3A, %get3A_379] {strides = array<i32>} : memref<80x16xf32, #tpu.memory_space<vmem>>, vector<1x16xf32>,
      %get3A_381 = vector.shape_cast %get3A_380 : vector<1x16xf32> to vector<16xf32>
      %get3A_382 = arith.index_cast %add3A_378 : i32 to index
      %get3A_383 = arith.constant 0 : index
      %get3A_384 = tpu.vector_load %arg15[%get3A_382, %get3A_383] {strides = array<i32>} : memref<80x128xf32, #tpu.memory_space<vmem>>, vector<1x16xf32>,
      %get3A_385 = vector.shape_cast %get3A_384 : vector<1x16xf32> to vector<16xf32>
      %slice3A = vector.extract_strided_slice %get3A_381 {offsets = [0], sizes = [1], strides = [1]} : vector<16xf32> to vector<1xf32>
      %squeeze3A = vector.extract %slice3A[0] : f32 from vector<1xf32>
      %mul3A_386 = vector.broadcast %squeeze3A : f32 to vector<16xf32>
      %mul3A_387 = arith.mulf %get3A_385, %mul3A_386 : vector<16xf32>
      %swap3A = arith.index_cast %add3A_378 : i32 to index
      %swap3A_388 = arith.constant 0 : index
      %swap3A_389 = tpu.vector_load %arg15[%swap3A, %swap3A_388] {strides = array<i32>} : memref<80x128xf32, #tpu.memory_space<vmem>>, vector<1x16xf32>,
      %swap3A_390 = vector.shape_cast %swap3A_389 : vector<1x16xf32> to vector<16xf32>
      %swap3A_391 = vector.shape_cast %mul3A_387 : vector<16xf32> to vector<1x16xf32>
      tpu.vector_store %arg15[%swap3A, %swap3A_388], %swap3A_391 {strides = array<i32>} : memref<80x128xf32, #tpu.memory_space<vmem>>, vector<1x16xf32>,
      %get3A_392 = arith.index_cast %add3A_378 : i32 to index
      %get3A_393 = arith.constant 16 : index
      %get3A_394 = tpu.vector_load %arg15[%get3A_392, %get3A_393] {strides = array<i32>} : memref<80x128xf32, #tpu.memory_space<vmem>>, vector<1x16xf32>,
      %get3A_395 = vector.shape_cast %get3A_394 : vector<1x16xf32> to vector<16xf32>
      %slice3A_396 = vector.extract_strided_slice %get3A_381 {offsets = [1], sizes = [1], strides = [1]} : vector<16xf32> to vector<1xf32>
      %squeeze3A_397 = vector.extract %slice3A_396[0] : f32 from vector<1xf32>
      %mul3A_398 = vector.broadcast %squeeze3A_397 : f32 to vector<16xf32>
      %mul3A_399 = arith.mulf %get3A_395, %mul3A_398 : vector<16xf32>
      %swap3A_400 = arith.index_cast %add3A_378 : i32 to index
      %swap3A_401 = arith.constant 16 : index
      %swap3A_402 = tpu.vector_load %arg15[%swap3A_400, %swap3A_401] {strides = array<i32>} : memref<80x128xf32, #tpu.memory_space<vmem>>, vector<1x16xf32>,
      %swap3A_403 = vector.shape_cast %swap3A_402 : vector<1x16xf32> to vector<16xf32>
      %swap3A_404 = vector.shape_cast %mul3A_399 : vector<16xf32> to vector<1x16xf32>
      tpu.vector_store %arg15[%swap3A_400, %swap3A_401], %swap3A_404 {strides = array<i32>} : memref<80x128xf32, #tpu.memory_space<vmem>>, vector<1x16xf32>,
      %get3A_405 = arith.index_cast %add3A_378 : i32 to index
      %get3A_406 = arith.constant 32 : index
      %get3A_407 = tpu.vector_load %arg15[%get3A_405, %get3A_406] {strides = array<i32>} : memref<80x128xf32, #tpu.memory_space<vmem>>, vector<1x16xf32>,
      %get3A_408 = vector.shape_cast %get3A_407 : vector<1x16xf32> to vector<16xf32>
      %slice3A_409 = vector.extract_strided_slice %get3A_381 {offsets = [2], sizes = [1], strides = [1]} : vector<16xf32> to vector<1xf32>
      %squeeze3A_410 = vector.extract %slice3A_409[0] : f32 from vector<1xf32>
      %mul3A_411 = vector.broadcast %squeeze3A_410 : f32 to vector<16xf32>
      %mul3A_412 = arith.mulf %get3A_408, %mul3A_411 : vector<16xf32>
      %swap3A_413 = arith.index_cast %add3A_378 : i32 to index
      %swap3A_414 = arith.constant 32 : index
      %swap3A_415 = tpu.vector_load %arg15[%swap3A_413, %swap3A_414] {strides = array<i32>} : memref<80x128xf32, #tpu.memory_space<vmem>>, vector<1x16xf32>,
      %swap3A_416 = vector.shape_cast %swap3A_415 : vector<1x16xf32> to vector<16xf32>
      %swap3A_417 = vector.shape_cast %mul3A_412 : vector<16xf32> to vector<1x16xf32>
      tpu.vector_store %arg15[%swap3A_413, %swap3A_414], %swap3A_417 {strides = array<i32>} : memref<80x128xf32, #tpu.memory_space<vmem>>, vector<1x16xf32>,
      %get3A_418 = arith.index_cast %add3A_378 : i32 to index
      %get3A_419 = arith.constant 48 : index
      %get3A_420 = tpu.vector_load %arg15[%get3A_418, %get3A_419] {strides = array<i32>} : memref<80x128xf32, #tpu.memory_space<vmem>>, vector<1x16xf32>,
      %get3A_421 = vector.shape_cast %get3A_420 : vector<1x16xf32> to vector<16xf32>
      %slice3A_422 = vector.extract_strided_slice %get3A_381 {offsets = [3], sizes = [1], strides = [1]} : vector<16xf32> to vector<1xf32>
      %squeeze3A_423 = vector.extract %slice3A_422[0] : f32 from vector<1xf32>
      %mul3A_424 = vector.broadcast %squeeze3A_423 : f32 to vector<16xf32>
      %mul3A_425 = arith.mulf %get3A_421, %mul3A_424 : vector<16xf32>
      %swap3A_426 = arith.index_cast %add3A_378 : i32 to index
      %swap3A_427 = arith.constant 48 : index
      %swap3A_428 = tpu.vector_load %arg15[%swap3A_426, %swap3A_427] {strides = array<i32>} : memref<80x128xf32, #tpu.memory_space<vmem>>, vector<1x16xf32>,
      %swap3A_429 = vector.shape_cast %swap3A_428 : vector<1x16xf32> to vector<16xf32>
      %swap3A_430 = vector.shape_cast %mul3A_425 : vector<16xf32> to vector<1x16xf32>
      tpu.vector_store %arg15[%swap3A_426, %swap3A_427], %swap3A_430 {strides = array<i32>} : memref<80x128xf32, #tpu.memory_space<vmem>>, vector<1x16xf32>,
      %get3A_431 = arith.index_cast %add3A_378 : i32 to index
      %get3A_432 = arith.constant 64 : index
      %get3A_433 = tpu.vector_load %arg15[%get3A_431, %get3A_432] {strides = array<i32>} : memref<80x128xf32, #tpu.memory_space<vmem>>, vector<1x16xf32>,
      %get3A_434 = vector.shape_cast %get3A_433 : vector<1x16xf32> to vector<16xf32>
      %slice3A_435 = vector.extract_strided_slice %get3A_381 {offsets = [4], sizes = [1], strides = [1]} : vector<16xf32> to vector<1xf32>
      %squeeze3A_436 = vector.extract %slice3A_435[0] : f32 from vector<1xf32>
      %mul3A_437 = vector.broadcast %squeeze3A_436 : f32 to vector<16xf32>
      %mul3A_438 = arith.mulf %get3A_434, %mul3A_437 : vector<16xf32>
      %swap3A_439 = arith.index_cast %add3A_378 : i32 to index
      %swap3A_440 = arith.constant 64 : index
      %swap3A_441 = tpu.vector_load %arg15[%swap3A_439, %swap3A_440] {strides = array<i32>} : memref<80x128xf32, #tpu.memory_space<vmem>>, vector<1x16xf32>,
      %swap3A_442 = vector.shape_cast %swap3A_441 : vector<1x16xf32> to vector<16xf32>
      %swap3A_443 = vector.shape_cast %mul3A_438 : vector<16xf32> to vector<1x16xf32>
      tpu.vector_store %arg15[%swap3A_439, %swap3A_440], %swap3A_443 {strides = array<i32>} : memref<80x128xf32, #tpu.memory_space<vmem>>, vector<1x16xf32>,
      %get3A_444 = arith.index_cast %add3A_378 : i32 to index
      %get3A_445 = arith.constant 80 : index
      %get3A_446 = tpu.vector_load %arg15[%get3A_444, %get3A_445] {strides = array<i32>} : memref<80x128xf32, #tpu.memory_space<vmem>>, vector<1x16xf32>,
      %get3A_447 = vector.shape_cast %get3A_446 : vector<1x16xf32> to vector<16xf32>
      %slice3A_448 = vector.extract_strided_slice %get3A_381 {offsets = [5], sizes = [1], strides = [1]} : vector<16xf32> to vector<1xf32>
      %squeeze3A_449 = vector.extract %slice3A_448[0] : f32 from vector<1xf32>
      %mul3A_450 = vector.broadcast %squeeze3A_449 : f32 to vector<16xf32>
      %mul3A_451 = arith.mulf %get3A_447, %mul3A_450 : vector<16xf32>
      %swap3A_452 = arith.index_cast %add3A_378 : i32 to index
      %swap3A_453 = arith.constant 80 : index
      %swap3A_454 = tpu.vector_load %arg15[%swap3A_452, %swap3A_453] {strides = array<i32>} : memref<80x128xf32, #tpu.memory_space<vmem>>, vector<1x16xf32>,
      %swap3A_455 = vector.shape_cast %swap3A_454 : vector<1x16xf32> to vector<16xf32>
      %swap3A_456 = vector.shape_cast %mul3A_451 : vector<16xf32> to vector<1x16xf32>
      tpu.vector_store %arg15[%swap3A_452, %swap3A_453], %swap3A_456 {strides = array<i32>} : memref<80x128xf32, #tpu.memory_space<vmem>>, vector<1x16xf32>,
      %get3A_457 = arith.index_cast %add3A_378 : i32 to index
      %get3A_458 = arith.constant 96 : index
      %get3A_459 = tpu.vector_load %arg15[%get3A_457, %get3A_458] {strides = array<i32>} : memref<80x128xf32, #tpu.memory_space<vmem>>, vector<1x16xf32>,
      %get3A_460 = vector.shape_cast %get3A_459 : vector<1x16xf32> to vector<16xf32>
      %slice3A_461 = vector.extract_strided_slice %get3A_381 {offsets = [6], sizes = [1], strides = [1]} : vector<16xf32> to vector<1xf32>
      %squeeze3A_462 = vector.extract %slice3A_461[0] : f32 from vector<1xf32>
      %mul3A_463 = vector.broadcast %squeeze3A_462 : f32 to vector<16xf32>
      %mul3A_464 = arith.mulf %get3A_460, %mul3A_463 : vector<16xf32>
      %swap3A_465 = arith.index_cast %add3A_378 : i32 to index
      %swap3A_466 = arith.constant 96 : index
      %swap3A_467 = tpu.vector_load %arg15[%swap3A_465, %swap3A_466] {strides = array<i32>} : memref<80x128xf32, #tpu.memory_space<vmem>>, vector<1x16xf32>,
      %swap3A_468 = vector.shape_cast %swap3A_467 : vector<1x16xf32> to vector<16xf32>
      %swap3A_469 = vector.shape_cast %mul3A_464 : vector<16xf32> to vector<1x16xf32>
      tpu.vector_store %arg15[%swap3A_465, %swap3A_466], %swap3A_469 {strides = array<i32>} : memref<80x128xf32, #tpu.memory_space<vmem>>, vector<1x16xf32>,
      %get3A_470 = arith.index_cast %add3A_378 : i32 to index
      %get3A_471 = arith.constant 112 : index
      %get3A_472 = tpu.vector_load %arg15[%get3A_470, %get3A_471] {strides = array<i32>} : memref<80x128xf32, #tpu.memory_space<vmem>>, vector<1x16xf32>,
      %get3A_473 = vector.shape_cast %get3A_472 : vector<1x16xf32> to vector<16xf32>
      %slice3A_474 = vector.extract_strided_slice %get3A_381 {offsets = [7], sizes = [1], strides = [1]} : vector<16xf32> to vector<1xf32>
      %squeeze3A_475 = vector.extract %slice3A_474[0] : f32 from vector<1xf32>
      %mul3A_476 = vector.broadcast %squeeze3A_475 : f32 to vector<16xf32>
      %mul3A_477 = arith.mulf %get3A_473, %mul3A_476 : vector<16xf32>
      %swap3A_478 = arith.index_cast %add3A_378 : i32 to index
      %swap3A_479 = arith.constant 112 : index
      %swap3A_480 = tpu.vector_load %arg15[%swap3A_478, %swap3A_479] {strides = array<i32>} : memref<80x128xf32, #tpu.memory_space<vmem>>, vector<1x16xf32>,
      %swap3A_481 = vector.shape_cast %swap3A_480 : vector<1x16xf32> to vector<16xf32>
      %swap3A_482 = vector.shape_cast %mul3A_477 : vector<16xf32> to vector<1x16xf32>
      tpu.vector_store %arg15[%swap3A_478, %swap3A_479], %swap3A_482 {strides = array<i32>} : memref<80x128xf32, #tpu.memory_space<vmem>>, vector<1x16xf32>,
    }
    %scan3A_317 = arith.constant 80 : i32
    %run_scoped3A_318 = arith.constant 2 : i32
    "tpu.region"() ({
      %run_scoped3A_374 = tpu.sem_alloc : memref<!tpu.dma_semaphore, #tpu.memory_space<semaphore_mem>>
      %dma_start3A_375 = arith.constant 0 : i32
      %dma_start3A_376 = tpu.memref_slice %arg13[%run_scoped3A_318, %dma_start3A_375] : memref<3x80xi32, #tpu.memory_space<vmem>> -> memref<1x80xi32, #tpu.memory_space<vmem>>
      %dma_start3A_377 = tpu.memref_squeeze %dma_start3A_376 : memref<1x80xi32, #tpu.memory_space<vmem>> -> memref<80xi32, #tpu.memory_space<vmem>>
      %dma_start3A_378 = arith.constant 0 : i32
      %dma_start3A_379 = arith.constant 0 : i32
      %dma_start3A_380 = tpu.memref_slice %arg11[%dma_start3A_378, %dma_start3A_379] : memref<10000x16xf32, #tpu.memory_space<vmem_shared>> -> memref<10000x16xf32, #tpu.memory_space<vmem_shared>>
      tpu.enqueue_indirect_dma source(%arg20 : memref<80x16xf32, #tpu.memory_space<vmem>>) target(%dma_start3A_380 : memref<10000x16xf32, #tpu.memory_space<vmem_shared>>) offsets(%dma_start3A_377 : memref<80xi32, #tpu.memory_space<vmem>>) semaphore(%run_scoped3A_374 : memref<!tpu.dma_semaphore, #tpu.memory_space<semaphore_mem>>) {add = true}
      %dma_wait3A_381 = arith.constant 0 : i32
      %dma_wait3A_382 = tpu.memref_slice %arg13[%run_scoped3A_318, %dma_wait3A_381] : memref<3x80xi32, #tpu.memory_space<vmem>> -> memref<1x80xi32, #tpu.memory_space<vmem>>
      %dma_wait3A_383 = tpu.memref_squeeze %dma_wait3A_382 : memref<1x80xi32, #tpu.memory_space<vmem>> -> memref<80xi32, #tpu.memory_space<vmem>>
      %dma_wait3A_384 = arith.constant 0 : i32
      %dma_wait3A_385 = arith.constant 0 : i32
      %dma_wait3A_386 = tpu.memref_slice %arg11[%dma_wait3A_384, %dma_wait3A_385] : memref<10000x16xf32, #tpu.memory_space<vmem_shared>> -> memref<10000x16xf32, #tpu.memory_space<vmem_shared>>
      tpu.wait_indirect_dma semaphore(%run_scoped3A_374 : memref<!tpu.dma_semaphore, #tpu.memory_space<semaphore_mem>>) src(%arg20 : memref<80x16xf32, #tpu.memory_space<vmem>>) dst(%dma_wait3A_386 : memref<10000x16xf32, #tpu.memory_space<vmem_shared>>)
      tpu.yield
    }) : () -> ()
    %run_scoped3A_319 = arith.constant 2 : i32
    "tpu.region"() ({
      %run_scoped3A_374 = tpu.sem_alloc : memref<!tpu.dma_semaphore, #tpu.memory_space<semaphore_mem>>
      %dma_start3A_375 = arith.constant 0 : i32
      %dma_start3A_376 = tpu.memref_slice %arg13[%run_scoped3A_319, %dma_start3A_375] : memref<3x80xi32, #tpu.memory_space<vmem>> -> memref<1x80xi32, #tpu.memory_space<vmem>>
      %dma_start3A_377 = tpu.memref_squeeze %dma_start3A_376 : memref<1x80xi32, #tpu.memory_space<vmem>> -> memref<80xi32, #tpu.memory_space<vmem>>
      %dma_start3A_378 = arith.constant 0 : i32
      %dma_start3A_379 = arith.constant 0 : i32
      %dma_start3A_380 = tpu.memref_slice %arg10[%dma_start3A_378, %dma_start3A_379] : memref<10000x128xf32, #tpu.memory_space<vmem_shared>> -> memref<10000x128xf32, #tpu.memory_space<vmem_shared>>
      tpu.enqueue_indirect_dma source(%arg15 : memref<80x128xf32, #tpu.memory_space<vmem>>) target(%dma_start3A_380 : memref<10000x128xf32, #tpu.memory_space<vmem_shared>>) offsets(%dma_start3A_377 : memref<80xi32, #tpu.memory_space<vmem>>) semaphore(%run_scoped3A_374 : memref<!tpu.dma_semaphore, #tpu.memory_space<semaphore_mem>>) {add = true}
      %dma_wait3A_381 = arith.constant 0 : i32
      %dma_wait3A_382 = tpu.memref_slice %arg13[%run_scoped3A_319, %dma_wait3A_381] : memref<3x80xi32, #tpu.memory_space<vmem>> -> memref<1x80xi32, #tpu.memory_space<vmem>>
      %dma_wait3A_383 = tpu.memref_squeeze %dma_wait3A_382 : memref<1x80xi32, #tpu.memory_space<vmem>> -> memref<80xi32, #tpu.memory_space<vmem>>
      %dma_wait3A_384 = arith.constant 0 : i32
      %dma_wait3A_385 = arith.constant 0 : i32
      %dma_wait3A_386 = tpu.memref_slice %arg10[%dma_wait3A_384, %dma_wait3A_385] : memref<10000x128xf32, #tpu.memory_space<vmem_shared>> -> memref<10000x128xf32, #tpu.memory_space<vmem_shared>>
      tpu.wait_indirect_dma semaphore(%run_scoped3A_374 : memref<!tpu.dma_semaphore, #tpu.memory_space<semaphore_mem>>) src(%arg15 : memref<80x128xf32, #tpu.memory_space<vmem>>) dst(%dma_wait3A_386 : memref<10000x128xf32, #tpu.memory_space<vmem_shared>>)
      tpu.yield
    }) : () -> ()
    %barrier3A_320 = arith.constant 0 : index
    tpu.barrier barrier_id(%barrier3A_320)
    %mul3A_321 = arith.constant 320 : i32
    %mul3A_322 = arith.muli %arg1, %mul3A_321 : i32
    %mul3A_323 = arith.constant 5120 : i32
    %mul3A_324 = arith.muli %arg0, %mul3A_323 : i32
    %add3A_325 = arith.addi %mul3A_324, %mul3A_322 : i32
    %add3A_326 = arith.constant 0 : i32
    %add3A_327 = arith.addi %add3A_325, %add3A_326 : i32
    %run_scoped3A_328 = arith.constant 0 : i32
    "tpu.region"() ({
      %run_scoped3A_374 = tpu.sem_alloc : memref<!tpu.dma_semaphore, #tpu.memory_space<semaphore_mem>>
      %dma_start3A_375 = arith.constant 0 : i32
      %dma_start3A_376 = tpu.memref_slice %arg12[%run_scoped3A_328, %dma_start3A_375] : memref<3x80xi32, #tpu.memory_space<vmem>> -> memref<1x80xi32, #tpu.memory_space<vmem>>
      %dma_start3A_377 = tpu.memref_squeeze %dma_start3A_376 : memref<1x80xi32, #tpu.memory_space<vmem>> -> memref<80xi32, #tpu.memory_space<vmem>>
      %dma_start3A_378 = tpu.memref_slice %arg6[%add3A_327] : memref<10240xi32, #tpu.memory_space<hbm>> -> memref<80xi32, #tpu.memory_space<hbm>>
      %dma_start3A_379 = arith.constant 0 : i32
      %dma_start3A_380 = tpu.memref_slice %arg12[%run_scoped3A_328, %dma_start3A_379] : memref<3x80xi32, #tpu.memory_space<vmem>> -> memref<1x80xi32, #tpu.memory_space<vmem>>
      %dma_start3A_381 = tpu.memref_squeeze %dma_start3A_380 : memref<1x80xi32, #tpu.memory_space<vmem>> -> memref<80xi32, #tpu.memory_space<vmem>>
      %dma_start3A_382 = tpu.memref_slice %arg6[%add3A_327] : memref<10240xi32, #tpu.memory_space<hbm>> -> memref<80xi32, #tpu.memory_space<hbm>>
      tpu.enqueue_dma source(%dma_start3A_382 : memref<80xi32, #tpu.memory_space<hbm>>) target(%dma_start3A_381 : memref<80xi32, #tpu.memory_space<vmem>>) target_semaphore(%run_scoped3A_374 : memref<!tpu.dma_semaphore, #tpu.memory_space<semaphore_mem>>)
      %dma_wait3A_383 = arith.constant 0 : i32
      %dma_wait3A_384 = tpu.memref_slice %arg12[%run_scoped3A_328, %dma_wait3A_383] : memref<3x80xi32, #tpu.memory_space<vmem>> -> memref<1x80xi32, #tpu.memory_space<vmem>>
      %dma_wait3A_385 = tpu.memref_squeeze %dma_wait3A_384 : memref<1x80xi32, #tpu.memory_space<vmem>> -> memref<80xi32, #tpu.memory_space<vmem>>
      %dma_wait3A_386 = tpu.memref_slice %arg6[%add3A_327] : memref<10240xi32, #tpu.memory_space<hbm>> -> memref<80xi32, #tpu.memory_space<hbm>>
      %dma_wait3A_387 = arith.constant 0 : i32
      %dma_wait3A_388 = tpu.memref_slice %arg12[%run_scoped3A_328, %dma_wait3A_387] : memref<3x80xi32, #tpu.memory_space<vmem>> -> memref<1x80xi32, #tpu.memory_space<vmem>>
      %dma_wait3A_389 = tpu.memref_squeeze %dma_wait3A_388 : memref<1x80xi32, #tpu.memory_space<vmem>> -> memref<80xi32, #tpu.memory_space<vmem>>
      %dma_wait3A_390 = tpu.memref_slice %arg6[%add3A_327] : memref<10240xi32, #tpu.memory_space<hbm>> -> memref<80xi32, #tpu.memory_space<hbm>>
      tpu.wait_dma2 semaphore(%run_scoped3A_374 : memref<!tpu.dma_semaphore, #tpu.memory_space<semaphore_mem>>) src(%dma_wait3A_390 : memref<80xi32, #tpu.memory_space<hbm>>) dst(%dma_wait3A_389 : memref<80xi32, #tpu.memory_space<vmem>>)
      tpu.yield
    }) : () -> ()
    %run_scoped3A_329 = arith.constant 0 : i32
    "tpu.region"() ({
      %run_scoped3A_374 = tpu.sem_alloc : memref<!tpu.dma_semaphore, #tpu.memory_space<semaphore_mem>>
      %dma_start3A_375 = arith.constant 0 : i32
      %dma_start3A_376 = tpu.memref_slice %arg12[%run_scoped3A_329, %dma_start3A_375] : memref<3x80xi32, #tpu.memory_space<vmem>> -> memref<1x80xi32, #tpu.memory_space<vmem>>
      %dma_start3A_377 = tpu.memref_squeeze %dma_start3A_376 : memref<1x80xi32, #tpu.memory_space<vmem>> -> memref<80xi32, #tpu.memory_space<vmem>>
      %dma_start3A_378 = arith.constant 0 : i32
      %dma_start3A_379 = arith.constant 0 : i32
      %dma_start3A_380 = tpu.memref_slice %arg10[%dma_start3A_378, %dma_start3A_379] : memref<10000x128xf32, #tpu.memory_space<vmem_shared>> -> memref<10000x128xf32, #tpu.memory_space<vmem_shared>>
      tpu.enqueue_indirect_dma source(%dma_start3A_380 : memref<10000x128xf32, #tpu.memory_space<vmem_shared>>) target(%arg14 : memref<80x128xf32, #tpu.memory_space<vmem>>) offsets(%dma_start3A_377 : memref<80xi32, #tpu.memory_space<vmem>>) semaphore(%run_scoped3A_374 : memref<!tpu.dma_semaphore, #tpu.memory_space<semaphore_mem>>)
      %dma_wait3A_381 = arith.constant 0 : i32
      %dma_wait3A_382 = tpu.memref_slice %arg12[%run_scoped3A_329, %dma_wait3A_381] : memref<3x80xi32, #tpu.memory_space<vmem>> -> memref<1x80xi32, #tpu.memory_space<vmem>>
      %dma_wait3A_383 = tpu.memref_squeeze %dma_wait3A_382 : memref<1x80xi32, #tpu.memory_space<vmem>> -> memref<80xi32, #tpu.memory_space<vmem>>
      %dma_wait3A_384 = arith.constant 0 : i32
      %dma_wait3A_385 = arith.constant 0 : i32
      %dma_wait3A_386 = tpu.memref_slice %arg10[%dma_wait3A_384, %dma_wait3A_385] : memref<10000x128xf32, #tpu.memory_space<vmem_shared>> -> memref<10000x128xf32, #tpu.memory_space<vmem_shared>>
      tpu.wait_indirect_dma semaphore(%run_scoped3A_374 : memref<!tpu.dma_semaphore, #tpu.memory_space<semaphore_mem>>) src(%dma_wait3A_386 : memref<10000x128xf32, #tpu.memory_space<vmem_shared>>) dst(%arg14 : memref<80x128xf32, #tpu.memory_space<vmem>>)
      tpu.yield
    }) : () -> ()
    %run_scoped3A_330 = arith.constant 0 : i32
    "tpu.region"() ({
      %run_scoped3A_374 = tpu.sem_alloc : memref<!tpu.dma_semaphore, #tpu.memory_space<semaphore_mem>>
      %dma_start3A_375 = arith.constant 0 : i32
      %dma_start3A_376 = tpu.memref_slice %arg12[%run_scoped3A_330, %dma_start3A_375] : memref<3x80xi32, #tpu.memory_space<vmem>> -> memref<1x80xi32, #tpu.memory_space<vmem>>
      %dma_start3A_377 = tpu.memref_squeeze %dma_start3A_376 : memref<1x80xi32, #tpu.memory_space<vmem>> -> memref<80xi32, #tpu.memory_space<vmem>>
      %dma_start3A_378 = arith.constant 0 : i32
      %dma_start3A_379 = arith.constant 0 : i32
      %dma_start3A_380 = tpu.memref_slice %arg11[%dma_start3A_378, %dma_start3A_379] : memref<10000x16xf32, #tpu.memory_space<vmem_shared>> -> memref<10000x16xf32, #tpu.memory_space<vmem_shared>>
      tpu.enqueue_indirect_dma source(%dma_start3A_380 : memref<10000x16xf32, #tpu.memory_space<vmem_shared>>) target(%arg20 : memref<80x16xf32, #tpu.memory_space<vmem>>) offsets(%dma_start3A_377 : memref<80xi32, #tpu.memory_space<vmem>>) semaphore(%run_scoped3A_374 : memref<!tpu.dma_semaphore, #tpu.memory_space<semaphore_mem>>)
      %dma_wait3A_381 = arith.constant 0 : i32
      %dma_wait3A_382 = tpu.memref_slice %arg12[%run_scoped3A_330, %dma_wait3A_381] : memref<3x80xi32, #tpu.memory_space<vmem>> -> memref<1x80xi32, #tpu.memory_space<vmem>>
      %dma_wait3A_383 = tpu.memref_squeeze %dma_wait3A_382 : memref<1x80xi32, #tpu.memory_space<vmem>> -> memref<80xi32, #tpu.memory_space<vmem>>
      %dma_wait3A_384 = arith.constant 0 : i32
      %dma_wait3A_385 = arith.constant 0 : i32
      %dma_wait3A_386 = tpu.memref_slice %arg11[%dma_wait3A_384, %dma_wait3A_385] : memref<10000x16xf32, #tpu.memory_space<vmem_shared>> -> memref<10000x16xf32, #tpu.memory_space<vmem_shared>>
      tpu.wait_indirect_dma semaphore(%run_scoped3A_374 : memref<!tpu.dma_semaphore, #tpu.memory_space<semaphore_mem>>) src(%dma_wait3A_386 : memref<10000x16xf32, #tpu.memory_space<vmem_shared>>) dst(%arg20 : memref<80x16xf32, #tpu.memory_space<vmem>>)
      tpu.yield
    }) : () -> ()
    %scan3A_331 = arith.constant 0 : i32
    %scan3A_332 = arith.constant 80 : i32
    %scan3A_333 = arith.addi %scan3A_331, %scan3A_332 : i32
    %scan3A_334 = arith.constant 1 : i32
    scf.for %scan3A_374 = %scan3A_331 to %scan3A_333 step %scan3A_334  : i32 {
      %mul3A_375 = arith.constant 1 : i32
      %mul3A_376 = arith.muli %scan3A_374, %mul3A_375 : i32
      %add3A_377 = arith.constant 0 : i32
      %add3A_378 = arith.addi %add3A_377, %mul3A_376 : i32
      %get3A = arith.index_cast %add3A_378 : i32 to index
      %get3A_379 = arith.constant 0 : index
      %get3A_380 = tpu.vector_load %arg20[%get3A, %get3A_379] {strides = array<i32>} : memref<80x16xf32, #tpu.memory_space<vmem>>, vector<1x16xf32>,
      %get3A_381 = vector.shape_cast %get3A_380 : vector<1x16xf32> to vector<16xf32>
      %max3A = arith.constant 9.99999971E-10 : f32
      %max3A_382 = vector.broadcast %max3A : f32 to vector<16xf32>
      %max3A_383 = arith.maximumf %get3A_381, %max3A_382 : vector<16xf32>
      %get3A_384 = arith.index_cast %add3A_378 : i32 to index
      %get3A_385 = arith.constant 0 : index
      %get3A_386 = tpu.vector_load %arg14[%get3A_384, %get3A_385] {strides = array<i32>} : memref<80x128xf32, #tpu.memory_space<vmem>>, vector<1x16xf32>,
      %get3A_387 = vector.shape_cast %get3A_386 : vector<1x16xf32> to vector<16xf32>
      %slice3A = vector.extract_strided_slice %max3A_383 {offsets = [0], sizes = [1], strides = [1]} : vector<16xf32> to vector<1xf32>
      %squeeze3A = vector.extract %slice3A[0] : f32 from vector<1xf32>
      %div3A = vector.broadcast %squeeze3A : f32 to vector<16xf32>
      %div3A_388 = arith.divf %get3A_387, %div3A : vector<16xf32>
      %get3A_389 = arith.constant 0 : index
      %get3A_390 = tpu.vector_load %arg22[%get3A_389] {strides = array<i32>} : memref<128xf32, #tpu.memory_space<vmem>>, vector<16xf32>,
      %get3A_391 = vector.shape_cast %get3A_390 : vector<16xf32> to vector<16xf32>
      %add3A_392 = arith.addf %div3A_388, %get3A_391 : vector<16xf32>
      %gt3A = arith.constant 0.000000e+00 : f32
      %gt3A_393 = vector.broadcast %gt3A : f32 to vector<16xf32>
      %gt3A_394 = arith.cmpf ogt, %add3A_392, %gt3A_393 : vector<16xf32>
      %exp3A = math.exp %add3A_392 : vector<16xf32>
      %sub3A = arith.constant 1.000000e+00 : f32
      %sub3A_395 = vector.broadcast %sub3A : f32 to vector<16xf32>
      %sub3A_396 = arith.subf %exp3A, %sub3A_395 : vector<16xf32>
      %select_n3A = arith.select %gt3A_394, %add3A_392, %sub3A_396 : vector<16xi1>, vector<16xf32>
      %swap3A = arith.index_cast %add3A_378 : i32 to index
      %swap3A_397 = arith.constant 0 : index
      %swap3A_398 = tpu.vector_load %arg14[%swap3A, %swap3A_397] {strides = array<i32>} : memref<80x128xf32, #tpu.memory_space<vmem>>, vector<1x16xf32>,
      %swap3A_399 = vector.shape_cast %swap3A_398 : vector<1x16xf32> to vector<16xf32>
      %swap3A_400 = vector.shape_cast %select_n3A : vector<16xf32> to vector<1x16xf32>
      tpu.vector_store %arg14[%swap3A, %swap3A_397], %swap3A_400 {strides = array<i32>} : memref<80x128xf32, #tpu.memory_space<vmem>>, vector<1x16xf32>,
      %get3A_401 = arith.index_cast %add3A_378 : i32 to index
      %get3A_402 = arith.constant 16 : index
      %get3A_403 = tpu.vector_load %arg14[%get3A_401, %get3A_402] {strides = array<i32>} : memref<80x128xf32, #tpu.memory_space<vmem>>, vector<1x16xf32>,
      %get3A_404 = vector.shape_cast %get3A_403 : vector<1x16xf32> to vector<16xf32>
      %slice3A_405 = vector.extract_strided_slice %max3A_383 {offsets = [1], sizes = [1], strides = [1]} : vector<16xf32> to vector<1xf32>
      %squeeze3A_406 = vector.extract %slice3A_405[0] : f32 from vector<1xf32>
      %div3A_407 = vector.broadcast %squeeze3A_406 : f32 to vector<16xf32>
      %div3A_408 = arith.divf %get3A_404, %div3A_407 : vector<16xf32>
      %get3A_409 = arith.constant 16 : index
      %get3A_410 = tpu.vector_load %arg22[%get3A_409] {strides = array<i32>} : memref<128xf32, #tpu.memory_space<vmem>>, vector<16xf32>,
      %get3A_411 = vector.shape_cast %get3A_410 : vector<16xf32> to vector<16xf32>
      %add3A_412 = arith.addf %div3A_408, %get3A_411 : vector<16xf32>
      %gt3A_413 = arith.constant 0.000000e+00 : f32
      %gt3A_414 = vector.broadcast %gt3A_413 : f32 to vector<16xf32>
      %gt3A_415 = arith.cmpf ogt, %add3A_412, %gt3A_414 : vector<16xf32>
      %exp3A_416 = math.exp %add3A_412 : vector<16xf32>
      %sub3A_417 = arith.constant 1.000000e+00 : f32
      %sub3A_418 = vector.broadcast %sub3A_417 : f32 to vector<16xf32>
      %sub3A_419 = arith.subf %exp3A_416, %sub3A_418 : vector<16xf32>
      %select_n3A_420 = arith.select %gt3A_415, %add3A_412, %sub3A_419 : vector<16xi1>, vector<16xf32>
      %swap3A_421 = arith.index_cast %add3A_378 : i32 to index
      %swap3A_422 = arith.constant 16 : index
      %swap3A_423 = tpu.vector_load %arg14[%swap3A_421, %swap3A_422] {strides = array<i32>} : memref<80x128xf32, #tpu.memory_space<vmem>>, vector<1x16xf32>,
      %swap3A_424 = vector.shape_cast %swap3A_423 : vector<1x16xf32> to vector<16xf32>
      %swap3A_425 = vector.shape_cast %select_n3A_420 : vector<16xf32> to vector<1x16xf32>
      tpu.vector_store %arg14[%swap3A_421, %swap3A_422], %swap3A_425 {strides = array<i32>} : memref<80x128xf32, #tpu.memory_space<vmem>>, vector<1x16xf32>,
      %get3A_426 = arith.index_cast %add3A_378 : i32 to index
      %get3A_427 = arith.constant 32 : index
      %get3A_428 = tpu.vector_load %arg14[%get3A_426, %get3A_427] {strides = array<i32>} : memref<80x128xf32, #tpu.memory_space<vmem>>, vector<1x16xf32>,
      %get3A_429 = vector.shape_cast %get3A_428 : vector<1x16xf32> to vector<16xf32>
      %slice3A_430 = vector.extract_strided_slice %max3A_383 {offsets = [2], sizes = [1], strides = [1]} : vector<16xf32> to vector<1xf32>
      %squeeze3A_431 = vector.extract %slice3A_430[0] : f32 from vector<1xf32>
      %div3A_432 = vector.broadcast %squeeze3A_431 : f32 to vector<16xf32>
      %div3A_433 = arith.divf %get3A_429, %div3A_432 : vector<16xf32>
      %get3A_434 = arith.constant 32 : index
      %get3A_435 = tpu.vector_load %arg22[%get3A_434] {strides = array<i32>} : memref<128xf32, #tpu.memory_space<vmem>>, vector<16xf32>,
      %get3A_436 = vector.shape_cast %get3A_435 : vector<16xf32> to vector<16xf32>
      %add3A_437 = arith.addf %div3A_433, %get3A_436 : vector<16xf32>
      %gt3A_438 = arith.constant 0.000000e+00 : f32
      %gt3A_439 = vector.broadcast %gt3A_438 : f32 to vector<16xf32>
      %gt3A_440 = arith.cmpf ogt, %add3A_437, %gt3A_439 : vector<16xf32>
      %exp3A_441 = math.exp %add3A_437 : vector<16xf32>
      %sub3A_442 = arith.constant 1.000000e+00 : f32
      %sub3A_443 = vector.broadcast %sub3A_442 : f32 to vector<16xf32>
      %sub3A_444 = arith.subf %exp3A_441, %sub3A_443 : vector<16xf32>
      %select_n3A_445 = arith.select %gt3A_440, %add3A_437, %sub3A_444 : vector<16xi1>, vector<16xf32>
      %swap3A_446 = arith.index_cast %add3A_378 : i32 to index
      %swap3A_447 = arith.constant 32 : index
      %swap3A_448 = tpu.vector_load %arg14[%swap3A_446, %swap3A_447] {strides = array<i32>} : memref<80x128xf32, #tpu.memory_space<vmem>>, vector<1x16xf32>,
      %swap3A_449 = vector.shape_cast %swap3A_448 : vector<1x16xf32> to vector<16xf32>
      %swap3A_450 = vector.shape_cast %select_n3A_445 : vector<16xf32> to vector<1x16xf32>
      tpu.vector_store %arg14[%swap3A_446, %swap3A_447], %swap3A_450 {strides = array<i32>} : memref<80x128xf32, #tpu.memory_space<vmem>>, vector<1x16xf32>,
      %get3A_451 = arith.index_cast %add3A_378 : i32 to index
      %get3A_452 = arith.constant 48 : index
      %get3A_453 = tpu.vector_load %arg14[%get3A_451, %get3A_452] {strides = array<i32>} : memref<80x128xf32, #tpu.memory_space<vmem>>, vector<1x16xf32>,
      %get3A_454 = vector.shape_cast %get3A_453 : vector<1x16xf32> to vector<16xf32>
      %slice3A_455 = vector.extract_strided_slice %max3A_383 {offsets = [3], sizes = [1], strides = [1]} : vector<16xf32> to vector<1xf32>
      %squeeze3A_456 = vector.extract %slice3A_455[0] : f32 from vector<1xf32>
      %div3A_457 = vector.broadcast %squeeze3A_456 : f32 to vector<16xf32>
      %div3A_458 = arith.divf %get3A_454, %div3A_457 : vector<16xf32>
      %get3A_459 = arith.constant 48 : index
      %get3A_460 = tpu.vector_load %arg22[%get3A_459] {strides = array<i32>} : memref<128xf32, #tpu.memory_space<vmem>>, vector<16xf32>,
      %get3A_461 = vector.shape_cast %get3A_460 : vector<16xf32> to vector<16xf32>
      %add3A_462 = arith.addf %div3A_458, %get3A_461 : vector<16xf32>
      %gt3A_463 = arith.constant 0.000000e+00 : f32
      %gt3A_464 = vector.broadcast %gt3A_463 : f32 to vector<16xf32>
      %gt3A_465 = arith.cmpf ogt, %add3A_462, %gt3A_464 : vector<16xf32>
      %exp3A_466 = math.exp %add3A_462 : vector<16xf32>
      %sub3A_467 = arith.constant 1.000000e+00 : f32
      %sub3A_468 = vector.broadcast %sub3A_467 : f32 to vector<16xf32>
      %sub3A_469 = arith.subf %exp3A_466, %sub3A_468 : vector<16xf32>
      %select_n3A_470 = arith.select %gt3A_465, %add3A_462, %sub3A_469 : vector<16xi1>, vector<16xf32>
      %swap3A_471 = arith.index_cast %add3A_378 : i32 to index
      %swap3A_472 = arith.constant 48 : index
      %swap3A_473 = tpu.vector_load %arg14[%swap3A_471, %swap3A_472] {strides = array<i32>} : memref<80x128xf32, #tpu.memory_space<vmem>>, vector<1x16xf32>,
      %swap3A_474 = vector.shape_cast %swap3A_473 : vector<1x16xf32> to vector<16xf32>
      %swap3A_475 = vector.shape_cast %select_n3A_470 : vector<16xf32> to vector<1x16xf32>
      tpu.vector_store %arg14[%swap3A_471, %swap3A_472], %swap3A_475 {strides = array<i32>} : memref<80x128xf32, #tpu.memory_space<vmem>>, vector<1x16xf32>,
      %get3A_476 = arith.index_cast %add3A_378 : i32 to index
      %get3A_477 = arith.constant 64 : index
      %get3A_478 = tpu.vector_load %arg14[%get3A_476, %get3A_477] {strides = array<i32>} : memref<80x128xf32, #tpu.memory_space<vmem>>, vector<1x16xf32>,
      %get3A_479 = vector.shape_cast %get3A_478 : vector<1x16xf32> to vector<16xf32>
      %slice3A_480 = vector.extract_strided_slice %max3A_383 {offsets = [4], sizes = [1], strides = [1]} : vector<16xf32> to vector<1xf32>
      %squeeze3A_481 = vector.extract %slice3A_480[0] : f32 from vector<1xf32>
      %div3A_482 = vector.broadcast %squeeze3A_481 : f32 to vector<16xf32>
      %div3A_483 = arith.divf %get3A_479, %div3A_482 : vector<16xf32>
      %get3A_484 = arith.constant 64 : index
      %get3A_485 = tpu.vector_load %arg22[%get3A_484] {strides = array<i32>} : memref<128xf32, #tpu.memory_space<vmem>>, vector<16xf32>,
      %get3A_486 = vector.shape_cast %get3A_485 : vector<16xf32> to vector<16xf32>
      %add3A_487 = arith.addf %div3A_483, %get3A_486 : vector<16xf32>
      %gt3A_488 = arith.constant 0.000000e+00 : f32
      %gt3A_489 = vector.broadcast %gt3A_488 : f32 to vector<16xf32>
      %gt3A_490 = arith.cmpf ogt, %add3A_487, %gt3A_489 : vector<16xf32>
      %exp3A_491 = math.exp %add3A_487 : vector<16xf32>
      %sub3A_492 = arith.constant 1.000000e+00 : f32
      %sub3A_493 = vector.broadcast %sub3A_492 : f32 to vector<16xf32>
      %sub3A_494 = arith.subf %exp3A_491, %sub3A_493 : vector<16xf32>
      %select_n3A_495 = arith.select %gt3A_490, %add3A_487, %sub3A_494 : vector<16xi1>, vector<16xf32>
      %swap3A_496 = arith.index_cast %add3A_378 : i32 to index
      %swap3A_497 = arith.constant 64 : index
      %swap3A_498 = tpu.vector_load %arg14[%swap3A_496, %swap3A_497] {strides = array<i32>} : memref<80x128xf32, #tpu.memory_space<vmem>>, vector<1x16xf32>,
      %swap3A_499 = vector.shape_cast %swap3A_498 : vector<1x16xf32> to vector<16xf32>
      %swap3A_500 = vector.shape_cast %select_n3A_495 : vector<16xf32> to vector<1x16xf32>
      tpu.vector_store %arg14[%swap3A_496, %swap3A_497], %swap3A_500 {strides = array<i32>} : memref<80x128xf32, #tpu.memory_space<vmem>>, vector<1x16xf32>,
      %get3A_501 = arith.index_cast %add3A_378 : i32 to index
      %get3A_502 = arith.constant 80 : index
      %get3A_503 = tpu.vector_load %arg14[%get3A_501, %get3A_502] {strides = array<i32>} : memref<80x128xf32, #tpu.memory_space<vmem>>, vector<1x16xf32>,
      %get3A_504 = vector.shape_cast %get3A_503 : vector<1x16xf32> to vector<16xf32>
      %slice3A_505 = vector.extract_strided_slice %max3A_383 {offsets = [5], sizes = [1], strides = [1]} : vector<16xf32> to vector<1xf32>
      %squeeze3A_506 = vector.extract %slice3A_505[0] : f32 from vector<1xf32>
      %div3A_507 = vector.broadcast %squeeze3A_506 : f32 to vector<16xf32>
      %div3A_508 = arith.divf %get3A_504, %div3A_507 : vector<16xf32>
      %get3A_509 = arith.constant 80 : index
      %get3A_510 = tpu.vector_load %arg22[%get3A_509] {strides = array<i32>} : memref<128xf32, #tpu.memory_space<vmem>>, vector<16xf32>,
      %get3A_511 = vector.shape_cast %get3A_510 : vector<16xf32> to vector<16xf32>
      %add3A_512 = arith.addf %div3A_508, %get3A_511 : vector<16xf32>
      %gt3A_513 = arith.constant 0.000000e+00 : f32
      %gt3A_514 = vector.broadcast %gt3A_513 : f32 to vector<16xf32>
      %gt3A_515 = arith.cmpf ogt, %add3A_512, %gt3A_514 : vector<16xf32>
      %exp3A_516 = math.exp %add3A_512 : vector<16xf32>
      %sub3A_517 = arith.constant 1.000000e+00 : f32
      %sub3A_518 = vector.broadcast %sub3A_517 : f32 to vector<16xf32>
      %sub3A_519 = arith.subf %exp3A_516, %sub3A_518 : vector<16xf32>
      %select_n3A_520 = arith.select %gt3A_515, %add3A_512, %sub3A_519 : vector<16xi1>, vector<16xf32>
      %swap3A_521 = arith.index_cast %add3A_378 : i32 to index
      %swap3A_522 = arith.constant 80 : index
      %swap3A_523 = tpu.vector_load %arg14[%swap3A_521, %swap3A_522] {strides = array<i32>} : memref<80x128xf32, #tpu.memory_space<vmem>>, vector<1x16xf32>,
      %swap3A_524 = vector.shape_cast %swap3A_523 : vector<1x16xf32> to vector<16xf32>
      %swap3A_525 = vector.shape_cast %select_n3A_520 : vector<16xf32> to vector<1x16xf32>
      tpu.vector_store %arg14[%swap3A_521, %swap3A_522], %swap3A_525 {strides = array<i32>} : memref<80x128xf32, #tpu.memory_space<vmem>>, vector<1x16xf32>,
      %get3A_526 = arith.index_cast %add3A_378 : i32 to index
      %get3A_527 = arith.constant 96 : index
      %get3A_528 = tpu.vector_load %arg14[%get3A_526, %get3A_527] {strides = array<i32>} : memref<80x128xf32, #tpu.memory_space<vmem>>, vector<1x16xf32>,
      %get3A_529 = vector.shape_cast %get3A_528 : vector<1x16xf32> to vector<16xf32>
      %slice3A_530 = vector.extract_strided_slice %max3A_383 {offsets = [6], sizes = [1], strides = [1]} : vector<16xf32> to vector<1xf32>
      %squeeze3A_531 = vector.extract %slice3A_530[0] : f32 from vector<1xf32>
      %div3A_532 = vector.broadcast %squeeze3A_531 : f32 to vector<16xf32>
      %div3A_533 = arith.divf %get3A_529, %div3A_532 : vector<16xf32>
      %get3A_534 = arith.constant 96 : index
      %get3A_535 = tpu.vector_load %arg22[%get3A_534] {strides = array<i32>} : memref<128xf32, #tpu.memory_space<vmem>>, vector<16xf32>,
      %get3A_536 = vector.shape_cast %get3A_535 : vector<16xf32> to vector<16xf32>
      %add3A_537 = arith.addf %div3A_533, %get3A_536 : vector<16xf32>
      %gt3A_538 = arith.constant 0.000000e+00 : f32
      %gt3A_539 = vector.broadcast %gt3A_538 : f32 to vector<16xf32>
      %gt3A_540 = arith.cmpf ogt, %add3A_537, %gt3A_539 : vector<16xf32>
      %exp3A_541 = math.exp %add3A_537 : vector<16xf32>
      %sub3A_542 = arith.constant 1.000000e+00 : f32
      %sub3A_543 = vector.broadcast %sub3A_542 : f32 to vector<16xf32>
      %sub3A_544 = arith.subf %exp3A_541, %sub3A_543 : vector<16xf32>
      %select_n3A_545 = arith.select %gt3A_540, %add3A_537, %sub3A_544 : vector<16xi1>, vector<16xf32>
      %swap3A_546 = arith.index_cast %add3A_378 : i32 to index
      %swap3A_547 = arith.constant 96 : index
      %swap3A_548 = tpu.vector_load %arg14[%swap3A_546, %swap3A_547] {strides = array<i32>} : memref<80x128xf32, #tpu.memory_space<vmem>>, vector<1x16xf32>,
      %swap3A_549 = vector.shape_cast %swap3A_548 : vector<1x16xf32> to vector<16xf32>
      %swap3A_550 = vector.shape_cast %select_n3A_545 : vector<16xf32> to vector<1x16xf32>
      tpu.vector_store %arg14[%swap3A_546, %swap3A_547], %swap3A_550 {strides = array<i32>} : memref<80x128xf32, #tpu.memory_space<vmem>>, vector<1x16xf32>,
      %get3A_551 = arith.index_cast %add3A_378 : i32 to index
      %get3A_552 = arith.constant 112 : index
      %get3A_553 = tpu.vector_load %arg14[%get3A_551, %get3A_552] {strides = array<i32>} : memref<80x128xf32, #tpu.memory_space<vmem>>, vector<1x16xf32>,
      %get3A_554 = vector.shape_cast %get3A_553 : vector<1x16xf32> to vector<16xf32>
      %slice3A_555 = vector.extract_strided_slice %max3A_383 {offsets = [7], sizes = [1], strides = [1]} : vector<16xf32> to vector<1xf32>
      %squeeze3A_556 = vector.extract %slice3A_555[0] : f32 from vector<1xf32>
      %div3A_557 = vector.broadcast %squeeze3A_556 : f32 to vector<16xf32>
      %div3A_558 = arith.divf %get3A_554, %div3A_557 : vector<16xf32>
      %get3A_559 = arith.constant 112 : index
      %get3A_560 = tpu.vector_load %arg22[%get3A_559] {strides = array<i32>} : memref<128xf32, #tpu.memory_space<vmem>>, vector<16xf32>,
      %get3A_561 = vector.shape_cast %get3A_560 : vector<16xf32> to vector<16xf32>
      %add3A_562 = arith.addf %div3A_558, %get3A_561 : vector<16xf32>
      %gt3A_563 = arith.constant 0.000000e+00 : f32
      %gt3A_564 = vector.broadcast %gt3A_563 : f32 to vector<16xf32>
      %gt3A_565 = arith.cmpf ogt, %add3A_562, %gt3A_564 : vector<16xf32>
      %exp3A_566 = math.exp %add3A_562 : vector<16xf32>
      %sub3A_567 = arith.constant 1.000000e+00 : f32
      %sub3A_568 = vector.broadcast %sub3A_567 : f32 to vector<16xf32>
      %sub3A_569 = arith.subf %exp3A_566, %sub3A_568 : vector<16xf32>
      %select_n3A_570 = arith.select %gt3A_565, %add3A_562, %sub3A_569 : vector<16xi1>, vector<16xf32>
      %swap3A_571 = arith.index_cast %add3A_378 : i32 to index
      %swap3A_572 = arith.constant 112 : index
      %swap3A_573 = tpu.vector_load %arg14[%swap3A_571, %swap3A_572] {strides = array<i32>} : memref<80x128xf32, #tpu.memory_space<vmem>>, vector<1x16xf32>,
      %swap3A_574 = vector.shape_cast %swap3A_573 : vector<1x16xf32> to vector<16xf32>
      %swap3A_575 = vector.shape_cast %select_n3A_570 : vector<16xf32> to vector<1x16xf32>
      tpu.vector_store %arg14[%swap3A_571, %swap3A_572], %swap3A_575 {strides = array<i32>} : memref<80x128xf32, #tpu.memory_space<vmem>>, vector<1x16xf32>,
    }
    %scan3A_335 = arith.constant 80 : i32
    %add3A_336 = arith.constant 0 : i32
    %add3A_337 = arith.addi %mul3A_322, %add3A_336 : i32
    "tpu.region"() ({
      %run_scoped3A_374 = tpu.sem_alloc : memref<!tpu.dma_semaphore, #tpu.memory_space<semaphore_mem>>
      %dma_start3A_375 = arith.constant 0 : i32
      %dma_start3A_376 = tpu.memref_slice %arg9[%arg0, %add3A_337, %dma_start3A_375] : memref<2x5120x128xf32, #tpu.memory_space<hbm>> -> memref<1x80x128xf32, #tpu.memory_space<hbm>>
      %dma_start3A_377 = tpu.memref_squeeze %dma_start3A_376 : memref<1x80x128xf32, #tpu.memory_space<hbm>> -> memref<80x128xf32, #tpu.memory_space<hbm>>
      %dma_start3A_378 = arith.constant 0 : i32
      %dma_start3A_379 = tpu.memref_slice %arg9[%arg0, %add3A_337, %dma_start3A_378] : memref<2x5120x128xf32, #tpu.memory_space<hbm>> -> memref<1x80x128xf32, #tpu.memory_space<hbm>>
      %dma_start3A_380 = tpu.memref_squeeze %dma_start3A_379 : memref<1x80x128xf32, #tpu.memory_space<hbm>> -> memref<80x128xf32, #tpu.memory_space<hbm>>
      tpu.enqueue_dma source(%arg14 : memref<80x128xf32, #tpu.memory_space<vmem>>) target(%dma_start3A_380 : memref<80x128xf32, #tpu.memory_space<hbm>>) target_semaphore(%run_scoped3A_374 : memref<!tpu.dma_semaphore, #tpu.memory_space<semaphore_mem>>)
      %dma_wait3A_381 = arith.constant 0 : i32
      %dma_wait3A_382 = tpu.memref_slice %arg9[%arg0, %add3A_337, %dma_wait3A_381] : memref<2x5120x128xf32, #tpu.memory_space<hbm>> -> memref<1x80x128xf32, #tpu.memory_space<hbm>>
      %dma_wait3A_383 = tpu.memref_squeeze %dma_wait3A_382 : memref<1x80x128xf32, #tpu.memory_space<hbm>> -> memref<80x128xf32, #tpu.memory_space<hbm>>
      %dma_wait3A_384 = arith.constant 0 : i32
      %dma_wait3A_385 = tpu.memref_slice %arg9[%arg0, %add3A_337, %dma_wait3A_384] : memref<2x5120x128xf32, #tpu.memory_space<hbm>> -> memref<1x80x128xf32, #tpu.memory_space<hbm>>
      %dma_wait3A_386 = tpu.memref_squeeze %dma_wait3A_385 : memref<1x80x128xf32, #tpu.memory_space<hbm>> -> memref<80x128xf32, #tpu.memory_space<hbm>>
      tpu.wait_dma2 semaphore(%run_scoped3A_374 : memref<!tpu.dma_semaphore, #tpu.memory_space<semaphore_mem>>) src(%arg14 : memref<80x128xf32, #tpu.memory_space<vmem>>) dst(%dma_wait3A_386 : memref<80x128xf32, #tpu.memory_space<hbm>>)
      tpu.yield
    }) : () -> ()
    %add3A_338 = arith.constant 80 : i32
    %add3A_339 = arith.addi %add3A_325, %add3A_338 : i32
    %run_scoped3A_340 = arith.constant 0 : i32
    "tpu.region"() ({
      %run_scoped3A_374 = tpu.sem_alloc : memref<!tpu.dma_semaphore, #tpu.memory_space<semaphore_mem>>
      %dma_start3A_375 = arith.constant 0 : i32
      %dma_start3A_376 = tpu.memref_slice %arg12[%run_scoped3A_340, %dma_start3A_375] : memref<3x80xi32, #tpu.memory_space<vmem>> -> memref<1x80xi32, #tpu.memory_space<vmem>>
      %dma_start3A_377 = tpu.memref_squeeze %dma_start3A_376 : memref<1x80xi32, #tpu.memory_space<vmem>> -> memref<80xi32, #tpu.memory_space<vmem>>
      %dma_start3A_378 = tpu.memref_slice %arg6[%add3A_339] : memref<10240xi32, #tpu.memory_space<hbm>> -> memref<80xi32, #tpu.memory_space<hbm>>
      %dma_start3A_379 = arith.constant 0 : i32
      %dma_start3A_380 = tpu.memref_slice %arg12[%run_scoped3A_340, %dma_start3A_379] : memref<3x80xi32, #tpu.memory_space<vmem>> -> memref<1x80xi32, #tpu.memory_space<vmem>>
      %dma_start3A_381 = tpu.memref_squeeze %dma_start3A_380 : memref<1x80xi32, #tpu.memory_space<vmem>> -> memref<80xi32, #tpu.memory_space<vmem>>
      %dma_start3A_382 = tpu.memref_slice %arg6[%add3A_339] : memref<10240xi32, #tpu.memory_space<hbm>> -> memref<80xi32, #tpu.memory_space<hbm>>
      tpu.enqueue_dma source(%dma_start3A_382 : memref<80xi32, #tpu.memory_space<hbm>>) target(%dma_start3A_381 : memref<80xi32, #tpu.memory_space<vmem>>) target_semaphore(%run_scoped3A_374 : memref<!tpu.dma_semaphore, #tpu.memory_space<semaphore_mem>>)
      %dma_wait3A_383 = arith.constant 0 : i32
      %dma_wait3A_384 = tpu.memref_slice %arg12[%run_scoped3A_340, %dma_wait3A_383] : memref<3x80xi32, #tpu.memory_space<vmem>> -> memref<1x80xi32, #tpu.memory_space<vmem>>
      %dma_wait3A_385 = tpu.memref_squeeze %dma_wait3A_384 : memref<1x80xi32, #tpu.memory_space<vmem>> -> memref<80xi32, #tpu.memory_space<vmem>>
      %dma_wait3A_386 = tpu.memref_slice %arg6[%add3A_339] : memref<10240xi32, #tpu.memory_space<hbm>> -> memref<80xi32, #tpu.memory_space<hbm>>
      %dma_wait3A_387 = arith.constant 0 : i32
      %dma_wait3A_388 = tpu.memref_slice %arg12[%run_scoped3A_340, %dma_wait3A_387] : memref<3x80xi32, #tpu.memory_space<vmem>> -> memref<1x80xi32, #tpu.memory_space<vmem>>
      %dma_wait3A_389 = tpu.memref_squeeze %dma_wait3A_388 : memref<1x80xi32, #tpu.memory_space<vmem>> -> memref<80xi32, #tpu.memory_space<vmem>>
      %dma_wait3A_390 = tpu.memref_slice %arg6[%add3A_339] : memref<10240xi32, #tpu.memory_space<hbm>> -> memref<80xi32, #tpu.memory_space<hbm>>
      tpu.wait_dma2 semaphore(%run_scoped3A_374 : memref<!tpu.dma_semaphore, #tpu.memory_space<semaphore_mem>>) src(%dma_wait3A_390 : memref<80xi32, #tpu.memory_space<hbm>>) dst(%dma_wait3A_389 : memref<80xi32, #tpu.memory_space<vmem>>)
      tpu.yield
    }) : () -> ()
    %run_scoped3A_341 = arith.constant 0 : i32
    "tpu.region"() ({
      %run_scoped3A_374 = tpu.sem_alloc : memref<!tpu.dma_semaphore, #tpu.memory_space<semaphore_mem>>
      %dma_start3A_375 = arith.constant 0 : i32
      %dma_start3A_376 = tpu.memref_slice %arg12[%run_scoped3A_341, %dma_start3A_375] : memref<3x80xi32, #tpu.memory_space<vmem>> -> memref<1x80xi32, #tpu.memory_space<vmem>>
      %dma_start3A_377 = tpu.memref_squeeze %dma_start3A_376 : memref<1x80xi32, #tpu.memory_space<vmem>> -> memref<80xi32, #tpu.memory_space<vmem>>
      %dma_start3A_378 = arith.constant 0 : i32
      %dma_start3A_379 = arith.constant 0 : i32
      %dma_start3A_380 = tpu.memref_slice %arg10[%dma_start3A_378, %dma_start3A_379] : memref<10000x128xf32, #tpu.memory_space<vmem_shared>> -> memref<10000x128xf32, #tpu.memory_space<vmem_shared>>
      tpu.enqueue_indirect_dma source(%dma_start3A_380 : memref<10000x128xf32, #tpu.memory_space<vmem_shared>>) target(%arg14 : memref<80x128xf32, #tpu.memory_space<vmem>>) offsets(%dma_start3A_377 : memref<80xi32, #tpu.memory_space<vmem>>) semaphore(%run_scoped3A_374 : memref<!tpu.dma_semaphore, #tpu.memory_space<semaphore_mem>>)
      %dma_wait3A_381 = arith.constant 0 : i32
      %dma_wait3A_382 = tpu.memref_slice %arg12[%run_scoped3A_341, %dma_wait3A_381] : memref<3x80xi32, #tpu.memory_space<vmem>> -> memref<1x80xi32, #tpu.memory_space<vmem>>
      %dma_wait3A_383 = tpu.memref_squeeze %dma_wait3A_382 : memref<1x80xi32, #tpu.memory_space<vmem>> -> memref<80xi32, #tpu.memory_space<vmem>>
      %dma_wait3A_384 = arith.constant 0 : i32
      %dma_wait3A_385 = arith.constant 0 : i32
      %dma_wait3A_386 = tpu.memref_slice %arg10[%dma_wait3A_384, %dma_wait3A_385] : memref<10000x128xf32, #tpu.memory_space<vmem_shared>> -> memref<10000x128xf32, #tpu.memory_space<vmem_shared>>
      tpu.wait_indirect_dma semaphore(%run_scoped3A_374 : memref<!tpu.dma_semaphore, #tpu.memory_space<semaphore_mem>>) src(%dma_wait3A_386 : memref<10000x128xf32, #tpu.memory_space<vmem_shared>>) dst(%arg14 : memref<80x128xf32, #tpu.memory_space<vmem>>)
      tpu.yield
    }) : () -> ()
    %run_scoped3A_342 = arith.constant 0 : i32
    "tpu.region"() ({
      %run_scoped3A_374 = tpu.sem_alloc : memref<!tpu.dma_semaphore, #tpu.memory_space<semaphore_mem>>
      %dma_start3A_375 = arith.constant 0 : i32
      %dma_start3A_376 = tpu.memref_slice %arg12[%run_scoped3A_342, %dma_start3A_375] : memref<3x80xi32, #tpu.memory_space<vmem>> -> memref<1x80xi32, #tpu.memory_space<vmem>>
      %dma_start3A_377 = tpu.memref_squeeze %dma_start3A_376 : memref<1x80xi32, #tpu.memory_space<vmem>> -> memref<80xi32, #tpu.memory_space<vmem>>
      %dma_start3A_378 = arith.constant 0 : i32
      %dma_start3A_379 = arith.constant 0 : i32
      %dma_start3A_380 = tpu.memref_slice %arg11[%dma_start3A_378, %dma_start3A_379] : memref<10000x16xf32, #tpu.memory_space<vmem_shared>> -> memref<10000x16xf32, #tpu.memory_space<vmem_shared>>
      tpu.enqueue_indirect_dma source(%dma_start3A_380 : memref<10000x16xf32, #tpu.memory_space<vmem_shared>>) target(%arg20 : memref<80x16xf32, #tpu.memory_space<vmem>>) offsets(%dma_start3A_377 : memref<80xi32, #tpu.memory_space<vmem>>) semaphore(%run_scoped3A_374 : memref<!tpu.dma_semaphore, #tpu.memory_space<semaphore_mem>>)
      %dma_wait3A_381 = arith.constant 0 : i32
      %dma_wait3A_382 = tpu.memref_slice %arg12[%run_scoped3A_342, %dma_wait3A_381] : memref<3x80xi32, #tpu.memory_space<vmem>> -> memref<1x80xi32, #tpu.memory_space<vmem>>
      %dma_wait3A_383 = tpu.memref_squeeze %dma_wait3A_382 : memref<1x80xi32, #tpu.memory_space<vmem>> -> memref<80xi32, #tpu.memory_space<vmem>>
      %dma_wait3A_384 = arith.constant 0 : i32
      %dma_wait3A_385 = arith.constant 0 : i32
      %dma_wait3A_386 = tpu.memref_slice %arg11[%dma_wait3A_384, %dma_wait3A_385] : memref<10000x16xf32, #tpu.memory_space<vmem_shared>> -> memref<10000x16xf32, #tpu.memory_space<vmem_shared>>
      tpu.wait_indirect_dma semaphore(%run_scoped3A_374 : memref<!tpu.dma_semaphore, #tpu.memory_space<semaphore_mem>>) src(%dma_wait3A_386 : memref<10000x16xf32, #tpu.memory_space<vmem_shared>>) dst(%arg20 : memref<80x16xf32, #tpu.memory_space<vmem>>)
      tpu.yield
    }) : () -> ()
    %scan3A_343 = arith.constant 0 : i32
    %scan3A_344 = arith.constant 80 : i32
    %scan3A_345 = arith.addi %scan3A_343, %scan3A_344 : i32
    %scan3A_346 = arith.constant 1 : i32
    scf.for %scan3A_374 = %scan3A_343 to %scan3A_345 step %scan3A_346  : i32 {
      %mul3A_375 = arith.constant 1 : i32
      %mul3A_376 = arith.muli %scan3A_374, %mul3A_375 : i32
      %add3A_377 = arith.constant 0 : i32
      %add3A_378 = arith.addi %add3A_377, %mul3A_376 : i32
      %get3A = arith.index_cast %add3A_378 : i32 to index
      %get3A_379 = arith.constant 0 : index
      %get3A_380 = tpu.vector_load %arg20[%get3A, %get3A_379] {strides = array<i32>} : memref<80x16xf32, #tpu.memory_space<vmem>>, vector<1x16xf32>,
      %get3A_381 = vector.shape_cast %get3A_380 : vector<1x16xf32> to vector<16xf32>
      %max3A = arith.constant 9.99999971E-10 : f32
      %max3A_382 = vector.broadcast %max3A : f32 to vector<16xf32>
      %max3A_383 = arith.maximumf %get3A_381, %max3A_382 : vector<16xf32>
      %get3A_384 = arith.index_cast %add3A_378 : i32 to index
      %get3A_385 = arith.constant 0 : index
      %get3A_386 = tpu.vector_load %arg14[%get3A_384, %get3A_385] {strides = array<i32>} : memref<80x128xf32, #tpu.memory_space<vmem>>, vector<1x16xf32>,
      %get3A_387 = vector.shape_cast %get3A_386 : vector<1x16xf32> to vector<16xf32>
      %slice3A = vector.extract_strided_slice %max3A_383 {offsets = [0], sizes = [1], strides = [1]} : vector<16xf32> to vector<1xf32>
      %squeeze3A = vector.extract %slice3A[0] : f32 from vector<1xf32>
      %div3A = vector.broadcast %squeeze3A : f32 to vector<16xf32>
      %div3A_388 = arith.divf %get3A_387, %div3A : vector<16xf32>
      %get3A_389 = arith.constant 0 : index
      %get3A_390 = tpu.vector_load %arg22[%get3A_389] {strides = array<i32>} : memref<128xf32, #tpu.memory_space<vmem>>, vector<16xf32>,
      %get3A_391 = vector.shape_cast %get3A_390 : vector<16xf32> to vector<16xf32>
      %add3A_392 = arith.addf %div3A_388, %get3A_391 : vector<16xf32>
      %gt3A = arith.constant 0.000000e+00 : f32
      %gt3A_393 = vector.broadcast %gt3A : f32 to vector<16xf32>
      %gt3A_394 = arith.cmpf ogt, %add3A_392, %gt3A_393 : vector<16xf32>
      %exp3A = math.exp %add3A_392 : vector<16xf32>
      %sub3A = arith.constant 1.000000e+00 : f32
      %sub3A_395 = vector.broadcast %sub3A : f32 to vector<16xf32>
      %sub3A_396 = arith.subf %exp3A, %sub3A_395 : vector<16xf32>
      %select_n3A = arith.select %gt3A_394, %add3A_392, %sub3A_396 : vector<16xi1>, vector<16xf32>
      %swap3A = arith.index_cast %add3A_378 : i32 to index
      %swap3A_397 = arith.constant 0 : index
      %swap3A_398 = tpu.vector_load %arg14[%swap3A, %swap3A_397] {strides = array<i32>} : memref<80x128xf32, #tpu.memory_space<vmem>>, vector<1x16xf32>,
      %swap3A_399 = vector.shape_cast %swap3A_398 : vector<1x16xf32> to vector<16xf32>
      %swap3A_400 = vector.shape_cast %select_n3A : vector<16xf32> to vector<1x16xf32>
      tpu.vector_store %arg14[%swap3A, %swap3A_397], %swap3A_400 {strides = array<i32>} : memref<80x128xf32, #tpu.memory_space<vmem>>, vector<1x16xf32>,
      %get3A_401 = arith.index_cast %add3A_378 : i32 to index
      %get3A_402 = arith.constant 16 : index
      %get3A_403 = tpu.vector_load %arg14[%get3A_401, %get3A_402] {strides = array<i32>} : memref<80x128xf32, #tpu.memory_space<vmem>>, vector<1x16xf32>,
      %get3A_404 = vector.shape_cast %get3A_403 : vector<1x16xf32> to vector<16xf32>
      %slice3A_405 = vector.extract_strided_slice %max3A_383 {offsets = [1], sizes = [1], strides = [1]} : vector<16xf32> to vector<1xf32>
      %squeeze3A_406 = vector.extract %slice3A_405[0] : f32 from vector<1xf32>
      %div3A_407 = vector.broadcast %squeeze3A_406 : f32 to vector<16xf32>
      %div3A_408 = arith.divf %get3A_404, %div3A_407 : vector<16xf32>
      %get3A_409 = arith.constant 16 : index
      %get3A_410 = tpu.vector_load %arg22[%get3A_409] {strides = array<i32>} : memref<128xf32, #tpu.memory_space<vmem>>, vector<16xf32>,
      %get3A_411 = vector.shape_cast %get3A_410 : vector<16xf32> to vector<16xf32>
      %add3A_412 = arith.addf %div3A_408, %get3A_411 : vector<16xf32>
      %gt3A_413 = arith.constant 0.000000e+00 : f32
      %gt3A_414 = vector.broadcast %gt3A_413 : f32 to vector<16xf32>
      %gt3A_415 = arith.cmpf ogt, %add3A_412, %gt3A_414 : vector<16xf32>
      %exp3A_416 = math.exp %add3A_412 : vector<16xf32>
      %sub3A_417 = arith.constant 1.000000e+00 : f32
      %sub3A_418 = vector.broadcast %sub3A_417 : f32 to vector<16xf32>
      %sub3A_419 = arith.subf %exp3A_416, %sub3A_418 : vector<16xf32>
      %select_n3A_420 = arith.select %gt3A_415, %add3A_412, %sub3A_419 : vector<16xi1>, vector<16xf32>
      %swap3A_421 = arith.index_cast %add3A_378 : i32 to index
      %swap3A_422 = arith.constant 16 : index
      %swap3A_423 = tpu.vector_load %arg14[%swap3A_421, %swap3A_422] {strides = array<i32>} : memref<80x128xf32, #tpu.memory_space<vmem>>, vector<1x16xf32>,
      %swap3A_424 = vector.shape_cast %swap3A_423 : vector<1x16xf32> to vector<16xf32>
      %swap3A_425 = vector.shape_cast %select_n3A_420 : vector<16xf32> to vector<1x16xf32>
      tpu.vector_store %arg14[%swap3A_421, %swap3A_422], %swap3A_425 {strides = array<i32>} : memref<80x128xf32, #tpu.memory_space<vmem>>, vector<1x16xf32>,
      %get3A_426 = arith.index_cast %add3A_378 : i32 to index
      %get3A_427 = arith.constant 32 : index
      %get3A_428 = tpu.vector_load %arg14[%get3A_426, %get3A_427] {strides = array<i32>} : memref<80x128xf32, #tpu.memory_space<vmem>>, vector<1x16xf32>,
      %get3A_429 = vector.shape_cast %get3A_428 : vector<1x16xf32> to vector<16xf32>
      %slice3A_430 = vector.extract_strided_slice %max3A_383 {offsets = [2], sizes = [1], strides = [1]} : vector<16xf32> to vector<1xf32>
      %squeeze3A_431 = vector.extract %slice3A_430[0] : f32 from vector<1xf32>
      %div3A_432 = vector.broadcast %squeeze3A_431 : f32 to vector<16xf32>
      %div3A_433 = arith.divf %get3A_429, %div3A_432 : vector<16xf32>
      %get3A_434 = arith.constant 32 : index
      %get3A_435 = tpu.vector_load %arg22[%get3A_434] {strides = array<i32>} : memref<128xf32, #tpu.memory_space<vmem>>, vector<16xf32>,
      %get3A_436 = vector.shape_cast %get3A_435 : vector<16xf32> to vector<16xf32>
      %add3A_437 = arith.addf %div3A_433, %get3A_436 : vector<16xf32>
      %gt3A_438 = arith.constant 0.000000e+00 : f32
      %gt3A_439 = vector.broadcast %gt3A_438 : f32 to vector<16xf32>
      %gt3A_440 = arith.cmpf ogt, %add3A_437, %gt3A_439 : vector<16xf32>
      %exp3A_441 = math.exp %add3A_437 : vector<16xf32>
      %sub3A_442 = arith.constant 1.000000e+00 : f32
      %sub3A_443 = vector.broadcast %sub3A_442 : f32 to vector<16xf32>
      %sub3A_444 = arith.subf %exp3A_441, %sub3A_443 : vector<16xf32>
      %select_n3A_445 = arith.select %gt3A_440, %add3A_437, %sub3A_444 : vector<16xi1>, vector<16xf32>
      %swap3A_446 = arith.index_cast %add3A_378 : i32 to index
      %swap3A_447 = arith.constant 32 : index
      %swap3A_448 = tpu.vector_load %arg14[%swap3A_446, %swap3A_447] {strides = array<i32>} : memref<80x128xf32, #tpu.memory_space<vmem>>, vector<1x16xf32>,
      %swap3A_449 = vector.shape_cast %swap3A_448 : vector<1x16xf32> to vector<16xf32>
      %swap3A_450 = vector.shape_cast %select_n3A_445 : vector<16xf32> to vector<1x16xf32>
      tpu.vector_store %arg14[%swap3A_446, %swap3A_447], %swap3A_450 {strides = array<i32>} : memref<80x128xf32, #tpu.memory_space<vmem>>, vector<1x16xf32>,
      %get3A_451 = arith.index_cast %add3A_378 : i32 to index
      %get3A_452 = arith.constant 48 : index
      %get3A_453 = tpu.vector_load %arg14[%get3A_451, %get3A_452] {strides = array<i32>} : memref<80x128xf32, #tpu.memory_space<vmem>>, vector<1x16xf32>,
      %get3A_454 = vector.shape_cast %get3A_453 : vector<1x16xf32> to vector<16xf32>
      %slice3A_455 = vector.extract_strided_slice %max3A_383 {offsets = [3], sizes = [1], strides = [1]} : vector<16xf32> to vector<1xf32>
      %squeeze3A_456 = vector.extract %slice3A_455[0] : f32 from vector<1xf32>
      %div3A_457 = vector.broadcast %squeeze3A_456 : f32 to vector<16xf32>
      %div3A_458 = arith.divf %get3A_454, %div3A_457 : vector<16xf32>
      %get3A_459 = arith.constant 48 : index
      %get3A_460 = tpu.vector_load %arg22[%get3A_459] {strides = array<i32>} : memref<128xf32, #tpu.memory_space<vmem>>, vector<16xf32>,
      %get3A_461 = vector.shape_cast %get3A_460 : vector<16xf32> to vector<16xf32>
      %add3A_462 = arith.addf %div3A_458, %get3A_461 : vector<16xf32>
      %gt3A_463 = arith.constant 0.000000e+00 : f32
      %gt3A_464 = vector.broadcast %gt3A_463 : f32 to vector<16xf32>
      %gt3A_465 = arith.cmpf ogt, %add3A_462, %gt3A_464 : vector<16xf32>
      %exp3A_466 = math.exp %add3A_462 : vector<16xf32>
      %sub3A_467 = arith.constant 1.000000e+00 : f32
      %sub3A_468 = vector.broadcast %sub3A_467 : f32 to vector<16xf32>
      %sub3A_469 = arith.subf %exp3A_466, %sub3A_468 : vector<16xf32>
      %select_n3A_470 = arith.select %gt3A_465, %add3A_462, %sub3A_469 : vector<16xi1>, vector<16xf32>
      %swap3A_471 = arith.index_cast %add3A_378 : i32 to index
      %swap3A_472 = arith.constant 48 : index
      %swap3A_473 = tpu.vector_load %arg14[%swap3A_471, %swap3A_472] {strides = array<i32>} : memref<80x128xf32, #tpu.memory_space<vmem>>, vector<1x16xf32>,
      %swap3A_474 = vector.shape_cast %swap3A_473 : vector<1x16xf32> to vector<16xf32>
      %swap3A_475 = vector.shape_cast %select_n3A_470 : vector<16xf32> to vector<1x16xf32>
      tpu.vector_store %arg14[%swap3A_471, %swap3A_472], %swap3A_475 {strides = array<i32>} : memref<80x128xf32, #tpu.memory_space<vmem>>, vector<1x16xf32>,
      %get3A_476 = arith.index_cast %add3A_378 : i32 to index
      %get3A_477 = arith.constant 64 : index
      %get3A_478 = tpu.vector_load %arg14[%get3A_476, %get3A_477] {strides = array<i32>} : memref<80x128xf32, #tpu.memory_space<vmem>>, vector<1x16xf32>,
      %get3A_479 = vector.shape_cast %get3A_478 : vector<1x16xf32> to vector<16xf32>
      %slice3A_480 = vector.extract_strided_slice %max3A_383 {offsets = [4], sizes = [1], strides = [1]} : vector<16xf32> to vector<1xf32>
      %squeeze3A_481 = vector.extract %slice3A_480[0] : f32 from vector<1xf32>
      %div3A_482 = vector.broadcast %squeeze3A_481 : f32 to vector<16xf32>
      %div3A_483 = arith.divf %get3A_479, %div3A_482 : vector<16xf32>
      %get3A_484 = arith.constant 64 : index
      %get3A_485 = tpu.vector_load %arg22[%get3A_484] {strides = array<i32>} : memref<128xf32, #tpu.memory_space<vmem>>, vector<16xf32>,
      %get3A_486 = vector.shape_cast %get3A_485 : vector<16xf32> to vector<16xf32>
      %add3A_487 = arith.addf %div3A_483, %get3A_486 : vector<16xf32>
      %gt3A_488 = arith.constant 0.000000e+00 : f32
      %gt3A_489 = vector.broadcast %gt3A_488 : f32 to vector<16xf32>
      %gt3A_490 = arith.cmpf ogt, %add3A_487, %gt3A_489 : vector<16xf32>
      %exp3A_491 = math.exp %add3A_487 : vector<16xf32>
      %sub3A_492 = arith.constant 1.000000e+00 : f32
      %sub3A_493 = vector.broadcast %sub3A_492 : f32 to vector<16xf32>
      %sub3A_494 = arith.subf %exp3A_491, %sub3A_493 : vector<16xf32>
      %select_n3A_495 = arith.select %gt3A_490, %add3A_487, %sub3A_494 : vector<16xi1>, vector<16xf32>
      %swap3A_496 = arith.index_cast %add3A_378 : i32 to index
      %swap3A_497 = arith.constant 64 : index
      %swap3A_498 = tpu.vector_load %arg14[%swap3A_496, %swap3A_497] {strides = array<i32>} : memref<80x128xf32, #tpu.memory_space<vmem>>, vector<1x16xf32>,
      %swap3A_499 = vector.shape_cast %swap3A_498 : vector<1x16xf32> to vector<16xf32>
      %swap3A_500 = vector.shape_cast %select_n3A_495 : vector<16xf32> to vector<1x16xf32>
      tpu.vector_store %arg14[%swap3A_496, %swap3A_497], %swap3A_500 {strides = array<i32>} : memref<80x128xf32, #tpu.memory_space<vmem>>, vector<1x16xf32>,
      %get3A_501 = arith.index_cast %add3A_378 : i32 to index
      %get3A_502 = arith.constant 80 : index
      %get3A_503 = tpu.vector_load %arg14[%get3A_501, %get3A_502] {strides = array<i32>} : memref<80x128xf32, #tpu.memory_space<vmem>>, vector<1x16xf32>,
      %get3A_504 = vector.shape_cast %get3A_503 : vector<1x16xf32> to vector<16xf32>
      %slice3A_505 = vector.extract_strided_slice %max3A_383 {offsets = [5], sizes = [1], strides = [1]} : vector<16xf32> to vector<1xf32>
      %squeeze3A_506 = vector.extract %slice3A_505[0] : f32 from vector<1xf32>
      %div3A_507 = vector.broadcast %squeeze3A_506 : f32 to vector<16xf32>
      %div3A_508 = arith.divf %get3A_504, %div3A_507 : vector<16xf32>
      %get3A_509 = arith.constant 80 : index
      %get3A_510 = tpu.vector_load %arg22[%get3A_509] {strides = array<i32>} : memref<128xf32, #tpu.memory_space<vmem>>, vector<16xf32>,
      %get3A_511 = vector.shape_cast %get3A_510 : vector<16xf32> to vector<16xf32>
      %add3A_512 = arith.addf %div3A_508, %get3A_511 : vector<16xf32>
      %gt3A_513 = arith.constant 0.000000e+00 : f32
      %gt3A_514 = vector.broadcast %gt3A_513 : f32 to vector<16xf32>
      %gt3A_515 = arith.cmpf ogt, %add3A_512, %gt3A_514 : vector<16xf32>
      %exp3A_516 = math.exp %add3A_512 : vector<16xf32>
      %sub3A_517 = arith.constant 1.000000e+00 : f32
      %sub3A_518 = vector.broadcast %sub3A_517 : f32 to vector<16xf32>
      %sub3A_519 = arith.subf %exp3A_516, %sub3A_518 : vector<16xf32>
      %select_n3A_520 = arith.select %gt3A_515, %add3A_512, %sub3A_519 : vector<16xi1>, vector<16xf32>
      %swap3A_521 = arith.index_cast %add3A_378 : i32 to index
      %swap3A_522 = arith.constant 80 : index
      %swap3A_523 = tpu.vector_load %arg14[%swap3A_521, %swap3A_522] {strides = array<i32>} : memref<80x128xf32, #tpu.memory_space<vmem>>, vector<1x16xf32>,
      %swap3A_524 = vector.shape_cast %swap3A_523 : vector<1x16xf32> to vector<16xf32>
      %swap3A_525 = vector.shape_cast %select_n3A_520 : vector<16xf32> to vector<1x16xf32>
      tpu.vector_store %arg14[%swap3A_521, %swap3A_522], %swap3A_525 {strides = array<i32>} : memref<80x128xf32, #tpu.memory_space<vmem>>, vector<1x16xf32>,
      %get3A_526 = arith.index_cast %add3A_378 : i32 to index
      %get3A_527 = arith.constant 96 : index
      %get3A_528 = tpu.vector_load %arg14[%get3A_526, %get3A_527] {strides = array<i32>} : memref<80x128xf32, #tpu.memory_space<vmem>>, vector<1x16xf32>,
      %get3A_529 = vector.shape_cast %get3A_528 : vector<1x16xf32> to vector<16xf32>
      %slice3A_530 = vector.extract_strided_slice %max3A_383 {offsets = [6], sizes = [1], strides = [1]} : vector<16xf32> to vector<1xf32>
      %squeeze3A_531 = vector.extract %slice3A_530[0] : f32 from vector<1xf32>
      %div3A_532 = vector.broadcast %squeeze3A_531 : f32 to vector<16xf32>
      %div3A_533 = arith.divf %get3A_529, %div3A_532 : vector<16xf32>
      %get3A_534 = arith.constant 96 : index
      %get3A_535 = tpu.vector_load %arg22[%get3A_534] {strides = array<i32>} : memref<128xf32, #tpu.memory_space<vmem>>, vector<16xf32>,
      %get3A_536 = vector.shape_cast %get3A_535 : vector<16xf32> to vector<16xf32>
      %add3A_537 = arith.addf %div3A_533, %get3A_536 : vector<16xf32>
      %gt3A_538 = arith.constant 0.000000e+00 : f32
      %gt3A_539 = vector.broadcast %gt3A_538 : f32 to vector<16xf32>
      %gt3A_540 = arith.cmpf ogt, %add3A_537, %gt3A_539 : vector<16xf32>
      %exp3A_541 = math.exp %add3A_537 : vector<16xf32>
      %sub3A_542 = arith.constant 1.000000e+00 : f32
      %sub3A_543 = vector.broadcast %sub3A_542 : f32 to vector<16xf32>
      %sub3A_544 = arith.subf %exp3A_541, %sub3A_543 : vector<16xf32>
      %select_n3A_545 = arith.select %gt3A_540, %add3A_537, %sub3A_544 : vector<16xi1>, vector<16xf32>
      %swap3A_546 = arith.index_cast %add3A_378 : i32 to index
      %swap3A_547 = arith.constant 96 : index
      %swap3A_548 = tpu.vector_load %arg14[%swap3A_546, %swap3A_547] {strides = array<i32>} : memref<80x128xf32, #tpu.memory_space<vmem>>, vector<1x16xf32>,
      %swap3A_549 = vector.shape_cast %swap3A_548 : vector<1x16xf32> to vector<16xf32>
      %swap3A_550 = vector.shape_cast %select_n3A_545 : vector<16xf32> to vector<1x16xf32>
      tpu.vector_store %arg14[%swap3A_546, %swap3A_547], %swap3A_550 {strides = array<i32>} : memref<80x128xf32, #tpu.memory_space<vmem>>, vector<1x16xf32>,
      %get3A_551 = arith.index_cast %add3A_378 : i32 to index
      %get3A_552 = arith.constant 112 : index
      %get3A_553 = tpu.vector_load %arg14[%get3A_551, %get3A_552] {strides = array<i32>} : memref<80x128xf32, #tpu.memory_space<vmem>>, vector<1x16xf32>,
      %get3A_554 = vector.shape_cast %get3A_553 : vector<1x16xf32> to vector<16xf32>
      %slice3A_555 = vector.extract_strided_slice %max3A_383 {offsets = [7], sizes = [1], strides = [1]} : vector<16xf32> to vector<1xf32>
      %squeeze3A_556 = vector.extract %slice3A_555[0] : f32 from vector<1xf32>
      %div3A_557 = vector.broadcast %squeeze3A_556 : f32 to vector<16xf32>
      %div3A_558 = arith.divf %get3A_554, %div3A_557 : vector<16xf32>
      %get3A_559 = arith.constant 112 : index
      %get3A_560 = tpu.vector_load %arg22[%get3A_559] {strides = array<i32>} : memref<128xf32, #tpu.memory_space<vmem>>, vector<16xf32>,
      %get3A_561 = vector.shape_cast %get3A_560 : vector<16xf32> to vector<16xf32>
      %add3A_562 = arith.addf %div3A_558, %get3A_561 : vector<16xf32>
      %gt3A_563 = arith.constant 0.000000e+00 : f32
      %gt3A_564 = vector.broadcast %gt3A_563 : f32 to vector<16xf32>
      %gt3A_565 = arith.cmpf ogt, %add3A_562, %gt3A_564 : vector<16xf32>
      %exp3A_566 = math.exp %add3A_562 : vector<16xf32>
      %sub3A_567 = arith.constant 1.000000e+00 : f32
      %sub3A_568 = vector.broadcast %sub3A_567 : f32 to vector<16xf32>
      %sub3A_569 = arith.subf %exp3A_566, %sub3A_568 : vector<16xf32>
      %select_n3A_570 = arith.select %gt3A_565, %add3A_562, %sub3A_569 : vector<16xi1>, vector<16xf32>
      %swap3A_571 = arith.index_cast %add3A_378 : i32 to index
      %swap3A_572 = arith.constant 112 : index
      %swap3A_573 = tpu.vector_load %arg14[%swap3A_571, %swap3A_572] {strides = array<i32>} : memref<80x128xf32, #tpu.memory_space<vmem>>, vector<1x16xf32>,
      %swap3A_574 = vector.shape_cast %swap3A_573 : vector<1x16xf32> to vector<16xf32>
      %swap3A_575 = vector.shape_cast %select_n3A_570 : vector<16xf32> to vector<1x16xf32>
      tpu.vector_store %arg14[%swap3A_571, %swap3A_572], %swap3A_575 {strides = array<i32>} : memref<80x128xf32, #tpu.memory_space<vmem>>, vector<1x16xf32>,
    }
    %scan3A_347 = arith.constant 80 : i32
    %add3A_348 = arith.constant 80 : i32
    %add3A_349 = arith.addi %mul3A_322, %add3A_348 : i32
    "tpu.region"() ({
      %run_scoped3A_374 = tpu.sem_alloc : memref<!tpu.dma_semaphore, #tpu.memory_space<semaphore_mem>>
      %dma_start3A_375 = arith.constant 0 : i32
      %dma_start3A_376 = tpu.memref_slice %arg9[%arg0, %add3A_349, %dma_start3A_375] : memref<2x5120x128xf32, #tpu.memory_space<hbm>> -> memref<1x80x128xf32, #tpu.memory_space<hbm>>
      %dma_start3A_377 = tpu.memref_squeeze %dma_start3A_376 : memref<1x80x128xf32, #tpu.memory_space<hbm>> -> memref<80x128xf32, #tpu.memory_space<hbm>>
      %dma_start3A_378 = arith.constant 0 : i32
      %dma_start3A_379 = tpu.memref_slice %arg9[%arg0, %add3A_349, %dma_start3A_378] : memref<2x5120x128xf32, #tpu.memory_space<hbm>> -> memref<1x80x128xf32, #tpu.memory_space<hbm>>
      %dma_start3A_380 = tpu.memref_squeeze %dma_start3A_379 : memref<1x80x128xf32, #tpu.memory_space<hbm>> -> memref<80x128xf32, #tpu.memory_space<hbm>>
      tpu.enqueue_dma source(%arg14 : memref<80x128xf32, #tpu.memory_space<vmem>>) target(%dma_start3A_380 : memref<80x128xf32, #tpu.memory_space<hbm>>) target_semaphore(%run_scoped3A_374 : memref<!tpu.dma_semaphore, #tpu.memory_space<semaphore_mem>>)
      %dma_wait3A_381 = arith.constant 0 : i32
      %dma_wait3A_382 = tpu.memref_slice %arg9[%arg0, %add3A_349, %dma_wait3A_381] : memref<2x5120x128xf32, #tpu.memory_space<hbm>> -> memref<1x80x128xf32, #tpu.memory_space<hbm>>
      %dma_wait3A_383 = tpu.memref_squeeze %dma_wait3A_382 : memref<1x80x128xf32, #tpu.memory_space<hbm>> -> memref<80x128xf32, #tpu.memory_space<hbm>>
      %dma_wait3A_384 = arith.constant 0 : i32
      %dma_wait3A_385 = tpu.memref_slice %arg9[%arg0, %add3A_349, %dma_wait3A_384] : memref<2x5120x128xf32, #tpu.memory_space<hbm>> -> memref<1x80x128xf32, #tpu.memory_space<hbm>>
      %dma_wait3A_386 = tpu.memref_squeeze %dma_wait3A_385 : memref<1x80x128xf32, #tpu.memory_space<hbm>> -> memref<80x128xf32, #tpu.memory_space<hbm>>
      tpu.wait_dma2 semaphore(%run_scoped3A_374 : memref<!tpu.dma_semaphore, #tpu.memory_space<semaphore_mem>>) src(%arg14 : memref<80x128xf32, #tpu.memory_space<vmem>>) dst(%dma_wait3A_386 : memref<80x128xf32, #tpu.memory_space<hbm>>)
      tpu.yield
    }) : () -> ()
    %add3A_350 = arith.constant 160 : i32
    %add3A_351 = arith.addi %add3A_325, %add3A_350 : i32
    %run_scoped3A_352 = arith.constant 0 : i32
    "tpu.region"() ({
      %run_scoped3A_374 = tpu.sem_alloc : memref<!tpu.dma_semaphore, #tpu.memory_space<semaphore_mem>>
      %dma_start3A_375 = arith.constant 0 : i32
      %dma_start3A_376 = tpu.memref_slice %arg12[%run_scoped3A_352, %dma_start3A_375] : memref<3x80xi32, #tpu.memory_space<vmem>> -> memref<1x80xi32, #tpu.memory_space<vmem>>
      %dma_start3A_377 = tpu.memref_squeeze %dma_start3A_376 : memref<1x80xi32, #tpu.memory_space<vmem>> -> memref<80xi32, #tpu.memory_space<vmem>>
      %dma_start3A_378 = tpu.memref_slice %arg6[%add3A_351] : memref<10240xi32, #tpu.memory_space<hbm>> -> memref<80xi32, #tpu.memory_space<hbm>>
      %dma_start3A_379 = arith.constant 0 : i32
      %dma_start3A_380 = tpu.memref_slice %arg12[%run_scoped3A_352, %dma_start3A_379] : memref<3x80xi32, #tpu.memory_space<vmem>> -> memref<1x80xi32, #tpu.memory_space<vmem>>
      %dma_start3A_381 = tpu.memref_squeeze %dma_start3A_380 : memref<1x80xi32, #tpu.memory_space<vmem>> -> memref<80xi32, #tpu.memory_space<vmem>>
      %dma_start3A_382 = tpu.memref_slice %arg6[%add3A_351] : memref<10240xi32, #tpu.memory_space<hbm>> -> memref<80xi32, #tpu.memory_space<hbm>>
      tpu.enqueue_dma source(%dma_start3A_382 : memref<80xi32, #tpu.memory_space<hbm>>) target(%dma_start3A_381 : memref<80xi32, #tpu.memory_space<vmem>>) target_semaphore(%run_scoped3A_374 : memref<!tpu.dma_semaphore, #tpu.memory_space<semaphore_mem>>)
      %dma_wait3A_383 = arith.constant 0 : i32
      %dma_wait3A_384 = tpu.memref_slice %arg12[%run_scoped3A_352, %dma_wait3A_383] : memref<3x80xi32, #tpu.memory_space<vmem>> -> memref<1x80xi32, #tpu.memory_space<vmem>>
      %dma_wait3A_385 = tpu.memref_squeeze %dma_wait3A_384 : memref<1x80xi32, #tpu.memory_space<vmem>> -> memref<80xi32, #tpu.memory_space<vmem>>
      %dma_wait3A_386 = tpu.memref_slice %arg6[%add3A_351] : memref<10240xi32, #tpu.memory_space<hbm>> -> memref<80xi32, #tpu.memory_space<hbm>>
      %dma_wait3A_387 = arith.constant 0 : i32
      %dma_wait3A_388 = tpu.memref_slice %arg12[%run_scoped3A_352, %dma_wait3A_387] : memref<3x80xi32, #tpu.memory_space<vmem>> -> memref<1x80xi32, #tpu.memory_space<vmem>>
      %dma_wait3A_389 = tpu.memref_squeeze %dma_wait3A_388 : memref<1x80xi32, #tpu.memory_space<vmem>> -> memref<80xi32, #tpu.memory_space<vmem>>
      %dma_wait3A_390 = tpu.memref_slice %arg6[%add3A_351] : memref<10240xi32, #tpu.memory_space<hbm>> -> memref<80xi32, #tpu.memory_space<hbm>>
      tpu.wait_dma2 semaphore(%run_scoped3A_374 : memref<!tpu.dma_semaphore, #tpu.memory_space<semaphore_mem>>) src(%dma_wait3A_390 : memref<80xi32, #tpu.memory_space<hbm>>) dst(%dma_wait3A_389 : memref<80xi32, #tpu.memory_space<vmem>>)
      tpu.yield
    }) : () -> ()
    %run_scoped3A_353 = arith.constant 0 : i32
    "tpu.region"() ({
      %run_scoped3A_374 = tpu.sem_alloc : memref<!tpu.dma_semaphore, #tpu.memory_space<semaphore_mem>>
      %dma_start3A_375 = arith.constant 0 : i32
      %dma_start3A_376 = tpu.memref_slice %arg12[%run_scoped3A_353, %dma_start3A_375] : memref<3x80xi32, #tpu.memory_space<vmem>> -> memref<1x80xi32, #tpu.memory_space<vmem>>
      %dma_start3A_377 = tpu.memref_squeeze %dma_start3A_376 : memref<1x80xi32, #tpu.memory_space<vmem>> -> memref<80xi32, #tpu.memory_space<vmem>>
      %dma_start3A_378 = arith.constant 0 : i32
      %dma_start3A_379 = arith.constant 0 : i32
      %dma_start3A_380 = tpu.memref_slice %arg10[%dma_start3A_378, %dma_start3A_379] : memref<10000x128xf32, #tpu.memory_space<vmem_shared>> -> memref<10000x128xf32, #tpu.memory_space<vmem_shared>>
      tpu.enqueue_indirect_dma source(%dma_start3A_380 : memref<10000x128xf32, #tpu.memory_space<vmem_shared>>) target(%arg14 : memref<80x128xf32, #tpu.memory_space<vmem>>) offsets(%dma_start3A_377 : memref<80xi32, #tpu.memory_space<vmem>>) semaphore(%run_scoped3A_374 : memref<!tpu.dma_semaphore, #tpu.memory_space<semaphore_mem>>)
      %dma_wait3A_381 = arith.constant 0 : i32
      %dma_wait3A_382 = tpu.memref_slice %arg12[%run_scoped3A_353, %dma_wait3A_381] : memref<3x80xi32, #tpu.memory_space<vmem>> -> memref<1x80xi32, #tpu.memory_space<vmem>>
      %dma_wait3A_383 = tpu.memref_squeeze %dma_wait3A_382 : memref<1x80xi32, #tpu.memory_space<vmem>> -> memref<80xi32, #tpu.memory_space<vmem>>
      %dma_wait3A_384 = arith.constant 0 : i32
      %dma_wait3A_385 = arith.constant 0 : i32
      %dma_wait3A_386 = tpu.memref_slice %arg10[%dma_wait3A_384, %dma_wait3A_385] : memref<10000x128xf32, #tpu.memory_space<vmem_shared>> -> memref<10000x128xf32, #tpu.memory_space<vmem_shared>>
      tpu.wait_indirect_dma semaphore(%run_scoped3A_374 : memref<!tpu.dma_semaphore, #tpu.memory_space<semaphore_mem>>) src(%dma_wait3A_386 : memref<10000x128xf32, #tpu.memory_space<vmem_shared>>) dst(%arg14 : memref<80x128xf32, #tpu.memory_space<vmem>>)
      tpu.yield
    }) : () -> ()
    %run_scoped3A_354 = arith.constant 0 : i32
    "tpu.region"() ({
      %run_scoped3A_374 = tpu.sem_alloc : memref<!tpu.dma_semaphore, #tpu.memory_space<semaphore_mem>>
      %dma_start3A_375 = arith.constant 0 : i32
      %dma_start3A_376 = tpu.memref_slice %arg12[%run_scoped3A_354, %dma_start3A_375] : memref<3x80xi32, #tpu.memory_space<vmem>> -> memref<1x80xi32, #tpu.memory_space<vmem>>
      %dma_start3A_377 = tpu.memref_squeeze %dma_start3A_376 : memref<1x80xi32, #tpu.memory_space<vmem>> -> memref<80xi32, #tpu.memory_space<vmem>>
      %dma_start3A_378 = arith.constant 0 : i32
      %dma_start3A_379 = arith.constant 0 : i32
      %dma_start3A_380 = tpu.memref_slice %arg11[%dma_start3A_378, %dma_start3A_379] : memref<10000x16xf32, #tpu.memory_space<vmem_shared>> -> memref<10000x16xf32, #tpu.memory_space<vmem_shared>>
      tpu.enqueue_indirect_dma source(%dma_start3A_380 : memref<10000x16xf32, #tpu.memory_space<vmem_shared>>) target(%arg20 : memref<80x16xf32, #tpu.memory_space<vmem>>) offsets(%dma_start3A_377 : memref<80xi32, #tpu.memory_space<vmem>>) semaphore(%run_scoped3A_374 : memref<!tpu.dma_semaphore, #tpu.memory_space<semaphore_mem>>)
      %dma_wait3A_381 = arith.constant 0 : i32
      %dma_wait3A_382 = tpu.memref_slice %arg12[%run_scoped3A_354, %dma_wait3A_381] : memref<3x80xi32, #tpu.memory_space<vmem>> -> memref<1x80xi32, #tpu.memory_space<vmem>>
      %dma_wait3A_383 = tpu.memref_squeeze %dma_wait3A_382 : memref<1x80xi32, #tpu.memory_space<vmem>> -> memref<80xi32, #tpu.memory_space<vmem>>
      %dma_wait3A_384 = arith.constant 0 : i32
      %dma_wait3A_385 = arith.constant 0 : i32
      %dma_wait3A_386 = tpu.memref_slice %arg11[%dma_wait3A_384, %dma_wait3A_385] : memref<10000x16xf32, #tpu.memory_space<vmem_shared>> -> memref<10000x16xf32, #tpu.memory_space<vmem_shared>>
      tpu.wait_indirect_dma semaphore(%run_scoped3A_374 : memref<!tpu.dma_semaphore, #tpu.memory_space<semaphore_mem>>) src(%dma_wait3A_386 : memref<10000x16xf32, #tpu.memory_space<vmem_shared>>) dst(%arg20 : memref<80x16xf32, #tpu.memory_space<vmem>>)
      tpu.yield
    }) : () -> ()
    %scan3A_355 = arith.constant 0 : i32
    %scan3A_356 = arith.constant 80 : i32
    %scan3A_357 = arith.addi %scan3A_355, %scan3A_356 : i32
    %scan3A_358 = arith.constant 1 : i32
    scf.for %scan3A_374 = %scan3A_355 to %scan3A_357 step %scan3A_358  : i32 {
      %mul3A_375 = arith.constant 1 : i32
      %mul3A_376 = arith.muli %scan3A_374, %mul3A_375 : i32
      %add3A_377 = arith.constant 0 : i32
      %add3A_378 = arith.addi %add3A_377, %mul3A_376 : i32
      %get3A = arith.index_cast %add3A_378 : i32 to index
      %get3A_379 = arith.constant 0 : index
      %get3A_380 = tpu.vector_load %arg20[%get3A, %get3A_379] {strides = array<i32>} : memref<80x16xf32, #tpu.memory_space<vmem>>, vector<1x16xf32>,
      %get3A_381 = vector.shape_cast %get3A_380 : vector<1x16xf32> to vector<16xf32>
      %max3A = arith.constant 9.99999971E-10 : f32
      %max3A_382 = vector.broadcast %max3A : f32 to vector<16xf32>
      %max3A_383 = arith.maximumf %get3A_381, %max3A_382 : vector<16xf32>
      %get3A_384 = arith.index_cast %add3A_378 : i32 to index
      %get3A_385 = arith.constant 0 : index
      %get3A_386 = tpu.vector_load %arg14[%get3A_384, %get3A_385] {strides = array<i32>} : memref<80x128xf32, #tpu.memory_space<vmem>>, vector<1x16xf32>,
      %get3A_387 = vector.shape_cast %get3A_386 : vector<1x16xf32> to vector<16xf32>
      %slice3A = vector.extract_strided_slice %max3A_383 {offsets = [0], sizes = [1], strides = [1]} : vector<16xf32> to vector<1xf32>
      %squeeze3A = vector.extract %slice3A[0] : f32 from vector<1xf32>
      %div3A = vector.broadcast %squeeze3A : f32 to vector<16xf32>
      %div3A_388 = arith.divf %get3A_387, %div3A : vector<16xf32>
      %get3A_389 = arith.constant 0 : index
      %get3A_390 = tpu.vector_load %arg22[%get3A_389] {strides = array<i32>} : memref<128xf32, #tpu.memory_space<vmem>>, vector<16xf32>,
      %get3A_391 = vector.shape_cast %get3A_390 : vector<16xf32> to vector<16xf32>
      %add3A_392 = arith.addf %div3A_388, %get3A_391 : vector<16xf32>
      %gt3A = arith.constant 0.000000e+00 : f32
      %gt3A_393 = vector.broadcast %gt3A : f32 to vector<16xf32>
      %gt3A_394 = arith.cmpf ogt, %add3A_392, %gt3A_393 : vector<16xf32>
      %exp3A = math.exp %add3A_392 : vector<16xf32>
      %sub3A = arith.constant 1.000000e+00 : f32
      %sub3A_395 = vector.broadcast %sub3A : f32 to vector<16xf32>
      %sub3A_396 = arith.subf %exp3A, %sub3A_395 : vector<16xf32>
      %select_n3A = arith.select %gt3A_394, %add3A_392, %sub3A_396 : vector<16xi1>, vector<16xf32>
      %swap3A = arith.index_cast %add3A_378 : i32 to index
      %swap3A_397 = arith.constant 0 : index
      %swap3A_398 = tpu.vector_load %arg14[%swap3A, %swap3A_397] {strides = array<i32>} : memref<80x128xf32, #tpu.memory_space<vmem>>, vector<1x16xf32>,
      %swap3A_399 = vector.shape_cast %swap3A_398 : vector<1x16xf32> to vector<16xf32>
      %swap3A_400 = vector.shape_cast %select_n3A : vector<16xf32> to vector<1x16xf32>
      tpu.vector_store %arg14[%swap3A, %swap3A_397], %swap3A_400 {strides = array<i32>} : memref<80x128xf32, #tpu.memory_space<vmem>>, vector<1x16xf32>,
      %get3A_401 = arith.index_cast %add3A_378 : i32 to index
      %get3A_402 = arith.constant 16 : index
      %get3A_403 = tpu.vector_load %arg14[%get3A_401, %get3A_402] {strides = array<i32>} : memref<80x128xf32, #tpu.memory_space<vmem>>, vector<1x16xf32>,
      %get3A_404 = vector.shape_cast %get3A_403 : vector<1x16xf32> to vector<16xf32>
      %slice3A_405 = vector.extract_strided_slice %max3A_383 {offsets = [1], sizes = [1], strides = [1]} : vector<16xf32> to vector<1xf32>
      %squeeze3A_406 = vector.extract %slice3A_405[0] : f32 from vector<1xf32>
      %div3A_407 = vector.broadcast %squeeze3A_406 : f32 to vector<16xf32>
      %div3A_408 = arith.divf %get3A_404, %div3A_407 : vector<16xf32>
      %get3A_409 = arith.constant 16 : index
      %get3A_410 = tpu.vector_load %arg22[%get3A_409] {strides = array<i32>} : memref<128xf32, #tpu.memory_space<vmem>>, vector<16xf32>,
      %get3A_411 = vector.shape_cast %get3A_410 : vector<16xf32> to vector<16xf32>
      %add3A_412 = arith.addf %div3A_408, %get3A_411 : vector<16xf32>
      %gt3A_413 = arith.constant 0.000000e+00 : f32
      %gt3A_414 = vector.broadcast %gt3A_413 : f32 to vector<16xf32>
      %gt3A_415 = arith.cmpf ogt, %add3A_412, %gt3A_414 : vector<16xf32>
      %exp3A_416 = math.exp %add3A_412 : vector<16xf32>
      %sub3A_417 = arith.constant 1.000000e+00 : f32
      %sub3A_418 = vector.broadcast %sub3A_417 : f32 to vector<16xf32>
      %sub3A_419 = arith.subf %exp3A_416, %sub3A_418 : vector<16xf32>
      %select_n3A_420 = arith.select %gt3A_415, %add3A_412, %sub3A_419 : vector<16xi1>, vector<16xf32>
      %swap3A_421 = arith.index_cast %add3A_378 : i32 to index
      %swap3A_422 = arith.constant 16 : index
      %swap3A_423 = tpu.vector_load %arg14[%swap3A_421, %swap3A_422] {strides = array<i32>} : memref<80x128xf32, #tpu.memory_space<vmem>>, vector<1x16xf32>,
      %swap3A_424 = vector.shape_cast %swap3A_423 : vector<1x16xf32> to vector<16xf32>
      %swap3A_425 = vector.shape_cast %select_n3A_420 : vector<16xf32> to vector<1x16xf32>
      tpu.vector_store %arg14[%swap3A_421, %swap3A_422], %swap3A_425 {strides = array<i32>} : memref<80x128xf32, #tpu.memory_space<vmem>>, vector<1x16xf32>,
      %get3A_426 = arith.index_cast %add3A_378 : i32 to index
      %get3A_427 = arith.constant 32 : index
      %get3A_428 = tpu.vector_load %arg14[%get3A_426, %get3A_427] {strides = array<i32>} : memref<80x128xf32, #tpu.memory_space<vmem>>, vector<1x16xf32>,
      %get3A_429 = vector.shape_cast %get3A_428 : vector<1x16xf32> to vector<16xf32>
      %slice3A_430 = vector.extract_strided_slice %max3A_383 {offsets = [2], sizes = [1], strides = [1]} : vector<16xf32> to vector<1xf32>
      %squeeze3A_431 = vector.extract %slice3A_430[0] : f32 from vector<1xf32>
      %div3A_432 = vector.broadcast %squeeze3A_431 : f32 to vector<16xf32>
      %div3A_433 = arith.divf %get3A_429, %div3A_432 : vector<16xf32>
      %get3A_434 = arith.constant 32 : index
      %get3A_435 = tpu.vector_load %arg22[%get3A_434] {strides = array<i32>} : memref<128xf32, #tpu.memory_space<vmem>>, vector<16xf32>,
      %get3A_436 = vector.shape_cast %get3A_435 : vector<16xf32> to vector<16xf32>
      %add3A_437 = arith.addf %div3A_433, %get3A_436 : vector<16xf32>
      %gt3A_438 = arith.constant 0.000000e+00 : f32
      %gt3A_439 = vector.broadcast %gt3A_438 : f32 to vector<16xf32>
      %gt3A_440 = arith.cmpf ogt, %add3A_437, %gt3A_439 : vector<16xf32>
      %exp3A_441 = math.exp %add3A_437 : vector<16xf32>
      %sub3A_442 = arith.constant 1.000000e+00 : f32
      %sub3A_443 = vector.broadcast %sub3A_442 : f32 to vector<16xf32>
      %sub3A_444 = arith.subf %exp3A_441, %sub3A_443 : vector<16xf32>
      %select_n3A_445 = arith.select %gt3A_440, %add3A_437, %sub3A_444 : vector<16xi1>, vector<16xf32>
      %swap3A_446 = arith.index_cast %add3A_378 : i32 to index
      %swap3A_447 = arith.constant 32 : index
      %swap3A_448 = tpu.vector_load %arg14[%swap3A_446, %swap3A_447] {strides = array<i32>} : memref<80x128xf32, #tpu.memory_space<vmem>>, vector<1x16xf32>,
      %swap3A_449 = vector.shape_cast %swap3A_448 : vector<1x16xf32> to vector<16xf32>
      %swap3A_450 = vector.shape_cast %select_n3A_445 : vector<16xf32> to vector<1x16xf32>
      tpu.vector_store %arg14[%swap3A_446, %swap3A_447], %swap3A_450 {strides = array<i32>} : memref<80x128xf32, #tpu.memory_space<vmem>>, vector<1x16xf32>,
      %get3A_451 = arith.index_cast %add3A_378 : i32 to index
      %get3A_452 = arith.constant 48 : index
      %get3A_453 = tpu.vector_load %arg14[%get3A_451, %get3A_452] {strides = array<i32>} : memref<80x128xf32, #tpu.memory_space<vmem>>, vector<1x16xf32>,
      %get3A_454 = vector.shape_cast %get3A_453 : vector<1x16xf32> to vector<16xf32>
      %slice3A_455 = vector.extract_strided_slice %max3A_383 {offsets = [3], sizes = [1], strides = [1]} : vector<16xf32> to vector<1xf32>
      %squeeze3A_456 = vector.extract %slice3A_455[0] : f32 from vector<1xf32>
      %div3A_457 = vector.broadcast %squeeze3A_456 : f32 to vector<16xf32>
      %div3A_458 = arith.divf %get3A_454, %div3A_457 : vector<16xf32>
      %get3A_459 = arith.constant 48 : index
      %get3A_460 = tpu.vector_load %arg22[%get3A_459] {strides = array<i32>} : memref<128xf32, #tpu.memory_space<vmem>>, vector<16xf32>,
      %get3A_461 = vector.shape_cast %get3A_460 : vector<16xf32> to vector<16xf32>
      %add3A_462 = arith.addf %div3A_458, %get3A_461 : vector<16xf32>
      %gt3A_463 = arith.constant 0.000000e+00 : f32
      %gt3A_464 = vector.broadcast %gt3A_463 : f32 to vector<16xf32>
      %gt3A_465 = arith.cmpf ogt, %add3A_462, %gt3A_464 : vector<16xf32>
      %exp3A_466 = math.exp %add3A_462 : vector<16xf32>
      %sub3A_467 = arith.constant 1.000000e+00 : f32
      %sub3A_468 = vector.broadcast %sub3A_467 : f32 to vector<16xf32>
      %sub3A_469 = arith.subf %exp3A_466, %sub3A_468 : vector<16xf32>
      %select_n3A_470 = arith.select %gt3A_465, %add3A_462, %sub3A_469 : vector<16xi1>, vector<16xf32>
      %swap3A_471 = arith.index_cast %add3A_378 : i32 to index
      %swap3A_472 = arith.constant 48 : index
      %swap3A_473 = tpu.vector_load %arg14[%swap3A_471, %swap3A_472] {strides = array<i32>} : memref<80x128xf32, #tpu.memory_space<vmem>>, vector<1x16xf32>,
      %swap3A_474 = vector.shape_cast %swap3A_473 : vector<1x16xf32> to vector<16xf32>
      %swap3A_475 = vector.shape_cast %select_n3A_470 : vector<16xf32> to vector<1x16xf32>
      tpu.vector_store %arg14[%swap3A_471, %swap3A_472], %swap3A_475 {strides = array<i32>} : memref<80x128xf32, #tpu.memory_space<vmem>>, vector<1x16xf32>,
      %get3A_476 = arith.index_cast %add3A_378 : i32 to index
      %get3A_477 = arith.constant 64 : index
      %get3A_478 = tpu.vector_load %arg14[%get3A_476, %get3A_477] {strides = array<i32>} : memref<80x128xf32, #tpu.memory_space<vmem>>, vector<1x16xf32>,
      %get3A_479 = vector.shape_cast %get3A_478 : vector<1x16xf32> to vector<16xf32>
      %slice3A_480 = vector.extract_strided_slice %max3A_383 {offsets = [4], sizes = [1], strides = [1]} : vector<16xf32> to vector<1xf32>
      %squeeze3A_481 = vector.extract %slice3A_480[0] : f32 from vector<1xf32>
      %div3A_482 = vector.broadcast %squeeze3A_481 : f32 to vector<16xf32>
      %div3A_483 = arith.divf %get3A_479, %div3A_482 : vector<16xf32>
      %get3A_484 = arith.constant 64 : index
      %get3A_485 = tpu.vector_load %arg22[%get3A_484] {strides = array<i32>} : memref<128xf32, #tpu.memory_space<vmem>>, vector<16xf32>,
      %get3A_486 = vector.shape_cast %get3A_485 : vector<16xf32> to vector<16xf32>
      %add3A_487 = arith.addf %div3A_483, %get3A_486 : vector<16xf32>
      %gt3A_488 = arith.constant 0.000000e+00 : f32
      %gt3A_489 = vector.broadcast %gt3A_488 : f32 to vector<16xf32>
      %gt3A_490 = arith.cmpf ogt, %add3A_487, %gt3A_489 : vector<16xf32>
      %exp3A_491 = math.exp %add3A_487 : vector<16xf32>
      %sub3A_492 = arith.constant 1.000000e+00 : f32
      %sub3A_493 = vector.broadcast %sub3A_492 : f32 to vector<16xf32>
      %sub3A_494 = arith.subf %exp3A_491, %sub3A_493 : vector<16xf32>
      %select_n3A_495 = arith.select %gt3A_490, %add3A_487, %sub3A_494 : vector<16xi1>, vector<16xf32>
      %swap3A_496 = arith.index_cast %add3A_378 : i32 to index
      %swap3A_497 = arith.constant 64 : index
      %swap3A_498 = tpu.vector_load %arg14[%swap3A_496, %swap3A_497] {strides = array<i32>} : memref<80x128xf32, #tpu.memory_space<vmem>>, vector<1x16xf32>,
      %swap3A_499 = vector.shape_cast %swap3A_498 : vector<1x16xf32> to vector<16xf32>
      %swap3A_500 = vector.shape_cast %select_n3A_495 : vector<16xf32> to vector<1x16xf32>
      tpu.vector_store %arg14[%swap3A_496, %swap3A_497], %swap3A_500 {strides = array<i32>} : memref<80x128xf32, #tpu.memory_space<vmem>>, vector<1x16xf32>,
      %get3A_501 = arith.index_cast %add3A_378 : i32 to index
      %get3A_502 = arith.constant 80 : index
      %get3A_503 = tpu.vector_load %arg14[%get3A_501, %get3A_502] {strides = array<i32>} : memref<80x128xf32, #tpu.memory_space<vmem>>, vector<1x16xf32>,
      %get3A_504 = vector.shape_cast %get3A_503 : vector<1x16xf32> to vector<16xf32>
      %slice3A_505 = vector.extract_strided_slice %max3A_383 {offsets = [5], sizes = [1], strides = [1]} : vector<16xf32> to vector<1xf32>
      %squeeze3A_506 = vector.extract %slice3A_505[0] : f32 from vector<1xf32>
      %div3A_507 = vector.broadcast %squeeze3A_506 : f32 to vector<16xf32>
      %div3A_508 = arith.divf %get3A_504, %div3A_507 : vector<16xf32>
      %get3A_509 = arith.constant 80 : index
      %get3A_510 = tpu.vector_load %arg22[%get3A_509] {strides = array<i32>} : memref<128xf32, #tpu.memory_space<vmem>>, vector<16xf32>,
      %get3A_511 = vector.shape_cast %get3A_510 : vector<16xf32> to vector<16xf32>
      %add3A_512 = arith.addf %div3A_508, %get3A_511 : vector<16xf32>
      %gt3A_513 = arith.constant 0.000000e+00 : f32
      %gt3A_514 = vector.broadcast %gt3A_513 : f32 to vector<16xf32>
      %gt3A_515 = arith.cmpf ogt, %add3A_512, %gt3A_514 : vector<16xf32>
      %exp3A_516 = math.exp %add3A_512 : vector<16xf32>
      %sub3A_517 = arith.constant 1.000000e+00 : f32
      %sub3A_518 = vector.broadcast %sub3A_517 : f32 to vector<16xf32>
      %sub3A_519 = arith.subf %exp3A_516, %sub3A_518 : vector<16xf32>
      %select_n3A_520 = arith.select %gt3A_515, %add3A_512, %sub3A_519 : vector<16xi1>, vector<16xf32>
      %swap3A_521 = arith.index_cast %add3A_378 : i32 to index
      %swap3A_522 = arith.constant 80 : index
      %swap3A_523 = tpu.vector_load %arg14[%swap3A_521, %swap3A_522] {strides = array<i32>} : memref<80x128xf32, #tpu.memory_space<vmem>>, vector<1x16xf32>,
      %swap3A_524 = vector.shape_cast %swap3A_523 : vector<1x16xf32> to vector<16xf32>
      %swap3A_525 = vector.shape_cast %select_n3A_520 : vector<16xf32> to vector<1x16xf32>
      tpu.vector_store %arg14[%swap3A_521, %swap3A_522], %swap3A_525 {strides = array<i32>} : memref<80x128xf32, #tpu.memory_space<vmem>>, vector<1x16xf32>,
      %get3A_526 = arith.index_cast %add3A_378 : i32 to index
      %get3A_527 = arith.constant 96 : index
      %get3A_528 = tpu.vector_load %arg14[%get3A_526, %get3A_527] {strides = array<i32>} : memref<80x128xf32, #tpu.memory_space<vmem>>, vector<1x16xf32>,
      %get3A_529 = vector.shape_cast %get3A_528 : vector<1x16xf32> to vector<16xf32>
      %slice3A_530 = vector.extract_strided_slice %max3A_383 {offsets = [6], sizes = [1], strides = [1]} : vector<16xf32> to vector<1xf32>
      %squeeze3A_531 = vector.extract %slice3A_530[0] : f32 from vector<1xf32>
      %div3A_532 = vector.broadcast %squeeze3A_531 : f32 to vector<16xf32>
      %div3A_533 = arith.divf %get3A_529, %div3A_532 : vector<16xf32>
      %get3A_534 = arith.constant 96 : index
      %get3A_535 = tpu.vector_load %arg22[%get3A_534] {strides = array<i32>} : memref<128xf32, #tpu.memory_space<vmem>>, vector<16xf32>,
      %get3A_536 = vector.shape_cast %get3A_535 : vector<16xf32> to vector<16xf32>
      %add3A_537 = arith.addf %div3A_533, %get3A_536 : vector<16xf32>
      %gt3A_538 = arith.constant 0.000000e+00 : f32
      %gt3A_539 = vector.broadcast %gt3A_538 : f32 to vector<16xf32>
      %gt3A_540 = arith.cmpf ogt, %add3A_537, %gt3A_539 : vector<16xf32>
      %exp3A_541 = math.exp %add3A_537 : vector<16xf32>
      %sub3A_542 = arith.constant 1.000000e+00 : f32
      %sub3A_543 = vector.broadcast %sub3A_542 : f32 to vector<16xf32>
      %sub3A_544 = arith.subf %exp3A_541, %sub3A_543 : vector<16xf32>
      %select_n3A_545 = arith.select %gt3A_540, %add3A_537, %sub3A_544 : vector<16xi1>, vector<16xf32>
      %swap3A_546 = arith.index_cast %add3A_378 : i32 to index
      %swap3A_547 = arith.constant 96 : index
      %swap3A_548 = tpu.vector_load %arg14[%swap3A_546, %swap3A_547] {strides = array<i32>} : memref<80x128xf32, #tpu.memory_space<vmem>>, vector<1x16xf32>,
      %swap3A_549 = vector.shape_cast %swap3A_548 : vector<1x16xf32> to vector<16xf32>
      %swap3A_550 = vector.shape_cast %select_n3A_545 : vector<16xf32> to vector<1x16xf32>
      tpu.vector_store %arg14[%swap3A_546, %swap3A_547], %swap3A_550 {strides = array<i32>} : memref<80x128xf32, #tpu.memory_space<vmem>>, vector<1x16xf32>,
      %get3A_551 = arith.index_cast %add3A_378 : i32 to index
      %get3A_552 = arith.constant 112 : index
      %get3A_553 = tpu.vector_load %arg14[%get3A_551, %get3A_552] {strides = array<i32>} : memref<80x128xf32, #tpu.memory_space<vmem>>, vector<1x16xf32>,
      %get3A_554 = vector.shape_cast %get3A_553 : vector<1x16xf32> to vector<16xf32>
      %slice3A_555 = vector.extract_strided_slice %max3A_383 {offsets = [7], sizes = [1], strides = [1]} : vector<16xf32> to vector<1xf32>
      %squeeze3A_556 = vector.extract %slice3A_555[0] : f32 from vector<1xf32>
      %div3A_557 = vector.broadcast %squeeze3A_556 : f32 to vector<16xf32>
      %div3A_558 = arith.divf %get3A_554, %div3A_557 : vector<16xf32>
      %get3A_559 = arith.constant 112 : index
      %get3A_560 = tpu.vector_load %arg22[%get3A_559] {strides = array<i32>} : memref<128xf32, #tpu.memory_space<vmem>>, vector<16xf32>,
      %get3A_561 = vector.shape_cast %get3A_560 : vector<16xf32> to vector<16xf32>
      %add3A_562 = arith.addf %div3A_558, %get3A_561 : vector<16xf32>
      %gt3A_563 = arith.constant 0.000000e+00 : f32
      %gt3A_564 = vector.broadcast %gt3A_563 : f32 to vector<16xf32>
      %gt3A_565 = arith.cmpf ogt, %add3A_562, %gt3A_564 : vector<16xf32>
      %exp3A_566 = math.exp %add3A_562 : vector<16xf32>
      %sub3A_567 = arith.constant 1.000000e+00 : f32
      %sub3A_568 = vector.broadcast %sub3A_567 : f32 to vector<16xf32>
      %sub3A_569 = arith.subf %exp3A_566, %sub3A_568 : vector<16xf32>
      %select_n3A_570 = arith.select %gt3A_565, %add3A_562, %sub3A_569 : vector<16xi1>, vector<16xf32>
      %swap3A_571 = arith.index_cast %add3A_378 : i32 to index
      %swap3A_572 = arith.constant 112 : index
      %swap3A_573 = tpu.vector_load %arg14[%swap3A_571, %swap3A_572] {strides = array<i32>} : memref<80x128xf32, #tpu.memory_space<vmem>>, vector<1x16xf32>,
      %swap3A_574 = vector.shape_cast %swap3A_573 : vector<1x16xf32> to vector<16xf32>
      %swap3A_575 = vector.shape_cast %select_n3A_570 : vector<16xf32> to vector<1x16xf32>
      tpu.vector_store %arg14[%swap3A_571, %swap3A_572], %swap3A_575 {strides = array<i32>} : memref<80x128xf32, #tpu.memory_space<vmem>>, vector<1x16xf32>,
    }
    %scan3A_359 = arith.constant 80 : i32
    %add3A_360 = arith.constant 160 : i32
    %add3A_361 = arith.addi %mul3A_322, %add3A_360 : i32
    "tpu.region"() ({
      %run_scoped3A_374 = tpu.sem_alloc : memref<!tpu.dma_semaphore, #tpu.memory_space<semaphore_mem>>
      %dma_start3A_375 = arith.constant 0 : i32
      %dma_start3A_376 = tpu.memref_slice %arg9[%arg0, %add3A_361, %dma_start3A_375] : memref<2x5120x128xf32, #tpu.memory_space<hbm>> -> memref<1x80x128xf32, #tpu.memory_space<hbm>>
      %dma_start3A_377 = tpu.memref_squeeze %dma_start3A_376 : memref<1x80x128xf32, #tpu.memory_space<hbm>> -> memref<80x128xf32, #tpu.memory_space<hbm>>
      %dma_start3A_378 = arith.constant 0 : i32
      %dma_start3A_379 = tpu.memref_slice %arg9[%arg0, %add3A_361, %dma_start3A_378] : memref<2x5120x128xf32, #tpu.memory_space<hbm>> -> memref<1x80x128xf32, #tpu.memory_space<hbm>>
      %dma_start3A_380 = tpu.memref_squeeze %dma_start3A_379 : memref<1x80x128xf32, #tpu.memory_space<hbm>> -> memref<80x128xf32, #tpu.memory_space<hbm>>
      tpu.enqueue_dma source(%arg14 : memref<80x128xf32, #tpu.memory_space<vmem>>) target(%dma_start3A_380 : memref<80x128xf32, #tpu.memory_space<hbm>>) target_semaphore(%run_scoped3A_374 : memref<!tpu.dma_semaphore, #tpu.memory_space<semaphore_mem>>)
      %dma_wait3A_381 = arith.constant 0 : i32
      %dma_wait3A_382 = tpu.memref_slice %arg9[%arg0, %add3A_361, %dma_wait3A_381] : memref<2x5120x128xf32, #tpu.memory_space<hbm>> -> memref<1x80x128xf32, #tpu.memory_space<hbm>>
      %dma_wait3A_383 = tpu.memref_squeeze %dma_wait3A_382 : memref<1x80x128xf32, #tpu.memory_space<hbm>> -> memref<80x128xf32, #tpu.memory_space<hbm>>
      %dma_wait3A_384 = arith.constant 0 : i32
      %dma_wait3A_385 = tpu.memref_slice %arg9[%arg0, %add3A_361, %dma_wait3A_384] : memref<2x5120x128xf32, #tpu.memory_space<hbm>> -> memref<1x80x128xf32, #tpu.memory_space<hbm>>
      %dma_wait3A_386 = tpu.memref_squeeze %dma_wait3A_385 : memref<1x80x128xf32, #tpu.memory_space<hbm>> -> memref<80x128xf32, #tpu.memory_space<hbm>>
      tpu.wait_dma2 semaphore(%run_scoped3A_374 : memref<!tpu.dma_semaphore, #tpu.memory_space<semaphore_mem>>) src(%arg14 : memref<80x128xf32, #tpu.memory_space<vmem>>) dst(%dma_wait3A_386 : memref<80x128xf32, #tpu.memory_space<hbm>>)
      tpu.yield
    }) : () -> ()
    %add3A_362 = arith.constant 240 : i32
    %add3A_363 = arith.addi %add3A_325, %add3A_362 : i32
    %run_scoped3A_364 = arith.constant 0 : i32
    "tpu.region"() ({
      %run_scoped3A_374 = tpu.sem_alloc : memref<!tpu.dma_semaphore, #tpu.memory_space<semaphore_mem>>
      %dma_start3A_375 = arith.constant 0 : i32
      %dma_start3A_376 = tpu.memref_slice %arg12[%run_scoped3A_364, %dma_start3A_375] : memref<3x80xi32, #tpu.memory_space<vmem>> -> memref<1x80xi32, #tpu.memory_space<vmem>>
      %dma_start3A_377 = tpu.memref_squeeze %dma_start3A_376 : memref<1x80xi32, #tpu.memory_space<vmem>> -> memref<80xi32, #tpu.memory_space<vmem>>
      %dma_start3A_378 = tpu.memref_slice %arg6[%add3A_363] : memref<10240xi32, #tpu.memory_space<hbm>> -> memref<80xi32, #tpu.memory_space<hbm>>
      %dma_start3A_379 = arith.constant 0 : i32
      %dma_start3A_380 = tpu.memref_slice %arg12[%run_scoped3A_364, %dma_start3A_379] : memref<3x80xi32, #tpu.memory_space<vmem>> -> memref<1x80xi32, #tpu.memory_space<vmem>>
      %dma_start3A_381 = tpu.memref_squeeze %dma_start3A_380 : memref<1x80xi32, #tpu.memory_space<vmem>> -> memref<80xi32, #tpu.memory_space<vmem>>
      %dma_start3A_382 = tpu.memref_slice %arg6[%add3A_363] : memref<10240xi32, #tpu.memory_space<hbm>> -> memref<80xi32, #tpu.memory_space<hbm>>
      tpu.enqueue_dma source(%dma_start3A_382 : memref<80xi32, #tpu.memory_space<hbm>>) target(%dma_start3A_381 : memref<80xi32, #tpu.memory_space<vmem>>) target_semaphore(%run_scoped3A_374 : memref<!tpu.dma_semaphore, #tpu.memory_space<semaphore_mem>>)
      %dma_wait3A_383 = arith.constant 0 : i32
      %dma_wait3A_384 = tpu.memref_slice %arg12[%run_scoped3A_364, %dma_wait3A_383] : memref<3x80xi32, #tpu.memory_space<vmem>> -> memref<1x80xi32, #tpu.memory_space<vmem>>
      %dma_wait3A_385 = tpu.memref_squeeze %dma_wait3A_384 : memref<1x80xi32, #tpu.memory_space<vmem>> -> memref<80xi32, #tpu.memory_space<vmem>>
      %dma_wait3A_386 = tpu.memref_slice %arg6[%add3A_363] : memref<10240xi32, #tpu.memory_space<hbm>> -> memref<80xi32, #tpu.memory_space<hbm>>
      %dma_wait3A_387 = arith.constant 0 : i32
      %dma_wait3A_388 = tpu.memref_slice %arg12[%run_scoped3A_364, %dma_wait3A_387] : memref<3x80xi32, #tpu.memory_space<vmem>> -> memref<1x80xi32, #tpu.memory_space<vmem>>
      %dma_wait3A_389 = tpu.memref_squeeze %dma_wait3A_388 : memref<1x80xi32, #tpu.memory_space<vmem>> -> memref<80xi32, #tpu.memory_space<vmem>>
      %dma_wait3A_390 = tpu.memref_slice %arg6[%add3A_363] : memref<10240xi32, #tpu.memory_space<hbm>> -> memref<80xi32, #tpu.memory_space<hbm>>
      tpu.wait_dma2 semaphore(%run_scoped3A_374 : memref<!tpu.dma_semaphore, #tpu.memory_space<semaphore_mem>>) src(%dma_wait3A_390 : memref<80xi32, #tpu.memory_space<hbm>>) dst(%dma_wait3A_389 : memref<80xi32, #tpu.memory_space<vmem>>)
      tpu.yield
    }) : () -> ()
    %run_scoped3A_365 = arith.constant 0 : i32
    "tpu.region"() ({
      %run_scoped3A_374 = tpu.sem_alloc : memref<!tpu.dma_semaphore, #tpu.memory_space<semaphore_mem>>
      %dma_start3A_375 = arith.constant 0 : i32
      %dma_start3A_376 = tpu.memref_slice %arg12[%run_scoped3A_365, %dma_start3A_375] : memref<3x80xi32, #tpu.memory_space<vmem>> -> memref<1x80xi32, #tpu.memory_space<vmem>>
      %dma_start3A_377 = tpu.memref_squeeze %dma_start3A_376 : memref<1x80xi32, #tpu.memory_space<vmem>> -> memref<80xi32, #tpu.memory_space<vmem>>
      %dma_start3A_378 = arith.constant 0 : i32
      %dma_start3A_379 = arith.constant 0 : i32
      %dma_start3A_380 = tpu.memref_slice %arg10[%dma_start3A_378, %dma_start3A_379] : memref<10000x128xf32, #tpu.memory_space<vmem_shared>> -> memref<10000x128xf32, #tpu.memory_space<vmem_shared>>
      tpu.enqueue_indirect_dma source(%dma_start3A_380 : memref<10000x128xf32, #tpu.memory_space<vmem_shared>>) target(%arg14 : memref<80x128xf32, #tpu.memory_space<vmem>>) offsets(%dma_start3A_377 : memref<80xi32, #tpu.memory_space<vmem>>) semaphore(%run_scoped3A_374 : memref<!tpu.dma_semaphore, #tpu.memory_space<semaphore_mem>>)
      %dma_wait3A_381 = arith.constant 0 : i32
      %dma_wait3A_382 = tpu.memref_slice %arg12[%run_scoped3A_365, %dma_wait3A_381] : memref<3x80xi32, #tpu.memory_space<vmem>> -> memref<1x80xi32, #tpu.memory_space<vmem>>
      %dma_wait3A_383 = tpu.memref_squeeze %dma_wait3A_382 : memref<1x80xi32, #tpu.memory_space<vmem>> -> memref<80xi32, #tpu.memory_space<vmem>>
      %dma_wait3A_384 = arith.constant 0 : i32
      %dma_wait3A_385 = arith.constant 0 : i32
      %dma_wait3A_386 = tpu.memref_slice %arg10[%dma_wait3A_384, %dma_wait3A_385] : memref<10000x128xf32, #tpu.memory_space<vmem_shared>> -> memref<10000x128xf32, #tpu.memory_space<vmem_shared>>
      tpu.wait_indirect_dma semaphore(%run_scoped3A_374 : memref<!tpu.dma_semaphore, #tpu.memory_space<semaphore_mem>>) src(%dma_wait3A_386 : memref<10000x128xf32, #tpu.memory_space<vmem_shared>>) dst(%arg14 : memref<80x128xf32, #tpu.memory_space<vmem>>)
      tpu.yield
    }) : () -> ()
    %run_scoped3A_366 = arith.constant 0 : i32
    "tpu.region"() ({
      %run_scoped3A_374 = tpu.sem_alloc : memref<!tpu.dma_semaphore, #tpu.memory_space<semaphore_mem>>
      %dma_start3A_375 = arith.constant 0 : i32
      %dma_start3A_376 = tpu.memref_slice %arg12[%run_scoped3A_366, %dma_start3A_375] : memref<3x80xi32, #tpu.memory_space<vmem>> -> memref<1x80xi32, #tpu.memory_space<vmem>>
      %dma_start3A_377 = tpu.memref_squeeze %dma_start3A_376 : memref<1x80xi32, #tpu.memory_space<vmem>> -> memref<80xi32, #tpu.memory_space<vmem>>
      %dma_start3A_378 = arith.constant 0 : i32
      %dma_start3A_379 = arith.constant 0 : i32
      %dma_start3A_380 = tpu.memref_slice %arg11[%dma_start3A_378, %dma_start3A_379] : memref<10000x16xf32, #tpu.memory_space<vmem_shared>> -> memref<10000x16xf32, #tpu.memory_space<vmem_shared>>
      tpu.enqueue_indirect_dma source(%dma_start3A_380 : memref<10000x16xf32, #tpu.memory_space<vmem_shared>>) target(%arg20 : memref<80x16xf32, #tpu.memory_space<vmem>>) offsets(%dma_start3A_377 : memref<80xi32, #tpu.memory_space<vmem>>) semaphore(%run_scoped3A_374 : memref<!tpu.dma_semaphore, #tpu.memory_space<semaphore_mem>>)
      %dma_wait3A_381 = arith.constant 0 : i32
      %dma_wait3A_382 = tpu.memref_slice %arg12[%run_scoped3A_366, %dma_wait3A_381] : memref<3x80xi32, #tpu.memory_space<vmem>> -> memref<1x80xi32, #tpu.memory_space<vmem>>
      %dma_wait3A_383 = tpu.memref_squeeze %dma_wait3A_382 : memref<1x80xi32, #tpu.memory_space<vmem>> -> memref<80xi32, #tpu.memory_space<vmem>>
      %dma_wait3A_384 = arith.constant 0 : i32
      %dma_wait3A_385 = arith.constant 0 : i32
      %dma_wait3A_386 = tpu.memref_slice %arg11[%dma_wait3A_384, %dma_wait3A_385] : memref<10000x16xf32, #tpu.memory_space<vmem_shared>> -> memref<10000x16xf32, #tpu.memory_space<vmem_shared>>
      tpu.wait_indirect_dma semaphore(%run_scoped3A_374 : memref<!tpu.dma_semaphore, #tpu.memory_space<semaphore_mem>>) src(%dma_wait3A_386 : memref<10000x16xf32, #tpu.memory_space<vmem_shared>>) dst(%arg20 : memref<80x16xf32, #tpu.memory_space<vmem>>)
      tpu.yield
    }) : () -> ()
    %scan3A_367 = arith.constant 0 : i32
    %scan3A_368 = arith.constant 80 : i32
    %scan3A_369 = arith.addi %scan3A_367, %scan3A_368 : i32
    %scan3A_370 = arith.constant 1 : i32
    scf.for %scan3A_374 = %scan3A_367 to %scan3A_369 step %scan3A_370  : i32 {
      %mul3A_375 = arith.constant 1 : i32
      %mul3A_376 = arith.muli %scan3A_374, %mul3A_375 : i32
      %add3A_377 = arith.constant 0 : i32
      %add3A_378 = arith.addi %add3A_377, %mul3A_376 : i32
      %get3A = arith.index_cast %add3A_378 : i32 to index
      %get3A_379 = arith.constant 0 : index
      %get3A_380 = tpu.vector_load %arg20[%get3A, %get3A_379] {strides = array<i32>} : memref<80x16xf32, #tpu.memory_space<vmem>>, vector<1x16xf32>,
      %get3A_381 = vector.shape_cast %get3A_380 : vector<1x16xf32> to vector<16xf32>
      %max3A = arith.constant 9.99999971E-10 : f32
      %max3A_382 = vector.broadcast %max3A : f32 to vector<16xf32>
      %max3A_383 = arith.maximumf %get3A_381, %max3A_382 : vector<16xf32>
      %get3A_384 = arith.index_cast %add3A_378 : i32 to index
      %get3A_385 = arith.constant 0 : index
      %get3A_386 = tpu.vector_load %arg14[%get3A_384, %get3A_385] {strides = array<i32>} : memref<80x128xf32, #tpu.memory_space<vmem>>, vector<1x16xf32>,
      %get3A_387 = vector.shape_cast %get3A_386 : vector<1x16xf32> to vector<16xf32>
      %slice3A = vector.extract_strided_slice %max3A_383 {offsets = [0], sizes = [1], strides = [1]} : vector<16xf32> to vector<1xf32>
      %squeeze3A = vector.extract %slice3A[0] : f32 from vector<1xf32>
      %div3A = vector.broadcast %squeeze3A : f32 to vector<16xf32>
      %div3A_388 = arith.divf %get3A_387, %div3A : vector<16xf32>
      %get3A_389 = arith.constant 0 : index
      %get3A_390 = tpu.vector_load %arg22[%get3A_389] {strides = array<i32>} : memref<128xf32, #tpu.memory_space<vmem>>, vector<16xf32>,
      %get3A_391 = vector.shape_cast %get3A_390 : vector<16xf32> to vector<16xf32>
      %add3A_392 = arith.addf %div3A_388, %get3A_391 : vector<16xf32>
      %gt3A = arith.constant 0.000000e+00 : f32
      %gt3A_393 = vector.broadcast %gt3A : f32 to vector<16xf32>
      %gt3A_394 = arith.cmpf ogt, %add3A_392, %gt3A_393 : vector<16xf32>
      %exp3A = math.exp %add3A_392 : vector<16xf32>
      %sub3A = arith.constant 1.000000e+00 : f32
      %sub3A_395 = vector.broadcast %sub3A : f32 to vector<16xf32>
      %sub3A_396 = arith.subf %exp3A, %sub3A_395 : vector<16xf32>
      %select_n3A = arith.select %gt3A_394, %add3A_392, %sub3A_396 : vector<16xi1>, vector<16xf32>
      %swap3A = arith.index_cast %add3A_378 : i32 to index
      %swap3A_397 = arith.constant 0 : index
      %swap3A_398 = tpu.vector_load %arg14[%swap3A, %swap3A_397] {strides = array<i32>} : memref<80x128xf32, #tpu.memory_space<vmem>>, vector<1x16xf32>,
      %swap3A_399 = vector.shape_cast %swap3A_398 : vector<1x16xf32> to vector<16xf32>
      %swap3A_400 = vector.shape_cast %select_n3A : vector<16xf32> to vector<1x16xf32>
      tpu.vector_store %arg14[%swap3A, %swap3A_397], %swap3A_400 {strides = array<i32>} : memref<80x128xf32, #tpu.memory_space<vmem>>, vector<1x16xf32>,
      %get3A_401 = arith.index_cast %add3A_378 : i32 to index
      %get3A_402 = arith.constant 16 : index
      %get3A_403 = tpu.vector_load %arg14[%get3A_401, %get3A_402] {strides = array<i32>} : memref<80x128xf32, #tpu.memory_space<vmem>>, vector<1x16xf32>,
      %get3A_404 = vector.shape_cast %get3A_403 : vector<1x16xf32> to vector<16xf32>
      %slice3A_405 = vector.extract_strided_slice %max3A_383 {offsets = [1], sizes = [1], strides = [1]} : vector<16xf32> to vector<1xf32>
      %squeeze3A_406 = vector.extract %slice3A_405[0] : f32 from vector<1xf32>
      %div3A_407 = vector.broadcast %squeeze3A_406 : f32 to vector<16xf32>
      %div3A_408 = arith.divf %get3A_404, %div3A_407 : vector<16xf32>
      %get3A_409 = arith.constant 16 : index
      %get3A_410 = tpu.vector_load %arg22[%get3A_409] {strides = array<i32>} : memref<128xf32, #tpu.memory_space<vmem>>, vector<16xf32>,
      %get3A_411 = vector.shape_cast %get3A_410 : vector<16xf32> to vector<16xf32>
      %add3A_412 = arith.addf %div3A_408, %get3A_411 : vector<16xf32>
      %gt3A_413 = arith.constant 0.000000e+00 : f32
      %gt3A_414 = vector.broadcast %gt3A_413 : f32 to vector<16xf32>
      %gt3A_415 = arith.cmpf ogt, %add3A_412, %gt3A_414 : vector<16xf32>
      %exp3A_416 = math.exp %add3A_412 : vector<16xf32>
      %sub3A_417 = arith.constant 1.000000e+00 : f32
      %sub3A_418 = vector.broadcast %sub3A_417 : f32 to vector<16xf32>
      %sub3A_419 = arith.subf %exp3A_416, %sub3A_418 : vector<16xf32>
      %select_n3A_420 = arith.select %gt3A_415, %add3A_412, %sub3A_419 : vector<16xi1>, vector<16xf32>
      %swap3A_421 = arith.index_cast %add3A_378 : i32 to index
      %swap3A_422 = arith.constant 16 : index
      %swap3A_423 = tpu.vector_load %arg14[%swap3A_421, %swap3A_422] {strides = array<i32>} : memref<80x128xf32, #tpu.memory_space<vmem>>, vector<1x16xf32>,
      %swap3A_424 = vector.shape_cast %swap3A_423 : vector<1x16xf32> to vector<16xf32>
      %swap3A_425 = vector.shape_cast %select_n3A_420 : vector<16xf32> to vector<1x16xf32>
      tpu.vector_store %arg14[%swap3A_421, %swap3A_422], %swap3A_425 {strides = array<i32>} : memref<80x128xf32, #tpu.memory_space<vmem>>, vector<1x16xf32>,
      %get3A_426 = arith.index_cast %add3A_378 : i32 to index
      %get3A_427 = arith.constant 32 : index
      %get3A_428 = tpu.vector_load %arg14[%get3A_426, %get3A_427] {strides = array<i32>} : memref<80x128xf32, #tpu.memory_space<vmem>>, vector<1x16xf32>,
      %get3A_429 = vector.shape_cast %get3A_428 : vector<1x16xf32> to vector<16xf32>
      %slice3A_430 = vector.extract_strided_slice %max3A_383 {offsets = [2], sizes = [1], strides = [1]} : vector<16xf32> to vector<1xf32>
      %squeeze3A_431 = vector.extract %slice3A_430[0] : f32 from vector<1xf32>
      %div3A_432 = vector.broadcast %squeeze3A_431 : f32 to vector<16xf32>
      %div3A_433 = arith.divf %get3A_429, %div3A_432 : vector<16xf32>
      %get3A_434 = arith.constant 32 : index
      %get3A_435 = tpu.vector_load %arg22[%get3A_434] {strides = array<i32>} : memref<128xf32, #tpu.memory_space<vmem>>, vector<16xf32>,
      %get3A_436 = vector.shape_cast %get3A_435 : vector<16xf32> to vector<16xf32>
      %add3A_437 = arith.addf %div3A_433, %get3A_436 : vector<16xf32>
      %gt3A_438 = arith.constant 0.000000e+00 : f32
      %gt3A_439 = vector.broadcast %gt3A_438 : f32 to vector<16xf32>
      %gt3A_440 = arith.cmpf ogt, %add3A_437, %gt3A_439 : vector<16xf32>
      %exp3A_441 = math.exp %add3A_437 : vector<16xf32>
      %sub3A_442 = arith.constant 1.000000e+00 : f32
      %sub3A_443 = vector.broadcast %sub3A_442 : f32 to vector<16xf32>
      %sub3A_444 = arith.subf %exp3A_441, %sub3A_443 : vector<16xf32>
      %select_n3A_445 = arith.select %gt3A_440, %add3A_437, %sub3A_444 : vector<16xi1>, vector<16xf32>
      %swap3A_446 = arith.index_cast %add3A_378 : i32 to index
      %swap3A_447 = arith.constant 32 : index
      %swap3A_448 = tpu.vector_load %arg14[%swap3A_446, %swap3A_447] {strides = array<i32>} : memref<80x128xf32, #tpu.memory_space<vmem>>, vector<1x16xf32>,
      %swap3A_449 = vector.shape_cast %swap3A_448 : vector<1x16xf32> to vector<16xf32>
      %swap3A_450 = vector.shape_cast %select_n3A_445 : vector<16xf32> to vector<1x16xf32>
      tpu.vector_store %arg14[%swap3A_446, %swap3A_447], %swap3A_450 {strides = array<i32>} : memref<80x128xf32, #tpu.memory_space<vmem>>, vector<1x16xf32>,
      %get3A_451 = arith.index_cast %add3A_378 : i32 to index
      %get3A_452 = arith.constant 48 : index
      %get3A_453 = tpu.vector_load %arg14[%get3A_451, %get3A_452] {strides = array<i32>} : memref<80x128xf32, #tpu.memory_space<vmem>>, vector<1x16xf32>,
      %get3A_454 = vector.shape_cast %get3A_453 : vector<1x16xf32> to vector<16xf32>
      %slice3A_455 = vector.extract_strided_slice %max3A_383 {offsets = [3], sizes = [1], strides = [1]} : vector<16xf32> to vector<1xf32>
      %squeeze3A_456 = vector.extract %slice3A_455[0] : f32 from vector<1xf32>
      %div3A_457 = vector.broadcast %squeeze3A_456 : f32 to vector<16xf32>
      %div3A_458 = arith.divf %get3A_454, %div3A_457 : vector<16xf32>
      %get3A_459 = arith.constant 48 : index
      %get3A_460 = tpu.vector_load %arg22[%get3A_459] {strides = array<i32>} : memref<128xf32, #tpu.memory_space<vmem>>, vector<16xf32>,
      %get3A_461 = vector.shape_cast %get3A_460 : vector<16xf32> to vector<16xf32>
      %add3A_462 = arith.addf %div3A_458, %get3A_461 : vector<16xf32>
      %gt3A_463 = arith.constant 0.000000e+00 : f32
      %gt3A_464 = vector.broadcast %gt3A_463 : f32 to vector<16xf32>
      %gt3A_465 = arith.cmpf ogt, %add3A_462, %gt3A_464 : vector<16xf32>
      %exp3A_466 = math.exp %add3A_462 : vector<16xf32>
      %sub3A_467 = arith.constant 1.000000e+00 : f32
      %sub3A_468 = vector.broadcast %sub3A_467 : f32 to vector<16xf32>
      %sub3A_469 = arith.subf %exp3A_466, %sub3A_468 : vector<16xf32>
      %select_n3A_470 = arith.select %gt3A_465, %add3A_462, %sub3A_469 : vector<16xi1>, vector<16xf32>
      %swap3A_471 = arith.index_cast %add3A_378 : i32 to index
      %swap3A_472 = arith.constant 48 : index
      %swap3A_473 = tpu.vector_load %arg14[%swap3A_471, %swap3A_472] {strides = array<i32>} : memref<80x128xf32, #tpu.memory_space<vmem>>, vector<1x16xf32>,
      %swap3A_474 = vector.shape_cast %swap3A_473 : vector<1x16xf32> to vector<16xf32>
      %swap3A_475 = vector.shape_cast %select_n3A_470 : vector<16xf32> to vector<1x16xf32>
      tpu.vector_store %arg14[%swap3A_471, %swap3A_472], %swap3A_475 {strides = array<i32>} : memref<80x128xf32, #tpu.memory_space<vmem>>, vector<1x16xf32>,
      %get3A_476 = arith.index_cast %add3A_378 : i32 to index
      %get3A_477 = arith.constant 64 : index
      %get3A_478 = tpu.vector_load %arg14[%get3A_476, %get3A_477] {strides = array<i32>} : memref<80x128xf32, #tpu.memory_space<vmem>>, vector<1x16xf32>,
      %get3A_479 = vector.shape_cast %get3A_478 : vector<1x16xf32> to vector<16xf32>
      %slice3A_480 = vector.extract_strided_slice %max3A_383 {offsets = [4], sizes = [1], strides = [1]} : vector<16xf32> to vector<1xf32>
      %squeeze3A_481 = vector.extract %slice3A_480[0] : f32 from vector<1xf32>
      %div3A_482 = vector.broadcast %squeeze3A_481 : f32 to vector<16xf32>
      %div3A_483 = arith.divf %get3A_479, %div3A_482 : vector<16xf32>
      %get3A_484 = arith.constant 64 : index
      %get3A_485 = tpu.vector_load %arg22[%get3A_484] {strides = array<i32>} : memref<128xf32, #tpu.memory_space<vmem>>, vector<16xf32>,
      %get3A_486 = vector.shape_cast %get3A_485 : vector<16xf32> to vector<16xf32>
      %add3A_487 = arith.addf %div3A_483, %get3A_486 : vector<16xf32>
      %gt3A_488 = arith.constant 0.000000e+00 : f32
      %gt3A_489 = vector.broadcast %gt3A_488 : f32 to vector<16xf32>
      %gt3A_490 = arith.cmpf ogt, %add3A_487, %gt3A_489 : vector<16xf32>
      %exp3A_491 = math.exp %add3A_487 : vector<16xf32>
      %sub3A_492 = arith.constant 1.000000e+00 : f32
      %sub3A_493 = vector.broadcast %sub3A_492 : f32 to vector<16xf32>
      %sub3A_494 = arith.subf %exp3A_491, %sub3A_493 : vector<16xf32>
      %select_n3A_495 = arith.select %gt3A_490, %add3A_487, %sub3A_494 : vector<16xi1>, vector<16xf32>
      %swap3A_496 = arith.index_cast %add3A_378 : i32 to index
      %swap3A_497 = arith.constant 64 : index
      %swap3A_498 = tpu.vector_load %arg14[%swap3A_496, %swap3A_497] {strides = array<i32>} : memref<80x128xf32, #tpu.memory_space<vmem>>, vector<1x16xf32>,
      %swap3A_499 = vector.shape_cast %swap3A_498 : vector<1x16xf32> to vector<16xf32>
      %swap3A_500 = vector.shape_cast %select_n3A_495 : vector<16xf32> to vector<1x16xf32>
      tpu.vector_store %arg14[%swap3A_496, %swap3A_497], %swap3A_500 {strides = array<i32>} : memref<80x128xf32, #tpu.memory_space<vmem>>, vector<1x16xf32>,
      %get3A_501 = arith.index_cast %add3A_378 : i32 to index
      %get3A_502 = arith.constant 80 : index
      %get3A_503 = tpu.vector_load %arg14[%get3A_501, %get3A_502] {strides = array<i32>} : memref<80x128xf32, #tpu.memory_space<vmem>>, vector<1x16xf32>,
      %get3A_504 = vector.shape_cast %get3A_503 : vector<1x16xf32> to vector<16xf32>
      %slice3A_505 = vector.extract_strided_slice %max3A_383 {offsets = [5], sizes = [1], strides = [1]} : vector<16xf32> to vector<1xf32>
      %squeeze3A_506 = vector.extract %slice3A_505[0] : f32 from vector<1xf32>
      %div3A_507 = vector.broadcast %squeeze3A_506 : f32 to vector<16xf32>
      %div3A_508 = arith.divf %get3A_504, %div3A_507 : vector<16xf32>
      %get3A_509 = arith.constant 80 : index
      %get3A_510 = tpu.vector_load %arg22[%get3A_509] {strides = array<i32>} : memref<128xf32, #tpu.memory_space<vmem>>, vector<16xf32>,
      %get3A_511 = vector.shape_cast %get3A_510 : vector<16xf32> to vector<16xf32>
      %add3A_512 = arith.addf %div3A_508, %get3A_511 : vector<16xf32>
      %gt3A_513 = arith.constant 0.000000e+00 : f32
      %gt3A_514 = vector.broadcast %gt3A_513 : f32 to vector<16xf32>
      %gt3A_515 = arith.cmpf ogt, %add3A_512, %gt3A_514 : vector<16xf32>
      %exp3A_516 = math.exp %add3A_512 : vector<16xf32>
      %sub3A_517 = arith.constant 1.000000e+00 : f32
      %sub3A_518 = vector.broadcast %sub3A_517 : f32 to vector<16xf32>
      %sub3A_519 = arith.subf %exp3A_516, %sub3A_518 : vector<16xf32>
      %select_n3A_520 = arith.select %gt3A_515, %add3A_512, %sub3A_519 : vector<16xi1>, vector<16xf32>
      %swap3A_521 = arith.index_cast %add3A_378 : i32 to index
      %swap3A_522 = arith.constant 80 : index
      %swap3A_523 = tpu.vector_load %arg14[%swap3A_521, %swap3A_522] {strides = array<i32>} : memref<80x128xf32, #tpu.memory_space<vmem>>, vector<1x16xf32>,
      %swap3A_524 = vector.shape_cast %swap3A_523 : vector<1x16xf32> to vector<16xf32>
      %swap3A_525 = vector.shape_cast %select_n3A_520 : vector<16xf32> to vector<1x16xf32>
      tpu.vector_store %arg14[%swap3A_521, %swap3A_522], %swap3A_525 {strides = array<i32>} : memref<80x128xf32, #tpu.memory_space<vmem>>, vector<1x16xf32>,
      %get3A_526 = arith.index_cast %add3A_378 : i32 to index
      %get3A_527 = arith.constant 96 : index
      %get3A_528 = tpu.vector_load %arg14[%get3A_526, %get3A_527] {strides = array<i32>} : memref<80x128xf32, #tpu.memory_space<vmem>>, vector<1x16xf32>,
      %get3A_529 = vector.shape_cast %get3A_528 : vector<1x16xf32> to vector<16xf32>
      %slice3A_530 = vector.extract_strided_slice %max3A_383 {offsets = [6], sizes = [1], strides = [1]} : vector<16xf32> to vector<1xf32>
      %squeeze3A_531 = vector.extract %slice3A_530[0] : f32 from vector<1xf32>
      %div3A_532 = vector.broadcast %squeeze3A_531 : f32 to vector<16xf32>
      %div3A_533 = arith.divf %get3A_529, %div3A_532 : vector<16xf32>
      %get3A_534 = arith.constant 96 : index
      %get3A_535 = tpu.vector_load %arg22[%get3A_534] {strides = array<i32>} : memref<128xf32, #tpu.memory_space<vmem>>, vector<16xf32>,
      %get3A_536 = vector.shape_cast %get3A_535 : vector<16xf32> to vector<16xf32>
      %add3A_537 = arith.addf %div3A_533, %get3A_536 : vector<16xf32>
      %gt3A_538 = arith.constant 0.000000e+00 : f32
      %gt3A_539 = vector.broadcast %gt3A_538 : f32 to vector<16xf32>
      %gt3A_540 = arith.cmpf ogt, %add3A_537, %gt3A_539 : vector<16xf32>
      %exp3A_541 = math.exp %add3A_537 : vector<16xf32>
      %sub3A_542 = arith.constant 1.000000e+00 : f32
      %sub3A_543 = vector.broadcast %sub3A_542 : f32 to vector<16xf32>
      %sub3A_544 = arith.subf %exp3A_541, %sub3A_543 : vector<16xf32>
      %select_n3A_545 = arith.select %gt3A_540, %add3A_537, %sub3A_544 : vector<16xi1>, vector<16xf32>
      %swap3A_546 = arith.index_cast %add3A_378 : i32 to index
      %swap3A_547 = arith.constant 96 : index
      %swap3A_548 = tpu.vector_load %arg14[%swap3A_546, %swap3A_547] {strides = array<i32>} : memref<80x128xf32, #tpu.memory_space<vmem>>, vector<1x16xf32>,
      %swap3A_549 = vector.shape_cast %swap3A_548 : vector<1x16xf32> to vector<16xf32>
      %swap3A_550 = vector.shape_cast %select_n3A_545 : vector<16xf32> to vector<1x16xf32>
      tpu.vector_store %arg14[%swap3A_546, %swap3A_547], %swap3A_550 {strides = array<i32>} : memref<80x128xf32, #tpu.memory_space<vmem>>, vector<1x16xf32>,
      %get3A_551 = arith.index_cast %add3A_378 : i32 to index
      %get3A_552 = arith.constant 112 : index
      %get3A_553 = tpu.vector_load %arg14[%get3A_551, %get3A_552] {strides = array<i32>} : memref<80x128xf32, #tpu.memory_space<vmem>>, vector<1x16xf32>,
      %get3A_554 = vector.shape_cast %get3A_553 : vector<1x16xf32> to vector<16xf32>
      %slice3A_555 = vector.extract_strided_slice %max3A_383 {offsets = [7], sizes = [1], strides = [1]} : vector<16xf32> to vector<1xf32>
      %squeeze3A_556 = vector.extract %slice3A_555[0] : f32 from vector<1xf32>
      %div3A_557 = vector.broadcast %squeeze3A_556 : f32 to vector<16xf32>
      %div3A_558 = arith.divf %get3A_554, %div3A_557 : vector<16xf32>
      %get3A_559 = arith.constant 112 : index
      %get3A_560 = tpu.vector_load %arg22[%get3A_559] {strides = array<i32>} : memref<128xf32, #tpu.memory_space<vmem>>, vector<16xf32>,
      %get3A_561 = vector.shape_cast %get3A_560 : vector<16xf32> to vector<16xf32>
      %add3A_562 = arith.addf %div3A_558, %get3A_561 : vector<16xf32>
      %gt3A_563 = arith.constant 0.000000e+00 : f32
      %gt3A_564 = vector.broadcast %gt3A_563 : f32 to vector<16xf32>
      %gt3A_565 = arith.cmpf ogt, %add3A_562, %gt3A_564 : vector<16xf32>
      %exp3A_566 = math.exp %add3A_562 : vector<16xf32>
      %sub3A_567 = arith.constant 1.000000e+00 : f32
      %sub3A_568 = vector.broadcast %sub3A_567 : f32 to vector<16xf32>
      %sub3A_569 = arith.subf %exp3A_566, %sub3A_568 : vector<16xf32>
      %select_n3A_570 = arith.select %gt3A_565, %add3A_562, %sub3A_569 : vector<16xi1>, vector<16xf32>
      %swap3A_571 = arith.index_cast %add3A_378 : i32 to index
      %swap3A_572 = arith.constant 112 : index
      %swap3A_573 = tpu.vector_load %arg14[%swap3A_571, %swap3A_572] {strides = array<i32>} : memref<80x128xf32, #tpu.memory_space<vmem>>, vector<1x16xf32>,
      %swap3A_574 = vector.shape_cast %swap3A_573 : vector<1x16xf32> to vector<16xf32>
      %swap3A_575 = vector.shape_cast %select_n3A_570 : vector<16xf32> to vector<1x16xf32>
      tpu.vector_store %arg14[%swap3A_571, %swap3A_572], %swap3A_575 {strides = array<i32>} : memref<80x128xf32, #tpu.memory_space<vmem>>, vector<1x16xf32>,
    }
    %scan3A_371 = arith.constant 80 : i32
    %add3A_372 = arith.constant 240 : i32
    %add3A_373 = arith.addi %mul3A_322, %add3A_372 : i32
    "tpu.region"() ({
      %run_scoped3A_374 = tpu.sem_alloc : memref<!tpu.dma_semaphore, #tpu.memory_space<semaphore_mem>>
      %dma_start3A_375 = arith.constant 0 : i32
      %dma_start3A_376 = tpu.memref_slice %arg9[%arg0, %add3A_373, %dma_start3A_375] : memref<2x5120x128xf32, #tpu.memory_space<hbm>> -> memref<1x80x128xf32, #tpu.memory_space<hbm>>
      %dma_start3A_377 = tpu.memref_squeeze %dma_start3A_376 : memref<1x80x128xf32, #tpu.memory_space<hbm>> -> memref<80x128xf32, #tpu.memory_space<hbm>>
      %dma_start3A_378 = arith.constant 0 : i32
      %dma_start3A_379 = tpu.memref_slice %arg9[%arg0, %add3A_373, %dma_start3A_378] : memref<2x5120x128xf32, #tpu.memory_space<hbm>> -> memref<1x80x128xf32, #tpu.memory_space<hbm>>
      %dma_start3A_380 = tpu.memref_squeeze %dma_start3A_379 : memref<1x80x128xf32, #tpu.memory_space<hbm>> -> memref<80x128xf32, #tpu.memory_space<hbm>>
      tpu.enqueue_dma source(%arg14 : memref<80x128xf32, #tpu.memory_space<vmem>>) target(%dma_start3A_380 : memref<80x128xf32, #tpu.memory_space<hbm>>) target_semaphore(%run_scoped3A_374 : memref<!tpu.dma_semaphore, #tpu.memory_space<semaphore_mem>>)
      %dma_wait3A_381 = arith.constant 0 : i32
      %dma_wait3A_382 = tpu.memref_slice %arg9[%arg0, %add3A_373, %dma_wait3A_381] : memref<2x5120x128xf32, #tpu.memory_space<hbm>> -> memref<1x80x128xf32, #tpu.memory_space<hbm>>
      %dma_wait3A_383 = tpu.memref_squeeze %dma_wait3A_382 : memref<1x80x128xf32, #tpu.memory_space<hbm>> -> memref<80x128xf32, #tpu.memory_space<hbm>>
      %dma_wait3A_384 = arith.constant 0 : i32
      %dma_wait3A_385 = tpu.memref_slice %arg9[%arg0, %add3A_373, %dma_wait3A_384] : memref<2x5120x128xf32, #tpu.memory_space<hbm>> -> memref<1x80x128xf32, #tpu.memory_space<hbm>>
      %dma_wait3A_386 = tpu.memref_squeeze %dma_wait3A_385 : memref<1x80x128xf32, #tpu.memory_space<hbm>> -> memref<80x128xf32, #tpu.memory_space<hbm>>
      tpu.wait_dma2 semaphore(%run_scoped3A_374 : memref<!tpu.dma_semaphore, #tpu.memory_space<semaphore_mem>>) src(%arg14 : memref<80x128xf32, #tpu.memory_space<vmem>>) dst(%dma_wait3A_386 : memref<80x128xf32, #tpu.memory_space<hbm>>)
      tpu.yield
    }) : () -> ()
    return
  }
}

module attributes {stable_mosaic.version = 14 : i64} {
  func.func @_tc_body(%arg0: i32, %arg1: i32, %arg2: memref<1x1000x128xf32, #tpu.memory_space<vmem>>, %arg3: memref<1x128x128xf32, #tpu.memory_space<vmem>>, %arg4: memref<1x128x8xf32, #tpu.memory_space<vmem>>, %arg5: memref<1x128x8xf32, #tpu.memory_space<vmem>>, %arg6: memref<1x1000x128xf32, #tpu.memory_space<vmem>>, %arg7: memref<1x1000x16xf32, #tpu.memory_space<vmem>>, %arg8: memref<1x1000x16xf32, #tpu.memory_space<vmem>>, %arg9: memref<1x1x16xf32, #tpu.memory_space<vmem>>) attributes {dimension_semantics = [#tpu.dimension_semantics<arbitrary>, #tpu.dimension_semantics<arbitrary>], iteration_bounds = array<i64: 2, 10>, scalar_prefetch = 0 : i64, scratch_operands = 0 : i64, tpu.core_type = #tpu.core_type<tc>, window_params = [{transform_indices = @transform_0, window_bounds = array<i64: 1, 1000, 128>}, {transform_indices = @transform_1, window_bounds = array<i64: 1, 128, 128>}, {transform_indices = @transform_2, window_bounds = array<i64: 1, 128, 8>}, {transform_indices = @transform_3, window_bounds = array<i64: 1, 128, 8>}, {transform_indices = @transform_4, window_bounds = array<i64: 1, 1000, 128>}, {transform_indices = @transform_5, window_bounds = array<i64: 1, 1000, 16>}, {transform_indices = @transform_6, window_bounds = array<i64: 1, 1000, 16>}, {transform_indices = @transform_7, window_bounds = array<i64: 1, 1, 16>}]} {
    %get3A = arith.constant 0 : index
    %get3A_0 = arith.constant 0 : index
    %get3A_1 = arith.constant 0 : index
    %get3A_2 = vector.load %arg2[%get3A, %get3A_0, %get3A_1] : memref<1x1000x128xf32, #tpu.memory_space<vmem>>, vector<1x1000x128xf32>
    %get3A_3 = vector.shape_cast %get3A_2 : vector<1x1000x128xf32> to vector<1000x128xf32>
    %get3A_4 = arith.constant 0 : index
    %get3A_5 = arith.constant 0 : index
    %get3A_6 = arith.constant 0 : index
    %get3A_7 = vector.load %arg3[%get3A_4, %get3A_5, %get3A_6] : memref<1x128x128xf32, #tpu.memory_space<vmem>>, vector<1x128x128xf32>
    %get3A_8 = vector.shape_cast %get3A_7 : vector<1x128x128xf32> to vector<128x128xf32>
    %dot_general3A = arith.constant dense<0.000000e+00> : vector<1000x128xf32>
    %dot_general3A_9 = tpu.matmul %get3A_3, %get3A_8, %dot_general3A {dimension_numbers = #tpu.dot_dimension_numbers<[1], [0], [0], [1], [0, 0, 1, 1], [], []>, transpose_lhs_hint = false} : vector<1000x128xf32>, vector<128x128xf32>, vector<1000x128xf32> -> vector<1000x128xf32>
    %get3A_10 = arith.constant 0 : index
    %get3A_11 = arith.constant 0 : index
    %get3A_12 = arith.constant 0 : index
    %get3A_13 = vector.load %arg4[%get3A_10, %get3A_11, %get3A_12] : memref<1x128x8xf32, #tpu.memory_space<vmem>>, vector<1x128x8xf32>
    %get3A_14 = vector.shape_cast %get3A_13 : vector<1x128x8xf32> to vector<128x8xf32>
    %dot_general3A_15 = arith.constant dense<0.000000e+00> : vector<1000x8xf32>
    %dot_general3A_16 = tpu.matmul %dot_general3A_9, %get3A_14, %dot_general3A_15 {dimension_numbers = #tpu.dot_dimension_numbers<[1], [0], [0], [1], [0, 0, 1, 1], [], []>, transpose_lhs_hint = false} : vector<1000x128xf32>, vector<128x8xf32>, vector<1000x8xf32> -> vector<1000x8xf32>
    %get3A_17 = arith.constant 0 : index
    %get3A_18 = arith.constant 0 : index
    %get3A_19 = arith.constant 0 : index
    %get3A_20 = vector.load %arg5[%get3A_17, %get3A_18, %get3A_19] : memref<1x128x8xf32, #tpu.memory_space<vmem>>, vector<1x128x8xf32>
    %get3A_21 = vector.shape_cast %get3A_20 : vector<1x128x8xf32> to vector<128x8xf32>
    %dot_general3A_22 = arith.constant dense<0.000000e+00> : vector<1000x8xf32>
    %dot_general3A_23 = tpu.matmul %dot_general3A_9, %get3A_21, %dot_general3A_22 {dimension_numbers = #tpu.dot_dimension_numbers<[1], [0], [0], [1], [0, 0, 1, 1], [], []>, transpose_lhs_hint = false} : vector<1000x128xf32>, vector<128x8xf32>, vector<1000x8xf32> -> vector<1000x8xf32>
    %swap3A = arith.constant 0 : index
    %swap3A_24 = arith.constant 0 : index
    %swap3A_25 = arith.constant 0 : index
    %swap3A_26 = vector.load %arg6[%swap3A, %swap3A_24, %swap3A_25] : memref<1x1000x128xf32, #tpu.memory_space<vmem>>, vector<1x1000x128xf32>
    %swap3A_27 = vector.shape_cast %swap3A_26 : vector<1x1000x128xf32> to vector<1000x128xf32>
    %swap3A_28 = vector.shape_cast %dot_general3A_9 : vector<1000x128xf32> to vector<1x1000x128xf32>
    tpu.vector_store %arg6[%swap3A, %swap3A_24, %swap3A_25], %swap3A_28 {strides = array<i32>} : memref<1x1000x128xf32, #tpu.memory_space<vmem>>, vector<1x1000x128xf32>,
    %concatenate3A = tpu.concatenate %dot_general3A_16, %dot_general3A_16 in 1 : vector<1000x8xf32>, vector<1000x8xf32> -> vector<1000x16xf32>
    %swap3A_29 = arith.constant 0 : index
    %swap3A_30 = arith.constant 0 : index
    %swap3A_31 = arith.constant 0 : index
    %swap3A_32 = vector.load %arg7[%swap3A_29, %swap3A_30, %swap3A_31] : memref<1x1000x16xf32, #tpu.memory_space<vmem>>, vector<1x1000x16xf32>
    %swap3A_33 = vector.shape_cast %swap3A_32 : vector<1x1000x16xf32> to vector<1000x16xf32>
    %swap3A_34 = vector.shape_cast %concatenate3A : vector<1000x16xf32> to vector<1x1000x16xf32>
    tpu.vector_store %arg7[%swap3A_29, %swap3A_30, %swap3A_31], %swap3A_34 {strides = array<i32>} : memref<1x1000x16xf32, #tpu.memory_space<vmem>>, vector<1x1000x16xf32>,
    %concatenate3A_35 = tpu.concatenate %dot_general3A_23, %dot_general3A_23 in 1 : vector<1000x8xf32>, vector<1000x8xf32> -> vector<1000x16xf32>
    %swap3A_36 = arith.constant 0 : index
    %swap3A_37 = arith.constant 0 : index
    %swap3A_38 = arith.constant 0 : index
    %swap3A_39 = vector.load %arg8[%swap3A_36, %swap3A_37, %swap3A_38] : memref<1x1000x16xf32, #tpu.memory_space<vmem>>, vector<1x1000x16xf32>
    %swap3A_40 = vector.shape_cast %swap3A_39 : vector<1x1000x16xf32> to vector<1000x16xf32>
    %swap3A_41 = vector.shape_cast %concatenate3A_35 : vector<1000x16xf32> to vector<1x1000x16xf32>
    tpu.vector_store %arg8[%swap3A_36, %swap3A_37, %swap3A_38], %swap3A_41 {strides = array<i32>} : memref<1x1000x16xf32, #tpu.memory_space<vmem>>, vector<1x1000x16xf32>,
    %reduce_max3A = arith.constant dense<0xFF800000> : vector<8xf32>
    %reduce_max3A_42 = vector.multi_reduction <maximumf>, %dot_general3A_16, %reduce_max3A [0] : vector<1000x8xf32> to vector<8xf32>
    %broadcast_in_dim3A = vector.shape_cast %reduce_max3A_42 : vector<8xf32> to vector<1x8xf32>
    %reduce_max3A_43 = arith.constant dense<0xFF800000> : vector<8xf32>
    %reduce_max3A_44 = vector.multi_reduction <maximumf>, %dot_general3A_23, %reduce_max3A_43 [0] : vector<1000x8xf32> to vector<8xf32>
    %broadcast_in_dim3A_45 = vector.shape_cast %reduce_max3A_44 : vector<8xf32> to vector<1x8xf32>
    %concatenate3A_46 = tpu.concatenate %broadcast_in_dim3A, %broadcast_in_dim3A_45 in 1 : vector<1x8xf32>, vector<1x8xf32> -> vector<1x16xf32>
    %eq3A = arith.constant 0 : i32
    %eq3A_47 = arith.cmpi eq, %arg1, %eq3A : i32
    %convert_element_type3A = arith.extui %eq3A_47 : i1 to i32
    %cond3A = arith.constant 0 : i32
    %cond3A_48 = arith.cmpi ne, %convert_element_type3A, %cond3A : i32
    scf.if %cond3A_48 {
      %swap3A_58 = arith.constant 0 : index
      %swap3A_59 = arith.constant 0 : index
      %swap3A_60 = arith.constant 0 : index
      %swap3A_61 = vector.load %arg9[%swap3A_58, %swap3A_59, %swap3A_60] : memref<1x1x16xf32, #tpu.memory_space<vmem>>, vector<1x1x16xf32>
      %swap3A_62 = vector.shape_cast %swap3A_61 : vector<1x1x16xf32> to vector<1x16xf32>
      %swap3A_63 = vector.shape_cast %concatenate3A_46 : vector<1x16xf32> to vector<1x1x16xf32>
      tpu.vector_store %arg9[%swap3A_58, %swap3A_59, %swap3A_60], %swap3A_63 {strides = array<i32>} : memref<1x1x16xf32, #tpu.memory_space<vmem>>, vector<1x1x16xf32>,
    } else {
    }
    %gt3A = arith.constant 0 : i32
    %gt3A_49 = arith.cmpi sgt, %arg1, %gt3A : i32
    %convert_element_type3A_50 = arith.extui %gt3A_49 : i1 to i32
    %cond3A_51 = arith.constant 0 : i32
    %cond3A_52 = arith.cmpi ne, %convert_element_type3A_50, %cond3A_51 : i32
    scf.if %cond3A_52 {
      %get3A_58 = arith.constant 0 : index
      %get3A_59 = arith.constant 0 : index
      %get3A_60 = arith.constant 0 : index
      %get3A_61 = vector.load %arg9[%get3A_58, %get3A_59, %get3A_60] : memref<1x1x16xf32, #tpu.memory_space<vmem>>, vector<1x1x16xf32>
      %get3A_62 = vector.shape_cast %get3A_61 : vector<1x1x16xf32> to vector<1x16xf32>
      %max3A = arith.maximumf %get3A_62, %concatenate3A_46 : vector<1x16xf32>
      %swap3A_63 = arith.constant 0 : index
      %swap3A_64 = arith.constant 0 : index
      %swap3A_65 = arith.constant 0 : index
      %swap3A_66 = vector.load %arg9[%swap3A_63, %swap3A_64, %swap3A_65] : memref<1x1x16xf32, #tpu.memory_space<vmem>>, vector<1x1x16xf32>
      %swap3A_67 = vector.shape_cast %swap3A_66 : vector<1x1x16xf32> to vector<1x16xf32>
      %swap3A_68 = vector.shape_cast %max3A : vector<1x16xf32> to vector<1x1x16xf32>
      tpu.vector_store %arg9[%swap3A_63, %swap3A_64, %swap3A_65], %swap3A_68 {strides = array<i32>} : memref<1x1x16xf32, #tpu.memory_space<vmem>>, vector<1x1x16xf32>,
    } else {
    }
    %eq3A_53 = arith.constant 9 : i32
    %eq3A_54 = arith.cmpi eq, %arg1, %eq3A_53 : i32
    %convert_element_type3A_55 = arith.extui %eq3A_54 : i1 to i32
    %cond3A_56 = arith.constant 0 : i32
    %cond3A_57 = arith.cmpi ne, %convert_element_type3A_55, %cond3A_56 : i32
    scf.if %cond3A_57 {
      %get3A_58 = arith.constant 0 : index
      %get3A_59 = arith.constant 0 : index
      %get3A_60 = arith.constant 0 : index
      %get3A_61 = vector.load %arg9[%get3A_58, %get3A_59, %get3A_60] : memref<1x1x16xf32, #tpu.memory_space<vmem>>, vector<1x1x16xf32>
      %get3A_62 = vector.shape_cast %get3A_61 : vector<1x1x16xf32> to vector<1x16xf32>
      %slice3A = vector.extract_strided_slice %get3A_62 {offsets = [0, 0], sizes = [1, 8], strides = [1, 1]} : vector<1x16xf32> to vector<1x8xf32>
      %slice3A_63 = vector.extract_strided_slice %get3A_62 {offsets = [0, 8], sizes = [1, 8], strides = [1, 1]} : vector<1x16xf32> to vector<1x8xf32>
      %add3A = arith.addf %slice3A, %slice3A_63 : vector<1x8xf32>
      %gt3A_64 = arith.constant 0.000000e+00 : f32
      %gt3A_65 = vector.broadcast %gt3A_64 : f32 to vector<1x8xf32>
      %gt3A_66 = arith.cmpf ogt, %add3A, %gt3A_65 : vector<1x8xf32>
      %mul3A = arith.constant 2.000000e-01 : f32
      %mul3A_67 = vector.broadcast %mul3A : f32 to vector<1x8xf32>
      %mul3A_68 = arith.mulf %mul3A_67, %add3A : vector<1x8xf32>
      %select_n3A = arith.select %gt3A_66, %add3A, %mul3A_68 : vector<1x8xi1>, vector<1x8xf32>
      %concatenate3A_69 = tpu.concatenate %select_n3A, %select_n3A in 1 : vector<1x8xf32>, vector<1x8xf32> -> vector<1x16xf32>
      %swap3A_70 = arith.constant 0 : index
      %swap3A_71 = arith.constant 0 : index
      %swap3A_72 = arith.constant 0 : index
      %swap3A_73 = vector.load %arg9[%swap3A_70, %swap3A_71, %swap3A_72] : memref<1x1x16xf32, #tpu.memory_space<vmem>>, vector<1x1x16xf32>
      %swap3A_74 = vector.shape_cast %swap3A_73 : vector<1x1x16xf32> to vector<1x16xf32>
      %swap3A_75 = vector.shape_cast %concatenate3A_69 : vector<1x16xf32> to vector<1x1x16xf32>
      tpu.vector_store %arg9[%swap3A_70, %swap3A_71, %swap3A_72], %swap3A_75 {strides = array<i32>} : memref<1x1x16xf32, #tpu.memory_space<vmem>>, vector<1x1x16xf32>,
    } else {
    }
    return
  }
  func.func @transform_0(%arg0: i32, %arg1: i32) -> (i32, i32, i32) {
    %c0_i32 = arith.constant 0 : i32
    %c0_i32_0 = arith.constant 0 : i32
    return %arg0, %arg1, %c0_i32 : i32, i32, i32
  }
  func.func @transform_1(%arg0: i32, %arg1: i32) -> (i32, i32, i32) {
    %c0_i32 = arith.constant 0 : i32
    %c0_i32_0 = arith.constant 0 : i32
    %c0_i32_1 = arith.constant 0 : i32
    return %arg0, %c0_i32, %c0_i32_0 : i32, i32, i32
  }
  func.func @transform_2(%arg0: i32, %arg1: i32) -> (i32, i32, i32) {
    %c0_i32 = arith.constant 0 : i32
    %c0_i32_0 = arith.constant 0 : i32
    %c0_i32_1 = arith.constant 0 : i32
    return %arg0, %c0_i32, %c0_i32_0 : i32, i32, i32
  }
  func.func @transform_3(%arg0: i32, %arg1: i32) -> (i32, i32, i32) {
    %c0_i32 = arith.constant 0 : i32
    %c0_i32_0 = arith.constant 0 : i32
    %c0_i32_1 = arith.constant 0 : i32
    return %arg0, %c0_i32, %c0_i32_0 : i32, i32, i32
  }
  func.func @transform_4(%arg0: i32, %arg1: i32) -> (i32, i32, i32) {
    %c0_i32 = arith.constant 0 : i32
    %c0_i32_0 = arith.constant 0 : i32
    return %arg0, %arg1, %c0_i32 : i32, i32, i32
  }
  func.func @transform_5(%arg0: i32, %arg1: i32) -> (i32, i32, i32) {
    %c0_i32 = arith.constant 0 : i32
    %c0_i32_0 = arith.constant 0 : i32
    return %arg0, %arg1, %c0_i32 : i32, i32, i32
  }
  func.func @transform_6(%arg0: i32, %arg1: i32) -> (i32, i32, i32) {
    %c0_i32 = arith.constant 0 : i32
    %c0_i32_0 = arith.constant 0 : i32
    return %arg0, %arg1, %c0_i32 : i32, i32, i32
  }
  func.func @transform_7(%arg0: i32, %arg1: i32) -> (i32, i32, i32) {
    %c0_i32 = arith.constant 0 : i32
    %c0_i32_0 = arith.constant 0 : i32
    %c0_i32_1 = arith.constant 0 : i32
    return %arg0, %c0_i32, %c0_i32_0 : i32, i32, i32
  }
}

</mosaic_0001>

<sc_bundles>
// kernel: kernel.4.cloned.1.call-start
scs
__scs_entry_jumppad:
0x0: {  	(pc) =	sbr.rel $0x88, $3  }
0x1: {  	(tag) =	ssettag $0x0;
	lr =	simm.s32 $0x1  }
0x2: {  	[smem:$0x3F93] =	sst lr;
	_ =	strace $0xD0000000  }
0x3: {  	_ = 	snop  }
0x4: {  	_ = 	snop  }
0x5: {  	_ = 	snop  }
0x6: {  	_ = 	snop  }
0x7: {  	_ = 	snop  }
__scs_overlays_trampoline_lowered:
0x8: {  	[smem:$0x3FA2] =	sst s0  }
0x9: {  	[smem:$0x3FA3] =	sst s1  }
0xa: {  	[smem:$0x3FA4] =	sst s2  }
0xb: {  	[smem:$0x3FA5] =	sst s3  }
0xc: {  	[smem:$0x3FA6] =	sst s4  }
0xd: {  	[smem:$0x3FA7] =	sst s5  }
0xe: {  	[smem:$0x3FA8] =	sst s6  }
0xf: {  	[smem:$0x3FA9] =	sst s7  }
0x10: {  	[smem:$0x3FAA] =	sst s8  }
0x11: {  	[smem:$0x3FAB] =	sst s9;
	s0 =	simm.s32 @!p0 $0x0  }
0x12: {  	s1 =	sld [smem:$0x3F91];
	s0 =	simm.s32 @p0 $0x1  }
0x13: {  	[smem:$0x3FAC] =	sst s0;
	s0 =	simm.s32 @!p1 $0x0  }
0x14: {  	s2 =	sld [smem:$0x3F90];
	s0 =	simm.s32 @p1 $0x1  }
0x15: {  	[smem:$0x3FAD] =	sst s0;
	s0 =	simm.s32 @!p2 $0x0  }
0x16: {  	s3 =	sld [smem:$0x3FDB];
	s0 =	simm.s32 @p2 $0x1  }
0x17: {  	s4 =	simm.s32 $0x1BF5;
	[smem:$0x3FAF] =	sst s0  }
0x18: {  	s0 =	sld [smem:$0x3F92];
	_ =	swait.ge [sflag:s4], $0x0  }
0x19: {  	s7 =	sld [smem:$0x3F93]  }
0x1a: {  	s8 =	sadd.s32 $0xFFFFE003, lr  }
0x1b: {  	s9 =	sadd.s32 $0xFFFFFEF7, lr;
	s5 =	simm.s32 $0xFFFFFFFF;
	p2 =	slt.u32 s8, $0xFFFFF086  }
0x1c: {  	p1 =	slt.u32 s9, $0xF7A;
	s5 =	simm.s32 @!p2 $0x0  }
0x1d: {  	s5 =	simm.s32 @p1 $0x1;
	p0 =	seq.s32 s7, s2  }
0x1e: {  	s7 =	smul.u32 @!p0 $0xF7A, s2;
	p2 =	seq.s32 @!p0 s5, $0x0  }
0x1f: {  	s9 =	smul.u32 $0xF7A, s1;
	s8 =	simm.s32 @!p0 $0x1BF5;
	p2 =	por !p2, p0  }
0x20: {  	[sflag:s8] =	ssyncset.s32 @!p0 $0xFFFFF086;
	s6 =	sadd.s32 @!p0 s3, s7;
	s7 =	simm.s32 @!p0 $0x108  }
0x21: {  	s3 =	sadd.s32 s3, s9;
	s6 =	sadd.s32 @!p0 $0x88, s6;
	s7 =	simm.s32 @p2 $0x1082  }
0x22: {  	[simem:s7], [sflag:s8] =	dma.local @!p0 [hbm:s6], $0xF7A  }
0x23: {  	s9 =	sor.u32 $0xD0000000, s2;
	s6 =	simm.s32 $0x108;
	_ =	swait.ge @!p0 [sflag:s8], $0x0  }
0x24: {  	s3 =	sadd.s32 $0x88, s3;
	s6 =	simm.s32 @!p1 $0x1082;
	[sflag:s4] =	ssyncset.s32 $0xFFFFF086  }
0x25: {  	[simem:s6], [sflag:s4] =	dma.local [hbm:s3], $0xF7A  }
0x26: {  	[smem:$0x3F93] =	sst s1;
	(tag) =	ssettag s2;
	_ =	strace s9  }
0x27: {  	s1 =	sld [smem:$0x3FA3]  }
0x28: {  	s2 =	sld [smem:$0x3FA4]  }
0x29: {  	s4 =	sld [smem:$0x3FA6]  }
0x2a: {  	p0 =	seq.s32 s5, $0x0;
	s5 =	sld [smem:$0x3FA7]  }
0x2b: {  	s6 =	sld [smem:$0x3FA8]  }
0x2c: {  	s7 =	sld [smem:$0x3FA9]  }
0x2d: {  	s3 =	simm.s32 $0x108;
	s8 =	sld [smem:$0x3FAA]  }
0x2e: {  	s3 =	simm.s32 @!p0 $0x1082;
	s9 =	sld [smem:$0x3FAB]  }
0x2f: {  	lr =	sadd.s32 s0, s3;
	s0 =	sld [smem:$0x3FA2]  }
0x30: {  	s3 =	sld [smem:$0x3FA5]  }
0x31: {  	[smem:$0x3FAE] =	sst s10  }
0x32: {  	s10 =	sld [smem:$0x3FAC];
	_ =	sdelay $0x3  }
0x33: {  	p0 =	seq.s32 s10, $0x1;
	s10 =	sld [smem:$0x3FAE];
	_ =	sdelay $0x3  }
0x34: {  	[smem:$0x3FAE] =	sst s10  }
0x35: {  	s10 =	sld [smem:$0x3FAD];
	_ =	sdelay $0x3  }
0x36: {  	p1 =	seq.s32 s10, $0x1;
	s10 =	sld [smem:$0x3FAE];
	_ =	sdelay $0x3  }
0x37: {  	[smem:$0x3FAE] =	sst s10  }
0x38: {  	s10 =	sld [smem:$0x3FAF]  }
0x39: {  	_ = 	snop;
	(pc) =	sbr.ind lr, $3  }
0x3a: {  	_ = 	snop  }
0x3b: {  	_ = 	snop  }
0x3c: {  	p2 =	seq.s32 s10, $0x1;
	s10 =	sld [smem:$0x3FAE]  }
0x3d: {  	_ =	shalt  }
0x3e: {  	_ =	shalt  }
0x3f: {  	_ =	shalt  }
0x40: {  	_ =	shalt  }
0x41: {  	_ =	shalt  }
0x42: {  	_ =	shalt  }
0x43: {  	_ =	shalt  }
0x44: {  	_ =	shalt  }
0x45: {  	_ =	shalt  }
0x46: {  	_ =	shalt  }
0x47: {  	_ =	shalt  }
0x48: {  	_ =	shalt  }
0x49: {  	_ =	shalt  }
0x4a: {  	_ =	shalt  }
0x4b: {  	_ =	shalt  }
0x4c: {  	_ =	shalt  }
0x4d: {  	_ =	shalt  }
0x4e: {  	_ =	shalt  }
0x4f: {  	_ =	shalt  }
0x50: {  	_ =	shalt  }
0x51: {  	_ =	shalt  }
0x52: {  	_ =	shalt  }
0x53: {  	_ =	shalt  }
0x54: {  	_ =	shalt  }
0x55: {  	_ =	shalt  }
0x56: {  	_ =	shalt  }
0x57: {  	_ =	shalt  }
0x58: {  	_ =	shalt  }
0x59: {  	_ =	shalt  }
0x5a: {  	_ =	shalt  }
0x5b: {  	_ =	shalt  }
0x5c: {  	_ =	shalt  }
0x5d: {  	_ =	shalt  }
0x5e: {  	_ =	shalt  }
0x5f: {  	_ =	shalt  }
0x60: {  	_ =	shalt  }
0x61: {  	_ =	shalt  }
0x62: {  	_ =	shalt  }
0x63: {  	_ =	shalt  }
0x64: {  	_ =	shalt  }
0x65: {  	_ =	shalt  }
0x66: {  	_ =	shalt  }
0x67: {  	_ =	shalt  }
0x68: {  	_ =	shalt  }
0x69: {  	_ =	shalt  }
0x6a: {  	_ =	shalt  }
0x6b: {  	_ =	shalt  }
0x6c: {  	_ =	shalt  }
0x6d: {  	_ =	shalt  }
0x6e: {  	_ =	shalt  }
0x6f: {  	_ =	shalt  }
0x70: {  	_ =	shalt  }
0x71: {  	_ =	shalt  }
0x72: {  	_ =	shalt  }
0x73: {  	_ =	shalt  }
0x74: {  	_ =	shalt  }
0x75: {  	_ =	shalt  }
0x76: {  	_ =	shalt  }
0x77: {  	_ =	shalt  }
0x78: {  	_ =	shalt  }
0x79: {  	_ =	shalt  }
0x7a: {  	_ =	shalt  }
0x7b: {  	_ =	shalt  }
0x7c: {  	_ =	shalt  }
0x7d: {  	_ =	shalt  }
0x7e: {  	_ =	shalt  }
0x7f: {  	_ =	shalt  }
0x80: {  	_ =	shalt  }
0x81: {  	_ =	shalt  }
0x82: {  	_ =	shalt  }
0x83: {  	_ =	shalt  }
0x84: {  	_ =	shalt  }
0x85: {  	_ =	shalt  }
0x86: {  	_ =	shalt  }
0x87: {  	_ =	shalt  }
.Lfunc_end0:
.L_simem_size_0:
called_computation_lowered:
.L_overlay_start_0:
0x88: {  	s2 =	sld [smem:$0x3FD9]  }
0x89: {  	s3 =	sld [smem:$0x3FFE];
	_ =	sdelay $0x1  }
0x8a: {  	s1 =	srdreg.scid  }
0x8b: {  	s0 =	sand.u32 $0x1, s1  }
0x8c: {  	s14 =	sshll.u32 s0, $0xA;
	s2 =	sadd.s32 s3, s2  }
0x8d: {  	s2 =	sadd.s32 s2, s14  }
0x8e: {  	[smem:$0x3FBA] =	sst s2  }
0x8f: {  	_ = 	snop  }
0x90: {  	s2 =	sld [smem:$0x3FD0];
	_ =	sdelay $0x2  }
0x91: {  	s15 =	simm.s32 $0xA;
	s4 =	simm.s32 $0x10  }
0x92: {  	[smem:s4], [sflag:s15] =	dma.local [hbm:s2], $0x1  }
0x93: {  	_ =	swait.eq [sflag:s15], $0x1  }
0x94: {  	[sflag:s15] =	ssyncset.done $0x0  }
0x95: {  	s16 =	sld [smem:$0x10];
	[sflag:s15] =	ssyncadd.s32 $0xFFFFFFFF  }
0x96: {  	s17 =	sld [smem:$0x11];
	(tm) =	ssettm $0x1  }
0x97: {  	s18 =	sld [smem:$0x3FFB];
	_ =	sdelay $0x3  }
0x98: {  	_ =	strace s18  }
0x99: {  	s4 =	sld [smem:$0x3FFC];
	_ =	sdelay $0x3  }
0x9a: {  	_ =	strace s4  }
0x9b: {  	s4 =	sld [smem:$0x3FFD];
	_ =	sdelay $0x3  }
0x9c: {  	_ =	strace s4  }
0x9d: {  	_ =	strace $0x8FFFFFFF  }
0x9e: {  	s19 =	sld [smem:$0x3FDB];
	_ =	sdelay $0x1  }
0x9f: {  	s5 =	simm.s32 $_scs_section_size  }
0xa0: {  	s6 =	simm.s32 $_size__tile_overlayer_lowered;
	s7 =	simm.s32 $_tile_overlayer_lowered  }
0xa1: {  	s22 =	simm.s32 $0x1BFF;
	s21 =	sshll.u32 s7, $0x1;
	s4 =	sadd.s32 s5, s19  }
0xa2: {  	s8 =	simm.s32 $0x0;
	s20 =	sshll.u32 s6, $0x1;
	s6 =	sadd.s32 s21, s4  }
0xa3: {  	[timem:s8], [sflag:s22] =	dma.local [hbm:s6], s20  }
0xa4: {  	_ =	swait.ge [sflag:s22], s20  }
0xa5: {  	s5 =	ssub.s32 $0x0, s20;
	[sflag:s22] =	ssyncset.done $0x0  }
0xa6: {  	[sflag:s22] =	ssyncadd.s32 s5;
	_ =	sdelay $0x1  }
0xa7: {  	s23 =	simm.s32 $0x1B8B  }
0xa8: {  	_ =	swait.ge [sflag:s23], $0x1  }
0xa9: {  	[sflag:s23] =	ssyncset.done $0x0  }
0xaa: {  	s25 =	simm.s32 $0x1B8E;
	s24 =	sld [smem:$0x3FFE];
	[sflag:s23] =	ssyncadd.s32 $0xFFFFFFFF  }
0xab: {  	s26 =	simm.s32 $execute0_lowered;
	[smem:$0x3FD2] =	sst s25  }
0xac: {  	s6 =	sshll.u32 s26, $0x1;
	_ =	strace $0x80000046;
	[dreg:$0x1] =	wrdreg $0xFFFFFFFF  }
0xad: {  	s28 =	simm.s32 $_size_execute0_lowered;
	s4 =	sadd.s32 s4, s6;
	[dreg:$0x0] =	wrdreg $0x0  }
0xae: {  	s6 =	sshll.u32 s28, $0x1;
	[dreg:$0x2] =	wrdreg s4  }
0xaf: {  	[dreg:$0x3] =	wrdreg s6  }
0xb0: {  	[dreg:$0x4] =	wrdreg $0xC0  }
0xb1: {  	_ =	task [dreg:s8], $0x5FFFF  }
0xb2: {  	[dreg:$0x1] =	wrdreg $0xFFFFFFFF  }
0xb3: {  	[dreg:$0x0] =	wrdreg $0x60  }
0xb4: {  	[dreg:$0x2] =	wrdreg s24  }
0xb5: {  	[dreg:$0x3] =	wrdreg s16  }
0xb6: {  	[dreg:$0x4] =	wrdreg s17  }
0xb7: {  	[dreg:$0x5] =	wrdreg $0x0  }
0xb8: {  	[dreg:$0x6] =	wrdreg $0x138800  }
0xb9: {  	[dreg:$0x7] =	wrdreg $0x9  }
0xba: {  	_ =	task.clear_ibuf [dreg:s8], $0x8FFFF;
	_ =	strace $0x90000046  }
0xbb: {  	s29 =	simm.s32 $0x9;
	_ =	strace $0x80000048  }
0xbc: {  	_ =	swait.ge [sflag:s29], $0x1  }
0xbd: {  	[sflag:s29] =	ssyncadd.s32 $0xFFFFFFFF  }
0xbe: {  	_ =	strace $0x90000048  }
0xbf: {  	_ =	sfence  }
0xc0: {  	s30 =	sld [smem:$0x0];
	_ =	sdelay $0x2  }
0xc1: {  	s31 =	sshll.u32 s1, $0xD;
	s1 =	sshrl.u32 s1, $0x2  }
0xc2: {  	s3 =	sand.u32 $0x4000, s31;
	s1 =	sadd.s32 s1, s30  }
0xc3: {  	s0 =	sor.u32 s3, s0;
	s1 =	sshll.u32 s1, $0x11  }
0xc4: {  	s0 =	sor.u32 s1, s0  }
0xc5: {  	s0 =	sadd.s32 $0x8F2B, s0  }
0xc6: {  	[sflag:s0] =	ssyncadd.remote.s32 $0x1  }
0xc7: {  	_ =	sfence.sel $0xFFFF  }
0xc8: {  	[dreg:$0x0] =	wrdreg $0xFFFFFFFF;
	(pc) =	sbr.abs _section_cstart, $3  }
0xc9: {  	[dreg:$0x1] =	wrdreg $0xFFFFFFFF  }
0xca: {  	_ =	task.clear_ibuf [dreg:s8], $0x2FFFF;
	_ =	strace $0x9FFFFFFF  }
0xcb: {  	(tm) =	ssettm $0x7FFFFFFF  }
tec
execute0_lowered:
.L_overlay_start_1:
0x0: {  	(tag) =	ssettag $0x1  }
0x1: {  	s3 =	rddreg [dreg:$0x0]  }
0x2: {  	s1 =	rddreg [dreg:$0x1]  }
0x3: {  	s2 =	rddreg [dreg:$0x2]  }
0x4: {  	s4 =	rddreg [dreg:$0x3];
	s0 =	srdreg.scid  }
0x5: {  	s18 =	stileid.u32;
	s5 =	rddreg [dreg:$0x4]  }
0x6: {  	s6 =	simm.s32 $0x0;
	s31 =	simm.s32 $0x50;
	s21 =	smul.u32 $0x140, s18  }
0x7: {  	s9 =	sand.u32 $0x1, s0;
	[smem:$0x7FF] =	sst s6;
	s10 =	smul.u32 $0xA000, s18  }
0x8: {  	s8 =	sadd.s32 $0x4EA00, s3;
	s16 =	sshll.u32 s18, $0x3;
	s17 =	smul.u32 $0x50000, s18  }
0x9: {  	p2 =	seq.s32 s18, $0xF;
	s7 =	smul.u32 $0x1400, s9;
	_ =	strace $0x80000047  }
0xa: {  	s11 =	smul.u32 $0xA0000, s9;
	s12 =	sshll.u32 s9, $0x1;
	s13 =	sshll.u32 s9, $0x4  }
0xb: {  	s9 =	ssub.s32 $0x2, s9;
	s22 =	sor.u32 $0x1, s16;
	s26 =	sor.u32 $0x2, s16  }
0xc: {  	s12 =	sadd.s32 s12, s3;
	s14 =	sadd.s32 s13, s3;
	s15 =	sshrl.u32 s9, $0x1  }
0xd: {  	s23 =	sshrl.u32 s17, $0x2;
	s24 =	smul.u32 $0xA000, s22;
	s17 =	sor.u32 $0x3, s16  }
0xe: {  	s13 =	sor.u32 s18, s13;
	s0 =	sadd.s32 s21, s7;
	s7 =	sadd.s32 $0x600, s3  }
0xf: {  	s11 =	sadd.s32 s10, s11;
	s9 =	ssub.s32 s9, s15;
	s15 =	smul.u32 $0x1400, s26  }
0x10: {  	s12 =	sadd.s32 $0x4E800, s12;
	s14 =	sadd.s32 $0x89400, s14;
	s19 =	smul.u32 $0xA000, s17  }
0x11: {  	s10 =	sshrl.u32 s10, $0x2;
	s20 =	smul.u32 $0x1400, s17;
	s21 =	sor.u32 $0x4, s16  }
0x12: {  	s17 =	sor.u32 $0x6, s16;
	s13 =	smul.u32 $0xEA60, s13;
	[dreg:$0x6] =	wrdreg s12  }
0x13: {  	s0 =	sshrl.u32 s0, $0x3;
	s11 =	sshrl.u32 s11, $0x3;
	[dreg:$0x7] =	wrdreg s14  }
0x14: {  	s12 =	sadd.s32 s23, s4;
	s25 =	sshrl.u32 s24, $0x2;
	s24 =	smul.u32 $0x1400, s21  }
0x15: {  	s10 =	sadd.s32 s10, s5;
	s14 =	smul.u32 $0x1400, s17;
	s0 =	sadd.s32 s0, s3  }
0x16: {  	s3 =	sadd.s32 s11, s3;
	[dreg:$0x8] =	wrdreg s12;
	s11 =	smul.u32 $0x1400, s22  }
0x17: {  	p0 =	sgt.u32 s17, $0x7C;
	[dreg:$0x9] =	wrdreg s10;
	s12 =	smul.u32 $0xA000, s26  }
0x18: {  	s28 =	sadd.s32 s25, s4;
	s22 =	smul.u32 $0xA000, s21;
	s25 =	sor.u32 $0x5, s16  }
0x19: {  	s29 =	sadd.s32 $0x1E0, s13;
	[dreg:$0xa] =	wrdreg s28;
	s28 =	smul.u32 $0xA000, s25  }
0x1a: {  	s14 =	sshrl.u32 s14, $0x2;
	s16 =	sadd.s32 $0x89614, s0;
	s11 =	sshrl.u32 s11, $0x2  }
0x1b: {  	s10 =	sshrl.u32 s12, $0x2;
	[dreg:$0x1b] =	wrdreg s16;
	s11 =	sadd.s32 s11, s5  }
0x1c: {  	s12 =	sshrl.u32 s15, $0x2;
	s10 =	sadd.s32 s10, s4;
	[dreg:$0xb] =	wrdreg s11  }
0x1d: {  	s23 =	sshrl.u32 s22, $0x2;
	s12 =	sadd.s32 s12, s5;
	[dreg:$0xc] =	wrdreg s10  }
0x1e: {  	s15 =	smul.u32 $0x1400, s25;
	s26 =	sadd.s32 s23, s4;
	[dreg:$0xd] =	wrdreg s12  }
0x1f: {  	s11 =	sshrl.u32 s19, $0x2;
	s10 =	sshrl.u32 s20, $0x2;
	[dreg:$0x10] =	wrdreg s26  }
0x20: {  	s12 =	sshrl.u32 s24, $0x2;
	s19 =	smul.u32 $0xA000, s17;
	s24 =	sadd.s32 s14, s5  }
0x21: {  	s20 =	sshllo.u32 s18, $0x3;
	s14 =	sadd.s32 $0x89600, s0;
	[dreg:$0x15] =	wrdreg s24  }
0x22: {  	s21 =	sshrl.u32 s15, $0x2;
	s17 =	sadd.s32 $0x89C00, s3;
	[dreg:$0x19] =	wrdreg s14  }
0x23: {  	s11 =	sadd.s32 s11, s4;
	s10 =	sadd.s32 s10, s5;
	[dreg:$0x1d] =	wrdreg s17  }
0x24: {  	s22 =	smul.u32 $0xA000, s20;
	p1 =	sgt.u32 s20, $0x7C;
	[dreg:$0xe] =	wrdreg s11  }
0x25: {  	s15 =	smul.u32 $0x1400, s20;
	s20 =	sadd.s32 $0x8A600, s3;
	[dreg:$0xf] =	wrdreg s10  }
0x26: {  	s11 =	sadd.s32 s12, s5;
	s10 =	sshrl.u32 s28, $0x2;
	[dreg:$0x1f] =	wrdreg s20  }
0x27: {  	s30 =	sadd.s32 $0x2D0, s13;
	[dreg:$0x11] =	wrdreg s11;
	s10 =	sadd.s32 s10, s4  }
0x28: {  	s26 =	sshrl.u32 s15, $0x2;
	s15 =	sadd.s32 $0x8960A, s0;
	[dreg:$0x12] =	wrdreg s10  }
0x29: {  	s28 =	sshrl.u32 s13, $0x3;
	s0 =	sadd.s32 $0x8961E, s0;
	[dreg:$0x1a] =	wrdreg s15  }
0x2a: {  	s11 =	sshrl.u32 s19, $0x2;
	s19 =	sadd.s32 $0x8A100, s3;
	[dreg:$0x1c] =	wrdreg s0  }
0x2b: {  	s25 =	sshrl.u32 s22, $0x2;
	s22 =	smax.u32 s9, $0x1;
	[dreg:$0x1e] =	wrdreg s19  }
0x2c: {  	s16 =	simm.s32 $0x3;
	s12 =	sadd.s32 s8, s28;
	[smem:$0x7F8] =	sst s22  }
0x2d: {  	s14 =	simm.s32 $0x1C070;
	s10 =	sadd.s32 s21, s5;
	[dreg:$0x18] =	wrdreg s12  }
0x2e: {  	s17 =	simm.s32 $0x4;
	s23 =	sadd.s32 s11, s4;
	[dreg:$0x13] =	wrdreg s10  }
0x2f: {  	s20 =	simm.s32 $0x5;
	s11 =	sadd.s32 s26, s5;
	[dreg:$0x14] =	wrdreg s23  }
0x30: {  	s9 =	simm.s32 $0x16080;
	s21 =	sadd.s32 $0x8AB00, s3;
	[dreg:$0x17] =	wrdreg s11  }
0x31: {  	s24 =	sadd.s32 $0x14, s12;
	s26 =	sadd.s32 $0x28, s12;
	[smem:$0x7F7] =	sst s21  }
0x32: {  	s28 =	sadd.s32 $0x32, s12;
	s22 =	simm.s32 $0x1C570;
	[smem:$0x7FA] =	sst s24  }
0x33: {  	s15 =	simm.s32 $0x18970;
	s3 =	simm.s32 $0x0;
	[smem:$0x7FC] =	sst s26  }
0x34: {  	s10 =	sadd.s32 s25, s4;
	s23 =	sadd.s32 $0xA, s12;
	[smem:$0x7FD] =	sst s28  }
0x35: {  	s25 =	sadd.s32 $0x1E, s12;
	s21 =	simm.s32 $0x16170;
	[dreg:$0x16] =	wrdreg s10  }
0x36: {  	s24 =	simm.s32 $0x15FE0;
	s26 =	simm.s32 $0x1;
	[smem:$0x7F9] =	sst s23  }
0x37: {  	s11 =	simm.s32 $0x16120;
	s12 =	simm.s32 $0x2;
	[smem:$0x7FB] =	sst s25  }
0x38: {  	v0 =	vimm.f32 $0.0e+00;
	s23 =	simm.s32 $0x15F90;
	s25 =	simm.s32 $0x16030;
	s10 =	simm.s32 $0x160D0  }
.LBB2_1:
0x39: {  	[smem:$0x7F6] =	sst s3  }
0x3a: {  	s0 =	rddreg [dreg:$0x6];
	s13 =	simm.s32 $0x1CA70  }
0x3b: {  	[tilespmem:s13], [sflag:$0x5] =	stream.linear.gather [hbm4b:s0+s6], $0x10, $0x38;
	[tilespmem:$0x1CB00] =	vst v63  }
0x3c: {  	_ =	swait.ge [sflag:s20], $0x10  }
0x3d: {  	[sflag:s20] =	ssyncset.done $0x0  }
0x3e: {  	s19 =	simm.s32 $0x1CA80;
	s18 =	rddreg [dreg:$0x7];
	[sflag:s20] =	ssyncadd.s32 $0xFFFFFFF0  }
0x3f: {  	[tilespmem:s19], [sflag:$0x5] =	stream.linear.gather [hbm4b:s18+s6], $0x80, $0x38;
	[tilespmem:$0x1CB00] =	vst v63  }
0x40: {  	_ =	swait.ge [sflag:s20], $0x80  }
0x41: {  	[sflag:s20] =	ssyncset.done $0x0  }
0x42: {  	s28 =	simm.s32 $0x0;
	[sflag:s20] =	ssyncadd.s32 $0xFFFFFF80  }
0x43: {  	s3 =	simm.s32 $0x40;
	s0 =	simm.s32 $0x161B0;
	[tilespmem:s28+$0x1C570] =	vst v0  }
.LBB2_2:
0x44: {  	p3 =	sne.s32 s3, $0x13C0;
	[tilespmem:s0+$0xFFFFFFC0] =	vst v0  }
0x45: {  	[tilespmem:s0+$0xFFFFFFD0] =	vst v0  }
0x46: {  	[tilespmem:s0+$0xFFFFFFE0] =	vst v0  }
0x47: {  	[tilespmem:s0+$0xFFFFFFF0] =	vst v0  }
.Ltmp0:
0x48: {  	[tilespmem:s0+$0x0] =	vst v0;
	(pc) =	sbr.rel @p3 .LBB2_2-.Ltmp0, $4  }
0x49: {  	[tilespmem:s0+$0x10] =	vst v0  }
0x4a: {  	[tilespmem:s0+$0x20] =	vst v0  }
0x4b: {  	s13 =	sshra.s32 s3, $0x2;
	[tilespmem:s0+$0x30] =	vst v0  }
0x4c: {  	s3 =	sadd.s32 $0x40, s3;
	s0 =	sadd.s32 $0x80, s0;
	[tilespmem:s13+$0x1C570] =	vst v0  }
0x4d: {  	[tilespmem:s0+$0xFFFFFFC0] =	vst v0  }
0x4e: {  	[tilespmem:s0+$0xFFFFFFD0] =	vst v0  }
0x4f: {  	[tilespmem:s0+$0xFFFFFFE0] =	vst v0  }
0x50: {  	[tilespmem:s0+$0xFFFFFFF0] =	vst v0  }
0x51: {  	[tilespmem:s0+$0x0] =	vst v0  }
0x52: {  	[tilespmem:s0+$0x10] =	vst v0  }
0x53: {  	[tilespmem:s0+$0x20] =	vst v0  }
0x54: {  	[tilespmem:s0+$0x30] =	vst v0;
	s28 =	rddreg [dreg:$0x8]  }
0x55: {  	[spmem:s28] =	stream.linear.scatter [tilespmem:s21], [sflag:$0x5], $0x2800, $0x38;
	[tilespmem:$0x1CB00] =	vst v63  }
0x56: {  	_ =	swait.ge [sflag:s20], $0x2800  }
0x57: {  	[sflag:s20] =	ssyncset.done $0x0  }
0x58: {  	s3 =	rddreg [dreg:$0x9];
	[sflag:s20] =	ssyncadd.s32 $0xFFFFD800  }
0x59: {  	[spmem:s3] =	stream.linear.scatter [tilespmem:s22], [sflag:$0x5], $0x500, $0x38;
	[tilespmem:$0x1CB00] =	vst v63  }
0x5a: {  	_ =	swait.ge [sflag:s20], $0x500  }
0x5b: {  	[sflag:s20] =	ssyncset.done $0x0  }
0x5c: {  	s13 =	rddreg [dreg:$0xa];
	[sflag:s20] =	ssyncadd.s32 $0xFFFFFB00  }
0x5d: {  	[spmem:s13] =	stream.linear.scatter [tilespmem:s21], [sflag:$0x5], $0x2800, $0x38;
	[tilespmem:$0x1CB00] =	vst v63  }
0x5e: {  	_ =	swait.ge [sflag:s20], $0x2800  }
0x5f: {  	[sflag:s20] =	ssyncset.done $0x0  }
0x60: {  	s18 =	rddreg [dreg:$0xb];
	[sflag:s20] =	ssyncadd.s32 $0xFFFFD800  }
0x61: {  	[spmem:s18] =	stream.linear.scatter [tilespmem:s22], [sflag:$0x5], $0x500, $0x38;
	[tilespmem:$0x1CB00] =	vst v63  }
0x62: {  	_ =	swait.ge [sflag:s20], $0x500  }
0x63: {  	[sflag:s20] =	ssyncset.done $0x0  }
0x64: {  	s19 =	rddreg [dreg:$0xc];
	[sflag:s20] =	ssyncadd.s32 $0xFFFFFB00  }
0x65: {  	[spmem:s19] =	stream.linear.scatter [tilespmem:s21], [sflag:$0x5], $0x2800, $0x38;
	[tilespmem:$0x1CB00] =	vst v63  }
0x66: {  	_ =	swait.ge [sflag:s20], $0x2800  }
0x67: {  	[sflag:s20] =	ssyncset.done $0x0  }
0x68: {  	s28 =	rddreg [dreg:$0xd];
	[sflag:s20] =	ssyncadd.s32 $0xFFFFD800  }
0x69: {  	[spmem:s28] =	stream.linear.scatter [tilespmem:s22], [sflag:$0x5], $0x500, $0x38;
	[tilespmem:$0x1CB00] =	vst v63  }
0x6a: {  	_ =	swait.ge [sflag:s20], $0x500  }
0x6b: {  	[sflag:s20] =	ssyncset.done $0x0  }
0x6c: {  	s3 =	rddreg [dreg:$0xe];
	[sflag:s20] =	ssyncadd.s32 $0xFFFFFB00  }
0x6d: {  	[spmem:s3] =	stream.linear.scatter [tilespmem:s21], [sflag:$0x5], $0x2800, $0x38;
	[tilespmem:$0x1CB00] =	vst v63  }
0x6e: {  	_ =	swait.ge [sflag:s20], $0x2800  }
0x6f: {  	[sflag:s20] =	ssyncset.done $0x0  }
0x70: {  	s13 =	rddreg [dreg:$0xf];
	[sflag:s20] =	ssyncadd.s32 $0xFFFFD800  }
0x71: {  	[spmem:s13] =	stream.linear.scatter [tilespmem:s22], [sflag:$0x5], $0x500, $0x38;
	[tilespmem:$0x1CB00] =	vst v63  }
0x72: {  	_ =	swait.ge [sflag:s20], $0x500  }
0x73: {  	[sflag:s20] =	ssyncset.done $0x0  }
0x74: {  	s18 =	rddreg [dreg:$0x10];
	[sflag:s20] =	ssyncadd.s32 $0xFFFFFB00  }
0x75: {  	[spmem:s18] =	stream.linear.scatter [tilespmem:s21], [sflag:$0x5], $0x2800, $0x38;
	[tilespmem:$0x1CB00] =	vst v63  }
0x76: {  	_ =	swait.ge [sflag:s20], $0x2800  }
0x77: {  	[sflag:s20] =	ssyncset.done $0x0  }
0x78: {  	s19 =	rddreg [dreg:$0x11];
	[sflag:s20] =	ssyncadd.s32 $0xFFFFD800  }
0x79: {  	[spmem:s19] =	stream.linear.scatter [tilespmem:s22], [sflag:$0x5], $0x500, $0x38;
	[tilespmem:$0x1CB00] =	vst v63  }
0x7a: {  	_ =	swait.ge [sflag:s20], $0x500  }
0x7b: {  	[sflag:s20] =	ssyncset.done $0x0  }
0x7c: {  	s0 =	simm.s32 @!p2 $0x16170;
	s3 =	rddreg [dreg:$0x12];
	[sflag:s20] =	ssyncadd.s32 $0xFFFFFB00  }
0x7d: {  	[spmem:s3] =	stream.linear.scatter @!p2 [tilespmem:s0], [sflag:$0x5], $0x2800, $0x38;
	[tilespmem:$0x1CB00] =	vst v63  }
0x7e: {  	s0 =	simm.s32 @!p2 $0x5  }
0x7f: {  	_ =	swait.ge @!p2 [sflag:s0], $0x2800  }
0x80: {  	[sflag:s0] =	ssyncset.done @!p2 $0x0  }
0x81: {  	s3 =	simm.s32 @!p2 $0x1C570;
	s13 =	rddreg [dreg:$0x13];
	[sflag:s0] =	ssyncadd.s32 @!p2 $0xFFFFD800  }
0x82: {  	[spmem:s13] =	stream.linear.scatter @!p2 [tilespmem:s3], [sflag:$0x5], $0x500, $0x38;
	[tilespmem:$0x1CB00] =	vst v63  }
0x83: {  	_ =	swait.ge @!p2 [sflag:s0], $0x500  }
0x84: {  	[sflag:s0] =	ssyncset.done @!p2 $0x0  }
0x85: {  	s3 =	rddreg [dreg:$0x14];
	[sflag:s0] =	ssyncadd.s32 @!p2 $0xFFFFFB00;
	s0 =	simm.s32 @!p0 $0x16170  }
0x86: {  	[spmem:s3] =	stream.linear.scatter @!p0 [tilespmem:s0], [sflag:$0x5], $0x2800, $0x38;
	[tilespmem:$0x1CB00] =	vst v63  }
0x87: {  	s0 =	simm.s32 @!p0 $0x5  }
0x88: {  	_ =	swait.ge @!p0 [sflag:s0], $0x2800  }
0x89: {  	[sflag:s0] =	ssyncset.done @!p0 $0x0  }
0x8a: {  	s3 =	simm.s32 @!p0 $0x1C570;
	s13 =	rddreg [dreg:$0x15];
	[sflag:s0] =	ssyncadd.s32 @!p0 $0xFFFFD800  }
0x8b: {  	[spmem:s13] =	stream.linear.scatter @!p0 [tilespmem:s3], [sflag:$0x5], $0x500, $0x38;
	[tilespmem:$0x1CB00] =	vst v63  }
0x8c: {  	_ =	swait.ge @!p0 [sflag:s0], $0x500  }
0x8d: {  	[sflag:s0] =	ssyncset.done @!p0 $0x0  }
0x8e: {  	s3 =	rddreg [dreg:$0x16];
	[sflag:s0] =	ssyncadd.s32 @!p0 $0xFFFFFB00;
	s0 =	simm.s32 @!p1 $0x16170  }
0x8f: {  	[spmem:s3] =	stream.linear.scatter @!p1 [tilespmem:s0], [sflag:$0x5], $0x2800, $0x38;
	[tilespmem:$0x1CB00] =	vst v63  }
0x90: {  	s0 =	simm.s32 @!p1 $0x5  }
0x91: {  	_ =	swait.ge @!p1 [sflag:s0], $0x2800  }
0x92: {  	[sflag:s0] =	ssyncset.done @!p1 $0x0  }
0x93: {  	s3 =	simm.s32 @!p1 $0x1C570;
	s13 =	rddreg [dreg:$0x17];
	[sflag:s0] =	ssyncadd.s32 @!p1 $0xFFFFD800  }
0x94: {  	[spmem:s13] =	stream.linear.scatter @!p1 [tilespmem:s3], [sflag:$0x5], $0x500, $0x38;
	[tilespmem:$0x1CB00] =	vst v63  }
0x95: {  	_ =	swait.ge @!p1 [sflag:s0], $0x500  }
0x96: {  	[sflag:s0] =	ssyncset.done @!p1 $0x0  }
0x97: {  	[sflag:s0] =	ssyncadd.s32 @!p1 $0xFFFFFB00  }
0x98: {  	[bflag:$0x0] =	sbarrier.arrive $0xFFFF  }
0x99: {  	s28 =	rddreg [dreg:$0x18]  }
0x9a: {  	s19 =	simm.s32 $0x0;
	s3 =	sld [smem:$0x7F9]  }
0x9b: {  	[tilespmem:s23], [sflag:$0x1] =	stream.linear.gather [hbm4b:s28+s19], $0x50, $0x38;
	[tilespmem:$0x1CB00] =	vst v63  }
0x9c: {  	s13 =	sld [smem:$0x7FA]  }
0x9d: {  	[tilespmem:s24], [sflag:$0x1] =	stream.linear.gather [hbm4b:s3+s19], $0x50, $0x38;
	[tilespmem:$0x1CB00] =	vst v63  }
0x9e: {  	_ = 	snop  }
0x9f: {  	[tilespmem:s25], [sflag:$0x1] =	stream.linear.gather [hbm4b:s13+s19], $0x50, $0x38;
	[tilespmem:$0x1CB00] =	vst v63  }
0xa0: {  	_ =	swait.ge [sflag:s26], $0x50  }
0xa1: {  	[sflag:s26] =	ssyncset.done $0x0  }
0xa2: {  	[sflag:s26] =	ssyncadd.s32 $0xFFFFFFB0  }
0xa3: {  	_ =	swait.ge [sflag:s26], $0x50  }
0xa4: {  	[sflag:s26] =	ssyncset.done $0x0  }
0xa5: {  	[sflag:s26] =	ssyncadd.s32 $0xFFFFFFB0  }
0xa6: {  	_ =	swait.ge [sflag:s26], $0x50  }
0xa7: {  	[sflag:s26] =	ssyncset.done $0x0  }
0xa8: {  	s18 =	simm.s32 $0x1B170;
	[sflag:s26] =	ssyncadd.s32 $0xFFFFFFB0  }
0xa9: {  	[tilespmem:s18], [sflag:$0x3] =	stream.indirect.gather [hbm4b:s1+s31], $0x10, s23, s31, $0xb8;
	[tilespmem:$0x1CB00] =	vst v63  }
0xaa: {  	s28 =	simm.s32 $0x1BB70  }
0xab: {  	[tilespmem:s28], [sflag:$0x3] =	stream.indirect.gather [hbm4b:s2+s31], $0x10, s24, s31, $0xb8;
	[tilespmem:$0x1CB00] =	vst v63  }
0xac: {  	s3 =	sld [smem:$0x7FB]  }
0xad: {  	[tilespmem:s21], [sflag:$0x1] =	stream.indirect.gather [hbm4b:s7+s31], $0x80, s23, s31, $0xb8;
	[tilespmem:$0x1CB00] =	vst v63  }
0xae: {  	s13 =	sld [smem:$0x7FC]  }
0xaf: {  	[tilespmem:s9], [sflag:$0x2] =	stream.linear.gather [hbm4b:s3+s19], $0x50, $0x38;
	[tilespmem:$0x1CB00] =	vst v63  }
0xb0: {  	s18 =	sld [smem:$0x7FD]  }
0xb1: {  	[tilespmem:s10], [sflag:$0x2] =	stream.linear.gather [hbm4b:s13+s19], $0x50, $0x38;
	[tilespmem:$0x1CB00] =	vst v63  }
0xb2: {  	_ = 	snop  }
0xb3: {  	[tilespmem:s11], [sflag:$0x2] =	stream.linear.gather [hbm4b:s18+s19], $0x50, $0x38;
	[tilespmem:$0x1CB00] =	vst v63  }
0xb4: {  	_ =	swait.ge [sflag:s12], $0x50  }
0xb5: {  	[sflag:s12] =	ssyncset.done $0x0  }
0xb6: {  	[sflag:s12] =	ssyncadd.s32 $0xFFFFFFB0  }
0xb7: {  	_ =	swait.ge [sflag:s12], $0x50  }
0xb8: {  	[sflag:s12] =	ssyncset.done $0x0  }
0xb9: {  	[sflag:s12] =	ssyncadd.s32 $0xFFFFFFB0  }
0xba: {  	_ =	swait.ge [sflag:s12], $0x50  }
0xbb: {  	[sflag:s12] =	ssyncset.done $0x0  }
0xbc: {  	s28 =	simm.s32 $0x1B670;
	[sflag:s12] =	ssyncadd.s32 $0xFFFFFFB0  }
0xbd: {  	[tilespmem:s28], [sflag:$0x4] =	stream.indirect.gather [hbm4b:s1+s31], $0x10, s9, s31, $0xb8;
	[tilespmem:$0x1CB00] =	vst v63  }
0xbe: {  	_ = 	snop  }
0xbf: {  	[tilespmem:s14], [sflag:$0x4] =	stream.indirect.gather [hbm4b:s2+s31], $0x10, s10, s31, $0xb8;
	[tilespmem:$0x1CB00] =	vst v63  }
0xc0: {  	_ = 	snop  }
0xc1: {  	[tilespmem:s15], [sflag:$0x2] =	stream.indirect.gather [hbm4b:s7+s31], $0x80, s9, s31, $0xb8;
	[tilespmem:$0x1CB00] =	vst v63  }
.LBB2_4:
0xc2: {  	_ =	swait.ge [sflag:s16], $0x500  }
0xc3: {  	[sflag:s16] =	ssyncset.done $0x0  }
0xc4: {  	[sflag:s16] =	ssyncadd.s32 $0xFFFFFB00  }
0xc5: {  	_ =	swait.ge [sflag:s16], $0x500  }
0xc6: {  	[sflag:s16] =	ssyncset.done $0x0  }
0xc7: {  	s0 =	simm.s32 $0x0;
	[sflag:s16] =	ssyncadd.s32 $0xFFFFFB00  }
0xc8: {  	v1 =	vld [tilespmem:s0+$0x1B170]  }
0xc9: {  	v2 =	vld [tilespmem:s0+$0x1BB70];
	_ =	sdelay $0x4  }
0xca: {  	v1 =	vadd.f32 v2, v1;
	v2 =	vld [tilespmem:$0x1CA70];
	_ =	sdelay $0x1  }
0xcb: {  	v3 =	vmul.f32 $2.000000030e-01, v1  }
0xcc: {  	vm0 =	vgt.f32 v1, $0.0e+00  }
0xcd: {  	v1 =	vsel vm0, v1, v3  }
0xce: {  	v1 =	vsub.f32 v1, v2;
	_ =	sdelay $0x1  }
0xcf: {  	v1 =	vmul.f32 $1.442695020e+00, v1;
	_ =	sdelay $0x1  }
0xd0: {  	(erf) = vpow2.f32 v1;
	_ =	sdelay $0x3  }
0xd1: {  	s18 =	simm.s32 $0x10  }
0xd2: {  	s3 =	simm.s32 $0x80;
	v1 =	vld [tilespmem:s18+$0x1B170]  }
.LBB2_5:
0xd3: {  	p3 =	sne.s32 s3, $0x13C0;
	v2 =	vld [tilespmem:s18+$0x1BB70];
	_ =	sdelay $0x2  }
0xd4: {  	v3 =	vpop (erf)  }
0xd5: {  	[tilespmem:s0+$0x1C570] =	vst v3;
	s0 =	smov.u32 s18  }
0xd6: {  	v1 =	vadd.f32 v2, v1;
	v2 =	vld [tilespmem:$0x1CA70];
	_ =	sdelay $0x1  }
0xd7: {  	v3 =	vmul.f32 $2.000000030e-01, v1  }
0xd8: {  	vm0 =	vgt.f32 v1, $0.0e+00  }
0xd9: {  	v1 =	vsel vm0, v1, v3  }
0xda: {  	v1 =	vsub.f32 v1, v2;
	_ =	sdelay $0x1  }
0xdb: {  	v1 =	vmul.f32 $1.442695020e+00, v1;
	_ =	sdelay $0x1  }
0xdc: {  	(erf) = vpow2.f32 v1  }
.Ltmp1:
0xdd: {  	(pc) =	sbr.rel @p3 .LBB2_5-.Ltmp1, $3  }
0xde: {  	_ =	sdelay $0x1  }
0xdf: {  	s18 =	sshra.s32 s3, $0x2  }
0xe0: {  	s3 =	sadd.s32 $0x40, s3;
	v1 =	vld [tilespmem:s18+$0x1B170]  }
0xe1: {  	v2 =	vld [tilespmem:s18+$0x1BB70];
	_ =	sdelay $0x2  }
0xe2: {  	v3 =	vpop (erf)  }
0xe3: {  	[tilespmem:s0+$0x1C570] =	vst v3  }
0xe4: {  	v1 =	vadd.f32 v2, v1;
	v2 =	vld [tilespmem:$0x1CA70];
	_ =	sdelay $0x1  }
0xe5: {  	v3 =	vmul.f32 $2.000000030e-01, v1  }
0xe6: {  	vm0 =	vgt.f32 v1, $0.0e+00  }
0xe7: {  	v1 =	vsel vm0, v1, v3  }
0xe8: {  	v1 =	vsub.f32 v1, v2;
	_ =	sdelay $0x1  }
0xe9: {  	v1 =	vmul.f32 $1.442695020e+00, v1;
	_ =	sdelay $0x1  }
0xea: {  	(erf) = vpow2.f32 v1;
	_ =	sdelay $0x8  }
0xeb: {  	v1 =	vpop (erf)  }
0xec: {  	[tilespmem:s18+$0x1C570] =	vst v1  }
0xed: {  	_ =	swait.ge [sflag:s26], $0x2800  }
0xee: {  	[sflag:s26] =	ssyncset.done $0x0  }
0xef: {  	s18 =	simm.s32 $0x161B0;
	[sflag:s26] =	ssyncadd.s32 $0xFFFFD800  }
0xf0: {  	s3 =	simm.s32 $0x40;
	s28 =	simm.s32 $0x161B0;
	s0 =	simm.s32 $0x0;
	v1 =	vld [tilespmem:s18+$0xFFFFFFF0]  }
.LBB2_7:
0xf1: {  	p3 =	sne.s32 s3, $0x13C0;
	v2 =	vld [tilespmem:s0+$0x1C570]  }
0xf2: {  	v3 =	vld [tilespmem:s18+$0xFFFFFFD0]  }
0xf3: {  	v4 =	vld [tilespmem:s18+$0xFFFFFFC0]  }
0xf4: {  	v5 =	vld [tilespmem:s18+$0xFFFFFFE0]  }
0xf5: {  	v6 =	vld [tilespmem:s18+$0x30]  }
0xf6: {  	v7 =	vbroadcast v2, $0x0;
	v8 =	vbroadcast v2, $0x1;
	v9 =	vld [tilespmem:s18+$0x10]  }
0xf7: {  	v10 =	vbroadcast v2, $0x2;
	v11 =	vbroadcast v2, $0x3;
	v12 =	vld [tilespmem:s18+$0x0]  }
0xf8: {  	v4 =	vmul.f32 v7, v4;
	v3 =	vmul.f32 v3, v8;
	v7 =	vld [tilespmem:s18+$0x20]  }
0xf9: {  	v1 =	vmul.f32 v1, v11;
	v5 =	vmul.f32 v5, v10  }
0xfa: {  	v8 =	vbroadcast v2, $0x5;
	[tilespmem:s18+$0xFFFFFFC0] =	vst v4;
	v4 =	vbroadcast v2, $0x4  }
0xfb: {  	[tilespmem:s18+$0xFFFFFFD0] =	vst v3;
	v3 =	vbroadcast v2, $0x6;
	v2 =	vbroadcast v2, $0x7  }
0xfc: {  	[tilespmem:s18+$0xFFFFFFE0] =	vst v5;
	v4 =	vmul.f32 v12, v4;
	v5 =	vmul.f32 v9, v8  }
.Ltmp2:
0xfd: {  	[tilespmem:s18+$0xFFFFFFF0] =	vst v1;
	v1 =	vmul.f32 v7, v3;
	v2 =	vmul.f32 v6, v2;
	(pc) =	sbr.rel @p3 .LBB2_7-.Ltmp2, $4  }
0xfe: {  	[tilespmem:s18+$0x0] =	vst v4  }
0xff: {  	[tilespmem:s18+$0x10] =	vst v5  }
0x100: {  	s18 =	sadd.s32 $0x80, s18;
	[tilespmem:s28+$0x20] =	vst v1  }
0x101: {  	s0 =	sshra.s32 s3, $0x2;
	s3 =	sadd.s32 $0x40, s3;
	v1 =	vld [tilespmem:s18+$0xFFFFFFF0];
	[tilespmem:s28+$0x30] =	vst v2;
	s28 =	smov.u32 s18  }
0x102: {  	v2 =	vld [tilespmem:s0+$0x1C570];
	_ =	sdelay $0x1  }
0x103: {  	v3 =	vld [tilespmem:s18+$0xFFFFFFC0]  }
0x104: {  	v4 =	vld [tilespmem:s18+$0xFFFFFFD0]  }
0x105: {  	v5 =	vld [tilespmem:s18+$0xFFFFFFE0]  }
0x106: {  	v6 =	vbroadcast v2, $0x0  }
0x107: {  	v9 =	vld [tilespmem:s18+$0x10];
	v7 =	vbroadcast v2, $0x1  }
0x108: {  	v8 =	vld [tilespmem:s18+$0x0];
	v10 =	vbroadcast v2, $0x2;
	v3 =	vmul.f32 v6, v3  }
0x109: {  	v60 =	vld [tilespmem:s18+$0x20];
	v59 =	vbroadcast v2, $0x3;
	v4 =	vmul.f32 v4, v7  }
0x10a: {  	v11 =	vld [tilespmem:s18+$0x30];
	v61 =	vbroadcast v2, $0x5;
	v5 =	vmul.f32 v5, v10;
	[tilespmem:s18+$0xFFFFFFC0] =	vst v3  }
0x10b: {  	v1 =	vmul.f32 v1, v59;
	v3 =	vbroadcast v2, $0x4;
	[tilespmem:s18+$0xFFFFFFD0] =	vst v4  }
0x10c: {  	v62 =	vbroadcast v2, $0x6;
	v63 =	vmul.f32 v9, v61;
	[tilespmem:s18+$0xFFFFFFE0] =	vst v5  }
0x10d: {  	v2 =	vbroadcast v2, $0x7;
	[tilespmem:s18+$0xFFFFFFF0] =	vst v1;
	v3 =	vmul.f32 v8, v3  }
0x10e: {  	v1 =	vmul.f32 v60, v62;
	[tilespmem:s18+$0x10] =	vst v63  }
0x10f: {  	v2 =	vmul.f32 v11, v2;
	[tilespmem:s18+$0x0] =	vst v3  }
0x110: {  	[tilespmem:s28+$0x20] =	vst v1  }
0x111: {  	[tilespmem:s28+$0x30] =	vst v2  }
0x112: {  	[spmem:s5] =	stream.indirect.scatter.add.f32 [tilespmem:s22], [sflag:$0x5], $0x10, s25, s31, $0xb8;
	[tilespmem:$0x1CB00] =	vst v63  }
0x113: {  	_ =	swait.ge [sflag:s20], $0x500  }
0x114: {  	[sflag:s20] =	ssyncset.done $0x0  }
0x115: {  	s18 =	smul.u32 $0x1E0, s19;
	[sflag:s20] =	ssyncadd.s32 $0xFFFFFB00  }
0x116: {  	[spmem:s4] =	stream.indirect.scatter.add.f32 [tilespmem:s21], [sflag:$0x5], $0x80, s25, s31, $0xb8;
	[tilespmem:$0x1CB00] =	vst v63  }
0x117: {  	s13 =	sadd.s32 s18, s29;
	_ =	swait.ge [sflag:s20], $0x2800  }
0x118: {  	s0 =	sshrl.u32 s13, $0x3;
	[sflag:s20] =	ssyncset.done $0x0  }
0x119: {  	s3 =	simm.s32 $0x0;
	s0 =	sadd.s32 s8, s0;
	[sflag:s20] =	ssyncadd.s32 $0xFFFFD800  }
0x11a: {  	[tilespmem:s23], [sflag:$0x1] =	stream.linear.gather [hbm4b:s0+s3], $0x50, $0x38;
	[tilespmem:$0x1CB00] =	vst v63  }
0x11b: {  	s13 =	sadd.s32 $0xA, s0  }
0x11c: {  	[tilespmem:s24], [sflag:$0x1] =	stream.linear.gather [hbm4b:s13+s3], $0x50, $0x38;
	[tilespmem:$0x1CB00] =	vst v63  }
0x11d: {  	s0 =	sadd.s32 $0x14, s0  }
0x11e: {  	[tilespmem:s25], [sflag:$0x1] =	stream.linear.gather [hbm4b:s0+s3], $0x50, $0x38;
	[tilespmem:$0x1CB00] =	vst v63  }
0x11f: {  	_ =	swait.ge [sflag:s26], $0x50  }
0x120: {  	[sflag:s26] =	ssyncset.done $0x0  }
0x121: {  	[sflag:s26] =	ssyncadd.s32 $0xFFFFFFB0  }
0x122: {  	_ =	swait.ge [sflag:s26], $0x50  }
0x123: {  	[sflag:s26] =	ssyncset.done $0x0  }
0x124: {  	[sflag:s26] =	ssyncadd.s32 $0xFFFFFFB0  }
0x125: {  	_ =	swait.ge [sflag:s26], $0x50  }
0x126: {  	[sflag:s26] =	ssyncset.done $0x0  }
0x127: {  	s3 =	simm.s32 $0x1B170;
	[sflag:s26] =	ssyncadd.s32 $0xFFFFFFB0  }
0x128: {  	[tilespmem:s3], [sflag:$0x3] =	stream.indirect.gather [hbm4b:s1+s31], $0x10, s23, s31, $0xb8;
	[tilespmem:$0x1CB00] =	vst v63  }
0x129: {  	s13 =	simm.s32 $0x1BB70  }
0x12a: {  	[tilespmem:s13], [sflag:$0x3] =	stream.indirect.gather [hbm4b:s2+s31], $0x10, s24, s31, $0xb8;
	[tilespmem:$0x1CB00] =	vst v63  }
0x12b: {  	_ = 	snop  }
0x12c: {  	[tilespmem:s21], [sflag:$0x1] =	stream.indirect.gather [hbm4b:s7+s31], $0x80, s23, s31, $0xb8;
	[tilespmem:$0x1CB00] =	vst v63  }
0x12d: {  	_ =	swait.ge [sflag:s17], $0x500  }
0x12e: {  	[sflag:s17] =	ssyncset.done $0x0  }
0x12f: {  	[sflag:s17] =	ssyncadd.s32 $0xFFFFFB00  }
0x130: {  	_ =	swait.ge [sflag:s17], $0x500  }
0x131: {  	[sflag:s17] =	ssyncset.done $0x0  }
0x132: {  	s0 =	simm.s32 $0x0;
	[sflag:s17] =	ssyncadd.s32 $0xFFFFFB00  }
0x133: {  	v1 =	vld [tilespmem:s0+$0x1B670]  }
0x134: {  	v2 =	vld [tilespmem:s0+$0x1C070];
	_ =	sdelay $0x4  }
0x135: {  	v1 =	vadd.f32 v2, v1;
	v2 =	vld [tilespmem:$0x1CA70];
	_ =	sdelay $0x1  }
0x136: {  	v3 =	vmul.f32 $2.000000030e-01, v1  }
0x137: {  	vm0 =	vgt.f32 v1, $0.0e+00  }
0x138: {  	v1 =	vsel vm0, v1, v3  }
0x139: {  	v1 =	vsub.f32 v1, v2;
	_ =	sdelay $0x1  }
0x13a: {  	v1 =	vmul.f32 $1.442695020e+00, v1;
	_ =	sdelay $0x1  }
0x13b: {  	(erf) = vpow2.f32 v1;
	_ =	sdelay $0x3  }
0x13c: {  	s28 =	simm.s32 $0x10  }
0x13d: {  	s3 =	simm.s32 $0x80;
	v1 =	vld [tilespmem:s28+$0x1B670]  }
.LBB2_9:
0x13e: {  	p3 =	sne.s32 s3, $0x13C0;
	v2 =	vld [tilespmem:s28+$0x1C070];
	_ =	sdelay $0x2  }
0x13f: {  	v3 =	vpop (erf)  }
0x140: {  	[tilespmem:s0+$0x1C570] =	vst v3;
	s0 =	smov.u32 s28  }
0x141: {  	v1 =	vadd.f32 v2, v1;
	v2 =	vld [tilespmem:$0x1CA70];
	_ =	sdelay $0x1  }
0x142: {  	v3 =	vmul.f32 $2.000000030e-01, v1  }
0x143: {  	vm0 =	vgt.f32 v1, $0.0e+00  }
0x144: {  	v1 =	vsel vm0, v1, v3  }
0x145: {  	v1 =	vsub.f32 v1, v2;
	_ =	sdelay $0x1  }
0x146: {  	v1 =	vmul.f32 $1.442695020e+00, v1;
	_ =	sdelay $0x1  }
0x147: {  	(erf) = vpow2.f32 v1  }
.Ltmp3:
0x148: {  	(pc) =	sbr.rel @p3 .LBB2_9-.Ltmp3, $3  }
0x149: {  	_ =	sdelay $0x1  }
0x14a: {  	s28 =	sshra.s32 s3, $0x2  }
0x14b: {  	s3 =	sadd.s32 $0x40, s3;
	v1 =	vld [tilespmem:s28+$0x1B670]  }
0x14c: {  	v2 =	vld [tilespmem:s28+$0x1C070];
	_ =	sdelay $0x2  }
0x14d: {  	v3 =	vpop (erf)  }
0x14e: {  	[tilespmem:s0+$0x1C570] =	vst v3  }
0x14f: {  	v1 =	vadd.f32 v2, v1;
	v2 =	vld [tilespmem:$0x1CA70];
	_ =	sdelay $0x1  }
0x150: {  	v3 =	vmul.f32 $2.000000030e-01, v1  }
0x151: {  	vm0 =	vgt.f32 v1, $0.0e+00  }
0x152: {  	v1 =	vsel vm0, v1, v3  }
0x153: {  	v1 =	vsub.f32 v1, v2;
	_ =	sdelay $0x1  }
0x154: {  	v1 =	vmul.f32 $1.442695020e+00, v1;
	_ =	sdelay $0x1  }
0x155: {  	(erf) = vpow2.f32 v1;
	_ =	sdelay $0x8  }
0x156: {  	v1 =	vpop (erf)  }
0x157: {  	[tilespmem:s28+$0x1C570] =	vst v1  }
0x158: {  	_ =	swait.ge [sflag:s12], $0x2800  }
0x159: {  	[sflag:s12] =	ssyncset.done $0x0  }
0x15a: {  	s28 =	simm.s32 $0x189B0;
	[sflag:s12] =	ssyncadd.s32 $0xFFFFD800  }
0x15b: {  	s13 =	simm.s32 $0x0;
	s3 =	simm.s32 $0x189B0;
	s0 =	simm.s32 $0x40;
	v1 =	vld [tilespmem:s28+$0xFFFFFFF0]  }
.LBB2_11:
0x15c: {  	p3 =	sne.s32 s0, $0x13C0;
	v2 =	vld [tilespmem:s13+$0x1C570]  }
0x15d: {  	v3 =	vld [tilespmem:s28+$0xFFFFFFD0]  }
0x15e: {  	v4 =	vld [tilespmem:s28+$0xFFFFFFC0]  }
0x15f: {  	v5 =	vld [tilespmem:s28+$0xFFFFFFE0]  }
0x160: {  	v6 =	vld [tilespmem:s28+$0x30]  }
0x161: {  	v7 =	vbroadcast v2, $0x0;
	v8 =	vbroadcast v2, $0x1;
	v9 =	vld [tilespmem:s28+$0x10]  }
0x162: {  	v10 =	vbroadcast v2, $0x2;
	v11 =	vbroadcast v2, $0x3;
	v12 =	vld [tilespmem:s28+$0x0]  }
0x163: {  	v4 =	vmul.f32 v7, v4;
	v3 =	vmul.f32 v3, v8;
	v7 =	vld [tilespmem:s28+$0x20]  }
0x164: {  	v1 =	vmul.f32 v1, v11;
	v5 =	vmul.f32 v5, v10  }
0x165: {  	v8 =	vbroadcast v2, $0x5;
	[tilespmem:s28+$0xFFFFFFC0] =	vst v4;
	v4 =	vbroadcast v2, $0x4  }
0x166: {  	[tilespmem:s28+$0xFFFFFFD0] =	vst v3;
	v3 =	vbroadcast v2, $0x6;
	v2 =	vbroadcast v2, $0x7  }
0x167: {  	[tilespmem:s28+$0xFFFFFFE0] =	vst v5;
	v4 =	vmul.f32 v12, v4;
	v5 =	vmul.f32 v9, v8  }
.Ltmp4:
0x168: {  	[tilespmem:s28+$0xFFFFFFF0] =	vst v1;
	v1 =	vmul.f32 v7, v3;
	v2 =	vmul.f32 v6, v2;
	(pc) =	sbr.rel @p3 .LBB2_11-.Ltmp4, $4  }
0x169: {  	[tilespmem:s28+$0x0] =	vst v4  }
0x16a: {  	[tilespmem:s28+$0x10] =	vst v5  }
0x16b: {  	s28 =	sadd.s32 $0x80, s28;
	[tilespmem:s3+$0x20] =	vst v1  }
0x16c: {  	s13 =	sshra.s32 s0, $0x2;
	s0 =	sadd.s32 $0x40, s0;
	v1 =	vld [tilespmem:s28+$0xFFFFFFF0];
	[tilespmem:s3+$0x30] =	vst v2;
	s3 =	smov.u32 s28  }
0x16d: {  	v2 =	vld [tilespmem:s13+$0x1C570];
	_ =	sdelay $0x1  }
0x16e: {  	v3 =	vld [tilespmem:s28+$0xFFFFFFC0]  }
0x16f: {  	v4 =	vld [tilespmem:s28+$0xFFFFFFD0]  }
0x170: {  	v5 =	vld [tilespmem:s28+$0xFFFFFFE0]  }
0x171: {  	v6 =	vbroadcast v2, $0x0  }
0x172: {  	v9 =	vld [tilespmem:s28+$0x10];
	v7 =	vbroadcast v2, $0x1  }
0x173: {  	v8 =	vld [tilespmem:s28+$0x0];
	v10 =	vbroadcast v2, $0x2;
	v3 =	vmul.f32 v6, v3  }
0x174: {  	v60 =	vld [tilespmem:s28+$0x20];
	v59 =	vbroadcast v2, $0x3;
	v4 =	vmul.f32 v4, v7  }
0x175: {  	v11 =	vld [tilespmem:s28+$0x30];
	v61 =	vbroadcast v2, $0x5;
	v5 =	vmul.f32 v5, v10;
	[tilespmem:s28+$0xFFFFFFC0] =	vst v3  }
0x176: {  	v1 =	vmul.f32 v1, v59;
	v3 =	vbroadcast v2, $0x4;
	[tilespmem:s28+$0xFFFFFFD0] =	vst v4  }
0x177: {  	v62 =	vbroadcast v2, $0x6;
	v63 =	vmul.f32 v9, v61;
	[tilespmem:s28+$0xFFFFFFE0] =	vst v5  }
0x178: {  	v2 =	vbroadcast v2, $0x7;
	[tilespmem:s28+$0xFFFFFFF0] =	vst v1;
	v3 =	vmul.f32 v8, v3  }
0x179: {  	v1 =	vmul.f32 v60, v62;
	[tilespmem:s28+$0x10] =	vst v63  }
0x17a: {  	v2 =	vmul.f32 v11, v2;
	[tilespmem:s28+$0x0] =	vst v3  }
0x17b: {  	[tilespmem:s3+$0x20] =	vst v1  }
0x17c: {  	[tilespmem:s3+$0x30] =	vst v2  }
0x17d: {  	[spmem:s5] =	stream.indirect.scatter.add.f32 [tilespmem:s22], [sflag:$0x5], $0x10, s11, s31, $0xb8;
	[tilespmem:$0x1CB00] =	vst v63  }
0x17e: {  	_ =	swait.ge [sflag:s20], $0x500  }
0x17f: {  	[sflag:s20] =	ssyncset.done $0x0  }
0x180: {  	[sflag:s20] =	ssyncadd.s32 $0xFFFFFB00  }
0x181: {  	[spmem:s4] =	stream.indirect.scatter.add.f32 [tilespmem:s15], [sflag:$0x5], $0x80, s11, s31, $0xb8;
	[tilespmem:$0x1CB00] =	vst v63  }
0x182: {  	s0 =	sadd.s32 s18, s30;
	_ =	swait.ge [sflag:s20], $0x2800  }
0x183: {  	s0 =	sshrl.u32 s0, $0x3;
	[sflag:s20] =	ssyncset.done $0x0  }
0x184: {  	s0 =	sadd.s32 s8, s0;
	[sflag:s20] =	ssyncadd.s32 $0xFFFFD800  }
0x185: {  	[tilespmem:s9], [sflag:$0x2] =	stream.linear.gather [hbm4b:s0+s6], $0x50, $0x38;
	[tilespmem:$0x1CB00] =	vst v63  }
0x186: {  	s18 =	sadd.s32 $0xA, s0  }
0x187: {  	[tilespmem:s10], [sflag:$0x2] =	stream.linear.gather [hbm4b:s18+s6], $0x50, $0x38;
	[tilespmem:$0x1CB00] =	vst v63  }
0x188: {  	s0 =	sadd.s32 $0x14, s0  }
0x189: {  	[tilespmem:s11], [sflag:$0x2] =	stream.linear.gather [hbm4b:s0+s6], $0x50, $0x38;
	[tilespmem:$0x1CB00] =	vst v63  }
0x18a: {  	_ =	swait.ge [sflag:s12], $0x50  }
0x18b: {  	[sflag:s12] =	ssyncset.done $0x0  }
0x18c: {  	[sflag:s12] =	ssyncadd.s32 $0xFFFFFFB0  }
0x18d: {  	_ =	swait.ge [sflag:s12], $0x50  }
0x18e: {  	[sflag:s12] =	ssyncset.done $0x0  }
0x18f: {  	[sflag:s12] =	ssyncadd.s32 $0xFFFFFFB0  }
0x190: {  	_ =	swait.ge [sflag:s12], $0x50  }
0x191: {  	s19 =	sadd.s32 $0x1, s19;
	[sflag:s12] =	ssyncset.done $0x0  }
0x192: {  	p3 =	sne.s32 s19, $0x7C;
	s28 =	simm.s32 $0x1B670;
	[sflag:s12] =	ssyncadd.s32 $0xFFFFFFB0  }
0x193: {  	[tilespmem:s28], [sflag:$0x4] =	stream.indirect.gather [hbm4b:s1+s31], $0x10, s9, s31, $0xb8;
	[tilespmem:$0x1CB00] =	vst v63  }
.Ltmp5:
0x194: {  	_ = 	snop;
	(pc) =	sbr.rel @p3 .LBB2_4-.Ltmp5, $4  }
0x195: {  	_ = 	snop  }
0x196: {  	[tilespmem:s14], [sflag:$0x4] =	stream.indirect.gather [hbm4b:s2+s31], $0x10, s10, s31, $0xb8;
	[tilespmem:$0x1CB00] =	vst v63  }
0x197: {  	_ = 	snop  }
0x198: {  	[tilespmem:s15], [sflag:$0x2] =	stream.indirect.gather [hbm4b:s7+s31], $0x80, s9, s31, $0xb8;
	[tilespmem:$0x1CB00] =	vst v63  }
0x199: {  	_ =	swait.ge [sflag:s16], $0x500  }
0x19a: {  	[sflag:s16] =	ssyncset.done $0x0  }
0x19b: {  	[sflag:s16] =	ssyncadd.s32 $0xFFFFFB00  }
0x19c: {  	_ =	swait.ge [sflag:s16], $0x500  }
0x19d: {  	[sflag:s16] =	ssyncset.done $0x0  }
0x19e: {  	s0 =	simm.s32 $0x0;
	[sflag:s16] =	ssyncadd.s32 $0xFFFFFB00  }
0x19f: {  	v1 =	vld [tilespmem:s0+$0x1B170]  }
0x1a0: {  	v2 =	vld [tilespmem:s0+$0x1BB70];
	_ =	sdelay $0x4  }
0x1a1: {  	v1 =	vadd.f32 v2, v1;
	v2 =	vld [tilespmem:$0x1CA70];
	_ =	sdelay $0x1  }
0x1a2: {  	v3 =	vmul.f32 $2.000000030e-01, v1  }
0x1a3: {  	vm0 =	vgt.f32 v1, $0.0e+00  }
0x1a4: {  	v1 =	vsel vm0, v1, v3  }
0x1a5: {  	v1 =	vsub.f32 v1, v2;
	_ =	sdelay $0x1  }
0x1a6: {  	v1 =	vmul.f32 $1.442695020e+00, v1;
	_ =	sdelay $0x1  }
0x1a7: {  	(erf) = vpow2.f32 v1;
	_ =	sdelay $0x3  }
0x1a8: {  	s18 =	simm.s32 $0x10  }
0x1a9: {  	s3 =	simm.s32 $0x80;
	v1 =	vld [tilespmem:s18+$0x1B170]  }
.LBB2_14:
0x1aa: {  	p3 =	sne.s32 s3, $0x13C0;
	v2 =	vld [tilespmem:s18+$0x1BB70];
	_ =	sdelay $0x2  }
0x1ab: {  	v3 =	vpop (erf)  }
0x1ac: {  	[tilespmem:s0+$0x1C570] =	vst v3;
	s0 =	smov.u32 s18  }
0x1ad: {  	v1 =	vadd.f32 v2, v1;
	v2 =	vld [tilespmem:$0x1CA70];
	_ =	sdelay $0x1  }
0x1ae: {  	v3 =	vmul.f32 $2.000000030e-01, v1  }
0x1af: {  	vm0 =	vgt.f32 v1, $0.0e+00  }
0x1b0: {  	v1 =	vsel vm0, v1, v3  }
0x1b1: {  	v1 =	vsub.f32 v1, v2;
	_ =	sdelay $0x1  }
0x1b2: {  	v1 =	vmul.f32 $1.442695020e+00, v1;
	_ =	sdelay $0x1  }
0x1b3: {  	(erf) = vpow2.f32 v1  }
.Ltmp6:
0x1b4: {  	(pc) =	sbr.rel @p3 .LBB2_14-.Ltmp6, $3  }
0x1b5: {  	_ =	sdelay $0x1  }
0x1b6: {  	s18 =	sshra.s32 s3, $0x2  }
0x1b7: {  	s3 =	sadd.s32 $0x40, s3;
	v1 =	vld [tilespmem:s18+$0x1B170]  }
0x1b8: {  	v2 =	vld [tilespmem:s18+$0x1BB70];
	_ =	sdelay $0x2  }
0x1b9: {  	v3 =	vpop (erf)  }
0x1ba: {  	[tilespmem:s0+$0x1C570] =	vst v3  }
0x1bb: {  	v1 =	vadd.f32 v2, v1;
	v2 =	vld [tilespmem:$0x1CA70];
	_ =	sdelay $0x1  }
0x1bc: {  	v3 =	vmul.f32 $2.000000030e-01, v1  }
0x1bd: {  	vm0 =	vgt.f32 v1, $0.0e+00  }
0x1be: {  	v1 =	vsel vm0, v1, v3  }
0x1bf: {  	v1 =	vsub.f32 v1, v2;
	_ =	sdelay $0x1  }
0x1c0: {  	v1 =	vmul.f32 $1.442695020e+00, v1;
	_ =	sdelay $0x1  }
0x1c1: {  	(erf) = vpow2.f32 v1;
	_ =	sdelay $0x8  }
0x1c2: {  	v1 =	vpop (erf)  }
0x1c3: {  	[tilespmem:s18+$0x1C570] =	vst v1  }
0x1c4: {  	_ =	swait.ge [sflag:s26], $0x2800  }
0x1c5: {  	[sflag:s26] =	ssyncset.done $0x0  }
0x1c6: {  	s18 =	simm.s32 $0x161B0;
	[sflag:s26] =	ssyncadd.s32 $0xFFFFD800  }
0x1c7: {  	s13 =	simm.s32 $0x0;
	s3 =	simm.s32 $0x161B0;
	s0 =	simm.s32 $0x40;
	v1 =	vld [tilespmem:s18+$0xFFFFFFF0]  }
.LBB2_16:
0x1c8: {  	p3 =	sne.s32 s0, $0x13C0;
	v2 =	vld [tilespmem:s13+$0x1C570]  }
0x1c9: {  	v3 =	vld [tilespmem:s18+$0xFFFFFFD0]  }
0x1ca: {  	v4 =	vld [tilespmem:s18+$0xFFFFFFC0]  }
0x1cb: {  	v5 =	vld [tilespmem:s18+$0xFFFFFFE0]  }
0x1cc: {  	v6 =	vld [tilespmem:s18+$0x30]  }
0x1cd: {  	v7 =	vbroadcast v2, $0x0;
	v8 =	vbroadcast v2, $0x1;
	v9 =	vld [tilespmem:s18+$0x10]  }
0x1ce: {  	v10 =	vbroadcast v2, $0x2;
	v11 =	vbroadcast v2, $0x3;
	v12 =	vld [tilespmem:s18+$0x0]  }
0x1cf: {  	v4 =	vmul.f32 v7, v4;
	v3 =	vmul.f32 v3, v8;
	v7 =	vld [tilespmem:s18+$0x20]  }
0x1d0: {  	v1 =	vmul.f32 v1, v11;
	v5 =	vmul.f32 v5, v10  }
0x1d1: {  	v8 =	vbroadcast v2, $0x5;
	[tilespmem:s18+$0xFFFFFFC0] =	vst v4;
	v4 =	vbroadcast v2, $0x4  }
0x1d2: {  	[tilespmem:s18+$0xFFFFFFD0] =	vst v3;
	v3 =	vbroadcast v2, $0x6;
	v2 =	vbroadcast v2, $0x7  }
0x1d3: {  	[tilespmem:s18+$0xFFFFFFE0] =	vst v5;
	v4 =	vmul.f32 v12, v4;
	v5 =	vmul.f32 v9, v8  }
.Ltmp7:
0x1d4: {  	[tilespmem:s18+$0xFFFFFFF0] =	vst v1;
	v1 =	vmul.f32 v7, v3;
	v2 =	vmul.f32 v6, v2;
	(pc) =	sbr.rel @p3 .LBB2_16-.Ltmp7, $4  }
0x1d5: {  	[tilespmem:s18+$0x0] =	vst v4  }
0x1d6: {  	[tilespmem:s18+$0x10] =	vst v5  }
0x1d7: {  	s18 =	sadd.s32 $0x80, s18;
	[tilespmem:s3+$0x20] =	vst v1  }
0x1d8: {  	s13 =	sshra.s32 s0, $0x2;
	s0 =	sadd.s32 $0x40, s0;
	v1 =	vld [tilespmem:s18+$0xFFFFFFF0];
	[tilespmem:s3+$0x30] =	vst v2;
	s3 =	smov.u32 s18  }
0x1d9: {  	v2 =	vld [tilespmem:s13+$0x1C570];
	_ =	sdelay $0x1  }
0x1da: {  	v3 =	vld [tilespmem:s18+$0xFFFFFFC0]  }
0x1db: {  	v4 =	vld [tilespmem:s18+$0xFFFFFFD0]  }
0x1dc: {  	v5 =	vld [tilespmem:s18+$0xFFFFFFE0]  }
0x1dd: {  	v6 =	vbroadcast v2, $0x0  }
0x1de: {  	v9 =	vld [tilespmem:s18+$0x10];
	v7 =	vbroadcast v2, $0x1  }
0x1df: {  	v8 =	vld [tilespmem:s18+$0x0];
	v10 =	vbroadcast v2, $0x2;
	v3 =	vmul.f32 v6, v3  }
0x1e0: {  	v60 =	vld [tilespmem:s18+$0x20];
	v59 =	vbroadcast v2, $0x3;
	v4 =	vmul.f32 v4, v7  }
0x1e1: {  	v11 =	vld [tilespmem:s18+$0x30];
	v61 =	vbroadcast v2, $0x5;
	v5 =	vmul.f32 v5, v10;
	[tilespmem:s18+$0xFFFFFFC0] =	vst v3  }
0x1e2: {  	v1 =	vmul.f32 v1, v59;
	v3 =	vbroadcast v2, $0x4;
	[tilespmem:s18+$0xFFFFFFD0] =	vst v4  }
0x1e3: {  	v62 =	vbroadcast v2, $0x6;
	v63 =	vmul.f32 v9, v61;
	[tilespmem:s18+$0xFFFFFFE0] =	vst v5  }
0x1e4: {  	v2 =	vbroadcast v2, $0x7;
	[tilespmem:s18+$0xFFFFFFF0] =	vst v1;
	v3 =	vmul.f32 v8, v3  }
0x1e5: {  	v1 =	vmul.f32 v60, v62;
	[tilespmem:s18+$0x10] =	vst v63  }
0x1e6: {  	v2 =	vmul.f32 v11, v2;
	[tilespmem:s18+$0x0] =	vst v3  }
0x1e7: {  	[tilespmem:s3+$0x20] =	vst v1  }
0x1e8: {  	[tilespmem:s3+$0x30] =	vst v2  }
0x1e9: {  	[spmem:s5] =	stream.indirect.scatter.add.f32 [tilespmem:s22], [sflag:$0x5], $0x10, s25, s31, $0xb8;
	[tilespmem:$0x1CB00] =	vst v63  }
0x1ea: {  	_ =	swait.ge [sflag:s20], $0x500  }
0x1eb: {  	[sflag:s20] =	ssyncset.done $0x0  }
0x1ec: {  	[sflag:s20] =	ssyncadd.s32 $0xFFFFFB00  }
0x1ed: {  	[spmem:s4] =	stream.indirect.scatter.add.f32 [tilespmem:s21], [sflag:$0x5], $0x80, s25, s31, $0xb8;
	[tilespmem:$0x1CB00] =	vst v63  }
0x1ee: {  	_ =	swait.ge [sflag:s20], $0x2800  }
0x1ef: {  	[sflag:s20] =	ssyncset.done $0x0  }
0x1f0: {  	[sflag:s20] =	ssyncadd.s32 $0xFFFFD800  }
0x1f1: {  	_ =	swait.ge [sflag:s17], $0x500  }
0x1f2: {  	[sflag:s17] =	ssyncset.done $0x0  }
0x1f3: {  	[sflag:s17] =	ssyncadd.s32 $0xFFFFFB00  }
0x1f4: {  	_ =	swait.ge [sflag:s17], $0x500  }
0x1f5: {  	[sflag:s17] =	ssyncset.done $0x0  }
0x1f6: {  	s0 =	simm.s32 $0x0;
	[sflag:s17] =	ssyncadd.s32 $0xFFFFFB00  }
0x1f7: {  	v1 =	vld [tilespmem:s0+$0x1B670]  }
0x1f8: {  	v2 =	vld [tilespmem:s0+$0x1C070];
	_ =	sdelay $0x4  }
0x1f9: {  	v1 =	vadd.f32 v2, v1;
	v2 =	vld [tilespmem:$0x1CA70];
	_ =	sdelay $0x1  }
0x1fa: {  	v3 =	vmul.f32 $2.000000030e-01, v1  }
0x1fb: {  	vm0 =	vgt.f32 v1, $0.0e+00  }
0x1fc: {  	v1 =	vsel vm0, v1, v3  }
0x1fd: {  	v1 =	vsub.f32 v1, v2;
	_ =	sdelay $0x1  }
0x1fe: {  	v1 =	vmul.f32 $1.442695020e+00, v1;
	_ =	sdelay $0x1  }
0x1ff: {  	(erf) = vpow2.f32 v1;
	_ =	sdelay $0x3  }
0x200: {  	s18 =	simm.s32 $0x10  }
0x201: {  	s3 =	simm.s32 $0x80;
	v1 =	vld [tilespmem:s18+$0x1B670]  }
.LBB2_18:
0x202: {  	p3 =	sne.s32 s3, $0x13C0;
	v2 =	vld [tilespmem:s18+$0x1C070];
	_ =	sdelay $0x2  }
0x203: {  	v3 =	vpop (erf)  }
0x204: {  	[tilespmem:s0+$0x1C570] =	vst v3;
	s0 =	smov.u32 s18  }
0x205: {  	v1 =	vadd.f32 v2, v1;
	v2 =	vld [tilespmem:$0x1CA70];
	_ =	sdelay $0x1  }
0x206: {  	v3 =	vmul.f32 $2.000000030e-01, v1  }
0x207: {  	vm0 =	vgt.f32 v1, $0.0e+00  }
0x208: {  	v1 =	vsel vm0, v1, v3  }
0x209: {  	v1 =	vsub.f32 v1, v2;
	_ =	sdelay $0x1  }
0x20a: {  	v1 =	vmul.f32 $1.442695020e+00, v1;
	_ =	sdelay $0x1  }
0x20b: {  	(erf) = vpow2.f32 v1  }
.Ltmp8:
0x20c: {  	(pc) =	sbr.rel @p3 .LBB2_18-.Ltmp8, $3  }
0x20d: {  	_ =	sdelay $0x1  }
0x20e: {  	s18 =	sshra.s32 s3, $0x2  }
0x20f: {  	s3 =	sadd.s32 $0x40, s3;
	v1 =	vld [tilespmem:s18+$0x1B670]  }
0x210: {  	v2 =	vld [tilespmem:s18+$0x1C070];
	_ =	sdelay $0x2  }
0x211: {  	v3 =	vpop (erf)  }
0x212: {  	[tilespmem:s0+$0x1C570] =	vst v3  }
0x213: {  	v1 =	vadd.f32 v2, v1;
	v2 =	vld [tilespmem:$0x1CA70];
	_ =	sdelay $0x1  }
0x214: {  	v3 =	vmul.f32 $2.000000030e-01, v1  }
0x215: {  	vm0 =	vgt.f32 v1, $0.0e+00  }
0x216: {  	v1 =	vsel vm0, v1, v3  }
0x217: {  	v1 =	vsub.f32 v1, v2;
	_ =	sdelay $0x1  }
0x218: {  	v1 =	vmul.f32 $1.442695020e+00, v1;
	_ =	sdelay $0x1  }
0x219: {  	(erf) = vpow2.f32 v1;
	_ =	sdelay $0x8  }
0x21a: {  	v1 =	vpop (erf)  }
0x21b: {  	[tilespmem:s18+$0x1C570] =	vst v1  }
0x21c: {  	_ =	swait.ge [sflag:s12], $0x2800  }
0x21d: {  	[sflag:s12] =	ssyncset.done $0x0  }
0x21e: {  	s18 =	simm.s32 $0x189B0;
	[sflag:s12] =	ssyncadd.s32 $0xFFFFD800  }
0x21f: {  	s13 =	simm.s32 $0x0;
	s3 =	simm.s32 $0x189B0;
	s0 =	simm.s32 $0x40;
	v1 =	vld [tilespmem:s18+$0xFFFFFFF0]  }
.LBB2_20:
0x220: {  	p3 =	sne.s32 s0, $0x13C0;
	v2 =	vld [tilespmem:s13+$0x1C570]  }
0x221: {  	v3 =	vld [tilespmem:s18+$0xFFFFFFD0]  }
0x222: {  	v4 =	vld [tilespmem:s18+$0xFFFFFFC0]  }
0x223: {  	v5 =	vld [tilespmem:s18+$0xFFFFFFE0]  }
0x224: {  	v6 =	vld [tilespmem:s18+$0x30]  }
0x225: {  	v7 =	vbroadcast v2, $0x0;
	v8 =	vbroadcast v2, $0x1;
	v9 =	vld [tilespmem:s18+$0x10]  }
0x226: {  	v10 =	vbroadcast v2, $0x2;
	v11 =	vbroadcast v2, $0x3;
	v12 =	vld [tilespmem:s18+$0x0]  }
0x227: {  	v4 =	vmul.f32 v7, v4;
	v3 =	vmul.f32 v3, v8;
	v7 =	vld [tilespmem:s18+$0x20]  }
0x228: {  	v1 =	vmul.f32 v1, v11;
	v5 =	vmul.f32 v5, v10  }
0x229: {  	v8 =	vbroadcast v2, $0x5;
	[tilespmem:s18+$0xFFFFFFC0] =	vst v4;
	v4 =	vbroadcast v2, $0x4  }
0x22a: {  	[tilespmem:s18+$0xFFFFFFD0] =	vst v3;
	v3 =	vbroadcast v2, $0x6;
	v2 =	vbroadcast v2, $0x7  }
0x22b: {  	[tilespmem:s18+$0xFFFFFFE0] =	vst v5;
	v4 =	vmul.f32 v12, v4;
	v5 =	vmul.f32 v9, v8  }
.Ltmp9:
0x22c: {  	[tilespmem:s18+$0xFFFFFFF0] =	vst v1;
	v1 =	vmul.f32 v7, v3;
	v2 =	vmul.f32 v6, v2;
	(pc) =	sbr.rel @p3 .LBB2_20-.Ltmp9, $4  }
0x22d: {  	[tilespmem:s18+$0x0] =	vst v4  }
0x22e: {  	[tilespmem:s18+$0x10] =	vst v5  }
0x22f: {  	s18 =	sadd.s32 $0x80, s18;
	[tilespmem:s3+$0x20] =	vst v1  }
0x230: {  	s13 =	sshra.s32 s0, $0x2;
	s0 =	sadd.s32 $0x40, s0;
	v1 =	vld [tilespmem:s18+$0xFFFFFFF0];
	[tilespmem:s3+$0x30] =	vst v2;
	s3 =	smov.u32 s18  }
0x231: {  	v2 =	vld [tilespmem:s13+$0x1C570];
	_ =	sdelay $0x1  }
0x232: {  	v3 =	vld [tilespmem:s18+$0xFFFFFFC0]  }
0x233: {  	v4 =	vld [tilespmem:s18+$0xFFFFFFD0]  }
0x234: {  	v5 =	vld [tilespmem:s18+$0xFFFFFFE0]  }
0x235: {  	v6 =	vbroadcast v2, $0x0  }
0x236: {  	v9 =	vld [tilespmem:s18+$0x10];
	v7 =	vbroadcast v2, $0x1  }
0x237: {  	v8 =	vld [tilespmem:s18+$0x0];
	v10 =	vbroadcast v2, $0x2;
	v3 =	vmul.f32 v6, v3  }
0x238: {  	v48 =	vld [tilespmem:s18+$0x20];
	v47 =	vbroadcast v2, $0x3;
	v4 =	vmul.f32 v4, v7  }
0x239: {  	v11 =	vld [tilespmem:s18+$0x30];
	v49 =	vbroadcast v2, $0x5;
	v5 =	vmul.f32 v5, v10;
	[tilespmem:s18+$0xFFFFFFC0] =	vst v3  }
0x23a: {  	v1 =	vmul.f32 v1, v47;
	v3 =	vbroadcast v2, $0x4;
	[tilespmem:s18+$0xFFFFFFD0] =	vst v4  }
0x23b: {  	v50 =	vbroadcast v2, $0x6;
	v51 =	vmul.f32 v9, v49;
	[tilespmem:s18+$0xFFFFFFE0] =	vst v5  }
0x23c: {  	v2 =	vbroadcast v2, $0x7;
	[tilespmem:s18+$0xFFFFFFF0] =	vst v1;
	v3 =	vmul.f32 v8, v3  }
0x23d: {  	v1 =	vmul.f32 v48, v50;
	[tilespmem:s18+$0x10] =	vst v51  }
0x23e: {  	v2 =	vmul.f32 v11, v2;
	[tilespmem:s18+$0x0] =	vst v3  }
0x23f: {  	[tilespmem:s3+$0x20] =	vst v1  }
0x240: {  	[tilespmem:s3+$0x30] =	vst v2  }
0x241: {  	[spmem:s5] =	stream.indirect.scatter.add.f32 [tilespmem:s22], [sflag:$0x5], $0x10, s11, s31, $0xb8;
	[tilespmem:$0x1CB00] =	vst v63  }
0x242: {  	_ =	swait.ge [sflag:s20], $0x500  }
0x243: {  	[sflag:s20] =	ssyncset.done $0x0  }
0x244: {  	[sflag:s20] =	ssyncadd.s32 $0xFFFFFB00  }
0x245: {  	[spmem:s4] =	stream.indirect.scatter.add.f32 [tilespmem:s15], [sflag:$0x5], $0x80, s11, s31, $0xb8;
	[tilespmem:$0x1CB00] =	vst v63  }
0x246: {  	_ =	swait.ge [sflag:s20], $0x2800  }
0x247: {  	[sflag:s20] =	ssyncset.done $0x0  }
0x248: {  	[sflag:s20] =	ssyncadd.s32 $0xFFFFD800  }
0x249: {  	[bflag:$0x0] =	sbarrier.arrive $0xFFFF  }
0x24a: {  	s0 =	simm.s32 $0x0;
	s18 =	rddreg [dreg:$0x19]  }
0x24b: {  	[tilespmem:s23], [sflag:$0x5] =	stream.linear.gather [hbm4b:s18+s0], $0x50, $0x38;
	[tilespmem:$0x1CB00] =	vst v63  }
0x24c: {  	_ =	swait.ge [sflag:s20], $0x50  }
0x24d: {  	[sflag:s20] =	ssyncset.done $0x0  }
0x24e: {  	[sflag:s20] =	ssyncadd.s32 $0xFFFFFFB0  }
0x24f: {  	[tilespmem:s21], [sflag:$0x5] =	stream.indirect.gather [spmem:s4], $0x80, s23, s31, $0xb8;
	[tilespmem:$0x1CB00] =	vst v63  }
0x250: {  	_ =	swait.ge [sflag:s20], $0x2800  }
0x251: {  	[sflag:s20] =	ssyncset.done $0x0  }
0x252: {  	[sflag:s20] =	ssyncadd.s32 $0xFFFFD800  }
0x253: {  	[tilespmem:s22], [sflag:$0x5] =	stream.indirect.gather [spmem:s5], $0x10, s23, s31, $0xb8;
	[tilespmem:$0x1CB00] =	vst v63  }
0x254: {  	_ =	swait.ge [sflag:s20], $0x500  }
0x255: {  	[sflag:s20] =	ssyncset.done $0x0  }
0x256: {  	s19 =	simm.s32 $0x0;
	[sflag:s20] =	ssyncadd.s32 $0xFFFFFB00  }
0x257: {  	v1 =	vld [tilespmem:s19+$0x1C570];
	_ =	sdelay $0x4  }
0x258: {  	v1 =	vmax.f32 v1, $9.999999710e-10  }
0x259: {  	v2 =	vbroadcast v1, $0x0;
	_ =	sdelay $0x1  }
0x25a: {  	(erf) = vrcp.f32 v2;
	_ =	sdelay $0x3  }
0x25b: {  	s19 =	simm.s32 $0x161B0  }
0x25c: {  	v3 =	vbroadcast v1, $0x1;
	v2 =	vld [tilespmem:s19+$0xFFFFFFC0];
	_ =	sdelay $0x1  }
0x25d: {  	v52 =	vld [tilespmem:$0x1CA80]  }
0x25e: {  	v53 =	vbroadcast v1, $0x2;
	v54 =	vbroadcast v1, $0x3  }
0x25f: {  	v55 =	vbroadcast v1, $0x4;
	(erf) = vrcp.f32 v3;
	v3 =	vpop (erf)  }
0x260: {  	(erf) = vrcp.f32 v53;
	v2 =	vmul.f32 v3, v2  }
0x261: {  	v3 =	vbroadcast v1, $0x5;
	(erf) = vrcp.f32 v54  }
0x262: {  	v56 =	vbroadcast v1, $0x6;
	(erf) = vrcp.f32 v55;
	v2 =	vadd.f32 v2, v52  }
0x263: {  	v1 =	vbroadcast v1, $0x7;
	(erf) = vrcp.f32 v3  }
0x264: {  	(erf) = vrcp.f32 v56;
	v3 =	vmul.f32 $1.442695020e+00, v2  }
0x265: {  	(erf) = vrcp.f32 v1  }
0x266: {  	(erf) = vpow2.f32 v3;
	_ =	sdelay $0x1  }
0x267: {  	v1 =	vpop (erf)  }
0x268: {  	v3 =	vpop (erf)  }
0x269: {  	v57 =	vpop (erf)  }
0x26a: {  	v58 =	vpop (erf)  }
0x26b: {  	v59 =	vpop (erf)  }
0x26c: {  	v60 =	vpop (erf)  }
0x26d: {  	v61 =	vpop (erf)  }
0x26e: {  	v62 =	vpop (erf)  }
0x26f: {  	v9 =	vadd.f32 $-1.000000000e+00, v62  }
0x270: {  	vm0 =	vgt.f32 v2, $0.0e+00  }
0x271: {  	v63 =	vld [tilespmem:s19+$0xFFFFFFD0];
	v2 =	vsel vm0, v2, v9  }
0x272: {  	[tilespmem:s19+$0xFFFFFFC0] =	vst v2  }
0x273: {  	v2 =	vld [tilespmem:$0x1CA90];
	_ =	sdelay $0x2  }
0x274: {  	v1 =	vmul.f32 v63, v1;
	_ =	sdelay $0x1  }
0x275: {  	v1 =	vadd.f32 v2, v1;
	_ =	sdelay $0x1  }
0x276: {  	v2 =	vmul.f32 $1.442695020e+00, v1;
	_ =	sdelay $0x1  }
0x277: {  	(erf) = vpow2.f32 v2;
	_ =	sdelay $0x8  }
0x278: {  	v2 =	vpop (erf)  }
0x279: {  	v2 =	vadd.f32 $-1.000000000e+00, v2  }
0x27a: {  	vm9 =	vgt.f32 v1, $0.0e+00  }
0x27b: {  	v1 =	vsel vm9, v1, v2;
	v2 =	vld [tilespmem:s19+$0xFFFFFFE0]  }
0x27c: {  	[tilespmem:s19+$0xFFFFFFD0] =	vst v1  }
0x27d: {  	v1 =	vld [tilespmem:$0x1CAA0];
	_ =	sdelay $0x2  }
0x27e: {  	v2 =	vmul.f32 v2, v3;
	_ =	sdelay $0x1  }
0x27f: {  	v1 =	vadd.f32 v1, v2;
	_ =	sdelay $0x1  }
0x280: {  	v2 =	vmul.f32 $1.442695020e+00, v1;
	_ =	sdelay $0x1  }
0x281: {  	(erf) = vpow2.f32 v2;
	_ =	sdelay $0x8  }
0x282: {  	v2 =	vpop (erf)  }
0x283: {  	v2 =	vadd.f32 $-1.000000000e+00, v2  }
0x284: {  	vm10 =	vgt.f32 v1, $0.0e+00  }
0x285: {  	v1 =	vsel vm10, v1, v2;
	v2 =	vld [tilespmem:s19+$0xFFFFFFF0]  }
0x286: {  	[tilespmem:s19+$0xFFFFFFE0] =	vst v1  }
0x287: {  	v1 =	vld [tilespmem:$0x1CAB0];
	_ =	sdelay $0x2  }
0x288: {  	v2 =	vmul.f32 v2, v57;
	_ =	sdelay $0x1  }
0x289: {  	v1 =	vadd.f32 v1, v2;
	_ =	sdelay $0x1  }
0x28a: {  	v2 =	vmul.f32 $1.442695020e+00, v1;
	_ =	sdelay $0x1  }
0x28b: {  	(erf) = vpow2.f32 v2;
	_ =	sdelay $0x8  }
0x28c: {  	v2 =	vpop (erf)  }
0x28d: {  	v2 =	vadd.f32 $-1.000000000e+00, v2  }
0x28e: {  	vm11 =	vgt.f32 v1, $0.0e+00  }
0x28f: {  	v1 =	vsel vm11, v1, v2;
	v2 =	vld [tilespmem:s19+$0x0]  }
0x290: {  	[tilespmem:s19+$0xFFFFFFF0] =	vst v1  }
0x291: {  	v1 =	vld [tilespmem:$0x1CAC0];
	_ =	sdelay $0x2  }
0x292: {  	v2 =	vmul.f32 v2, v58;
	_ =	sdelay $0x1  }
0x293: {  	v1 =	vadd.f32 v1, v2;
	_ =	sdelay $0x1  }
0x294: {  	v2 =	vmul.f32 $1.442695020e+00, v1;
	_ =	sdelay $0x1  }
0x295: {  	(erf) = vpow2.f32 v2;
	_ =	sdelay $0x8  }
0x296: {  	v2 =	vpop (erf)  }
0x297: {  	v2 =	vadd.f32 $-1.000000000e+00, v2  }
0x298: {  	vm12 =	vgt.f32 v1, $0.0e+00  }
0x299: {  	v1 =	vsel vm12, v1, v2;
	v2 =	vld [tilespmem:s19+$0x10]  }
0x29a: {  	[tilespmem:s19+$0x0] =	vst v1  }
0x29b: {  	v1 =	vld [tilespmem:$0x1CAD0];
	_ =	sdelay $0x2  }
0x29c: {  	v2 =	vmul.f32 v2, v59;
	_ =	sdelay $0x1  }
0x29d: {  	v1 =	vadd.f32 v1, v2;
	_ =	sdelay $0x1  }
0x29e: {  	v2 =	vmul.f32 $1.442695020e+00, v1;
	_ =	sdelay $0x1  }
0x29f: {  	(erf) = vpow2.f32 v2;
	_ =	sdelay $0x8  }
0x2a0: {  	v2 =	vpop (erf)  }
0x2a1: {  	v2 =	vadd.f32 $-1.000000000e+00, v2  }
0x2a2: {  	vm13 =	vgt.f32 v1, $0.0e+00  }
0x2a3: {  	v1 =	vsel vm13, v1, v2;
	v2 =	vld [tilespmem:s19+$0x20]  }
0x2a4: {  	[tilespmem:s19+$0x10] =	vst v1  }
0x2a5: {  	v1 =	vld [tilespmem:$0x1CAE0];
	_ =	sdelay $0x2  }
0x2a6: {  	v2 =	vmul.f32 v2, v60;
	_ =	sdelay $0x1  }
0x2a7: {  	v1 =	vadd.f32 v1, v2;
	_ =	sdelay $0x1  }
0x2a8: {  	v2 =	vmul.f32 $1.442695020e+00, v1;
	_ =	sdelay $0x1  }
0x2a9: {  	(erf) = vpow2.f32 v2;
	_ =	sdelay $0x8  }
0x2aa: {  	v2 =	vpop (erf)  }
0x2ab: {  	v2 =	vadd.f32 $-1.000000000e+00, v2  }
0x2ac: {  	vm14 =	vgt.f32 v1, $0.0e+00  }
0x2ad: {  	v1 =	vsel vm14, v1, v2;
	v2 =	vld [tilespmem:s19+$0x30]  }
0x2ae: {  	[tilespmem:s19+$0x20] =	vst v1  }
0x2af: {  	v1 =	vld [tilespmem:$0x1CAF0];
	_ =	sdelay $0x2  }
0x2b0: {  	v2 =	vmul.f32 v2, v61;
	_ =	sdelay $0x1  }
0x2b1: {  	v1 =	vadd.f32 v1, v2;
	_ =	sdelay $0x1  }
0x2b2: {  	v2 =	vmul.f32 $1.442695020e+00, v1;
	_ =	sdelay $0x1  }
0x2b3: {  	(erf) = vpow2.f32 v2;
	_ =	sdelay $0x8  }
0x2b4: {  	v2 =	vpop (erf)  }
0x2b5: {  	v2 =	vadd.f32 $-1.000000000e+00, v2  }
0x2b6: {  	vm15 =	vgt.f32 v1, $0.0e+00  }
0x2b7: {  	s28 =	simm.s32 $0x40;
	s0 =	simm.s32 $0x80;
	v1 =	vsel vm15, v1, v2  }
.LBB2_22:
0x2b8: {  	s3 =	sshra.s32 s28, $0x2  }
0x2b9: {  	[tilespmem:s19+$0x30] =	vst v1;
	s19 =	sadd.s32 $0x80, s19;
	s28 =	smov.u32 s0;
	s18 =	sadd.s32 $0x40, s0  }
0x2ba: {  	p3 =	sne.s32 s0, $0x13C0;
	v1 =	vld [tilespmem:s3+$0x1C570];
	_ =	sdelay $0x4  }
0x2bb: {  	v1 =	vmax.f32 v1, $9.999999710e-10  }
0x2bc: {  	v2 =	vbroadcast v1, $0x0;
	v3 =	vbroadcast v1, $0x1  }
0x2bd: {  	v4 =	vbroadcast v1, $0x2;
	v5 =	vbroadcast v1, $0x3  }
0x2be: {  	v6 =	vbroadcast v1, $0x4;
	(erf) = vrcp.f32 v2  }
0x2bf: {  	v2 =	vbroadcast v1, $0x5;
	(erf) = vrcp.f32 v3  }
0x2c0: {  	v3 =	vbroadcast v1, $0x6;
	(erf) = vrcp.f32 v4  }
0x2c1: {  	v1 =	vbroadcast v1, $0x7;
	(erf) = vrcp.f32 v5  }
0x2c2: {  	(erf) = vrcp.f32 v6  }
0x2c3: {  	v4 =	vld [tilespmem:s19+$0xFFFFFFC0];
	(erf) = vrcp.f32 v2  }
0x2c4: {  	(erf) = vrcp.f32 v3  }
0x2c5: {  	v2 =	vld [tilespmem:$0x1CA80];
	(erf) = vrcp.f32 v1;
	_ =	sdelay $0x1  }
0x2c6: {  	v1 =	vpop (erf)  }
0x2c7: {  	v1 =	vmul.f32 v1, v4;
	v5 =	vpop (erf)  }
0x2c8: {  	v6 =	vpop (erf)  }
0x2c9: {  	v7 =	vadd.f32 v1, v2;
	v8 =	vpop (erf)  }
0x2ca: {  	v4 =	vpop (erf)  }
0x2cb: {  	v9 =	vmul.f32 $1.442695020e+00, v7;
	v3 =	vpop (erf)  }
0x2cc: {  	v2 =	vpop (erf)  }
0x2cd: {  	(erf) = vpow2.f32 v9;
	v1 =	vpop (erf);
	_ =	sdelay $0x8  }
0x2ce: {  	v9 =	vpop (erf)  }
0x2cf: {  	v9 =	vadd.f32 $-1.000000000e+00, v9  }
0x2d0: {  	vm0 =	vgt.f32 v7, $0.0e+00  }
0x2d1: {  	v7 =	vsel vm0, v7, v9;
	v9 =	vld [tilespmem:s19+$0xFFFFFFD0]  }
0x2d2: {  	[tilespmem:s19+$0xFFFFFFC0] =	vst v7  }
0x2d3: {  	v7 =	vld [tilespmem:$0x1CA90];
	_ =	sdelay $0x2  }
0x2d4: {  	v5 =	vmul.f32 v9, v5;
	_ =	sdelay $0x1  }
0x2d5: {  	v5 =	vadd.f32 v7, v5;
	_ =	sdelay $0x1  }
0x2d6: {  	v7 =	vmul.f32 $1.442695020e+00, v5;
	_ =	sdelay $0x1  }
0x2d7: {  	(erf) = vpow2.f32 v7;
	_ =	sdelay $0x8  }
0x2d8: {  	v7 =	vpop (erf)  }
0x2d9: {  	v7 =	vadd.f32 $-1.000000000e+00, v7  }
0x2da: {  	vm0 =	vgt.f32 v5, $0.0e+00  }
0x2db: {  	v5 =	vsel vm0, v5, v7;
	v7 =	vld [tilespmem:s19+$0xFFFFFFE0]  }
0x2dc: {  	[tilespmem:s19+$0xFFFFFFD0] =	vst v5  }
0x2dd: {  	v5 =	vld [tilespmem:$0x1CAA0];
	_ =	sdelay $0x2  }
0x2de: {  	v6 =	vmul.f32 v7, v6;
	_ =	sdelay $0x1  }
0x2df: {  	v5 =	vadd.f32 v5, v6;
	_ =	sdelay $0x1  }
0x2e0: {  	v6 =	vmul.f32 $1.442695020e+00, v5;
	_ =	sdelay $0x1  }
0x2e1: {  	(erf) = vpow2.f32 v6;
	_ =	sdelay $0x8  }
0x2e2: {  	v6 =	vpop (erf)  }
0x2e3: {  	v6 =	vadd.f32 $-1.000000000e+00, v6  }
0x2e4: {  	vm0 =	vgt.f32 v5, $0.0e+00  }
0x2e5: {  	v5 =	vsel vm0, v5, v6;
	v6 =	vld [tilespmem:s19+$0xFFFFFFF0]  }
0x2e6: {  	[tilespmem:s19+$0xFFFFFFE0] =	vst v5  }
0x2e7: {  	v5 =	vld [tilespmem:$0x1CAB0];
	_ =	sdelay $0x2  }
0x2e8: {  	v6 =	vmul.f32 v6, v8;
	_ =	sdelay $0x1  }
0x2e9: {  	v5 =	vadd.f32 v5, v6;
	_ =	sdelay $0x1  }
0x2ea: {  	v6 =	vmul.f32 $1.442695020e+00, v5;
	_ =	sdelay $0x1  }
0x2eb: {  	(erf) = vpow2.f32 v6;
	_ =	sdelay $0x8  }
0x2ec: {  	v6 =	vpop (erf)  }
0x2ed: {  	v6 =	vadd.f32 $-1.000000000e+00, v6  }
0x2ee: {  	vm0 =	vgt.f32 v5, $0.0e+00  }
0x2ef: {  	v5 =	vsel vm0, v5, v6;
	v6 =	vld [tilespmem:s19+$0x0]  }
0x2f0: {  	[tilespmem:s19+$0xFFFFFFF0] =	vst v5  }
0x2f1: {  	v5 =	vld [tilespmem:$0x1CAC0];
	_ =	sdelay $0x2  }
0x2f2: {  	v4 =	vmul.f32 v6, v4;
	_ =	sdelay $0x1  }
0x2f3: {  	v4 =	vadd.f32 v5, v4;
	_ =	sdelay $0x1  }
0x2f4: {  	v5 =	vmul.f32 $1.442695020e+00, v4;
	_ =	sdelay $0x1  }
0x2f5: {  	(erf) = vpow2.f32 v5;
	_ =	sdelay $0x8  }
0x2f6: {  	v5 =	vpop (erf)  }
0x2f7: {  	v5 =	vadd.f32 $-1.000000000e+00, v5  }
0x2f8: {  	vm0 =	vgt.f32 v4, $0.0e+00  }
0x2f9: {  	v4 =	vsel vm0, v4, v5;
	v5 =	vld [tilespmem:s19+$0x10]  }
0x2fa: {  	[tilespmem:s19+$0x0] =	vst v4  }
0x2fb: {  	v4 =	vld [tilespmem:$0x1CAD0];
	_ =	sdelay $0x2  }
0x2fc: {  	v3 =	vmul.f32 v5, v3;
	_ =	sdelay $0x1  }
0x2fd: {  	v3 =	vadd.f32 v4, v3;
	_ =	sdelay $0x1  }
0x2fe: {  	v4 =	vmul.f32 $1.442695020e+00, v3;
	_ =	sdelay $0x1  }
0x2ff: {  	(erf) = vpow2.f32 v4;
	_ =	sdelay $0x8  }
0x300: {  	v4 =	vpop (erf)  }
0x301: {  	v4 =	vadd.f32 $-1.000000000e+00, v4  }
0x302: {  	vm0 =	vgt.f32 v3, $0.0e+00  }
0x303: {  	v3 =	vsel vm0, v3, v4;
	v4 =	vld [tilespmem:s19+$0x20]  }
0x304: {  	[tilespmem:s19+$0x10] =	vst v3  }
0x305: {  	v3 =	vld [tilespmem:$0x1CAE0];
	_ =	sdelay $0x2  }
0x306: {  	v2 =	vmul.f32 v4, v2;
	_ =	sdelay $0x1  }
0x307: {  	v2 =	vadd.f32 v3, v2;
	_ =	sdelay $0x1  }
0x308: {  	v3 =	vmul.f32 $1.442695020e+00, v2;
	_ =	sdelay $0x1  }
0x309: {  	(erf) = vpow2.f32 v3;
	_ =	sdelay $0x8  }
0x30a: {  	v3 =	vpop (erf)  }
0x30b: {  	v3 =	vadd.f32 $-1.000000000e+00, v3  }
0x30c: {  	vm0 =	vgt.f32 v2, $0.0e+00  }
0x30d: {  	v2 =	vsel vm0, v2, v3;
	v3 =	vld [tilespmem:s19+$0x30]  }
0x30e: {  	[tilespmem:s19+$0x20] =	vst v2  }
0x30f: {  	v2 =	vld [tilespmem:$0x1CAF0];
	_ =	sdelay $0x2  }
0x310: {  	v1 =	vmul.f32 v3, v1;
	_ =	sdelay $0x1  }
0x311: {  	v1 =	vadd.f32 v2, v1;
	_ =	sdelay $0x1  }
0x312: {  	v2 =	vmul.f32 $1.442695020e+00, v1;
	_ =	sdelay $0x1  }
0x313: {  	(erf) = vpow2.f32 v2;
	_ =	sdelay $0x7  }
.Ltmp10:
0x314: {  	(pc) =	sbr.rel @p3 .LBB2_22-.Ltmp10, $4  }
0x315: {  	v2 =	vpop (erf)  }
0x316: {  	v2 =	vadd.f32 $-1.000000000e+00, v2  }
0x317: {  	vm0 =	vgt.f32 v1, $0.0e+00  }
0x318: {  	s0 =	smov.u32 s18;
	v1 =	vsel vm0, v1, v2  }
0x319: {  	s0 =	sshra.s32 s28, $0x2;
	[tilespmem:s19+$0x30] =	vst v1  }
0x31a: {  	v1 =	vld [tilespmem:s0+$0x1C570];
	_ =	sdelay $0x4  }
0x31b: {  	v1 =	vmax.f32 v1, $9.999999710e-10  }
0x31c: {  	v2 =	vbroadcast v1, $0x0;
	_ =	sdelay $0x1  }
0x31d: {  	(erf) = vrcp.f32 v2;
	_ =	sdelay $0x3  }
0x31e: {  	s18 =	sadd.s32 $0x80, s19  }
0x31f: {  	v3 =	vbroadcast v1, $0x1;
	v2 =	vld [tilespmem:s18+$0xFFFFFFC0];
	_ =	sdelay $0x1  }
0x320: {  	v4 =	vld [tilespmem:$0x1CA80]  }
0x321: {  	v5 =	vbroadcast v1, $0x2;
	v6 =	vbroadcast v1, $0x3  }
0x322: {  	v7 =	vbroadcast v1, $0x4;
	(erf) = vrcp.f32 v3;
	v3 =	vpop (erf)  }
0x323: {  	(erf) = vrcp.f32 v5;
	v2 =	vmul.f32 v3, v2  }
0x324: {  	v3 =	vbroadcast v1, $0x5;
	(erf) = vrcp.f32 v6  }
0x325: {  	v46 =	vbroadcast v1, $0x6;
	(erf) = vrcp.f32 v7;
	v2 =	vadd.f32 v2, v4  }
0x326: {  	v1 =	vbroadcast v1, $0x7;
	(erf) = vrcp.f32 v3  }
0x327: {  	(erf) = vrcp.f32 v46;
	v3 =	vmul.f32 $1.442695020e+00, v2  }
0x328: {  	(erf) = vrcp.f32 v1  }
0x329: {  	(erf) = vpow2.f32 v3;
	_ =	sdelay $0x1  }
0x32a: {  	v1 =	vpop (erf)  }
0x32b: {  	v3 =	vpop (erf)  }
0x32c: {  	v47 =	vpop (erf)  }
0x32d: {  	v48 =	vpop (erf)  }
0x32e: {  	v49 =	vpop (erf)  }
0x32f: {  	v50 =	vpop (erf)  }
0x330: {  	v8 =	vpop (erf)  }
0x331: {  	v9 =	vpop (erf)  }
0x332: {  	v9 =	vadd.f32 $-1.000000000e+00, v9  }
0x333: {  	vm0 =	vgt.f32 v2, $0.0e+00  }
0x334: {  	v51 =	vld [tilespmem:s18+$0xFFFFFFD0];
	v2 =	vsel vm0, v2, v9  }
0x335: {  	[tilespmem:s18+$0xFFFFFFC0] =	vst v2  }
0x336: {  	v2 =	vld [tilespmem:$0x1CA90];
	_ =	sdelay $0x2  }
0x337: {  	v1 =	vmul.f32 v51, v1;
	_ =	sdelay $0x1  }
0x338: {  	v1 =	vadd.f32 v2, v1;
	_ =	sdelay $0x1  }
0x339: {  	v2 =	vmul.f32 $1.442695020e+00, v1;
	_ =	sdelay $0x1  }
0x33a: {  	(erf) = vpow2.f32 v2;
	_ =	sdelay $0x8  }
0x33b: {  	v2 =	vpop (erf)  }
0x33c: {  	v2 =	vadd.f32 $-1.000000000e+00, v2  }
0x33d: {  	vm13 =	vgt.f32 v1, $0.0e+00  }
0x33e: {  	v1 =	vsel vm13, v1, v2;
	v2 =	vld [tilespmem:s18+$0xFFFFFFE0]  }
0x33f: {  	[tilespmem:s18+$0xFFFFFFD0] =	vst v1  }
0x340: {  	v1 =	vld [tilespmem:$0x1CAA0];
	_ =	sdelay $0x2  }
0x341: {  	v2 =	vmul.f32 v2, v3;
	_ =	sdelay $0x1  }
0x342: {  	v1 =	vadd.f32 v1, v2;
	_ =	sdelay $0x1  }
0x343: {  	v2 =	vmul.f32 $1.442695020e+00, v1;
	_ =	sdelay $0x1  }
0x344: {  	(erf) = vpow2.f32 v2;
	_ =	sdelay $0x8  }
0x345: {  	v2 =	vpop (erf)  }
0x346: {  	v2 =	vadd.f32 $-1.000000000e+00, v2  }
0x347: {  	vm14 =	vgt.f32 v1, $0.0e+00  }
0x348: {  	v1 =	vsel vm14, v1, v2;
	v2 =	vld [tilespmem:s18+$0xFFFFFFF0]  }
0x349: {  	[tilespmem:s18+$0xFFFFFFE0] =	vst v1  }
0x34a: {  	v1 =	vld [tilespmem:$0x1CAB0];
	_ =	sdelay $0x2  }
0x34b: {  	v2 =	vmul.f32 v2, v47;
	_ =	sdelay $0x1  }
0x34c: {  	v1 =	vadd.f32 v1, v2;
	_ =	sdelay $0x1  }
0x34d: {  	v2 =	vmul.f32 $1.442695020e+00, v1;
	_ =	sdelay $0x1  }
0x34e: {  	(erf) = vpow2.f32 v2;
	_ =	sdelay $0x8  }
0x34f: {  	v2 =	vpop (erf)  }
0x350: {  	v2 =	vadd.f32 $-1.000000000e+00, v2  }
0x351: {  	vm15 =	vgt.f32 v1, $0.0e+00  }
0x352: {  	v1 =	vsel vm15, v1, v2;
	v2 =	vld [tilespmem:s18+$0x0]  }
0x353: {  	[tilespmem:s18+$0xFFFFFFF0] =	vst v1  }
0x354: {  	v1 =	vld [tilespmem:$0x1CAC0];
	_ =	sdelay $0x2  }
0x355: {  	v2 =	vmul.f32 v2, v48;
	_ =	sdelay $0x1  }
0x356: {  	v1 =	vadd.f32 v1, v2;
	_ =	sdelay $0x1  }
0x357: {  	v2 =	vmul.f32 $1.442695020e+00, v1;
	_ =	sdelay $0x1  }
0x358: {  	(erf) = vpow2.f32 v2;
	_ =	sdelay $0x8  }
0x359: {  	v2 =	vpop (erf)  }
0x35a: {  	v2 =	vadd.f32 $-1.000000000e+00, v2  }
0x35b: {  	vm4 =	vgt.f32 v1, $0.0e+00  }
0x35c: {  	v1 =	vsel vm4, v1, v2;
	v2 =	vld [tilespmem:s18+$0x10]  }
0x35d: {  	[tilespmem:s18+$0x0] =	vst v1  }
0x35e: {  	v1 =	vld [tilespmem:$0x1CAD0];
	_ =	sdelay $0x2  }
0x35f: {  	v2 =	vmul.f32 v2, v49;
	_ =	sdelay $0x1  }
0x360: {  	v1 =	vadd.f32 v1, v2;
	_ =	sdelay $0x1  }
0x361: {  	v2 =	vmul.f32 $1.442695020e+00, v1;
	_ =	sdelay $0x1  }
0x362: {  	(erf) = vpow2.f32 v2;
	_ =	sdelay $0x8  }
0x363: {  	v2 =	vpop (erf)  }
0x364: {  	v2 =	vadd.f32 $-1.000000000e+00, v2  }
0x365: {  	vm5 =	vgt.f32 v1, $0.0e+00  }
0x366: {  	v1 =	vsel vm5, v1, v2;
	v2 =	vld [tilespmem:s18+$0x20]  }
0x367: {  	[tilespmem:s18+$0x10] =	vst v1  }
0x368: {  	v1 =	vld [tilespmem:$0x1CAE0];
	_ =	sdelay $0x2  }
0x369: {  	v2 =	vmul.f32 v2, v50;
	_ =	sdelay $0x1  }
0x36a: {  	v1 =	vadd.f32 v1, v2;
	_ =	sdelay $0x1  }
0x36b: {  	v2 =	vmul.f32 $1.442695020e+00, v1;
	_ =	sdelay $0x1  }
0x36c: {  	(erf) = vpow2.f32 v2;
	_ =	sdelay $0x8  }
0x36d: {  	v2 =	vpop (erf)  }
0x36e: {  	v2 =	vadd.f32 $-1.000000000e+00, v2  }
0x36f: {  	vm6 =	vgt.f32 v1, $0.0e+00  }
0x370: {  	v1 =	vsel vm6, v1, v2;
	v2 =	vld [tilespmem:s18+$0x30]  }
0x371: {  	[tilespmem:s18+$0x20] =	vst v1  }
0x372: {  	v1 =	vld [tilespmem:$0x1CAF0];
	_ =	sdelay $0x2  }
0x373: {  	v2 =	vmul.f32 v2, v8;
	_ =	sdelay $0x1  }
0x374: {  	v1 =	vadd.f32 v1, v2;
	_ =	sdelay $0x1  }
0x375: {  	v2 =	vmul.f32 $1.442695020e+00, v1;
	_ =	sdelay $0x1  }
0x376: {  	(erf) = vpow2.f32 v2;
	_ =	sdelay $0x8  }
0x377: {  	v2 =	vpop (erf)  }
0x378: {  	v2 =	vadd.f32 $-1.000000000e+00, v2  }
0x379: {  	vm7 =	vgt.f32 v1, $0.0e+00  }
0x37a: {  	v1 =	vsel vm7, v1, v2  }
0x37b: {  	s13 =	simm.s32 $0x0;
	s3 =	rddreg [dreg:$0x1d];
	[tilespmem:s18+$0x30] =	vst v1  }
0x37c: {  	[hbm4b:s3+s13] =	stream.linear.scatter [tilespmem:s21], [sflag:$0x5], $0x2800, $0x38;
	[tilespmem:$0x1CB00] =	vst v63  }
0x37d: {  	_ =	swait.ge [sflag:s20], $0x2800  }
0x37e: {  	[sflag:s20] =	ssyncset.done $0x0  }
0x37f: {  	s18 =	rddreg [dreg:$0x1a];
	[sflag:s20] =	ssyncadd.s32 $0xFFFFD800  }
0x380: {  	[tilespmem:s23], [sflag:$0x5] =	stream.linear.gather [hbm4b:s18+s13], $0x50, $0x38;
	[tilespmem:$0x1CB00] =	vst v63  }
0x381: {  	_ =	swait.ge [sflag:s20], $0x50  }
0x382: {  	[sflag:s20] =	ssyncset.done $0x0  }
0x383: {  	[sflag:s20] =	ssyncadd.s32 $0xFFFFFFB0  }
0x384: {  	[tilespmem:s21], [sflag:$0x5] =	stream.indirect.gather [spmem:s4], $0x80, s23, s31, $0xb8;
	[tilespmem:$0x1CB00] =	vst v63  }
0x385: {  	_ =	swait.ge [sflag:s20], $0x2800  }
0x386: {  	[sflag:s20] =	ssyncset.done $0x0  }
0x387: {  	[sflag:s20] =	ssyncadd.s32 $0xFFFFD800  }
0x388: {  	[tilespmem:s22], [sflag:$0x5] =	stream.indirect.gather [spmem:s5], $0x10, s23, s31, $0xb8;
	[tilespmem:$0x1CB00] =	vst v63  }
0x389: {  	_ =	swait.ge [sflag:s20], $0x500  }
0x38a: {  	[sflag:s20] =	ssyncset.done $0x0  }
0x38b: {  	s19 =	simm.s32 $0x0;
	[sflag:s20] =	ssyncadd.s32 $0xFFFFFB00  }
0x38c: {  	v1 =	vld [tilespmem:s19+$0x1C570];
	_ =	sdelay $0x4  }
0x38d: {  	v1 =	vmax.f32 v1, $9.999999710e-10  }
0x38e: {  	v2 =	vbroadcast v1, $0x0;
	_ =	sdelay $0x1  }
0x38f: {  	(erf) = vrcp.f32 v2;
	_ =	sdelay $0x3  }
0x390: {  	s19 =	simm.s32 $0x161B0  }
0x391: {  	v3 =	vbroadcast v1, $0x1;
	v2 =	vld [tilespmem:s19+$0xFFFFFFC0];
	_ =	sdelay $0x1  }
0x392: {  	v52 =	vld [tilespmem:$0x1CA80]  }
0x393: {  	v53 =	vbroadcast v1, $0x2;
	v54 =	vbroadcast v1, $0x3  }
0x394: {  	v55 =	vbroadcast v1, $0x4;
	(erf) = vrcp.f32 v3;
	v3 =	vpop (erf)  }
0x395: {  	(erf) = vrcp.f32 v53;
	v2 =	vmul.f32 v3, v2  }
0x396: {  	(erf) = vrcp.f32 v54;
	v3 =	vbroadcast v1, $0x5  }
0x397: {  	v56 =	vbroadcast v1, $0x6;
	(erf) = vrcp.f32 v55;
	v2 =	vadd.f32 v2, v52  }
0x398: {  	v1 =	vbroadcast v1, $0x7;
	(erf) = vrcp.f32 v3  }
0x399: {  	(erf) = vrcp.f32 v56;
	v3 =	vmul.f32 $1.442695020e+00, v2  }
0x39a: {  	(erf) = vrcp.f32 v1  }
0x39b: {  	(erf) = vpow2.f32 v3;
	_ =	sdelay $0x1  }
0x39c: {  	v1 =	vpop (erf)  }
0x39d: {  	v3 =	vpop (erf)  }
0x39e: {  	v57 =	vpop (erf)  }
0x39f: {  	v58 =	vpop (erf)  }
0x3a0: {  	v59 =	vpop (erf)  }
0x3a1: {  	v60 =	vpop (erf)  }
0x3a2: {  	v61 =	vpop (erf)  }
0x3a3: {  	v62 =	vpop (erf)  }
0x3a4: {  	v9 =	vadd.f32 $-1.000000000e+00, v62  }
0x3a5: {  	vm8 =	vgt.f32 v2, $0.0e+00  }
0x3a6: {  	v63 =	vld [tilespmem:s19+$0xFFFFFFD0];
	v2 =	vsel vm8, v2, v9  }
0x3a7: {  	[tilespmem:s19+$0xFFFFFFC0] =	vst v2  }
0x3a8: {  	v2 =	vld [tilespmem:$0x1CA90];
	_ =	sdelay $0x2  }
0x3a9: {  	v1 =	vmul.f32 v63, v1;
	_ =	sdelay $0x1  }
0x3aa: {  	v1 =	vadd.f32 v2, v1;
	_ =	sdelay $0x1  }
0x3ab: {  	v2 =	vmul.f32 $1.442695020e+00, v1;
	_ =	sdelay $0x1  }
0x3ac: {  	(erf) = vpow2.f32 v2;
	_ =	sdelay $0x8  }
0x3ad: {  	v2 =	vpop (erf)  }
0x3ae: {  	v2 =	vadd.f32 $-1.000000000e+00, v2  }
0x3af: {  	vm9 =	vgt.f32 v1, $0.0e+00  }
0x3b0: {  	v1 =	vsel vm9, v1, v2;
	v2 =	vld [tilespmem:s19+$0xFFFFFFE0]  }
0x3b1: {  	[tilespmem:s19+$0xFFFFFFD0] =	vst v1  }
0x3b2: {  	v1 =	vld [tilespmem:$0x1CAA0];
	_ =	sdelay $0x2  }
0x3b3: {  	v2 =	vmul.f32 v2, v3;
	_ =	sdelay $0x1  }
0x3b4: {  	v1 =	vadd.f32 v1, v2;
	_ =	sdelay $0x1  }
0x3b5: {  	v2 =	vmul.f32 $1.442695020e+00, v1;
	_ =	sdelay $0x1  }
0x3b6: {  	(erf) = vpow2.f32 v2;
	_ =	sdelay $0x8  }
0x3b7: {  	v2 =	vpop (erf)  }
0x3b8: {  	v2 =	vadd.f32 $-1.000000000e+00, v2  }
0x3b9: {  	vm10 =	vgt.f32 v1, $0.0e+00  }
0x3ba: {  	v1 =	vsel vm10, v1, v2;
	v2 =	vld [tilespmem:s19+$0xFFFFFFF0]  }
0x3bb: {  	[tilespmem:s19+$0xFFFFFFE0] =	vst v1  }
0x3bc: {  	v1 =	vld [tilespmem:$0x1CAB0];
	_ =	sdelay $0x2  }
0x3bd: {  	v2 =	vmul.f32 v2, v57;
	_ =	sdelay $0x1  }
0x3be: {  	v1 =	vadd.f32 v1, v2;
	_ =	sdelay $0x1  }
0x3bf: {  	v2 =	vmul.f32 $1.442695020e+00, v1;
	_ =	sdelay $0x1  }
0x3c0: {  	(erf) = vpow2.f32 v2;
	_ =	sdelay $0x8  }
0x3c1: {  	v2 =	vpop (erf)  }
0x3c2: {  	v2 =	vadd.f32 $-1.000000000e+00, v2  }
0x3c3: {  	vm11 =	vgt.f32 v1, $0.0e+00  }
0x3c4: {  	v1 =	vsel vm11, v1, v2;
	v2 =	vld [tilespmem:s19+$0x0]  }
0x3c5: {  	[tilespmem:s19+$0xFFFFFFF0] =	vst v1  }
0x3c6: {  	v1 =	vld [tilespmem:$0x1CAC0];
	_ =	sdelay $0x2  }
0x3c7: {  	v2 =	vmul.f32 v2, v58;
	_ =	sdelay $0x1  }
0x3c8: {  	v1 =	vadd.f32 v1, v2;
	_ =	sdelay $0x1  }
0x3c9: {  	v2 =	vmul.f32 $1.442695020e+00, v1;
	_ =	sdelay $0x1  }
0x3ca: {  	(erf) = vpow2.f32 v2;
	_ =	sdelay $0x8  }
0x3cb: {  	v2 =	vpop (erf)  }
0x3cc: {  	v2 =	vadd.f32 $-1.000000000e+00, v2  }
0x3cd: {  	vm12 =	vgt.f32 v1, $0.0e+00  }
0x3ce: {  	v1 =	vsel vm12, v1, v2;
	v2 =	vld [tilespmem:s19+$0x10]  }
0x3cf: {  	[tilespmem:s19+$0x0] =	vst v1  }
0x3d0: {  	v1 =	vld [tilespmem:$0x1CAD0];
	_ =	sdelay $0x2  }
0x3d1: {  	v2 =	vmul.f32 v2, v59;
	_ =	sdelay $0x1  }
0x3d2: {  	v1 =	vadd.f32 v1, v2;
	_ =	sdelay $0x1  }
0x3d3: {  	v2 =	vmul.f32 $1.442695020e+00, v1;
	_ =	sdelay $0x1  }
0x3d4: {  	(erf) = vpow2.f32 v2;
	_ =	sdelay $0x8  }
0x3d5: {  	v2 =	vpop (erf)  }
0x3d6: {  	v2 =	vadd.f32 $-1.000000000e+00, v2  }
0x3d7: {  	vm13 =	vgt.f32 v1, $0.0e+00  }
0x3d8: {  	v1 =	vsel vm13, v1, v2;
	v2 =	vld [tilespmem:s19+$0x20]  }
0x3d9: {  	[tilespmem:s19+$0x10] =	vst v1  }
0x3da: {  	v1 =	vld [tilespmem:$0x1CAE0];
	_ =	sdelay $0x2  }
0x3db: {  	v2 =	vmul.f32 v2, v60;
	_ =	sdelay $0x1  }
0x3dc: {  	v1 =	vadd.f32 v1, v2;
	_ =	sdelay $0x1  }
0x3dd: {  	v2 =	vmul.f32 $1.442695020e+00, v1;
	_ =	sdelay $0x1  }
0x3de: {  	(erf) = vpow2.f32 v2;
	_ =	sdelay $0x8  }
0x3df: {  	v2 =	vpop (erf)  }
0x3e0: {  	v2 =	vadd.f32 $-1.000000000e+00, v2  }
0x3e1: {  	vm14 =	vgt.f32 v1, $0.0e+00  }
0x3e2: {  	v1 =	vsel vm14, v1, v2;
	v2 =	vld [tilespmem:s19+$0x30]  }
0x3e3: {  	[tilespmem:s19+$0x20] =	vst v1  }
0x3e4: {  	v1 =	vld [tilespmem:$0x1CAF0];
	_ =	sdelay $0x2  }
0x3e5: {  	v2 =	vmul.f32 v2, v61;
	_ =	sdelay $0x1  }
0x3e6: {  	v1 =	vadd.f32 v1, v2;
	_ =	sdelay $0x1  }
0x3e7: {  	v2 =	vmul.f32 $1.442695020e+00, v1;
	_ =	sdelay $0x1  }
0x3e8: {  	(erf) = vpow2.f32 v2;
	_ =	sdelay $0x8  }
0x3e9: {  	v2 =	vpop (erf)  }
0x3ea: {  	v2 =	vadd.f32 $-1.000000000e+00, v2  }
0x3eb: {  	vm15 =	vgt.f32 v1, $0.0e+00  }
0x3ec: {  	s28 =	simm.s32 $0x40;
	s0 =	simm.s32 $0x80;
	v1 =	vsel vm15, v1, v2  }
.LBB2_24:
0x3ed: {  	s3 =	sshra.s32 s28, $0x2  }
0x3ee: {  	[tilespmem:s19+$0x30] =	vst v1;
	s19 =	sadd.s32 $0x80, s19;
	s28 =	smov.u32 s0;
	s18 =	sadd.s32 $0x40, s0  }
0x3ef: {  	p3 =	sne.s32 s0, $0x13C0;
	v1 =	vld [tilespmem:s3+$0x1C570];
	_ =	sdelay $0x4  }
0x3f0: {  	v1 =	vmax.f32 v1, $9.999999710e-10  }
0x3f1: {  	v2 =	vbroadcast v1, $0x0;
	v3 =	vbroadcast v1, $0x1  }
0x3f2: {  	v4 =	vbroadcast v1, $0x2;
	v5 =	vbroadcast v1, $0x3  }
0x3f3: {  	v6 =	vbroadcast v1, $0x4;
	(erf) = vrcp.f32 v2  }
0x3f4: {  	v2 =	vbroadcast v1, $0x5;
	(erf) = vrcp.f32 v3  }
0x3f5: {  	v3 =	vbroadcast v1, $0x6;
	(erf) = vrcp.f32 v4  }
0x3f6: {  	v1 =	vbroadcast v1, $0x7;
	(erf) = vrcp.f32 v5  }
0x3f7: {  	(erf) = vrcp.f32 v6  }
0x3f8: {  	v4 =	vld [tilespmem:s19+$0xFFFFFFC0];
	(erf) = vrcp.f32 v2  }
0x3f9: {  	(erf) = vrcp.f32 v3  }
0x3fa: {  	v2 =	vld [tilespmem:$0x1CA80];
	(erf) = vrcp.f32 v1;
	_ =	sdelay $0x1  }
0x3fb: {  	v1 =	vpop (erf)  }
0x3fc: {  	v1 =	vmul.f32 v1, v4;
	v5 =	vpop (erf)  }
0x3fd: {  	v6 =	vpop (erf)  }
0x3fe: {  	v7 =	vadd.f32 v1, v2;
	v8 =	vpop (erf)  }
0x3ff: {  	v4 =	vpop (erf)  }
0x400: {  	v9 =	vmul.f32 $1.442695020e+00, v7;
	v3 =	vpop (erf)  }
0x401: {  	v2 =	vpop (erf)  }
0x402: {  	(erf) = vpow2.f32 v9;
	v1 =	vpop (erf);
	_ =	sdelay $0x8  }
0x403: {  	v9 =	vpop (erf)  }
0x404: {  	v9 =	vadd.f32 $-1.000000000e+00, v9  }
0x405: {  	vm0 =	vgt.f32 v7, $0.0e+00  }
0x406: {  	v7 =	vsel vm0, v7, v9;
	v9 =	vld [tilespmem:s19+$0xFFFFFFD0]  }
0x407: {  	[tilespmem:s19+$0xFFFFFFC0] =	vst v7  }
0x408: {  	v7 =	vld [tilespmem:$0x1CA90];
	_ =	sdelay $0x2  }
0x409: {  	v5 =	vmul.f32 v9, v5;
	_ =	sdelay $0x1  }
0x40a: {  	v5 =	vadd.f32 v7, v5;
	_ =	sdelay $0x1  }
0x40b: {  	v7 =	vmul.f32 $1.442695020e+00, v5;
	_ =	sdelay $0x1  }
0x40c: {  	(erf) = vpow2.f32 v7;
	_ =	sdelay $0x8  }
0x40d: {  	v7 =	vpop (erf)  }
0x40e: {  	v7 =	vadd.f32 $-1.000000000e+00, v7  }
0x40f: {  	vm0 =	vgt.f32 v5, $0.0e+00  }
0x410: {  	v5 =	vsel vm0, v5, v7;
	v7 =	vld [tilespmem:s19+$0xFFFFFFE0]  }
0x411: {  	[tilespmem:s19+$0xFFFFFFD0] =	vst v5  }
0x412: {  	v5 =	vld [tilespmem:$0x1CAA0];
	_ =	sdelay $0x2  }
0x413: {  	v6 =	vmul.f32 v7, v6;
	_ =	sdelay $0x1  }
0x414: {  	v5 =	vadd.f32 v5, v6;
	_ =	sdelay $0x1  }
0x415: {  	v6 =	vmul.f32 $1.442695020e+00, v5;
	_ =	sdelay $0x1  }
0x416: {  	(erf) = vpow2.f32 v6;
	_ =	sdelay $0x8  }
0x417: {  	v6 =	vpop (erf)  }
0x418: {  	v6 =	vadd.f32 $-1.000000000e+00, v6  }
0x419: {  	vm0 =	vgt.f32 v5, $0.0e+00  }
0x41a: {  	v5 =	vsel vm0, v5, v6;
	v6 =	vld [tilespmem:s19+$0xFFFFFFF0]  }
0x41b: {  	[tilespmem:s19+$0xFFFFFFE0] =	vst v5  }
0x41c: {  	v5 =	vld [tilespmem:$0x1CAB0];
	_ =	sdelay $0x2  }
0x41d: {  	v6 =	vmul.f32 v6, v8;
	_ =	sdelay $0x1  }
0x41e: {  	v5 =	vadd.f32 v5, v6;
	_ =	sdelay $0x1  }
0x41f: {  	v6 =	vmul.f32 $1.442695020e+00, v5;
	_ =	sdelay $0x1  }
0x420: {  	(erf) = vpow2.f32 v6;
	_ =	sdelay $0x8  }
0x421: {  	v6 =	vpop (erf)  }
0x422: {  	v6 =	vadd.f32 $-1.000000000e+00, v6  }
0x423: {  	vm0 =	vgt.f32 v5, $0.0e+00  }
0x424: {  	v5 =	vsel vm0, v5, v6;
	v6 =	vld [tilespmem:s19+$0x0]  }
0x425: {  	[tilespmem:s19+$0xFFFFFFF0] =	vst v5  }
0x426: {  	v5 =	vld [tilespmem:$0x1CAC0];
	_ =	sdelay $0x2  }
0x427: {  	v4 =	vmul.f32 v6, v4;
	_ =	sdelay $0x1  }
0x428: {  	v4 =	vadd.f32 v5, v4;
	_ =	sdelay $0x1  }
0x429: {  	v5 =	vmul.f32 $1.442695020e+00, v4;
	_ =	sdelay $0x1  }
0x42a: {  	(erf) = vpow2.f32 v5;
	_ =	sdelay $0x8  }
0x42b: {  	v5 =	vpop (erf)  }
0x42c: {  	v5 =	vadd.f32 $-1.000000000e+00, v5  }
0x42d: {  	vm0 =	vgt.f32 v4, $0.0e+00  }
0x42e: {  	v4 =	vsel vm0, v4, v5;
	v5 =	vld [tilespmem:s19+$0x10]  }
0x42f: {  	[tilespmem:s19+$0x0] =	vst v4  }
0x430: {  	v4 =	vld [tilespmem:$0x1CAD0];
	_ =	sdelay $0x2  }
0x431: {  	v3 =	vmul.f32 v5, v3;
	_ =	sdelay $0x1  }
0x432: {  	v3 =	vadd.f32 v4, v3;
	_ =	sdelay $0x1  }
0x433: {  	v4 =	vmul.f32 $1.442695020e+00, v3;
	_ =	sdelay $0x1  }
0x434: {  	(erf) = vpow2.f32 v4;
	_ =	sdelay $0x8  }
0x435: {  	v4 =	vpop (erf)  }
0x436: {  	v4 =	vadd.f32 $-1.000000000e+00, v4  }
0x437: {  	vm0 =	vgt.f32 v3, $0.0e+00  }
0x438: {  	v3 =	vsel vm0, v3, v4;
	v4 =	vld [tilespmem:s19+$0x20]  }
0x439: {  	[tilespmem:s19+$0x10] =	vst v3  }
0x43a: {  	v3 =	vld [tilespmem:$0x1CAE0];
	_ =	sdelay $0x2  }
0x43b: {  	v2 =	vmul.f32 v4, v2;
	_ =	sdelay $0x1  }
0x43c: {  	v2 =	vadd.f32 v3, v2;
	_ =	sdelay $0x1  }
0x43d: {  	v3 =	vmul.f32 $1.442695020e+00, v2;
	_ =	sdelay $0x1  }
0x43e: {  	(erf) = vpow2.f32 v3;
	_ =	sdelay $0x8  }
0x43f: {  	v3 =	vpop (erf)  }
0x440: {  	v3 =	vadd.f32 $-1.000000000e+00, v3  }
0x441: {  	vm0 =	vgt.f32 v2, $0.0e+00  }
0x442: {  	v2 =	vsel vm0, v2, v3;
	v3 =	vld [tilespmem:s19+$0x30]  }
0x443: {  	[tilespmem:s19+$0x20] =	vst v2  }
0x444: {  	v2 =	vld [tilespmem:$0x1CAF0];
	_ =	sdelay $0x2  }
0x445: {  	v1 =	vmul.f32 v3, v1;
	_ =	sdelay $0x1  }
0x446: {  	v1 =	vadd.f32 v2, v1;
	_ =	sdelay $0x1  }
0x447: {  	v2 =	vmul.f32 $1.442695020e+00, v1;
	_ =	sdelay $0x1  }
0x448: {  	(erf) = vpow2.f32 v2;
	_ =	sdelay $0x7  }
.Ltmp11:
0x449: {  	(pc) =	sbr.rel @p3 .LBB2_24-.Ltmp11, $4  }
0x44a: {  	v2 =	vpop (erf)  }
0x44b: {  	v2 =	vadd.f32 $-1.000000000e+00, v2  }
0x44c: {  	vm0 =	vgt.f32 v1, $0.0e+00  }
0x44d: {  	s0 =	smov.u32 s18;
	v1 =	vsel vm0, v1, v2  }
0x44e: {  	s0 =	sshra.s32 s28, $0x2;
	[tilespmem:s19+$0x30] =	vst v1  }
0x44f: {  	v1 =	vld [tilespmem:s0+$0x1C570];
	_ =	sdelay $0x4  }
0x450: {  	v1 =	vmax.f32 v1, $9.999999710e-10  }
0x451: {  	v2 =	vbroadcast v1, $0x0;
	_ =	sdelay $0x1  }
0x452: {  	(erf) = vrcp.f32 v2;
	_ =	sdelay $0x3  }
0x453: {  	s18 =	sadd.s32 $0x80, s19  }
0x454: {  	v3 =	vbroadcast v1, $0x1;
	v2 =	vld [tilespmem:s18+$0xFFFFFFC0];
	_ =	sdelay $0x1  }
0x455: {  	v4 =	vld [tilespmem:$0x1CA80]  }
0x456: {  	v5 =	vbroadcast v1, $0x2;
	v6 =	vbroadcast v1, $0x3  }
0x457: {  	v7 =	vbroadcast v1, $0x4;
	(erf) = vrcp.f32 v3;
	v3 =	vpop (erf)  }
0x458: {  	(erf) = vrcp.f32 v5;
	v2 =	vmul.f32 v3, v2  }
0x459: {  	v3 =	vbroadcast v1, $0x5;
	(erf) = vrcp.f32 v6  }
0x45a: {  	v46 =	vbroadcast v1, $0x6;
	(erf) = vrcp.f32 v7;
	v2 =	vadd.f32 v2, v4  }
0x45b: {  	v1 =	vbroadcast v1, $0x7;
	(erf) = vrcp.f32 v3  }
0x45c: {  	(erf) = vrcp.f32 v46;
	v3 =	vmul.f32 $1.442695020e+00, v2  }
0x45d: {  	(erf) = vrcp.f32 v1  }
0x45e: {  	(erf) = vpow2.f32 v3;
	_ =	sdelay $0x1  }
0x45f: {  	v1 =	vpop (erf)  }
0x460: {  	v3 =	vpop (erf)  }
0x461: {  	v47 =	vpop (erf)  }
0x462: {  	v48 =	vpop (erf)  }
0x463: {  	v49 =	vpop (erf)  }
0x464: {  	v50 =	vpop (erf)  }
0x465: {  	v8 =	vpop (erf)  }
0x466: {  	v9 =	vpop (erf)  }
0x467: {  	v9 =	vadd.f32 $-1.000000000e+00, v9  }
0x468: {  	vm0 =	vgt.f32 v2, $0.0e+00  }
0x469: {  	v51 =	vld [tilespmem:s18+$0xFFFFFFD0];
	v2 =	vsel vm0, v2, v9  }
0x46a: {  	[tilespmem:s18+$0xFFFFFFC0] =	vst v2  }
0x46b: {  	v2 =	vld [tilespmem:$0x1CA90];
	_ =	sdelay $0x2  }
0x46c: {  	v1 =	vmul.f32 v51, v1;
	_ =	sdelay $0x1  }
0x46d: {  	v1 =	vadd.f32 v2, v1;
	_ =	sdelay $0x1  }
0x46e: {  	v2 =	vmul.f32 $1.442695020e+00, v1;
	_ =	sdelay $0x1  }
0x46f: {  	(erf) = vpow2.f32 v2;
	_ =	sdelay $0x8  }
0x470: {  	v2 =	vpop (erf)  }
0x471: {  	v2 =	vadd.f32 $-1.000000000e+00, v2  }
0x472: {  	vm13 =	vgt.f32 v1, $0.0e+00  }
0x473: {  	v1 =	vsel vm13, v1, v2;
	v2 =	vld [tilespmem:s18+$0xFFFFFFE0]  }
0x474: {  	[tilespmem:s18+$0xFFFFFFD0] =	vst v1  }
0x475: {  	v1 =	vld [tilespmem:$0x1CAA0];
	_ =	sdelay $0x2  }
0x476: {  	v2 =	vmul.f32 v2, v3;
	_ =	sdelay $0x1  }
0x477: {  	v1 =	vadd.f32 v1, v2;
	_ =	sdelay $0x1  }
0x478: {  	v2 =	vmul.f32 $1.442695020e+00, v1;
	_ =	sdelay $0x1  }
0x479: {  	(erf) = vpow2.f32 v2;
	_ =	sdelay $0x8  }
0x47a: {  	v2 =	vpop (erf)  }
0x47b: {  	v2 =	vadd.f32 $-1.000000000e+00, v2  }
0x47c: {  	vm14 =	vgt.f32 v1, $0.0e+00  }
0x47d: {  	v1 =	vsel vm14, v1, v2;
	v2 =	vld [tilespmem:s18+$0xFFFFFFF0]  }
0x47e: {  	[tilespmem:s18+$0xFFFFFFE0] =	vst v1  }
0x47f: {  	v1 =	vld [tilespmem:$0x1CAB0];
	_ =	sdelay $0x2  }
0x480: {  	v2 =	vmul.f32 v2, v47;
	_ =	sdelay $0x1  }
0x481: {  	v1 =	vadd.f32 v1, v2;
	_ =	sdelay $0x1  }
0x482: {  	v2 =	vmul.f32 $1.442695020e+00, v1;
	_ =	sdelay $0x1  }
0x483: {  	(erf) = vpow2.f32 v2;
	_ =	sdelay $0x8  }
0x484: {  	v2 =	vpop (erf)  }
0x485: {  	v2 =	vadd.f32 $-1.000000000e+00, v2  }
0x486: {  	vm15 =	vgt.f32 v1, $0.0e+00  }
0x487: {  	v1 =	vsel vm15, v1, v2;
	v2 =	vld [tilespmem:s18+$0x0]  }
0x488: {  	[tilespmem:s18+$0xFFFFFFF0] =	vst v1  }
0x489: {  	v1 =	vld [tilespmem:$0x1CAC0];
	_ =	sdelay $0x2  }
0x48a: {  	v2 =	vmul.f32 v2, v48;
	_ =	sdelay $0x1  }
0x48b: {  	v1 =	vadd.f32 v1, v2;
	_ =	sdelay $0x1  }
0x48c: {  	v2 =	vmul.f32 $1.442695020e+00, v1;
	_ =	sdelay $0x1  }
0x48d: {  	(erf) = vpow2.f32 v2;
	_ =	sdelay $0x8  }
0x48e: {  	v2 =	vpop (erf)  }
0x48f: {  	v2 =	vadd.f32 $-1.000000000e+00, v2  }
0x490: {  	vm4 =	vgt.f32 v1, $0.0e+00  }
0x491: {  	v1 =	vsel vm4, v1, v2;
	v2 =	vld [tilespmem:s18+$0x10]  }
0x492: {  	[tilespmem:s18+$0x0] =	vst v1  }
0x493: {  	v1 =	vld [tilespmem:$0x1CAD0];
	_ =	sdelay $0x2  }
0x494: {  	v2 =	vmul.f32 v2, v49;
	_ =	sdelay $0x1  }
0x495: {  	v1 =	vadd.f32 v1, v2;
	_ =	sdelay $0x1  }
0x496: {  	v2 =	vmul.f32 $1.442695020e+00, v1;
	_ =	sdelay $0x1  }
0x497: {  	(erf) = vpow2.f32 v2;
	_ =	sdelay $0x8  }
0x498: {  	v2 =	vpop (erf)  }
0x499: {  	v2 =	vadd.f32 $-1.000000000e+00, v2  }
0x49a: {  	vm5 =	vgt.f32 v1, $0.0e+00  }
0x49b: {  	v1 =	vsel vm5, v1, v2;
	v2 =	vld [tilespmem:s18+$0x20]  }
0x49c: {  	[tilespmem:s18+$0x10] =	vst v1  }
0x49d: {  	v1 =	vld [tilespmem:$0x1CAE0];
	_ =	sdelay $0x2  }
0x49e: {  	v2 =	vmul.f32 v2, v50;
	_ =	sdelay $0x1  }
0x49f: {  	v1 =	vadd.f32 v1, v2;
	_ =	sdelay $0x1  }
0x4a0: {  	v2 =	vmul.f32 $1.442695020e+00, v1;
	_ =	sdelay $0x1  }
0x4a1: {  	(erf) = vpow2.f32 v2;
	_ =	sdelay $0x8  }
0x4a2: {  	v2 =	vpop (erf)  }
0x4a3: {  	v2 =	vadd.f32 $-1.000000000e+00, v2  }
0x4a4: {  	vm6 =	vgt.f32 v1, $0.0e+00  }
0x4a5: {  	v1 =	vsel vm6, v1, v2;
	v2 =	vld [tilespmem:s18+$0x30]  }
0x4a6: {  	[tilespmem:s18+$0x20] =	vst v1  }
0x4a7: {  	v1 =	vld [tilespmem:$0x1CAF0];
	_ =	sdelay $0x2  }
0x4a8: {  	v2 =	vmul.f32 v2, v8;
	_ =	sdelay $0x1  }
0x4a9: {  	v1 =	vadd.f32 v1, v2;
	_ =	sdelay $0x1  }
0x4aa: {  	v2 =	vmul.f32 $1.442695020e+00, v1;
	_ =	sdelay $0x1  }
0x4ab: {  	(erf) = vpow2.f32 v2;
	_ =	sdelay $0x8  }
0x4ac: {  	v2 =	vpop (erf)  }
0x4ad: {  	v2 =	vadd.f32 $-1.000000000e+00, v2  }
0x4ae: {  	vm7 =	vgt.f32 v1, $0.0e+00  }
0x4af: {  	v1 =	vsel vm7, v1, v2  }
0x4b0: {  	s13 =	simm.s32 $0x0;
	s3 =	rddreg [dreg:$0x1e];
	[tilespmem:s18+$0x30] =	vst v1  }
0x4b1: {  	[hbm4b:s3+s13] =	stream.linear.scatter [tilespmem:s21], [sflag:$0x5], $0x2800, $0x38;
	[tilespmem:$0x1CB00] =	vst v63  }
0x4b2: {  	_ =	swait.ge [sflag:s20], $0x2800  }
0x4b3: {  	[sflag:s20] =	ssyncset.done $0x0  }
0x4b4: {  	s18 =	rddreg [dreg:$0x1b];
	[sflag:s20] =	ssyncadd.s32 $0xFFFFD800  }
0x4b5: {  	[tilespmem:s23], [sflag:$0x5] =	stream.linear.gather [hbm4b:s18+s13], $0x50, $0x38;
	[tilespmem:$0x1CB00] =	vst v63  }
0x4b6: {  	_ =	swait.ge [sflag:s20], $0x50  }
0x4b7: {  	[sflag:s20] =	ssyncset.done $0x0  }
0x4b8: {  	[sflag:s20] =	ssyncadd.s32 $0xFFFFFFB0  }
0x4b9: {  	[tilespmem:s21], [sflag:$0x5] =	stream.indirect.gather [spmem:s4], $0x80, s23, s31, $0xb8;
	[tilespmem:$0x1CB00] =	vst v63  }
0x4ba: {  	_ =	swait.ge [sflag:s20], $0x2800  }
0x4bb: {  	[sflag:s20] =	ssyncset.done $0x0  }
0x4bc: {  	[sflag:s20] =	ssyncadd.s32 $0xFFFFD800  }
0x4bd: {  	[tilespmem:s22], [sflag:$0x5] =	stream.indirect.gather [spmem:s5], $0x10, s23, s31, $0xb8;
	[tilespmem:$0x1CB00] =	vst v63  }
0x4be: {  	_ =	swait.ge [sflag:s20], $0x500  }
0x4bf: {  	[sflag:s20] =	ssyncset.done $0x0  }
0x4c0: {  	s19 =	simm.s32 $0x0;
	[sflag:s20] =	ssyncadd.s32 $0xFFFFFB00  }
0x4c1: {  	v1 =	vld [tilespmem:s19+$0x1C570];
	_ =	sdelay $0x4  }
0x4c2: {  	v1 =	vmax.f32 v1, $9.999999710e-10  }
0x4c3: {  	v2 =	vbroadcast v1, $0x0;
	_ =	sdelay $0x1  }
0x4c4: {  	(erf) = vrcp.f32 v2;
	_ =	sdelay $0x3  }
0x4c5: {  	s19 =	simm.s32 $0x161B0  }
0x4c6: {  	v3 =	vbroadcast v1, $0x1;
	v2 =	vld [tilespmem:s19+$0xFFFFFFC0];
	_ =	sdelay $0x1  }
0x4c7: {  	v52 =	vld [tilespmem:$0x1CA80]  }
0x4c8: {  	v53 =	vbroadcast v1, $0x2;
	v54 =	vbroadcast v1, $0x3  }
0x4c9: {  	v55 =	vbroadcast v1, $0x4;
	(erf) = vrcp.f32 v3;
	v3 =	vpop (erf)  }
0x4ca: {  	(erf) = vrcp.f32 v53;
	v2 =	vmul.f32 v3, v2  }
0x4cb: {  	(erf) = vrcp.f32 v54;
	v3 =	vbroadcast v1, $0x5  }
0x4cc: {  	v56 =	vbroadcast v1, $0x6;
	(erf) = vrcp.f32 v55;
	v2 =	vadd.f32 v2, v52  }
0x4cd: {  	v1 =	vbroadcast v1, $0x7;
	(erf) = vrcp.f32 v3  }
0x4ce: {  	(erf) = vrcp.f32 v56;
	v3 =	vmul.f32 $1.442695020e+00, v2  }
0x4cf: {  	(erf) = vrcp.f32 v1  }
0x4d0: {  	(erf) = vpow2.f32 v3;
	_ =	sdelay $0x1  }
0x4d1: {  	v1 =	vpop (erf)  }
0x4d2: {  	v3 =	vpop (erf)  }
0x4d3: {  	v57 =	vpop (erf)  }
0x4d4: {  	v58 =	vpop (erf)  }
0x4d5: {  	v59 =	vpop (erf)  }
0x4d6: {  	v60 =	vpop (erf)  }
0x4d7: {  	v61 =	vpop (erf)  }
0x4d8: {  	v62 =	vpop (erf)  }
0x4d9: {  	v9 =	vadd.f32 $-1.000000000e+00, v62  }
0x4da: {  	vm8 =	vgt.f32 v2, $0.0e+00  }
0x4db: {  	v63 =	vld [tilespmem:s19+$0xFFFFFFD0];
	v2 =	vsel vm8, v2, v9  }
0x4dc: {  	[tilespmem:s19+$0xFFFFFFC0] =	vst v2  }
0x4dd: {  	v2 =	vld [tilespmem:$0x1CA90];
	_ =	sdelay $0x2  }
0x4de: {  	v1 =	vmul.f32 v63, v1;
	_ =	sdelay $0x1  }
0x4df: {  	v1 =	vadd.f32 v2, v1;
	_ =	sdelay $0x1  }
0x4e0: {  	v2 =	vmul.f32 $1.442695020e+00, v1;
	_ =	sdelay $0x1  }
0x4e1: {  	(erf) = vpow2.f32 v2;
	_ =	sdelay $0x8  }
0x4e2: {  	v2 =	vpop (erf)  }
0x4e3: {  	v2 =	vadd.f32 $-1.000000000e+00, v2  }
0x4e4: {  	vm9 =	vgt.f32 v1, $0.0e+00  }
0x4e5: {  	v1 =	vsel vm9, v1, v2;
	v2 =	vld [tilespmem:s19+$0xFFFFFFE0]  }
0x4e6: {  	[tilespmem:s19+$0xFFFFFFD0] =	vst v1  }
0x4e7: {  	v1 =	vld [tilespmem:$0x1CAA0];
	_ =	sdelay $0x2  }
0x4e8: {  	v2 =	vmul.f32 v2, v3;
	_ =	sdelay $0x1  }
0x4e9: {  	v1 =	vadd.f32 v1, v2;
	_ =	sdelay $0x1  }
0x4ea: {  	v2 =	vmul.f32 $1.442695020e+00, v1;
	_ =	sdelay $0x1  }
0x4eb: {  	(erf) = vpow2.f32 v2;
	_ =	sdelay $0x8  }
0x4ec: {  	v2 =	vpop (erf)  }
0x4ed: {  	v2 =	vadd.f32 $-1.000000000e+00, v2  }
0x4ee: {  	vm10 =	vgt.f32 v1, $0.0e+00  }
0x4ef: {  	v1 =	vsel vm10, v1, v2;
	v2 =	vld [tilespmem:s19+$0xFFFFFFF0]  }
0x4f0: {  	[tilespmem:s19+$0xFFFFFFE0] =	vst v1  }
0x4f1: {  	v1 =	vld [tilespmem:$0x1CAB0];
	_ =	sdelay $0x2  }
0x4f2: {  	v2 =	vmul.f32 v2, v57;
	_ =	sdelay $0x1  }
0x4f3: {  	v1 =	vadd.f32 v1, v2;
	_ =	sdelay $0x1  }
0x4f4: {  	v2 =	vmul.f32 $1.442695020e+00, v1;
	_ =	sdelay $0x1  }
0x4f5: {  	(erf) = vpow2.f32 v2;
	_ =	sdelay $0x8  }
0x4f6: {  	v2 =	vpop (erf)  }
0x4f7: {  	v2 =	vadd.f32 $-1.000000000e+00, v2  }
0x4f8: {  	vm11 =	vgt.f32 v1, $0.0e+00  }
0x4f9: {  	v1 =	vsel vm11, v1, v2;
	v2 =	vld [tilespmem:s19+$0x0]  }
0x4fa: {  	[tilespmem:s19+$0xFFFFFFF0] =	vst v1  }
0x4fb: {  	v1 =	vld [tilespmem:$0x1CAC0];
	_ =	sdelay $0x2  }
0x4fc: {  	v2 =	vmul.f32 v2, v58;
	_ =	sdelay $0x1  }
0x4fd: {  	v1 =	vadd.f32 v1, v2;
	_ =	sdelay $0x1  }
0x4fe: {  	v2 =	vmul.f32 $1.442695020e+00, v1;
	_ =	sdelay $0x1  }
0x4ff: {  	(erf) = vpow2.f32 v2;
	_ =	sdelay $0x8  }
0x500: {  	v2 =	vpop (erf)  }
0x501: {  	v2 =	vadd.f32 $-1.000000000e+00, v2  }
0x502: {  	vm12 =	vgt.f32 v1, $0.0e+00  }
0x503: {  	v1 =	vsel vm12, v1, v2;
	v2 =	vld [tilespmem:s19+$0x10]  }
0x504: {  	[tilespmem:s19+$0x0] =	vst v1  }
0x505: {  	v1 =	vld [tilespmem:$0x1CAD0];
	_ =	sdelay $0x2  }
0x506: {  	v2 =	vmul.f32 v2, v59;
	_ =	sdelay $0x1  }
0x507: {  	v1 =	vadd.f32 v1, v2;
	_ =	sdelay $0x1  }
0x508: {  	v2 =	vmul.f32 $1.442695020e+00, v1;
	_ =	sdelay $0x1  }
0x509: {  	(erf) = vpow2.f32 v2;
	_ =	sdelay $0x8  }
0x50a: {  	v2 =	vpop (erf)  }
0x50b: {  	v2 =	vadd.f32 $-1.000000000e+00, v2  }
0x50c: {  	vm13 =	vgt.f32 v1, $0.0e+00  }
0x50d: {  	v1 =	vsel vm13, v1, v2;
	v2 =	vld [tilespmem:s19+$0x20]  }
0x50e: {  	[tilespmem:s19+$0x10] =	vst v1  }
0x50f: {  	v1 =	vld [tilespmem:$0x1CAE0];
	_ =	sdelay $0x2  }
0x510: {  	v2 =	vmul.f32 v2, v60;
	_ =	sdelay $0x1  }
0x511: {  	v1 =	vadd.f32 v1, v2;
	_ =	sdelay $0x1  }
0x512: {  	v2 =	vmul.f32 $1.442695020e+00, v1;
	_ =	sdelay $0x1  }
0x513: {  	(erf) = vpow2.f32 v2;
	_ =	sdelay $0x8  }
0x514: {  	v2 =	vpop (erf)  }
0x515: {  	v2 =	vadd.f32 $-1.000000000e+00, v2  }
0x516: {  	vm14 =	vgt.f32 v1, $0.0e+00  }
0x517: {  	v1 =	vsel vm14, v1, v2;
	v2 =	vld [tilespmem:s19+$0x30]  }
0x518: {  	[tilespmem:s19+$0x20] =	vst v1  }
0x519: {  	v1 =	vld [tilespmem:$0x1CAF0];
	_ =	sdelay $0x2  }
0x51a: {  	v2 =	vmul.f32 v2, v61;
	_ =	sdelay $0x1  }
0x51b: {  	v1 =	vadd.f32 v1, v2;
	_ =	sdelay $0x1  }
0x51c: {  	v2 =	vmul.f32 $1.442695020e+00, v1;
	_ =	sdelay $0x1  }
0x51d: {  	(erf) = vpow2.f32 v2;
	_ =	sdelay $0x8  }
0x51e: {  	v2 =	vpop (erf)  }
0x51f: {  	v2 =	vadd.f32 $-1.000000000e+00, v2  }
0x520: {  	vm15 =	vgt.f32 v1, $0.0e+00  }
0x521: {  	s28 =	simm.s32 $0x40;
	s0 =	simm.s32 $0x80;
	v1 =	vsel vm15, v1, v2  }
.LBB2_26:
0x522: {  	s3 =	sshra.s32 s28, $0x2  }
0x523: {  	[tilespmem:s19+$0x30] =	vst v1;
	s19 =	sadd.s32 $0x80, s19;
	s28 =	smov.u32 s0;
	s18 =	sadd.s32 $0x40, s0  }
0x524: {  	p3 =	sne.s32 s0, $0x13C0;
	v1 =	vld [tilespmem:s3+$0x1C570];
	_ =	sdelay $0x4  }
0x525: {  	v1 =	vmax.f32 v1, $9.999999710e-10  }
0x526: {  	v2 =	vbroadcast v1, $0x0;
	v3 =	vbroadcast v1, $0x1  }
0x527: {  	v4 =	vbroadcast v1, $0x2;
	v5 =	vbroadcast v1, $0x3  }
0x528: {  	v6 =	vbroadcast v1, $0x4;
	(erf) = vrcp.f32 v2  }
0x529: {  	v2 =	vbroadcast v1, $0x5;
	(erf) = vrcp.f32 v3  }
0x52a: {  	v3 =	vbroadcast v1, $0x6;
	(erf) = vrcp.f32 v4  }
0x52b: {  	v1 =	vbroadcast v1, $0x7;
	(erf) = vrcp.f32 v5  }
0x52c: {  	(erf) = vrcp.f32 v6  }
0x52d: {  	v4 =	vld [tilespmem:s19+$0xFFFFFFC0];
	(erf) = vrcp.f32 v2  }
0x52e: {  	(erf) = vrcp.f32 v3  }
0x52f: {  	v2 =	vld [tilespmem:$0x1CA80];
	(erf) = vrcp.f32 v1;
	_ =	sdelay $0x1  }
0x530: {  	v1 =	vpop (erf)  }
0x531: {  	v1 =	vmul.f32 v1, v4;
	v5 =	vpop (erf)  }
0x532: {  	v6 =	vpop (erf)  }
0x533: {  	v7 =	vadd.f32 v1, v2;
	v8 =	vpop (erf)  }
0x534: {  	v4 =	vpop (erf)  }
0x535: {  	v9 =	vmul.f32 $1.442695020e+00, v7;
	v3 =	vpop (erf)  }
0x536: {  	v2 =	vpop (erf)  }
0x537: {  	(erf) = vpow2.f32 v9;
	v1 =	vpop (erf);
	_ =	sdelay $0x8  }
0x538: {  	v9 =	vpop (erf)  }
0x539: {  	v9 =	vadd.f32 $-1.000000000e+00, v9  }
0x53a: {  	vm0 =	vgt.f32 v7, $0.0e+00  }
0x53b: {  	v7 =	vsel vm0, v7, v9;
	v9 =	vld [tilespmem:s19+$0xFFFFFFD0]  }
0x53c: {  	[tilespmem:s19+$0xFFFFFFC0] =	vst v7  }
0x53d: {  	v7 =	vld [tilespmem:$0x1CA90];
	_ =	sdelay $0x2  }
0x53e: {  	v5 =	vmul.f32 v9, v5;
	_ =	sdelay $0x1  }
0x53f: {  	v5 =	vadd.f32 v7, v5;
	_ =	sdelay $0x1  }
0x540: {  	v7 =	vmul.f32 $1.442695020e+00, v5;
	_ =	sdelay $0x1  }
0x541: {  	(erf) = vpow2.f32 v7;
	_ =	sdelay $0x8  }
0x542: {  	v7 =	vpop (erf)  }
0x543: {  	v7 =	vadd.f32 $-1.000000000e+00, v7  }
0x544: {  	vm0 =	vgt.f32 v5, $0.0e+00  }
0x545: {  	v5 =	vsel vm0, v5, v7;
	v7 =	vld [tilespmem:s19+$0xFFFFFFE0]  }
0x546: {  	[tilespmem:s19+$0xFFFFFFD0] =	vst v5  }
0x547: {  	v5 =	vld [tilespmem:$0x1CAA0];
	_ =	sdelay $0x2  }
0x548: {  	v6 =	vmul.f32 v7, v6;
	_ =	sdelay $0x1  }
0x549: {  	v5 =	vadd.f32 v5, v6;
	_ =	sdelay $0x1  }
0x54a: {  	v6 =	vmul.f32 $1.442695020e+00, v5;
	_ =	sdelay $0x1  }
0x54b: {  	(erf) = vpow2.f32 v6;
	_ =	sdelay $0x8  }
0x54c: {  	v6 =	vpop (erf)  }
0x54d: {  	v6 =	vadd.f32 $-1.000000000e+00, v6  }
0x54e: {  	vm0 =	vgt.f32 v5, $0.0e+00  }
0x54f: {  	v5 =	vsel vm0, v5, v6;
	v6 =	vld [tilespmem:s19+$0xFFFFFFF0]  }
0x550: {  	[tilespmem:s19+$0xFFFFFFE0] =	vst v5  }
0x551: {  	v5 =	vld [tilespmem:$0x1CAB0];
	_ =	sdelay $0x2  }
0x552: {  	v6 =	vmul.f32 v6, v8;
	_ =	sdelay $0x1  }
0x553: {  	v5 =	vadd.f32 v5, v6;
	_ =	sdelay $0x1  }
0x554: {  	v6 =	vmul.f32 $1.442695020e+00, v5;
	_ =	sdelay $0x1  }
0x555: {  	(erf) = vpow2.f32 v6;
	_ =	sdelay $0x8  }
0x556: {  	v6 =	vpop (erf)  }
0x557: {  	v6 =	vadd.f32 $-1.000000000e+00, v6  }
0x558: {  	vm0 =	vgt.f32 v5, $0.0e+00  }
0x559: {  	v5 =	vsel vm0, v5, v6;
	v6 =	vld [tilespmem:s19+$0x0]  }
0x55a: {  	[tilespmem:s19+$0xFFFFFFF0] =	vst v5  }
0x55b: {  	v5 =	vld [tilespmem:$0x1CAC0];
	_ =	sdelay $0x2  }
0x55c: {  	v4 =	vmul.f32 v6, v4;
	_ =	sdelay $0x1  }
0x55d: {  	v4 =	vadd.f32 v5, v4;
	_ =	sdelay $0x1  }
0x55e: {  	v5 =	vmul.f32 $1.442695020e+00, v4;
	_ =	sdelay $0x1  }
0x55f: {  	(erf) = vpow2.f32 v5;
	_ =	sdelay $0x8  }
0x560: {  	v5 =	vpop (erf)  }
0x561: {  	v5 =	vadd.f32 $-1.000000000e+00, v5  }
0x562: {  	vm0 =	vgt.f32 v4, $0.0e+00  }
0x563: {  	v4 =	vsel vm0, v4, v5;
	v5 =	vld [tilespmem:s19+$0x10]  }
0x564: {  	[tilespmem:s19+$0x0] =	vst v4  }
0x565: {  	v4 =	vld [tilespmem:$0x1CAD0];
	_ =	sdelay $0x2  }
0x566: {  	v3 =	vmul.f32 v5, v3;
	_ =	sdelay $0x1  }
0x567: {  	v3 =	vadd.f32 v4, v3;
	_ =	sdelay $0x1  }
0x568: {  	v4 =	vmul.f32 $1.442695020e+00, v3;
	_ =	sdelay $0x1  }
0x569: {  	(erf) = vpow2.f32 v4;
	_ =	sdelay $0x8  }
0x56a: {  	v4 =	vpop (erf)  }
0x56b: {  	v4 =	vadd.f32 $-1.000000000e+00, v4  }
0x56c: {  	vm0 =	vgt.f32 v3, $0.0e+00  }
0x56d: {  	v3 =	vsel vm0, v3, v4;
	v4 =	vld [tilespmem:s19+$0x20]  }
0x56e: {  	[tilespmem:s19+$0x10] =	vst v3  }
0x56f: {  	v3 =	vld [tilespmem:$0x1CAE0];
	_ =	sdelay $0x2  }
0x570: {  	v2 =	vmul.f32 v4, v2;
	_ =	sdelay $0x1  }
0x571: {  	v2 =	vadd.f32 v3, v2;
	_ =	sdelay $0x1  }
0x572: {  	v3 =	vmul.f32 $1.442695020e+00, v2;
	_ =	sdelay $0x1  }
0x573: {  	(erf) = vpow2.f32 v3;
	_ =	sdelay $0x8  }
0x574: {  	v3 =	vpop (erf)  }
0x575: {  	v3 =	vadd.f32 $-1.000000000e+00, v3  }
0x576: {  	vm0 =	vgt.f32 v2, $0.0e+00  }
0x577: {  	v2 =	vsel vm0, v2, v3;
	v3 =	vld [tilespmem:s19+$0x30]  }
0x578: {  	[tilespmem:s19+$0x20] =	vst v2  }
0x579: {  	v2 =	vld [tilespmem:$0x1CAF0];
	_ =	sdelay $0x2  }
0x57a: {  	v1 =	vmul.f32 v3, v1;
	_ =	sdelay $0x1  }
0x57b: {  	v1 =	vadd.f32 v2, v1;
	_ =	sdelay $0x1  }
0x57c: {  	v2 =	vmul.f32 $1.442695020e+00, v1;
	_ =	sdelay $0x1  }
0x57d: {  	(erf) = vpow2.f32 v2;
	_ =	sdelay $0x7  }
.Ltmp12:
0x57e: {  	(pc) =	sbr.rel @p3 .LBB2_26-.Ltmp12, $4  }
0x57f: {  	v2 =	vpop (erf)  }
0x580: {  	v2 =	vadd.f32 $-1.000000000e+00, v2  }
0x581: {  	vm0 =	vgt.f32 v1, $0.0e+00  }
0x582: {  	s0 =	smov.u32 s18;
	v1 =	vsel vm0, v1, v2  }
0x583: {  	s0 =	sshra.s32 s28, $0x2;
	[tilespmem:s19+$0x30] =	vst v1  }
0x584: {  	v1 =	vld [tilespmem:s0+$0x1C570];
	_ =	sdelay $0x4  }
0x585: {  	v1 =	vmax.f32 v1, $9.999999710e-10  }
0x586: {  	v2 =	vbroadcast v1, $0x0;
	_ =	sdelay $0x1  }
0x587: {  	(erf) = vrcp.f32 v2;
	_ =	sdelay $0x3  }
0x588: {  	s18 =	sadd.s32 $0x80, s19  }
0x589: {  	v3 =	vbroadcast v1, $0x1;
	v2 =	vld [tilespmem:s18+$0xFFFFFFC0];
	_ =	sdelay $0x1  }
0x58a: {  	v4 =	vld [tilespmem:$0x1CA80]  }
0x58b: {  	v5 =	vbroadcast v1, $0x2;
	v6 =	vbroadcast v1, $0x3  }
0x58c: {  	v7 =	vbroadcast v1, $0x4;
	(erf) = vrcp.f32 v3;
	v3 =	vpop (erf)  }
0x58d: {  	(erf) = vrcp.f32 v5;
	v2 =	vmul.f32 v3, v2  }
0x58e: {  	v3 =	vbroadcast v1, $0x5;
	(erf) = vrcp.f32 v6  }
0x58f: {  	v46 =	vbroadcast v1, $0x6;
	(erf) = vrcp.f32 v7;
	v2 =	vadd.f32 v2, v4  }
0x590: {  	v1 =	vbroadcast v1, $0x7;
	(erf) = vrcp.f32 v3  }
0x591: {  	(erf) = vrcp.f32 v46;
	v3 =	vmul.f32 $1.442695020e+00, v2  }
0x592: {  	(erf) = vrcp.f32 v1  }
0x593: {  	(erf) = vpow2.f32 v3;
	_ =	sdelay $0x1  }
0x594: {  	v1 =	vpop (erf)  }
0x595: {  	v3 =	vpop (erf)  }
0x596: {  	v47 =	vpop (erf)  }
0x597: {  	v48 =	vpop (erf)  }
0x598: {  	v49 =	vpop (erf)  }
0x599: {  	v50 =	vpop (erf)  }
0x59a: {  	v8 =	vpop (erf)  }
0x59b: {  	v9 =	vpop (erf)  }
0x59c: {  	v9 =	vadd.f32 $-1.000000000e+00, v9  }
0x59d: {  	vm0 =	vgt.f32 v2, $0.0e+00  }
0x59e: {  	v51 =	vld [tilespmem:s18+$0xFFFFFFD0];
	v2 =	vsel vm0, v2, v9  }
0x59f: {  	[tilespmem:s18+$0xFFFFFFC0] =	vst v2  }
0x5a0: {  	v2 =	vld [tilespmem:$0x1CA90];
	_ =	sdelay $0x2  }
0x5a1: {  	v1 =	vmul.f32 v51, v1;
	_ =	sdelay $0x1  }
0x5a2: {  	v1 =	vadd.f32 v2, v1;
	_ =	sdelay $0x1  }
0x5a3: {  	v2 =	vmul.f32 $1.442695020e+00, v1;
	_ =	sdelay $0x1  }
0x5a4: {  	(erf) = vpow2.f32 v2;
	_ =	sdelay $0x8  }
0x5a5: {  	v2 =	vpop (erf)  }
0x5a6: {  	v2 =	vadd.f32 $-1.000000000e+00, v2  }
0x5a7: {  	vm13 =	vgt.f32 v1, $0.0e+00  }
0x5a8: {  	v1 =	vsel vm13, v1, v2;
	v2 =	vld [tilespmem:s18+$0xFFFFFFE0]  }
0x5a9: {  	[tilespmem:s18+$0xFFFFFFD0] =	vst v1  }
0x5aa: {  	v1 =	vld [tilespmem:$0x1CAA0];
	_ =	sdelay $0x2  }
0x5ab: {  	v2 =	vmul.f32 v2, v3;
	_ =	sdelay $0x1  }
0x5ac: {  	v1 =	vadd.f32 v1, v2;
	_ =	sdelay $0x1  }
0x5ad: {  	v2 =	vmul.f32 $1.442695020e+00, v1;
	_ =	sdelay $0x1  }
0x5ae: {  	(erf) = vpow2.f32 v2;
	_ =	sdelay $0x8  }
0x5af: {  	v2 =	vpop (erf)  }
0x5b0: {  	v2 =	vadd.f32 $-1.000000000e+00, v2  }
0x5b1: {  	vm14 =	vgt.f32 v1, $0.0e+00  }
0x5b2: {  	v1 =	vsel vm14, v1, v2;
	v2 =	vld [tilespmem:s18+$0xFFFFFFF0]  }
0x5b3: {  	[tilespmem:s18+$0xFFFFFFE0] =	vst v1  }
0x5b4: {  	v1 =	vld [tilespmem:$0x1CAB0];
	_ =	sdelay $0x2  }
0x5b5: {  	v2 =	vmul.f32 v2, v47;
	_ =	sdelay $0x1  }
0x5b6: {  	v1 =	vadd.f32 v1, v2;
	_ =	sdelay $0x1  }
0x5b7: {  	v2 =	vmul.f32 $1.442695020e+00, v1;
	_ =	sdelay $0x1  }
0x5b8: {  	(erf) = vpow2.f32 v2;
	_ =	sdelay $0x8  }
0x5b9: {  	v2 =	vpop (erf)  }
0x5ba: {  	v2 =	vadd.f32 $-1.000000000e+00, v2  }
0x5bb: {  	vm15 =	vgt.f32 v1, $0.0e+00  }
0x5bc: {  	v1 =	vsel vm15, v1, v2;
	v2 =	vld [tilespmem:s18+$0x0]  }
0x5bd: {  	[tilespmem:s18+$0xFFFFFFF0] =	vst v1  }
0x5be: {  	v1 =	vld [tilespmem:$0x1CAC0];
	_ =	sdelay $0x2  }
0x5bf: {  	v2 =	vmul.f32 v2, v48;
	_ =	sdelay $0x1  }
0x5c0: {  	v1 =	vadd.f32 v1, v2;
	_ =	sdelay $0x1  }
0x5c1: {  	v2 =	vmul.f32 $1.442695020e+00, v1;
	_ =	sdelay $0x1  }
0x5c2: {  	(erf) = vpow2.f32 v2;
	_ =	sdelay $0x8  }
0x5c3: {  	v2 =	vpop (erf)  }
0x5c4: {  	v2 =	vadd.f32 $-1.000000000e+00, v2  }
0x5c5: {  	vm4 =	vgt.f32 v1, $0.0e+00  }
0x5c6: {  	v1 =	vsel vm4, v1, v2;
	v2 =	vld [tilespmem:s18+$0x10]  }
0x5c7: {  	[tilespmem:s18+$0x0] =	vst v1  }
0x5c8: {  	v1 =	vld [tilespmem:$0x1CAD0];
	_ =	sdelay $0x2  }
0x5c9: {  	v2 =	vmul.f32 v2, v49;
	_ =	sdelay $0x1  }
0x5ca: {  	v1 =	vadd.f32 v1, v2;
	_ =	sdelay $0x1  }
0x5cb: {  	v2 =	vmul.f32 $1.442695020e+00, v1;
	_ =	sdelay $0x1  }
0x5cc: {  	(erf) = vpow2.f32 v2;
	_ =	sdelay $0x8  }
0x5cd: {  	v2 =	vpop (erf)  }
0x5ce: {  	v2 =	vadd.f32 $-1.000000000e+00, v2  }
0x5cf: {  	vm5 =	vgt.f32 v1, $0.0e+00  }
0x5d0: {  	v1 =	vsel vm5, v1, v2;
	v2 =	vld [tilespmem:s18+$0x20]  }
0x5d1: {  	[tilespmem:s18+$0x10] =	vst v1  }
0x5d2: {  	v1 =	vld [tilespmem:$0x1CAE0];
	_ =	sdelay $0x2  }
0x5d3: {  	v2 =	vmul.f32 v2, v50;
	_ =	sdelay $0x1  }
0x5d4: {  	v1 =	vadd.f32 v1, v2;
	_ =	sdelay $0x1  }
0x5d5: {  	v2 =	vmul.f32 $1.442695020e+00, v1;
	_ =	sdelay $0x1  }
0x5d6: {  	(erf) = vpow2.f32 v2;
	_ =	sdelay $0x8  }
0x5d7: {  	v2 =	vpop (erf)  }
0x5d8: {  	v2 =	vadd.f32 $-1.000000000e+00, v2  }
0x5d9: {  	vm6 =	vgt.f32 v1, $0.0e+00  }
0x5da: {  	v1 =	vsel vm6, v1, v2;
	v2 =	vld [tilespmem:s18+$0x30]  }
0x5db: {  	[tilespmem:s18+$0x20] =	vst v1  }
0x5dc: {  	v1 =	vld [tilespmem:$0x1CAF0];
	_ =	sdelay $0x2  }
0x5dd: {  	v2 =	vmul.f32 v2, v8;
	_ =	sdelay $0x1  }
0x5de: {  	v1 =	vadd.f32 v1, v2;
	_ =	sdelay $0x1  }
0x5df: {  	v2 =	vmul.f32 $1.442695020e+00, v1;
	_ =	sdelay $0x1  }
0x5e0: {  	(erf) = vpow2.f32 v2;
	_ =	sdelay $0x8  }
0x5e1: {  	v2 =	vpop (erf)  }
0x5e2: {  	v2 =	vadd.f32 $-1.000000000e+00, v2  }
0x5e3: {  	vm7 =	vgt.f32 v1, $0.0e+00  }
0x5e4: {  	v1 =	vsel vm7, v1, v2  }
0x5e5: {  	s13 =	simm.s32 $0x0;
	s3 =	rddreg [dreg:$0x1f];
	[tilespmem:s18+$0x30] =	vst v1  }
0x5e6: {  	[hbm4b:s3+s13] =	stream.linear.scatter [tilespmem:s21], [sflag:$0x5], $0x2800, $0x38;
	[tilespmem:$0x1CB00] =	vst v63  }
0x5e7: {  	_ =	swait.ge [sflag:s20], $0x2800  }
0x5e8: {  	[sflag:s20] =	ssyncset.done $0x0  }
0x5e9: {  	s18 =	rddreg [dreg:$0x1c];
	[sflag:s20] =	ssyncadd.s32 $0xFFFFD800  }
0x5ea: {  	[tilespmem:s23], [sflag:$0x5] =	stream.linear.gather [hbm4b:s18+s13], $0x50, $0x38;
	[tilespmem:$0x1CB00] =	vst v63  }
0x5eb: {  	_ =	swait.ge [sflag:s20], $0x50  }
0x5ec: {  	[sflag:s20] =	ssyncset.done $0x0  }
0x5ed: {  	[sflag:s20] =	ssyncadd.s32 $0xFFFFFFB0  }
0x5ee: {  	[tilespmem:s21], [sflag:$0x5] =	stream.indirect.gather [spmem:s4], $0x80, s23, s31, $0xb8;
	[tilespmem:$0x1CB00] =	vst v63  }
0x5ef: {  	_ =	swait.ge [sflag:s20], $0x2800  }
0x5f0: {  	[sflag:s20] =	ssyncset.done $0x0  }
0x5f1: {  	[sflag:s20] =	ssyncadd.s32 $0xFFFFD800  }
0x5f2: {  	[tilespmem:s22], [sflag:$0x5] =	stream.indirect.gather [spmem:s5], $0x10, s23, s31, $0xb8;
	[tilespmem:$0x1CB00] =	vst v63  }
0x5f3: {  	_ =	swait.ge [sflag:s20], $0x500  }
0x5f4: {  	[sflag:s20] =	ssyncset.done $0x0  }
0x5f5: {  	s19 =	simm.s32 $0x0;
	[sflag:s20] =	ssyncadd.s32 $0xFFFFFB00  }
0x5f6: {  	v1 =	vld [tilespmem:s19+$0x1C570];
	_ =	sdelay $0x4  }
0x5f7: {  	v1 =	vmax.f32 v1, $9.999999710e-10  }
0x5f8: {  	v2 =	vbroadcast v1, $0x0;
	_ =	sdelay $0x1  }
0x5f9: {  	(erf) = vrcp.f32 v2;
	_ =	sdelay $0x3  }
0x5fa: {  	s19 =	simm.s32 $0x161B0  }
0x5fb: {  	v3 =	vbroadcast v1, $0x1;
	v2 =	vld [tilespmem:s19+$0xFFFFFFC0];
	_ =	sdelay $0x1  }
0x5fc: {  	v52 =	vld [tilespmem:$0x1CA80]  }
0x5fd: {  	v53 =	vbroadcast v1, $0x2;
	v54 =	vbroadcast v1, $0x3  }
0x5fe: {  	v55 =	vbroadcast v1, $0x4;
	(erf) = vrcp.f32 v3;
	v3 =	vpop (erf)  }
0x5ff: {  	(erf) = vrcp.f32 v53;
	v2 =	vmul.f32 v3, v2  }
0x600: {  	(erf) = vrcp.f32 v54;
	v3 =	vbroadcast v1, $0x5  }
0x601: {  	v56 =	vbroadcast v1, $0x6;
	(erf) = vrcp.f32 v55;
	v2 =	vadd.f32 v2, v52  }
0x602: {  	v1 =	vbroadcast v1, $0x7;
	(erf) = vrcp.f32 v3  }
0x603: {  	(erf) = vrcp.f32 v56;
	v3 =	vmul.f32 $1.442695020e+00, v2  }
0x604: {  	(erf) = vrcp.f32 v1  }
0x605: {  	(erf) = vpow2.f32 v3;
	_ =	sdelay $0x1  }
0x606: {  	v1 =	vpop (erf)  }
0x607: {  	v3 =	vpop (erf)  }
0x608: {  	v57 =	vpop (erf)  }
0x609: {  	v58 =	vpop (erf)  }
0x60a: {  	v59 =	vpop (erf)  }
0x60b: {  	v60 =	vpop (erf)  }
0x60c: {  	v61 =	vpop (erf)  }
0x60d: {  	v62 =	vpop (erf)  }
0x60e: {  	v9 =	vadd.f32 $-1.000000000e+00, v62  }
0x60f: {  	vm8 =	vgt.f32 v2, $0.0e+00  }
0x610: {  	v63 =	vld [tilespmem:s19+$0xFFFFFFD0];
	v2 =	vsel vm8, v2, v9  }
0x611: {  	[tilespmem:s19+$0xFFFFFFC0] =	vst v2  }
0x612: {  	v2 =	vld [tilespmem:$0x1CA90];
	_ =	sdelay $0x2  }
0x613: {  	v1 =	vmul.f32 v63, v1;
	_ =	sdelay $0x1  }
0x614: {  	v1 =	vadd.f32 v2, v1;
	_ =	sdelay $0x1  }
0x615: {  	v2 =	vmul.f32 $1.442695020e+00, v1;
	_ =	sdelay $0x1  }
0x616: {  	(erf) = vpow2.f32 v2;
	_ =	sdelay $0x8  }
0x617: {  	v2 =	vpop (erf)  }
0x618: {  	v2 =	vadd.f32 $-1.000000000e+00, v2  }
0x619: {  	vm9 =	vgt.f32 v1, $0.0e+00  }
0x61a: {  	v1 =	vsel vm9, v1, v2;
	v2 =	vld [tilespmem:s19+$0xFFFFFFE0]  }
0x61b: {  	[tilespmem:s19+$0xFFFFFFD0] =	vst v1  }
0x61c: {  	v1 =	vld [tilespmem:$0x1CAA0];
	_ =	sdelay $0x2  }
0x61d: {  	v2 =	vmul.f32 v2, v3;
	_ =	sdelay $0x1  }
0x61e: {  	v1 =	vadd.f32 v1, v2;
	_ =	sdelay $0x1  }
0x61f: {  	v2 =	vmul.f32 $1.442695020e+00, v1;
	_ =	sdelay $0x1  }
0x620: {  	(erf) = vpow2.f32 v2;
	_ =	sdelay $0x8  }
0x621: {  	v2 =	vpop (erf)  }
0x622: {  	v2 =	vadd.f32 $-1.000000000e+00, v2  }
0x623: {  	vm10 =	vgt.f32 v1, $0.0e+00  }
0x624: {  	v1 =	vsel vm10, v1, v2;
	v2 =	vld [tilespmem:s19+$0xFFFFFFF0]  }
0x625: {  	[tilespmem:s19+$0xFFFFFFE0] =	vst v1  }
0x626: {  	v1 =	vld [tilespmem:$0x1CAB0];
	_ =	sdelay $0x2  }
0x627: {  	v2 =	vmul.f32 v2, v57;
	_ =	sdelay $0x1  }
0x628: {  	v1 =	vadd.f32 v1, v2;
	_ =	sdelay $0x1  }
0x629: {  	v2 =	vmul.f32 $1.442695020e+00, v1;
	_ =	sdelay $0x1  }
0x62a: {  	(erf) = vpow2.f32 v2;
	_ =	sdelay $0x8  }
0x62b: {  	v2 =	vpop (erf)  }
0x62c: {  	v2 =	vadd.f32 $-1.000000000e+00, v2  }
0x62d: {  	vm11 =	vgt.f32 v1, $0.0e+00  }
0x62e: {  	v1 =	vsel vm11, v1, v2;
	v2 =	vld [tilespmem:s19+$0x0]  }
0x62f: {  	[tilespmem:s19+$0xFFFFFFF0] =	vst v1  }
0x630: {  	v1 =	vld [tilespmem:$0x1CAC0];
	_ =	sdelay $0x2  }
0x631: {  	v2 =	vmul.f32 v2, v58;
	_ =	sdelay $0x1  }
0x632: {  	v1 =	vadd.f32 v1, v2;
	_ =	sdelay $0x1  }
0x633: {  	v2 =	vmul.f32 $1.442695020e+00, v1;
	_ =	sdelay $0x1  }
0x634: {  	(erf) = vpow2.f32 v2;
	_ =	sdelay $0x8  }
0x635: {  	v2 =	vpop (erf)  }
0x636: {  	v2 =	vadd.f32 $-1.000000000e+00, v2  }
0x637: {  	vm12 =	vgt.f32 v1, $0.0e+00  }
0x638: {  	v1 =	vsel vm12, v1, v2;
	v2 =	vld [tilespmem:s19+$0x10]  }
0x639: {  	[tilespmem:s19+$0x0] =	vst v1  }
0x63a: {  	v1 =	vld [tilespmem:$0x1CAD0];
	_ =	sdelay $0x2  }
0x63b: {  	v2 =	vmul.f32 v2, v59;
	_ =	sdelay $0x1  }
0x63c: {  	v1 =	vadd.f32 v1, v2;
	_ =	sdelay $0x1  }
0x63d: {  	v2 =	vmul.f32 $1.442695020e+00, v1;
	_ =	sdelay $0x1  }
0x63e: {  	(erf) = vpow2.f32 v2;
	_ =	sdelay $0x8  }
0x63f: {  	v2 =	vpop (erf)  }
0x640: {  	v2 =	vadd.f32 $-1.000000000e+00, v2  }
0x641: {  	vm13 =	vgt.f32 v1, $0.0e+00  }
0x642: {  	v1 =	vsel vm13, v1, v2;
	v2 =	vld [tilespmem:s19+$0x20]  }
0x643: {  	[tilespmem:s19+$0x10] =	vst v1  }
0x644: {  	v1 =	vld [tilespmem:$0x1CAE0];
	_ =	sdelay $0x2  }
0x645: {  	v2 =	vmul.f32 v2, v60;
	_ =	sdelay $0x1  }
0x646: {  	v1 =	vadd.f32 v1, v2;
	_ =	sdelay $0x1  }
0x647: {  	v2 =	vmul.f32 $1.442695020e+00, v1;
	_ =	sdelay $0x1  }
0x648: {  	(erf) = vpow2.f32 v2;
	_ =	sdelay $0x8  }
0x649: {  	v2 =	vpop (erf)  }
0x64a: {  	v2 =	vadd.f32 $-1.000000000e+00, v2  }
0x64b: {  	vm14 =	vgt.f32 v1, $0.0e+00  }
0x64c: {  	v1 =	vsel vm14, v1, v2;
	v2 =	vld [tilespmem:s19+$0x30]  }
0x64d: {  	[tilespmem:s19+$0x20] =	vst v1  }
0x64e: {  	v1 =	vld [tilespmem:$0x1CAF0];
	_ =	sdelay $0x2  }
0x64f: {  	v2 =	vmul.f32 v2, v61;
	_ =	sdelay $0x1  }
0x650: {  	v1 =	vadd.f32 v1, v2;
	_ =	sdelay $0x1  }
0x651: {  	v2 =	vmul.f32 $1.442695020e+00, v1;
	_ =	sdelay $0x1  }
0x652: {  	(erf) = vpow2.f32 v2;
	_ =	sdelay $0x8  }
0x653: {  	v2 =	vpop (erf)  }
0x654: {  	v2 =	vadd.f32 $-1.000000000e+00, v2  }
0x655: {  	vm15 =	vgt.f32 v1, $0.0e+00  }
0x656: {  	s28 =	simm.s32 $0x40;
	s0 =	simm.s32 $0x80;
	v1 =	vsel vm15, v1, v2  }
.LBB2_28:
0x657: {  	s3 =	sshra.s32 s28, $0x2  }
0x658: {  	[tilespmem:s19+$0x30] =	vst v1;
	s19 =	sadd.s32 $0x80, s19;
	s28 =	smov.u32 s0;
	s18 =	sadd.s32 $0x40, s0  }
0x659: {  	p3 =	sne.s32 s0, $0x13C0;
	v1 =	vld [tilespmem:s3+$0x1C570];
	_ =	sdelay $0x4  }
0x65a: {  	v1 =	vmax.f32 v1, $9.999999710e-10  }
0x65b: {  	v2 =	vbroadcast v1, $0x0;
	v3 =	vbroadcast v1, $0x1  }
0x65c: {  	v4 =	vbroadcast v1, $0x2;
	v5 =	vbroadcast v1, $0x3  }
0x65d: {  	v6 =	vbroadcast v1, $0x4;
	(erf) = vrcp.f32 v2  }
0x65e: {  	v2 =	vbroadcast v1, $0x5;
	(erf) = vrcp.f32 v3  }
0x65f: {  	v3 =	vbroadcast v1, $0x6;
	(erf) = vrcp.f32 v4  }
0x660: {  	v1 =	vbroadcast v1, $0x7;
	(erf) = vrcp.f32 v5  }
0x661: {  	(erf) = vrcp.f32 v6  }
0x662: {  	v4 =	vld [tilespmem:s19+$0xFFFFFFC0];
	(erf) = vrcp.f32 v2  }
0x663: {  	(erf) = vrcp.f32 v3  }
0x664: {  	v2 =	vld [tilespmem:$0x1CA80];
	(erf) = vrcp.f32 v1;
	_ =	sdelay $0x1  }
0x665: {  	v1 =	vpop (erf)  }
0x666: {  	v1 =	vmul.f32 v1, v4;
	v5 =	vpop (erf)  }
0x667: {  	v6 =	vpop (erf)  }
0x668: {  	v7 =	vadd.f32 v1, v2;
	v8 =	vpop (erf)  }
0x669: {  	v4 =	vpop (erf)  }
0x66a: {  	v9 =	vmul.f32 $1.442695020e+00, v7;
	v3 =	vpop (erf)  }
0x66b: {  	v2 =	vpop (erf)  }
0x66c: {  	(erf) = vpow2.f32 v9;
	v1 =	vpop (erf);
	_ =	sdelay $0x8  }
0x66d: {  	v9 =	vpop (erf)  }
0x66e: {  	v9 =	vadd.f32 $-1.000000000e+00, v9  }
0x66f: {  	vm0 =	vgt.f32 v7, $0.0e+00  }
0x670: {  	v7 =	vsel vm0, v7, v9;
	v9 =	vld [tilespmem:s19+$0xFFFFFFD0]  }
0x671: {  	[tilespmem:s19+$0xFFFFFFC0] =	vst v7  }
0x672: {  	v7 =	vld [tilespmem:$0x1CA90];
	_ =	sdelay $0x2  }
0x673: {  	v5 =	vmul.f32 v9, v5;
	_ =	sdelay $0x1  }
0x674: {  	v5 =	vadd.f32 v7, v5;
	_ =	sdelay $0x1  }
0x675: {  	v7 =	vmul.f32 $1.442695020e+00, v5;
	_ =	sdelay $0x1  }
0x676: {  	(erf) = vpow2.f32 v7;
	_ =	sdelay $0x8  }
0x677: {  	v7 =	vpop (erf)  }
0x678: {  	v7 =	vadd.f32 $-1.000000000e+00, v7  }
0x679: {  	vm0 =	vgt.f32 v5, $0.0e+00  }
0x67a: {  	v5 =	vsel vm0, v5, v7;
	v7 =	vld [tilespmem:s19+$0xFFFFFFE0]  }
0x67b: {  	[tilespmem:s19+$0xFFFFFFD0] =	vst v5  }
0x67c: {  	v5 =	vld [tilespmem:$0x1CAA0];
	_ =	sdelay $0x2  }
0x67d: {  	v6 =	vmul.f32 v7, v6;
	_ =	sdelay $0x1  }
0x67e: {  	v5 =	vadd.f32 v5, v6;
	_ =	sdelay $0x1  }
0x67f: {  	v6 =	vmul.f32 $1.442695020e+00, v5;
	_ =	sdelay $0x1  }
0x680: {  	(erf) = vpow2.f32 v6;
	_ =	sdelay $0x8  }
0x681: {  	v6 =	vpop (erf)  }
0x682: {  	v6 =	vadd.f32 $-1.000000000e+00, v6  }
0x683: {  	vm0 =	vgt.f32 v5, $0.0e+00  }
0x684: {  	v5 =	vsel vm0, v5, v6;
	v6 =	vld [tilespmem:s19+$0xFFFFFFF0]  }
0x685: {  	[tilespmem:s19+$0xFFFFFFE0] =	vst v5  }
0x686: {  	v5 =	vld [tilespmem:$0x1CAB0];
	_ =	sdelay $0x2  }
0x687: {  	v6 =	vmul.f32 v6, v8;
	_ =	sdelay $0x1  }
0x688: {  	v5 =	vadd.f32 v5, v6;
	_ =	sdelay $0x1  }
0x689: {  	v6 =	vmul.f32 $1.442695020e+00, v5;
	_ =	sdelay $0x1  }
0x68a: {  	(erf) = vpow2.f32 v6;
	_ =	sdelay $0x8  }
0x68b: {  	v6 =	vpop (erf)  }
0x68c: {  	v6 =	vadd.f32 $-1.000000000e+00, v6  }
0x68d: {  	vm0 =	vgt.f32 v5, $0.0e+00  }
0x68e: {  	v5 =	vsel vm0, v5, v6;
	v6 =	vld [tilespmem:s19+$0x0]  }
0x68f: {  	[tilespmem:s19+$0xFFFFFFF0] =	vst v5  }
0x690: {  	v5 =	vld [tilespmem:$0x1CAC0];
	_ =	sdelay $0x2  }
0x691: {  	v4 =	vmul.f32 v6, v4;
	_ =	sdelay $0x1  }
0x692: {  	v4 =	vadd.f32 v5, v4;
	_ =	sdelay $0x1  }
0x693: {  	v5 =	vmul.f32 $1.442695020e+00, v4;
	_ =	sdelay $0x1  }
0x694: {  	(erf) = vpow2.f32 v5;
	_ =	sdelay $0x8  }
0x695: {  	v5 =	vpop (erf)  }
0x696: {  	v5 =	vadd.f32 $-1.000000000e+00, v5  }
0x697: {  	vm0 =	vgt.f32 v4, $0.0e+00  }
0x698: {  	v4 =	vsel vm0, v4, v5;
	v5 =	vld [tilespmem:s19+$0x10]  }
0x699: {  	[tilespmem:s19+$0x0] =	vst v4  }
0x69a: {  	v4 =	vld [tilespmem:$0x1CAD0];
	_ =	sdelay $0x2  }
0x69b: {  	v3 =	vmul.f32 v5, v3;
	_ =	sdelay $0x1  }
0x69c: {  	v3 =	vadd.f32 v4, v3;
	_ =	sdelay $0x1  }
0x69d: {  	v4 =	vmul.f32 $1.442695020e+00, v3;
	_ =	sdelay $0x1  }
0x69e: {  	(erf) = vpow2.f32 v4;
	_ =	sdelay $0x8  }
0x69f: {  	v4 =	vpop (erf)  }
0x6a0: {  	v4 =	vadd.f32 $-1.000000000e+00, v4  }
0x6a1: {  	vm0 =	vgt.f32 v3, $0.0e+00  }
0x6a2: {  	v3 =	vsel vm0, v3, v4;
	v4 =	vld [tilespmem:s19+$0x20]  }
0x6a3: {  	[tilespmem:s19+$0x10] =	vst v3  }
0x6a4: {  	v3 =	vld [tilespmem:$0x1CAE0];
	_ =	sdelay $0x2  }
0x6a5: {  	v2 =	vmul.f32 v4, v2;
	_ =	sdelay $0x1  }
0x6a6: {  	v2 =	vadd.f32 v3, v2;
	_ =	sdelay $0x1  }
0x6a7: {  	v3 =	vmul.f32 $1.442695020e+00, v2;
	_ =	sdelay $0x1  }
0x6a8: {  	(erf) = vpow2.f32 v3;
	_ =	sdelay $0x8  }
0x6a9: {  	v3 =	vpop (erf)  }
0x6aa: {  	v3 =	vadd.f32 $-1.000000000e+00, v3  }
0x6ab: {  	vm0 =	vgt.f32 v2, $0.0e+00  }
0x6ac: {  	v2 =	vsel vm0, v2, v3;
	v3 =	vld [tilespmem:s19+$0x30]  }
0x6ad: {  	[tilespmem:s19+$0x20] =	vst v2  }
0x6ae: {  	v2 =	vld [tilespmem:$0x1CAF0];
	_ =	sdelay $0x2  }
0x6af: {  	v1 =	vmul.f32 v3, v1;
	_ =	sdelay $0x1  }
0x6b0: {  	v1 =	vadd.f32 v2, v1;
	_ =	sdelay $0x1  }
0x6b1: {  	v2 =	vmul.f32 $1.442695020e+00, v1;
	_ =	sdelay $0x1  }
0x6b2: {  	(erf) = vpow2.f32 v2;
	_ =	sdelay $0x7  }
.Ltmp13:
0x6b3: {  	(pc) =	sbr.rel @p3 .LBB2_28-.Ltmp13, $4  }
0x6b4: {  	v2 =	vpop (erf)  }
0x6b5: {  	v2 =	vadd.f32 $-1.000000000e+00, v2  }
0x6b6: {  	vm0 =	vgt.f32 v1, $0.0e+00  }
0x6b7: {  	s0 =	smov.u32 s18;
	v1 =	vsel vm0, v1, v2  }
0x6b8: {  	s0 =	sshra.s32 s28, $0x2;
	[tilespmem:s19+$0x30] =	vst v1  }
0x6b9: {  	v1 =	vld [tilespmem:s0+$0x1C570];
	_ =	sdelay $0x4  }
0x6ba: {  	v1 =	vmax.f32 v1, $9.999999710e-10  }
0x6bb: {  	v2 =	vbroadcast v1, $0x0;
	_ =	sdelay $0x1  }
0x6bc: {  	(erf) = vrcp.f32 v2;
	_ =	sdelay $0x3  }
0x6bd: {  	s18 =	sadd.s32 $0x80, s19  }
0x6be: {  	v3 =	vbroadcast v1, $0x1;
	v2 =	vld [tilespmem:s18+$0xFFFFFFC0];
	_ =	sdelay $0x1  }
0x6bf: {  	v4 =	vld [tilespmem:$0x1CA80]  }
0x6c0: {  	v5 =	vbroadcast v1, $0x2;
	v6 =	vbroadcast v1, $0x3  }
0x6c1: {  	v7 =	vbroadcast v1, $0x4;
	(erf) = vrcp.f32 v3;
	v3 =	vpop (erf)  }
0x6c2: {  	(erf) = vrcp.f32 v5;
	v2 =	vmul.f32 v3, v2  }
0x6c3: {  	v3 =	vbroadcast v1, $0x5;
	(erf) = vrcp.f32 v6  }
0x6c4: {  	v58 =	vbroadcast v1, $0x6;
	(erf) = vrcp.f32 v7;
	v2 =	vadd.f32 v2, v4  }
0x6c5: {  	v1 =	vbroadcast v1, $0x7;
	(erf) = vrcp.f32 v3  }
0x6c6: {  	(erf) = vrcp.f32 v58;
	v3 =	vmul.f32 $1.442695020e+00, v2  }
0x6c7: {  	(erf) = vrcp.f32 v1  }
0x6c8: {  	(erf) = vpow2.f32 v3;
	_ =	sdelay $0x1  }
0x6c9: {  	v1 =	vpop (erf)  }
0x6ca: {  	v3 =	vpop (erf)  }
0x6cb: {  	v59 =	vpop (erf)  }
0x6cc: {  	v60 =	vpop (erf)  }
0x6cd: {  	v61 =	vpop (erf)  }
0x6ce: {  	v62 =	vpop (erf)  }
0x6cf: {  	v8 =	vpop (erf)  }
0x6d0: {  	v9 =	vpop (erf)  }
0x6d1: {  	v9 =	vadd.f32 $-1.000000000e+00, v9  }
0x6d2: {  	vm0 =	vgt.f32 v2, $0.0e+00  }
0x6d3: {  	v63 =	vld [tilespmem:s18+$0xFFFFFFD0];
	v2 =	vsel vm0, v2, v9  }
0x6d4: {  	[tilespmem:s18+$0xFFFFFFC0] =	vst v2  }
0x6d5: {  	v2 =	vld [tilespmem:$0x1CA90];
	_ =	sdelay $0x2  }
0x6d6: {  	v1 =	vmul.f32 v63, v1;
	_ =	sdelay $0x1  }
0x6d7: {  	v1 =	vadd.f32 v2, v1;
	_ =	sdelay $0x1  }
0x6d8: {  	v2 =	vmul.f32 $1.442695020e+00, v1;
	_ =	sdelay $0x1  }
0x6d9: {  	(erf) = vpow2.f32 v2;
	_ =	sdelay $0x8  }
0x6da: {  	v2 =	vpop (erf)  }
0x6db: {  	v2 =	vadd.f32 $-1.000000000e+00, v2  }
0x6dc: {  	vm9 =	vgt.f32 v1, $0.0e+00  }
0x6dd: {  	v1 =	vsel vm9, v1, v2;
	v2 =	vld [tilespmem:s18+$0xFFFFFFE0]  }
0x6de: {  	[tilespmem:s18+$0xFFFFFFD0] =	vst v1  }
0x6df: {  	v1 =	vld [tilespmem:$0x1CAA0];
	_ =	sdelay $0x2  }
0x6e0: {  	v2 =	vmul.f32 v2, v3;
	_ =	sdelay $0x1  }
0x6e1: {  	v1 =	vadd.f32 v1, v2;
	_ =	sdelay $0x1  }
0x6e2: {  	v2 =	vmul.f32 $1.442695020e+00, v1;
	_ =	sdelay $0x1  }
0x6e3: {  	(erf) = vpow2.f32 v2;
	_ =	sdelay $0x8  }
0x6e4: {  	v2 =	vpop (erf)  }
0x6e5: {  	v2 =	vadd.f32 $-1.000000000e+00, v2  }
0x6e6: {  	vm10 =	vgt.f32 v1, $0.0e+00  }
0x6e7: {  	v1 =	vsel vm10, v1, v2;
	v2 =	vld [tilespmem:s18+$0xFFFFFFF0]  }
0x6e8: {  	[tilespmem:s18+$0xFFFFFFE0] =	vst v1  }
0x6e9: {  	v1 =	vld [tilespmem:$0x1CAB0];
	_ =	sdelay $0x2  }
0x6ea: {  	v2 =	vmul.f32 v2, v59;
	_ =	sdelay $0x1  }
0x6eb: {  	v1 =	vadd.f32 v1, v2;
	_ =	sdelay $0x1  }
0x6ec: {  	v2 =	vmul.f32 $1.442695020e+00, v1;
	_ =	sdelay $0x1  }
0x6ed: {  	(erf) = vpow2.f32 v2;
	_ =	sdelay $0x8  }
0x6ee: {  	v2 =	vpop (erf)  }
0x6ef: {  	v2 =	vadd.f32 $-1.000000000e+00, v2  }
0x6f0: {  	vm11 =	vgt.f32 v1, $0.0e+00  }
0x6f1: {  	v1 =	vsel vm11, v1, v2;
	v2 =	vld [tilespmem:s18+$0x0]  }
0x6f2: {  	[tilespmem:s18+$0xFFFFFFF0] =	vst v1  }
0x6f3: {  	v1 =	vld [tilespmem:$0x1CAC0];
	_ =	sdelay $0x2  }
0x6f4: {  	v2 =	vmul.f32 v2, v60;
	_ =	sdelay $0x1  }
0x6f5: {  	v1 =	vadd.f32 v1, v2;
	_ =	sdelay $0x1  }
0x6f6: {  	v2 =	vmul.f32 $1.442695020e+00, v1;
	_ =	sdelay $0x1  }
0x6f7: {  	(erf) = vpow2.f32 v2;
	_ =	sdelay $0x8  }
0x6f8: {  	v2 =	vpop (erf)  }
0x6f9: {  	v2 =	vadd.f32 $-1.000000000e+00, v2  }
0x6fa: {  	vm12 =	vgt.f32 v1, $0.0e+00  }
0x6fb: {  	v1 =	vsel vm12, v1, v2;
	v2 =	vld [tilespmem:s18+$0x10]  }
0x6fc: {  	[tilespmem:s18+$0x0] =	vst v1  }
0x6fd: {  	v1 =	vld [tilespmem:$0x1CAD0];
	_ =	sdelay $0x2  }
0x6fe: {  	v2 =	vmul.f32 v2, v61;
	_ =	sdelay $0x1  }
0x6ff: {  	v1 =	vadd.f32 v1, v2;
	_ =	sdelay $0x1  }
0x700: {  	v2 =	vmul.f32 $1.442695020e+00, v1;
	_ =	sdelay $0x1  }
0x701: {  	(erf) = vpow2.f32 v2;
	_ =	sdelay $0x8  }
0x702: {  	v2 =	vpop (erf)  }
0x703: {  	v2 =	vadd.f32 $-1.000000000e+00, v2  }
0x704: {  	vm13 =	vgt.f32 v1, $0.0e+00  }
0x705: {  	v1 =	vsel vm13, v1, v2;
	v2 =	vld [tilespmem:s18+$0x20]  }
0x706: {  	[tilespmem:s18+$0x10] =	vst v1  }
0x707: {  	v1 =	vld [tilespmem:$0x1CAE0];
	_ =	sdelay $0x2  }
0x708: {  	v2 =	vmul.f32 v2, v62;
	_ =	sdelay $0x1  }
0x709: {  	v1 =	vadd.f32 v1, v2;
	_ =	sdelay $0x1  }
0x70a: {  	v2 =	vmul.f32 $1.442695020e+00, v1;
	_ =	sdelay $0x1  }
0x70b: {  	(erf) = vpow2.f32 v2;
	_ =	sdelay $0x8  }
0x70c: {  	v2 =	vpop (erf)  }
0x70d: {  	v2 =	vadd.f32 $-1.000000000e+00, v2  }
0x70e: {  	vm14 =	vgt.f32 v1, $0.0e+00  }
0x70f: {  	v1 =	vsel vm14, v1, v2;
	v2 =	vld [tilespmem:s18+$0x30]  }
0x710: {  	[tilespmem:s18+$0x20] =	vst v1  }
0x711: {  	v1 =	vld [tilespmem:$0x1CAF0];
	_ =	sdelay $0x2  }
0x712: {  	v2 =	vmul.f32 v2, v8;
	_ =	sdelay $0x1  }
0x713: {  	v1 =	vadd.f32 v1, v2;
	_ =	sdelay $0x1  }
0x714: {  	v2 =	vmul.f32 $1.442695020e+00, v1;
	_ =	sdelay $0x1  }
0x715: {  	(erf) = vpow2.f32 v2;
	_ =	sdelay $0x8  }
0x716: {  	v2 =	vpop (erf)  }
0x717: {  	v2 =	vadd.f32 $-1.000000000e+00, v2  }
0x718: {  	s19 =	sld [smem:$0x7F7];
	vm15 =	vgt.f32 v1, $0.0e+00  }
0x719: {  	v1 =	vsel vm15, v1, v2  }
0x71a: {  	[tilespmem:s18+$0x30] =	vst v1  }
0x71b: {  	[hbm4b:s19+s6] =	stream.linear.scatter [tilespmem:s21], [sflag:$0x5], $0x2800, $0x38;
	[tilespmem:$0x1CB00] =	vst v63  }
0x71c: {  	_ =	swait.ge [sflag:s20], $0x2800  }
0x71d: {  	s3 =	sld [smem:$0x7F6]  }
0x71e: {  	s28 =	sld [smem:$0x7F8];
	_ =	sdelay $0x1  }
0x71f: {  	s3 =	sadd.s32 $0x1, s3  }
0x720: {  	p3 =	sne.s32 s3, s28  }
.Ltmp14:
0x721: {  	_ = 	snop;
	(pc) =	sbr.rel @p3 .LBB2_1-.Ltmp14, $3  }
0x722: {  	_ =	sdelay $0x1  }
0x723: {  	[sflag:s20] =	ssyncset.done $0x0  }
0x724: {  	[sflag:s20] =	ssyncadd.s32 $0xFFFFD800  }
0x725: {  	_ =	sfence.sel $0x180000  }
0x726: {  	[bflag:$0x0] =	sbarrier.arrive $0xFFFF  }
0x727: {  	_ =	strace $0x90000047  }
0x728: {  	s0 =	stileid.u32;
	[bflag:$0x2] =	sbarrier.arrive $0xFFFF  }
0x729: {  	p0 =	sne.s32 s0, $0x0;
	s0 =	rddreg [dreg:$0x5]  }
0x72a: {  	s0 =	sadd.s32 @!p0 $0x100000, s0  }
0x72b: {  	[sflag:s0] =	ssyncadd.tile.s32 @!p0 $0x1;
	_ =	shalt  }
.Lfunc_end2:
_tile_overlayer_lowered:
.L_overlay_start_2:
0x72c: {  	(tag) =	ssettag $0x2  }
0x72d: {  	s0 =	rddreg [dreg:$0x0];
	s2 =	stileid.u32  }
0x72e: {  	s1 =	rddreg [dreg:$0x1];
	p0 =	sne.s32 s2, $0x0  }
0x72f: {  	s3 =	rddreg [dreg:$0x2];
	[bflag:$0x3] =	sbarrier.arrive $0xFFFF;
	s2 =	simm.s32 @!p0 $0x1C05  }
0x730: {  	[timem:s3], [sflag:s2] =	dma.local @!p0 [hbm:s0], s1  }
0x731: {  	s0 =	simm.s32 @!p0 $0x5  }
0x732: {  	_ =	swait.ge @!p0 [sflag:s0], s1  }
0x733: {  	s1 =	ssub.s32 @!p0 $0x0, s1;
	[sflag:s0] =	ssyncset.done @!p0 $0x0  }
0x734: {  	[sflag:s0] =	ssyncadd.s32 @!p0 s1  }
0x735: {  	[bflag:$0x3] =	sbarrier.arrive $0xFFFF  }
0x736: {  	_ =	shalt  }

</sc_bundles>
